<compile_context>
chip_gen: v7x
topology: tpu7x:2x2x1
jax: 0.10.2.dev20260603
libtpu: 0.0.44.dev20260713+nightly
codegen_flags: <defaults>
</compile_context>

<pallas_src>
import functools

import jax
import jax.numpy as jnp
from jax import lax
from jax.experimental import pallas as pl
from jax.experimental.pallas import tpu as pltpu
from jax.experimental.pallas import tpu_sc as plsc

N = 10000
E = 320000
F_IN = 128
H = 128
C = 16
G = 64

NC = 2
NS = 16
NW = NC * NS
CW = 128
NROW = 2560
EP = NROW * CW
NCH1 = NROW // NS
NCH2 = NROW // NW
NP = 10240
NPT = NP // NS
ZB = 64
NB = 2
GL = 1
QR = 40
QK = 16

_mesh = plsc.VectorSubcoreMesh(core_axis_name="c", subcore_axis_name="s")


@functools.partial(
    pl.kernel,
    out_type=jax.ShapeDtypeStruct((NC, NP), jnp.float32),
    mesh=_mesh,
    compiler_params=pltpu.CompilerParams(needs_layout_passes=False),
    scratch_types=[
        pltpu.VMEM((NCH2, CW), jnp.int32),
        pltpu.VMEM((NP,), jnp.float32),
        pltpu.VMEM((16, NPT), jnp.float32),
        pltpu.VMEM_SHARED((16, NP), jnp.float32),
    ],
)
def _deg_kernel(dst2d, out, idxv, table, rbuf, sh):
    cid = lax.axis_index("c")
    sid = lax.axis_index("s")
    w = cid * NS + sid

    pltpu.sync_copy(dst2d.at[pl.ds(w * NCH2, NCH2)], idxv)

    def zero(i, _):
        table[pl.ds(i * 16, 16)] = jnp.zeros((16,), jnp.float32)
        return 0
    lax.fori_loop(0, NP // 16, zero, 0)

    ones16 = jnp.ones((16,), jnp.float32)

    def accum(r, _):
        for j in range(CW // 16):
            idx = idxv[r, pl.ds(j * 16, 16)]
            plsc.addupdate_scatter(table, [idx], ones16)
        return 0
    lax.fori_loop(0, NCH2, accum, 0)

    pltpu.sync_copy(table, sh.at[sid])
    plsc.subcore_barrier()
    for k in range(16):
        pltpu.sync_copy(sh.at[k, pl.ds(sid * NPT, NPT)], rbuf.at[k])

    def reduce(v, _):
        s = rbuf[0, pl.ds(v * 16, 16)]
        for k in range(1, 16):
            s = s + rbuf[k, pl.ds(v * 16, 16)]
        table[pl.ds(v * 16, 16)] = s
        return 0
    lax.fori_loop(0, NPT // 16, reduce, 0)

    pltpu.sync_copy(table.at[pl.ds(0, NPT)],
                    out.at[cid, pl.ds(sid * NPT, NPT)])


@functools.partial(
    pl.kernel,
    out_type=jax.ShapeDtypeStruct((NC, NP, H), jnp.float32),
    mesh=_mesh,
    compiler_params=pltpu.CompilerParams(needs_layout_passes=False),
    scratch_types=[
        pltpu.VMEM((QR, CW), jnp.int32),
        pltpu.VMEM((QR, CW), jnp.int32),
        pltpu.VMEM((NB, CW, H), jnp.float32),
        pltpu.VMEM_SHARED((NP, H), jnp.float32),
        pltpu.SemaphoreType.DMA((NB,)),
        pltpu.SemaphoreType.DMA((NB,)),
    ],
)
def _agg_kernel(hs, src2d, dst2d, out, srcv, dstv, bufs, acc_sh, gsem, ssem):
    cid = lax.axis_index("c")
    sid = lax.axis_index("s")
    w = cid * NS + sid

    def zfill(i, _):
        for j in range(H // 16):
            bufs[0, i, pl.ds(j * 16, 16)] = jnp.zeros((16,), jnp.float32)
        return 0
    lax.fori_loop(0, ZB, zfill, 0)
    zbase = sid * NPT
    for k in range(NPT // ZB):
        pltpu.sync_copy(bufs.at[0, pl.ds(0, ZB)],
                        acc_sh.at[pl.ds(zbase + k * ZB, ZB)])
    plsc.subcore_barrier()

    def gather(c, k):
        pltpu.async_copy(hs.at[srcv.at[c]], bufs.at[k], gsem.at[k])

    def gwait(c, k):
        pltpu.make_async_copy(hs.at[srcv.at[c]], bufs.at[k],
                              gsem.at[k]).wait()

    def scat_start(c, k):
        pltpu.async_copy(bufs.at[k], acc_sh.at[dstv.at[c]], ssem.at[k],
                         add=True)

    def swait(c, k):
        pltpu.make_async_copy(bufs.at[k], acc_sh.at[dstv.at[c]],
                              ssem.at[k]).wait()

    def macro(m, _):
        mbase = w * NCH2 + m * QR
        pltpu.sync_copy(src2d.at[pl.ds(mbase, QR)], srcv)
        pltpu.sync_copy(dst2d.at[pl.ds(mbase, QR)], dstv)

        def body(c, _):
            @pl.when(jnp.logical_and(c >= GL, c < QR + GL))
            def _():
                d = c - GL
                gwait(d, d % NB)
                scat_start(d, d % NB)

            @pl.when(jnp.logical_and(c >= NB, c < QR))
            def _():
                swait(c - NB, c % NB)

            @pl.when(c < QR)
            def _():
                gather(c, c % NB)

            @pl.when(c >= QR)
            def _():
                swait(c - NB, c % NB)
            return 0
        lax.fori_loop(0, QR + NB, body, 0)
        return 0
    lax.fori_loop(0, NCH2 // QR, macro, 0)

    plsc.subcore_barrier()
    pltpu.sync_copy(acc_sh.at[pl.ds(sid * NPT, NPT)],
                    out.at[cid, pl.ds(sid * NPT, NPT)])


@functools.partial(
    pl.kernel,
    out_type=jax.ShapeDtypeStruct((NC, NP, H), jnp.float32),
    mesh=_mesh,
    compiler_params=pltpu.CompilerParams(needs_layout_passes=False),
    scratch_types=[
        pltpu.VMEM((NP,), jnp.int32),
        pltpu.VMEM((QK, CW), jnp.int32),
        pltpu.VMEM((QK, CW), jnp.int32),
        pltpu.VMEM((NB, CW, H), jnp.float32),
        pltpu.VMEM((NB, CW), jnp.int32),
        pltpu.VMEM_SHARED((NP, H), jnp.float32),
        pltpu.SemaphoreType.DMA((NB,)),
    ],
)
def _ktab_kernel(packed, src2d, dst2d, out, ptab, srcv, dstv, bufs, gsave,
                 acc_sh, ssem):
    cid = lax.axis_index("c")
    sid = lax.axis_index("s")
    w = cid * NS + sid

    pltpu.sync_copy(packed, ptab)

    def zfill(i, _):
        for j in range(H // 16):
            bufs[i // CW, i % CW, pl.ds(j * 16, 16)] = jnp.zeros(
                (16,), jnp.float32)
        return 0
    lax.fori_loop(0, NB * CW, zfill, 0)
    zbase = sid * NPT
    for k in range(NPT // ZB):
        pltpu.sync_copy(bufs.at[0, pl.ds(0, ZB)],
                        acc_sh.at[pl.ds(zbase + k * ZB, ZB)])
    plsc.subcore_barrier()

    iota16 = lax.iota(jnp.int32, 16)
    zeros16 = jnp.zeros((16,), jnp.float32)

    def build(c, k):
        kvec = jnp.zeros((16,), jnp.int32) + k
        for j in range(CW // 16):
            dst16 = dstv[c, pl.ds(j * 16, 16)]
            pv = plsc.load_gather(ptab, [dst16])
            g = jnp.bitwise_and(pv, 63)
            dv = plsc.bitcast(jnp.bitwise_and(pv, -64), jnp.float32)
            plsc.addupdate_scatter(bufs, [kvec, iota16 + (j * 16), g], dv)
            gsave[k, pl.ds(j * 16, 16)] = g

    def rezero(c, k):
        kvec = jnp.zeros((16,), jnp.int32) + k
        for j in range(CW // 16):
            g = gsave[k, pl.ds(j * 16, 16)]
            plsc.store_scatter(bufs, [kvec, iota16 + (j * 16), g], zeros16)

    def scat_start(c, k):
        pltpu.async_copy(bufs.at[k], acc_sh.at[srcv.at[c]], ssem.at[k],
                         add=True)

    def swait(c, k):
        pltpu.make_async_copy(bufs.at[k], acc_sh.at[srcv.at[c]],
                              ssem.at[k]).wait()

    def macro(m, _):
        mbase = w * NCH2 + m * QK
        pltpu.sync_copy(src2d.at[pl.ds(mbase, QK)], srcv)
        pltpu.sync_copy(dst2d.at[pl.ds(mbase, QK)], dstv)

        def body(c, _):
            @pl.when(c >= NB)
            def _():
                swait(c - NB, c % NB)
                rezero(c - NB, c % NB)

            @pl.when(c < QK)
            def _():
                build(c, c % NB)
                scat_start(c, c % NB)
            return 0
        lax.fori_loop(0, QK + NB, body, 0)
        return 0
    lax.fori_loop(0, NCH2 // QK, macro, 0)

    plsc.subcore_barrier()
    pltpu.sync_copy(acc_sh.at[pl.ds(sid * NPT, NPT)],
                    out.at[cid, pl.ds(sid * NPT, NPT)])


def _tc1_body(dp0_ref, dp1_ref, x_ref, w1_ref, batch_ref, hs_ref, dinv_ref,
              packed_ref):
    dinv_full = lax.rsqrt(dp0_ref[...] + dp1_ref[...] + 1.0)
    dinv = dinv_full[:N]
    h1 = jnp.dot(x_ref[...], w1_ref[...], preferred_element_type=jnp.float32)
    hs_ref[...] = h1 * dinv
    dinv_ref[...] = dinv
    pk = jnp.bitwise_or(
        jnp.bitwise_and(lax.bitcast_convert_type(dinv, jnp.int32), -64),
        batch_ref[...])
    packed_ref[...] = jnp.concatenate(
        [pk, jnp.zeros((NP - N, 1), jnp.int32)], axis=0)


def _tc2_body(p_ref, hs_ref, dinv_ref, b1_ref, w2_ref, q_ref, b2_ref,
              batch_ref, wl_ref, bl_ref, out_ref):
    dinv = dinv_ref[...]
    a = (p_ref[0, :N, :] + p_ref[1, :N, :] + hs_ref[...]) * dinv + b1_ref[...]
    a = jnp.maximum(a, 0.0)
    h2 = jnp.dot(a, w2_ref[...], preferred_element_type=jnp.float32)
    hs2 = h2 * dinv
    ktab = q_ref[0, :N, :G] + q_ref[1, :N, :G]
    edge_part = lax.dot_general(
        ktab, hs2, (((0,), (0,)), ((), ())),
        preferred_element_type=jnp.float32)
    grp = lax.broadcasted_iota(jnp.int32, (G, 1), 0)
    sel = (batch_ref[...] == grp).astype(jnp.float32)
    self_part = jnp.dot(sel, hs2 * dinv,
                        preferred_element_type=jnp.float32)
    counts = jnp.sum(sel, axis=1, keepdims=True)
    sums = edge_part + self_part + counts * b2_ref[...]
    pooled = sums / jnp.maximum(counts, 1.0)
    out_ref[...] = (jnp.dot(pooled, wl_ref[...],
                            preferred_element_type=jnp.float32) + bl_ref[...])


def kernel(x, edge_index, batch, W1, b1, W2, b2, Wl, bl):
    pad = EP - E
    src2d = jnp.concatenate(
        [edge_index[0], jnp.zeros((pad,), jnp.int32)]).reshape(NROW, CW)
    dst2d = jnp.concatenate(
        [edge_index[1], jnp.full((pad,), N, jnp.int32)]).reshape(NROW, CW)

    deg_part = _deg_kernel(dst2d)
    dp0 = deg_part[0].reshape(NP, 1)
    dp1 = deg_part[1].reshape(NP, 1)

    hs1, dinv, packed = pl.pallas_call(
        _tc1_body,
        out_shape=[jax.ShapeDtypeStruct((N, H), jnp.float32),
                   jax.ShapeDtypeStruct((N, 1), jnp.float32),
                   jax.ShapeDtypeStruct((NP, 1), jnp.int32)],
    )(dp0, dp1, x, W1, batch.reshape(N, 1))

    p = _agg_kernel(hs1, src2d, dst2d)
    q = _ktab_kernel(packed.reshape(NP), src2d, dst2d)

    out = pl.pallas_call(
        _tc2_body,
        out_shape=jax.ShapeDtypeStruct((G, C), jnp.float32),
    )(p, hs1, dinv, b1.reshape(1, H), W2, q, b2.reshape(1, C),
      batch.reshape(1, N), Wl, bl.reshape(1, C))
    return out

# --- scband reference (transcript-rebuilt; emitter-appended) ---
"""Pipeline reference for scband-gcn-63333587747173 (READ-ONLY COPY).

The authoritative reference and input builder live on the scoring server;
editing this copy changes nothing except your own understanding.
"""

import jax, jax.numpy as jnp
import numpy as np

N = 10000
E = 320000
F_IN = 128
H = 128
C = 16
G = 64


def setup_inputs(seed: int = 0) -> dict:
    key = jax.random.key(seed)
    ks = jax.random.split(key, 10)
    x = jax.random.normal(ks[0], (N, F_IN), dtype=jnp.float32)
    edge_index = jax.random.randint(ks[1], (2, E), 0, N, dtype=jnp.int32)
    batch = jnp.sort(jax.random.randint(ks[2], (N,), 0, G, dtype=jnp.int32))
    W1 = jax.random.normal(ks[3], (F_IN, H), dtype=jnp.float32) * (1.0 / np.sqrt(F_IN))
    b1 = jnp.zeros((H,), dtype=jnp.float32)
    W2 = jax.random.normal(ks[4], (H, C), dtype=jnp.float32) * (1.0 / np.sqrt(H))
    b2 = jnp.zeros((C,), dtype=jnp.float32)
    Wl = jax.random.normal(ks[5], (C, C), dtype=jnp.float32) * (1.0 / np.sqrt(C))
    bl = jnp.zeros((C,), dtype=jnp.float32)
    return {"x": x, "edge_index": edge_index, "batch": batch,
            "W1": W1, "b1": b1, "W2": W2, "b2": b2, "Wl": Wl, "bl": bl}


def _gcn_conv(x, edge_index, W, b, num_nodes):
    # GCNConv: add self-loops, symmetric normalization D^-1/2 A D^-1/2, linear transform
    loop = jnp.arange(num_nodes, dtype=edge_index.dtype)
    src = jnp.concatenate([edge_index[0], loop])
    dst = jnp.concatenate([edge_index[1], loop])
    deg = jnp.zeros((num_nodes,), dtype=x.dtype).at[dst].add(1.0)
    dinv = jnp.where(deg > 0, jax.lax.rsqrt(deg), 0.0)
    norm = dinv[src] * dinv[dst]
    h = x @ W
    msg = h[src] * norm[:, None]
    out = jax.ops.segment_sum(msg, dst, num_segments=num_nodes)
    return out + b


def reference(x, edge_index, batch, W1, b1, W2, b2, Wl, bl):
    h = _gcn_conv(x, edge_index, W1, b1, N)
    h = jax.nn.relu(h)
    h = _gcn_conv(h, edge_index, W2, b2, N)
    # global_mean_pool over graph ids in `batch`
    sums = jax.ops.segment_sum(h, batch, num_segments=G)
    counts = jax.ops.segment_sum(jnp.ones((N,), dtype=h.dtype), batch, num_segments=G)
    pooled = sums / jnp.maximum(counts, 1.0)[:, None]
    # dropout p=0.5 is identity in eval mode
    out = pooled @ Wl + bl
    return out

if __name__ == "__main__":
    import jax
    _d = setup_inputs()
    print(jax.jit(kernel)(*tuple(_d.values())))

</pallas_src>

<mosaic_0001>
#map = affine_map<(d0, d1) -> (0, 0)>
module attributes {stable_mosaic.version = 14 : i64} {
  func.func @_deg_kernel(%arg0: i32, %arg1: i32, %arg2: memref<2560x128xi32, #tpu.memory_space<hbm>>, %arg3: memref<2x10240xf32, #tpu.memory_space<hbm>>, %arg4: memref<80x128xi32, #tpu.memory_space<vmem>>, %arg5: memref<10240xf32, #tpu.memory_space<vmem>>, %arg6: memref<16x640xf32, #tpu.memory_space<vmem>>, %arg7: memref<16x10240xf32, #tpu.memory_space<vmem_shared>>) attributes {dimension_semantics = [#tpu.dimension_semantics<core_parallel>, #tpu.dimension_semantics<subcore_parallel>], iteration_bounds = array<i64: 2, 16>, scalar_prefetch = 0 : i64, scratch_operands = 4 : i64, tpu.core_type = #tpu.core_type<sc_vector_subcore>, window_params = [{transform_indices = #map}, {transform_indices = #map}]} {
    %mul3A = arith.constant 16 : i32
    %mul3A_0 = arith.muli %arg0, %mul3A : i32
    %add3A = arith.addi %mul3A_0, %arg1 : i32
    %mul3A_1 = arith.constant 80 : i32
    %mul3A_2 = arith.muli %add3A, %mul3A_1 : i32
    "tpu.region"() ({
      %run_scoped3A_89 = tpu.sem_alloc : memref<!tpu.dma_semaphore, #tpu.memory_space<semaphore_mem>>
      %dma_start3A = arith.constant 0 : i32
      %dma_start3A_90 = tpu.memref_slice %arg2[%mul3A_2, %dma_start3A] : memref<2560x128xi32, #tpu.memory_space<hbm>> -> memref<80x128xi32, #tpu.memory_space<hbm>>
      %dma_start3A_91 = arith.constant 0 : i32
      %dma_start3A_92 = tpu.memref_slice %arg2[%mul3A_2, %dma_start3A_91] : memref<2560x128xi32, #tpu.memory_space<hbm>> -> memref<80x128xi32, #tpu.memory_space<hbm>>
      tpu.enqueue_dma source(%dma_start3A_92 : memref<80x128xi32, #tpu.memory_space<hbm>>) target(%arg4 : memref<80x128xi32, #tpu.memory_space<vmem>>) target_semaphore(%run_scoped3A_89 : memref<!tpu.dma_semaphore, #tpu.memory_space<semaphore_mem>>)
      %dma_wait3A = arith.constant 0 : i32
      %dma_wait3A_93 = tpu.memref_slice %arg2[%mul3A_2, %dma_wait3A] : memref<2560x128xi32, #tpu.memory_space<hbm>> -> memref<80x128xi32, #tpu.memory_space<hbm>>
      %dma_wait3A_94 = arith.constant 0 : i32
      %dma_wait3A_95 = tpu.memref_slice %arg2[%mul3A_2, %dma_wait3A_94] : memref<2560x128xi32, #tpu.memory_space<hbm>> -> memref<80x128xi32, #tpu.memory_space<hbm>>
      tpu.wait_dma2 semaphore(%run_scoped3A_89 : memref<!tpu.dma_semaphore, #tpu.memory_space<semaphore_mem>>) src(%dma_wait3A_95 : memref<80x128xi32, #tpu.memory_space<hbm>>) dst(%arg4 : memref<80x128xi32, #tpu.memory_space<vmem>>)
      tpu.yield
    }) : () -> ()
    %scan3A = arith.constant 0 : i32
    %scan3A_3 = arith.constant 0 : i32
    %scan3A_4 = arith.constant 640 : i32
    %scan3A_5 = arith.addi %scan3A_3, %scan3A_4 : i32
    %scan3A_6 = arith.constant 1 : i32
    %scan3A_7 = scf.for %scan3A_89 = %scan3A_3 to %scan3A_5 step %scan3A_6 iter_args(%scan3A_90 = %scan3A) -> (i32)  : i32 {
      %broadcast_in_dim3A_91 = arith.constant 0.000000e+00 : f32
      %broadcast_in_dim3A_92 = vector.broadcast %broadcast_in_dim3A_91 : f32 to vector<16xf32>
      %mul3A_93 = arith.constant 16 : i32
      %mul3A_94 = arith.muli %scan3A_89, %mul3A_93 : i32
      %swap3A = arith.index_cast %mul3A_94 : i32 to index
      %swap3A_95 = tpu.vector_load %arg5[%swap3A] {strides = array<i32>} : memref<10240xf32, #tpu.memory_space<vmem>>, vector<16xf32>,
      tpu.vector_store %arg5[%swap3A], %broadcast_in_dim3A_92 {strides = array<i32>} : memref<10240xf32, #tpu.memory_space<vmem>>, vector<16xf32>,
      %scan3A_96 = arith.constant 0 : i32
      scf.yield %scan3A_96 : i32
    }
    %scan3A_8 = arith.constant 640 : i32
    %broadcast_in_dim3A = arith.constant 1.000000e+00 : f32
    %broadcast_in_dim3A_9 = vector.broadcast %broadcast_in_dim3A : f32 to vector<16xf32>
    %scan3A_10 = arith.constant 0 : i32
    %scan3A_11 = arith.constant 0 : i32
    %scan3A_12 = arith.constant 80 : i32
    %scan3A_13 = arith.addi %scan3A_11, %scan3A_12 : i32
    %scan3A_14 = arith.constant 1 : i32
    %scan3A_15 = scf.for %scan3A_89 = %scan3A_11 to %scan3A_13 step %scan3A_14 iter_args(%scan3A_90 = %scan3A_10) -> (i32)  : i32 {
      %get3A = arith.index_cast %scan3A_89 : i32 to index
      %get3A_91 = arith.constant 0 : index
      %get3A_92 = tpu.vector_load %arg4[%get3A, %get3A_91] {strides = array<i32>} : memref<80x128xi32, #tpu.memory_space<vmem>>, vector<16xi32>,
      tpu.vector_store_idx %arg5[%get3A_92], %broadcast_in_dim3A_9 {add = true} : memref<10240xf32, #tpu.memory_space<vmem>>[vector<16xi32>], vector<16xf32>,
      %get3A_93 = arith.index_cast %scan3A_89 : i32 to index
      %get3A_94 = arith.constant 16 : index
      %get3A_95 = tpu.vector_load %arg4[%get3A_93, %get3A_94] {strides = array<i32>} : memref<80x128xi32, #tpu.memory_space<vmem>>, vector<16xi32>,
      tpu.vector_store_idx %arg5[%get3A_95], %broadcast_in_dim3A_9 {add = true} : memref<10240xf32, #tpu.memory_space<vmem>>[vector<16xi32>], vector<16xf32>,
      %get3A_96 = arith.index_cast %scan3A_89 : i32 to index
      %get3A_97 = arith.constant 32 : index
      %get3A_98 = tpu.vector_load %arg4[%get3A_96, %get3A_97] {strides = array<i32>} : memref<80x128xi32, #tpu.memory_space<vmem>>, vector<16xi32>,
      tpu.vector_store_idx %arg5[%get3A_98], %broadcast_in_dim3A_9 {add = true} : memref<10240xf32, #tpu.memory_space<vmem>>[vector<16xi32>], vector<16xf32>,
      %get3A_99 = arith.index_cast %scan3A_89 : i32 to index
      %get3A_100 = arith.constant 48 : index
      %get3A_101 = tpu.vector_load %arg4[%get3A_99, %get3A_100] {strides = array<i32>} : memref<80x128xi32, #tpu.memory_space<vmem>>, vector<16xi32>,
      tpu.vector_store_idx %arg5[%get3A_101], %broadcast_in_dim3A_9 {add = true} : memref<10240xf32, #tpu.memory_space<vmem>>[vector<16xi32>], vector<16xf32>,
      %get3A_102 = arith.index_cast %scan3A_89 : i32 to index
      %get3A_103 = arith.constant 64 : index
      %get3A_104 = tpu.vector_load %arg4[%get3A_102, %get3A_103] {strides = array<i32>} : memref<80x128xi32, #tpu.memory_space<vmem>>, vector<16xi32>,
      tpu.vector_store_idx %arg5[%get3A_104], %broadcast_in_dim3A_9 {add = true} : memref<10240xf32, #tpu.memory_space<vmem>>[vector<16xi32>], vector<16xf32>,
      %get3A_105 = arith.index_cast %scan3A_89 : i32 to index
      %get3A_106 = arith.constant 80 : index
      %get3A_107 = tpu.vector_load %arg4[%get3A_105, %get3A_106] {strides = array<i32>} : memref<80x128xi32, #tpu.memory_space<vmem>>, vector<16xi32>,
      tpu.vector_store_idx %arg5[%get3A_107], %broadcast_in_dim3A_9 {add = true} : memref<10240xf32, #tpu.memory_space<vmem>>[vector<16xi32>], vector<16xf32>,
      %get3A_108 = arith.index_cast %scan3A_89 : i32 to index
      %get3A_109 = arith.constant 96 : index
      %get3A_110 = tpu.vector_load %arg4[%get3A_108, %get3A_109] {strides = array<i32>} : memref<80x128xi32, #tpu.memory_space<vmem>>, vector<16xi32>,
      tpu.vector_store_idx %arg5[%get3A_110], %broadcast_in_dim3A_9 {add = true} : memref<10240xf32, #tpu.memory_space<vmem>>[vector<16xi32>], vector<16xf32>,
      %get3A_111 = arith.index_cast %scan3A_89 : i32 to index
      %get3A_112 = arith.constant 112 : index
      %get3A_113 = tpu.vector_load %arg4[%get3A_111, %get3A_112] {strides = array<i32>} : memref<80x128xi32, #tpu.memory_space<vmem>>, vector<16xi32>,
      tpu.vector_store_idx %arg5[%get3A_113], %broadcast_in_dim3A_9 {add = true} : memref<10240xf32, #tpu.memory_space<vmem>>[vector<16xi32>], vector<16xf32>,
      %scan3A_114 = arith.constant 0 : i32
      scf.yield %scan3A_114 : i32
    }
    %scan3A_16 = arith.constant 80 : i32
    "tpu.region"() ({
      %run_scoped3A_89 = tpu.sem_alloc : memref<!tpu.dma_semaphore, #tpu.memory_space<semaphore_mem>>
      %dma_start3A = arith.constant 0 : i32
      %dma_start3A_90 = tpu.memref_slice %arg7[%arg1, %dma_start3A] : memref<16x10240xf32, #tpu.memory_space<vmem_shared>> -> memref<1x10240xf32, #tpu.memory_space<vmem_shared>>
      %dma_start3A_91 = tpu.memref_squeeze %dma_start3A_90 : memref<1x10240xf32, #tpu.memory_space<vmem_shared>> -> memref<10240xf32, #tpu.memory_space<vmem_shared>>
      %dma_start3A_92 = arith.constant 0 : i32
      %dma_start3A_93 = tpu.memref_slice %arg7[%arg1, %dma_start3A_92] : memref<16x10240xf32, #tpu.memory_space<vmem_shared>> -> memref<1x10240xf32, #tpu.memory_space<vmem_shared>>
      %dma_start3A_94 = tpu.memref_squeeze %dma_start3A_93 : memref<1x10240xf32, #tpu.memory_space<vmem_shared>> -> memref<10240xf32, #tpu.memory_space<vmem_shared>>
      tpu.enqueue_dma source(%arg5 : memref<10240xf32, #tpu.memory_space<vmem>>) target(%dma_start3A_94 : memref<10240xf32, #tpu.memory_space<vmem_shared>>) target_semaphore(%run_scoped3A_89 : memref<!tpu.dma_semaphore, #tpu.memory_space<semaphore_mem>>)
      %dma_wait3A = arith.constant 0 : i32
      %dma_wait3A_95 = tpu.memref_slice %arg7[%arg1, %dma_wait3A] : memref<16x10240xf32, #tpu.memory_space<vmem_shared>> -> memref<1x10240xf32, #tpu.memory_space<vmem_shared>>
      %dma_wait3A_96 = tpu.memref_squeeze %dma_wait3A_95 : memref<1x10240xf32, #tpu.memory_space<vmem_shared>> -> memref<10240xf32, #tpu.memory_space<vmem_shared>>
      %dma_wait3A_97 = arith.constant 0 : i32
      %dma_wait3A_98 = tpu.memref_slice %arg7[%arg1, %dma_wait3A_97] : memref<16x10240xf32, #tpu.memory_space<vmem_shared>> -> memref<1x10240xf32, #tpu.memory_space<vmem_shared>>
      %dma_wait3A_99 = tpu.memref_squeeze %dma_wait3A_98 : memref<1x10240xf32, #tpu.memory_space<vmem_shared>> -> memref<10240xf32, #tpu.memory_space<vmem_shared>>
      tpu.wait_dma2 semaphore(%run_scoped3A_89 : memref<!tpu.dma_semaphore, #tpu.memory_space<semaphore_mem>>) src(%arg5 : memref<10240xf32, #tpu.memory_space<vmem>>) dst(%dma_wait3A_99 : memref<10240xf32, #tpu.memory_space<vmem_shared>>)
      tpu.yield
    }) : () -> ()
    %barrier3A = arith.constant 0 : index
    tpu.barrier barrier_id(%barrier3A)
    %mul3A_17 = arith.constant 640 : i32
    %mul3A_18 = arith.muli %arg1, %mul3A_17 : i32
    %run_scoped3A = arith.constant 0 : i32
    %run_scoped3A_19 = arith.constant 0 : i32
    "tpu.region"() ({
      %run_scoped3A_89 = tpu.sem_alloc : memref<!tpu.dma_semaphore, #tpu.memory_space<semaphore_mem>>
      %dma_start3A = arith.constant 0 : i32
      %dma_start3A_90 = tpu.memref_slice %arg6[%run_scoped3A_19, %dma_start3A] : memref<16x640xf32, #tpu.memory_space<vmem>> -> memref<1x640xf32, #tpu.memory_space<vmem>>
      %dma_start3A_91 = tpu.memref_squeeze %dma_start3A_90 : memref<1x640xf32, #tpu.memory_space<vmem>> -> memref<640xf32, #tpu.memory_space<vmem>>
      %dma_start3A_92 = tpu.memref_slice %arg7[%run_scoped3A, %mul3A_18] : memref<16x10240xf32, #tpu.memory_space<vmem_shared>> -> memref<1x640xf32, #tpu.memory_space<vmem_shared>>
      %dma_start3A_93 = tpu.memref_squeeze %dma_start3A_92 : memref<1x640xf32, #tpu.memory_space<vmem_shared>> -> memref<640xf32, #tpu.memory_space<vmem_shared>>
      %dma_start3A_94 = arith.constant 0 : i32
      %dma_start3A_95 = tpu.memref_slice %arg6[%run_scoped3A_19, %dma_start3A_94] : memref<16x640xf32, #tpu.memory_space<vmem>> -> memref<1x640xf32, #tpu.memory_space<vmem>>
      %dma_start3A_96 = tpu.memref_squeeze %dma_start3A_95 : memref<1x640xf32, #tpu.memory_space<vmem>> -> memref<640xf32, #tpu.memory_space<vmem>>
      %dma_start3A_97 = tpu.memref_slice %arg7[%run_scoped3A, %mul3A_18] : memref<16x10240xf32, #tpu.memory_space<vmem_shared>> -> memref<1x640xf32, #tpu.memory_space<vmem_shared>>
      %dma_start3A_98 = tpu.memref_squeeze %dma_start3A_97 : memref<1x640xf32, #tpu.memory_space<vmem_shared>> -> memref<640xf32, #tpu.memory_space<vmem_shared>>
      tpu.enqueue_dma source(%dma_start3A_98 : memref<640xf32, #tpu.memory_space<vmem_shared>>) target(%dma_start3A_96 : memref<640xf32, #tpu.memory_space<vmem>>) target_semaphore(%run_scoped3A_89 : memref<!tpu.dma_semaphore, #tpu.memory_space<semaphore_mem>>)
      %dma_wait3A = arith.constant 0 : i32
      %dma_wait3A_99 = tpu.memref_slice %arg6[%run_scoped3A_19, %dma_wait3A] : memref<16x640xf32, #tpu.memory_space<vmem>> -> memref<1x640xf32, #tpu.memory_space<vmem>>
      %dma_wait3A_100 = tpu.memref_squeeze %dma_wait3A_99 : memref<1x640xf32, #tpu.memory_space<vmem>> -> memref<640xf32, #tpu.memory_space<vmem>>
      %dma_wait3A_101 = tpu.memref_slice %arg7[%run_scoped3A, %mul3A_18] : memref<16x10240xf32, #tpu.memory_space<vmem_shared>> -> memref<1x640xf32, #tpu.memory_space<vmem_shared>>
      %dma_wait3A_102 = tpu.memref_squeeze %dma_wait3A_101 : memref<1x640xf32, #tpu.memory_space<vmem_shared>> -> memref<640xf32, #tpu.memory_space<vmem_shared>>
      %dma_wait3A_103 = arith.constant 0 : i32
      %dma_wait3A_104 = tpu.memref_slice %arg6[%run_scoped3A_19, %dma_wait3A_103] : memref<16x640xf32, #tpu.memory_space<vmem>> -> memref<1x640xf32, #tpu.memory_space<vmem>>
      %dma_wait3A_105 = tpu.memref_squeeze %dma_wait3A_104 : memref<1x640xf32, #tpu.memory_space<vmem>> -> memref<640xf32, #tpu.memory_space<vmem>>
      %dma_wait3A_106 = tpu.memref_slice %arg7[%run_scoped3A, %mul3A_18] : memref<16x10240xf32, #tpu.memory_space<vmem_shared>> -> memref<1x640xf32, #tpu.memory_space<vmem_shared>>
      %dma_wait3A_107 = tpu.memref_squeeze %dma_wait3A_106 : memref<1x640xf32, #tpu.memory_space<vmem_shared>> -> memref<640xf32, #tpu.memory_space<vmem_shared>>
      tpu.wait_dma2 semaphore(%run_scoped3A_89 : memref<!tpu.dma_semaphore, #tpu.memory_space<semaphore_mem>>) src(%dma_wait3A_107 : memref<640xf32, #tpu.memory_space<vmem_shared>>) dst(%dma_wait3A_105 : memref<640xf32, #tpu.memory_space<vmem>>)
      tpu.yield
    }) : () -> ()
    %mul3A_20 = arith.constant 640 : i32
    %mul3A_21 = arith.muli %arg1, %mul3A_20 : i32
    %run_scoped3A_22 = arith.constant 1 : i32
    %run_scoped3A_23 = arith.constant 1 : i32
    "tpu.region"() ({
      %run_scoped3A_89 = tpu.sem_alloc : memref<!tpu.dma_semaphore, #tpu.memory_space<semaphore_mem>>
      %dma_start3A = arith.constant 0 : i32
      %dma_start3A_90 = tpu.memref_slice %arg6[%run_scoped3A_23, %dma_start3A] : memref<16x640xf32, #tpu.memory_space<vmem>> -> memref<1x640xf32, #tpu.memory_space<vmem>>
      %dma_start3A_91 = tpu.memref_squeeze %dma_start3A_90 : memref<1x640xf32, #tpu.memory_space<vmem>> -> memref<640xf32, #tpu.memory_space<vmem>>
      %dma_start3A_92 = tpu.memref_slice %arg7[%run_scoped3A_22, %mul3A_21] : memref<16x10240xf32, #tpu.memory_space<vmem_shared>> -> memref<1x640xf32, #tpu.memory_space<vmem_shared>>
      %dma_start3A_93 = tpu.memref_squeeze %dma_start3A_92 : memref<1x640xf32, #tpu.memory_space<vmem_shared>> -> memref<640xf32, #tpu.memory_space<vmem_shared>>
      %dma_start3A_94 = arith.constant 0 : i32
      %dma_start3A_95 = tpu.memref_slice %arg6[%run_scoped3A_23, %dma_start3A_94] : memref<16x640xf32, #tpu.memory_space<vmem>> -> memref<1x640xf32, #tpu.memory_space<vmem>>
      %dma_start3A_96 = tpu.memref_squeeze %dma_start3A_95 : memref<1x640xf32, #tpu.memory_space<vmem>> -> memref<640xf32, #tpu.memory_space<vmem>>
      %dma_start3A_97 = tpu.memref_slice %arg7[%run_scoped3A_22, %mul3A_21] : memref<16x10240xf32, #tpu.memory_space<vmem_shared>> -> memref<1x640xf32, #tpu.memory_space<vmem_shared>>
      %dma_start3A_98 = tpu.memref_squeeze %dma_start3A_97 : memref<1x640xf32, #tpu.memory_space<vmem_shared>> -> memref<640xf32, #tpu.memory_space<vmem_shared>>
      tpu.enqueue_dma source(%dma_start3A_98 : memref<640xf32, #tpu.memory_space<vmem_shared>>) target(%dma_start3A_96 : memref<640xf32, #tpu.memory_space<vmem>>) target_semaphore(%run_scoped3A_89 : memref<!tpu.dma_semaphore, #tpu.memory_space<semaphore_mem>>)
      %dma_wait3A = arith.constant 0 : i32
      %dma_wait3A_99 = tpu.memref_slice %arg6[%run_scoped3A_23, %dma_wait3A] : memref<16x640xf32, #tpu.memory_space<vmem>> -> memref<1x640xf32, #tpu.memory_space<vmem>>
      %dma_wait3A_100 = tpu.memref_squeeze %dma_wait3A_99 : memref<1x640xf32, #tpu.memory_space<vmem>> -> memref<640xf32, #tpu.memory_space<vmem>>
      %dma_wait3A_101 = tpu.memref_slice %arg7[%run_scoped3A_22, %mul3A_21] : memref<16x10240xf32, #tpu.memory_space<vmem_shared>> -> memref<1x640xf32, #tpu.memory_space<vmem_shared>>
      %dma_wait3A_102 = tpu.memref_squeeze %dma_wait3A_101 : memref<1x640xf32, #tpu.memory_space<vmem_shared>> -> memref<640xf32, #tpu.memory_space<vmem_shared>>
      %dma_wait3A_103 = arith.constant 0 : i32
      %dma_wait3A_104 = tpu.memref_slice %arg6[%run_scoped3A_23, %dma_wait3A_103] : memref<16x640xf32, #tpu.memory_space<vmem>> -> memref<1x640xf32, #tpu.memory_space<vmem>>
      %dma_wait3A_105 = tpu.memref_squeeze %dma_wait3A_104 : memref<1x640xf32, #tpu.memory_space<vmem>> -> memref<640xf32, #tpu.memory_space<vmem>>
      %dma_wait3A_106 = tpu.memref_slice %arg7[%run_scoped3A_22, %mul3A_21] : memref<16x10240xf32, #tpu.memory_space<vmem_shared>> -> memref<1x640xf32, #tpu.memory_space<vmem_shared>>
      %dma_wait3A_107 = tpu.memref_squeeze %dma_wait3A_106 : memref<1x640xf32, #tpu.memory_space<vmem_shared>> -> memref<640xf32, #tpu.memory_space<vmem_shared>>
      tpu.wait_dma2 semaphore(%run_scoped3A_89 : memref<!tpu.dma_semaphore, #tpu.memory_space<semaphore_mem>>) src(%dma_wait3A_107 : memref<640xf32, #tpu.memory_space<vmem_shared>>) dst(%dma_wait3A_105 : memref<640xf32, #tpu.memory_space<vmem>>)
      tpu.yield
    }) : () -> ()
    %mul3A_24 = arith.constant 640 : i32
    %mul3A_25 = arith.muli %arg1, %mul3A_24 : i32
    %run_scoped3A_26 = arith.constant 2 : i32
    %run_scoped3A_27 = arith.constant 2 : i32
    "tpu.region"() ({
      %run_scoped3A_89 = tpu.sem_alloc : memref<!tpu.dma_semaphore, #tpu.memory_space<semaphore_mem>>
      %dma_start3A = arith.constant 0 : i32
      %dma_start3A_90 = tpu.memref_slice %arg6[%run_scoped3A_27, %dma_start3A] : memref<16x640xf32, #tpu.memory_space<vmem>> -> memref<1x640xf32, #tpu.memory_space<vmem>>
      %dma_start3A_91 = tpu.memref_squeeze %dma_start3A_90 : memref<1x640xf32, #tpu.memory_space<vmem>> -> memref<640xf32, #tpu.memory_space<vmem>>
      %dma_start3A_92 = tpu.memref_slice %arg7[%run_scoped3A_26, %mul3A_25] : memref<16x10240xf32, #tpu.memory_space<vmem_shared>> -> memref<1x640xf32, #tpu.memory_space<vmem_shared>>
      %dma_start3A_93 = tpu.memref_squeeze %dma_start3A_92 : memref<1x640xf32, #tpu.memory_space<vmem_shared>> -> memref<640xf32, #tpu.memory_space<vmem_shared>>
      %dma_start3A_94 = arith.constant 0 : i32
      %dma_start3A_95 = tpu.memref_slice %arg6[%run_scoped3A_27, %dma_start3A_94] : memref<16x640xf32, #tpu.memory_space<vmem>> -> memref<1x640xf32, #tpu.memory_space<vmem>>
      %dma_start3A_96 = tpu.memref_squeeze %dma_start3A_95 : memref<1x640xf32, #tpu.memory_space<vmem>> -> memref<640xf32, #tpu.memory_space<vmem>>
      %dma_start3A_97 = tpu.memref_slice %arg7[%run_scoped3A_26, %mul3A_25] : memref<16x10240xf32, #tpu.memory_space<vmem_shared>> -> memref<1x640xf32, #tpu.memory_space<vmem_shared>>
      %dma_start3A_98 = tpu.memref_squeeze %dma_start3A_97 : memref<1x640xf32, #tpu.memory_space<vmem_shared>> -> memref<640xf32, #tpu.memory_space<vmem_shared>>
      tpu.enqueue_dma source(%dma_start3A_98 : memref<640xf32, #tpu.memory_space<vmem_shared>>) target(%dma_start3A_96 : memref<640xf32, #tpu.memory_space<vmem>>) target_semaphore(%run_scoped3A_89 : memref<!tpu.dma_semaphore, #tpu.memory_space<semaphore_mem>>)
      %dma_wait3A = arith.constant 0 : i32
      %dma_wait3A_99 = tpu.memref_slice %arg6[%run_scoped3A_27, %dma_wait3A] : memref<16x640xf32, #tpu.memory_space<vmem>> -> memref<1x640xf32, #tpu.memory_space<vmem>>
      %dma_wait3A_100 = tpu.memref_squeeze %dma_wait3A_99 : memref<1x640xf32, #tpu.memory_space<vmem>> -> memref<640xf32, #tpu.memory_space<vmem>>
      %dma_wait3A_101 = tpu.memref_slice %arg7[%run_scoped3A_26, %mul3A_25] : memref<16x10240xf32, #tpu.memory_space<vmem_shared>> -> memref<1x640xf32, #tpu.memory_space<vmem_shared>>
      %dma_wait3A_102 = tpu.memref_squeeze %dma_wait3A_101 : memref<1x640xf32, #tpu.memory_space<vmem_shared>> -> memref<640xf32, #tpu.memory_space<vmem_shared>>
      %dma_wait3A_103 = arith.constant 0 : i32
      %dma_wait3A_104 = tpu.memref_slice %arg6[%run_scoped3A_27, %dma_wait3A_103] : memref<16x640xf32, #tpu.memory_space<vmem>> -> memref<1x640xf32, #tpu.memory_space<vmem>>
      %dma_wait3A_105 = tpu.memref_squeeze %dma_wait3A_104 : memref<1x640xf32, #tpu.memory_space<vmem>> -> memref<640xf32, #tpu.memory_space<vmem>>
      %dma_wait3A_106 = tpu.memref_slice %arg7[%run_scoped3A_26, %mul3A_25] : memref<16x10240xf32, #tpu.memory_space<vmem_shared>> -> memref<1x640xf32, #tpu.memory_space<vmem_shared>>
      %dma_wait3A_107 = tpu.memref_squeeze %dma_wait3A_106 : memref<1x640xf32, #tpu.memory_space<vmem_shared>> -> memref<640xf32, #tpu.memory_space<vmem_shared>>
      tpu.wait_dma2 semaphore(%run_scoped3A_89 : memref<!tpu.dma_semaphore, #tpu.memory_space<semaphore_mem>>) src(%dma_wait3A_107 : memref<640xf32, #tpu.memory_space<vmem_shared>>) dst(%dma_wait3A_105 : memref<640xf32, #tpu.memory_space<vmem>>)
      tpu.yield
    }) : () -> ()
    %mul3A_28 = arith.constant 640 : i32
    %mul3A_29 = arith.muli %arg1, %mul3A_28 : i32
    %run_scoped3A_30 = arith.constant 3 : i32
    %run_scoped3A_31 = arith.constant 3 : i32
    "tpu.region"() ({
      %run_scoped3A_89 = tpu.sem_alloc : memref<!tpu.dma_semaphore, #tpu.memory_space<semaphore_mem>>
      %dma_start3A = arith.constant 0 : i32
      %dma_start3A_90 = tpu.memref_slice %arg6[%run_scoped3A_31, %dma_start3A] : memref<16x640xf32, #tpu.memory_space<vmem>> -> memref<1x640xf32, #tpu.memory_space<vmem>>
      %dma_start3A_91 = tpu.memref_squeeze %dma_start3A_90 : memref<1x640xf32, #tpu.memory_space<vmem>> -> memref<640xf32, #tpu.memory_space<vmem>>
      %dma_start3A_92 = tpu.memref_slice %arg7[%run_scoped3A_30, %mul3A_29] : memref<16x10240xf32, #tpu.memory_space<vmem_shared>> -> memref<1x640xf32, #tpu.memory_space<vmem_shared>>
      %dma_start3A_93 = tpu.memref_squeeze %dma_start3A_92 : memref<1x640xf32, #tpu.memory_space<vmem_shared>> -> memref<640xf32, #tpu.memory_space<vmem_shared>>
      %dma_start3A_94 = arith.constant 0 : i32
      %dma_start3A_95 = tpu.memref_slice %arg6[%run_scoped3A_31, %dma_start3A_94] : memref<16x640xf32, #tpu.memory_space<vmem>> -> memref<1x640xf32, #tpu.memory_space<vmem>>
      %dma_start3A_96 = tpu.memref_squeeze %dma_start3A_95 : memref<1x640xf32, #tpu.memory_space<vmem>> -> memref<640xf32, #tpu.memory_space<vmem>>
      %dma_start3A_97 = tpu.memref_slice %arg7[%run_scoped3A_30, %mul3A_29] : memref<16x10240xf32, #tpu.memory_space<vmem_shared>> -> memref<1x640xf32, #tpu.memory_space<vmem_shared>>
      %dma_start3A_98 = tpu.memref_squeeze %dma_start3A_97 : memref<1x640xf32, #tpu.memory_space<vmem_shared>> -> memref<640xf32, #tpu.memory_space<vmem_shared>>
      tpu.enqueue_dma source(%dma_start3A_98 : memref<640xf32, #tpu.memory_space<vmem_shared>>) target(%dma_start3A_96 : memref<640xf32, #tpu.memory_space<vmem>>) target_semaphore(%run_scoped3A_89 : memref<!tpu.dma_semaphore, #tpu.memory_space<semaphore_mem>>)
      %dma_wait3A = arith.constant 0 : i32
      %dma_wait3A_99 = tpu.memref_slice %arg6[%run_scoped3A_31, %dma_wait3A] : memref<16x640xf32, #tpu.memory_space<vmem>> -> memref<1x640xf32, #tpu.memory_space<vmem>>
      %dma_wait3A_100 = tpu.memref_squeeze %dma_wait3A_99 : memref<1x640xf32, #tpu.memory_space<vmem>> -> memref<640xf32, #tpu.memory_space<vmem>>
      %dma_wait3A_101 = tpu.memref_slice %arg7[%run_scoped3A_30, %mul3A_29] : memref<16x10240xf32, #tpu.memory_space<vmem_shared>> -> memref<1x640xf32, #tpu.memory_space<vmem_shared>>
      %dma_wait3A_102 = tpu.memref_squeeze %dma_wait3A_101 : memref<1x640xf32, #tpu.memory_space<vmem_shared>> -> memref<640xf32, #tpu.memory_space<vmem_shared>>
      %dma_wait3A_103 = arith.constant 0 : i32
      %dma_wait3A_104 = tpu.memref_slice %arg6[%run_scoped3A_31, %dma_wait3A_103] : memref<16x640xf32, #tpu.memory_space<vmem>> -> memref<1x640xf32, #tpu.memory_space<vmem>>
      %dma_wait3A_105 = tpu.memref_squeeze %dma_wait3A_104 : memref<1x640xf32, #tpu.memory_space<vmem>> -> memref<640xf32, #tpu.memory_space<vmem>>
      %dma_wait3A_106 = tpu.memref_slice %arg7[%run_scoped3A_30, %mul3A_29] : memref<16x10240xf32, #tpu.memory_space<vmem_shared>> -> memref<1x640xf32, #tpu.memory_space<vmem_shared>>
      %dma_wait3A_107 = tpu.memref_squeeze %dma_wait3A_106 : memref<1x640xf32, #tpu.memory_space<vmem_shared>> -> memref<640xf32, #tpu.memory_space<vmem_shared>>
      tpu.wait_dma2 semaphore(%run_scoped3A_89 : memref<!tpu.dma_semaphore, #tpu.memory_space<semaphore_mem>>) src(%dma_wait3A_107 : memref<640xf32, #tpu.memory_space<vmem_shared>>) dst(%dma_wait3A_105 : memref<640xf32, #tpu.memory_space<vmem>>)
      tpu.yield
    }) : () -> ()
    %mul3A_32 = arith.constant 640 : i32
    %mul3A_33 = arith.muli %arg1, %mul3A_32 : i32
    %run_scoped3A_34 = arith.constant 4 : i32
    %run_scoped3A_35 = arith.constant 4 : i32
    "tpu.region"() ({
      %run_scoped3A_89 = tpu.sem_alloc : memref<!tpu.dma_semaphore, #tpu.memory_space<semaphore_mem>>
      %dma_start3A = arith.constant 0 : i32
      %dma_start3A_90 = tpu.memref_slice %arg6[%run_scoped3A_35, %dma_start3A] : memref<16x640xf32, #tpu.memory_space<vmem>> -> memref<1x640xf32, #tpu.memory_space<vmem>>
      %dma_start3A_91 = tpu.memref_squeeze %dma_start3A_90 : memref<1x640xf32, #tpu.memory_space<vmem>> -> memref<640xf32, #tpu.memory_space<vmem>>
      %dma_start3A_92 = tpu.memref_slice %arg7[%run_scoped3A_34, %mul3A_33] : memref<16x10240xf32, #tpu.memory_space<vmem_shared>> -> memref<1x640xf32, #tpu.memory_space<vmem_shared>>
      %dma_start3A_93 = tpu.memref_squeeze %dma_start3A_92 : memref<1x640xf32, #tpu.memory_space<vmem_shared>> -> memref<640xf32, #tpu.memory_space<vmem_shared>>
      %dma_start3A_94 = arith.constant 0 : i32
      %dma_start3A_95 = tpu.memref_slice %arg6[%run_scoped3A_35, %dma_start3A_94] : memref<16x640xf32, #tpu.memory_space<vmem>> -> memref<1x640xf32, #tpu.memory_space<vmem>>
      %dma_start3A_96 = tpu.memref_squeeze %dma_start3A_95 : memref<1x640xf32, #tpu.memory_space<vmem>> -> memref<640xf32, #tpu.memory_space<vmem>>
      %dma_start3A_97 = tpu.memref_slice %arg7[%run_scoped3A_34, %mul3A_33] : memref<16x10240xf32, #tpu.memory_space<vmem_shared>> -> memref<1x640xf32, #tpu.memory_space<vmem_shared>>
      %dma_start3A_98 = tpu.memref_squeeze %dma_start3A_97 : memref<1x640xf32, #tpu.memory_space<vmem_shared>> -> memref<640xf32, #tpu.memory_space<vmem_shared>>
      tpu.enqueue_dma source(%dma_start3A_98 : memref<640xf32, #tpu.memory_space<vmem_shared>>) target(%dma_start3A_96 : memref<640xf32, #tpu.memory_space<vmem>>) target_semaphore(%run_scoped3A_89 : memref<!tpu.dma_semaphore, #tpu.memory_space<semaphore_mem>>)
      %dma_wait3A = arith.constant 0 : i32
      %dma_wait3A_99 = tpu.memref_slice %arg6[%run_scoped3A_35, %dma_wait3A] : memref<16x640xf32, #tpu.memory_space<vmem>> -> memref<1x640xf32, #tpu.memory_space<vmem>>
      %dma_wait3A_100 = tpu.memref_squeeze %dma_wait3A_99 : memref<1x640xf32, #tpu.memory_space<vmem>> -> memref<640xf32, #tpu.memory_space<vmem>>
      %dma_wait3A_101 = tpu.memref_slice %arg7[%run_scoped3A_34, %mul3A_33] : memref<16x10240xf32, #tpu.memory_space<vmem_shared>> -> memref<1x640xf32, #tpu.memory_space<vmem_shared>>
      %dma_wait3A_102 = tpu.memref_squeeze %dma_wait3A_101 : memref<1x640xf32, #tpu.memory_space<vmem_shared>> -> memref<640xf32, #tpu.memory_space<vmem_shared>>
      %dma_wait3A_103 = arith.constant 0 : i32
      %dma_wait3A_104 = tpu.memref_slice %arg6[%run_scoped3A_35, %dma_wait3A_103] : memref<16x640xf32, #tpu.memory_space<vmem>> -> memref<1x640xf32, #tpu.memory_space<vmem>>
      %dma_wait3A_105 = tpu.memref_squeeze %dma_wait3A_104 : memref<1x640xf32, #tpu.memory_space<vmem>> -> memref<640xf32, #tpu.memory_space<vmem>>
      %dma_wait3A_106 = tpu.memref_slice %arg7[%run_scoped3A_34, %mul3A_33] : memref<16x10240xf32, #tpu.memory_space<vmem_shared>> -> memref<1x640xf32, #tpu.memory_space<vmem_shared>>
      %dma_wait3A_107 = tpu.memref_squeeze %dma_wait3A_106 : memref<1x640xf32, #tpu.memory_space<vmem_shared>> -> memref<640xf32, #tpu.memory_space<vmem_shared>>
      tpu.wait_dma2 semaphore(%run_scoped3A_89 : memref<!tpu.dma_semaphore, #tpu.memory_space<semaphore_mem>>) src(%dma_wait3A_107 : memref<640xf32, #tpu.memory_space<vmem_shared>>) dst(%dma_wait3A_105 : memref<640xf32, #tpu.memory_space<vmem>>)
      tpu.yield
    }) : () -> ()
    %mul3A_36 = arith.constant 640 : i32
    %mul3A_37 = arith.muli %arg1, %mul3A_36 : i32
    %run_scoped3A_38 = arith.constant 5 : i32
    %run_scoped3A_39 = arith.constant 5 : i32
    "tpu.region"() ({
      %run_scoped3A_89 = tpu.sem_alloc : memref<!tpu.dma_semaphore, #tpu.memory_space<semaphore_mem>>
      %dma_start3A = arith.constant 0 : i32
      %dma_start3A_90 = tpu.memref_slice %arg6[%run_scoped3A_39, %dma_start3A] : memref<16x640xf32, #tpu.memory_space<vmem>> -> memref<1x640xf32, #tpu.memory_space<vmem>>
      %dma_start3A_91 = tpu.memref_squeeze %dma_start3A_90 : memref<1x640xf32, #tpu.memory_space<vmem>> -> memref<640xf32, #tpu.memory_space<vmem>>
      %dma_start3A_92 = tpu.memref_slice %arg7[%run_scoped3A_38, %mul3A_37] : memref<16x10240xf32, #tpu.memory_space<vmem_shared>> -> memref<1x640xf32, #tpu.memory_space<vmem_shared>>
      %dma_start3A_93 = tpu.memref_squeeze %dma_start3A_92 : memref<1x640xf32, #tpu.memory_space<vmem_shared>> -> memref<640xf32, #tpu.memory_space<vmem_shared>>
      %dma_start3A_94 = arith.constant 0 : i32
      %dma_start3A_95 = tpu.memref_slice %arg6[%run_scoped3A_39, %dma_start3A_94] : memref<16x640xf32, #tpu.memory_space<vmem>> -> memref<1x640xf32, #tpu.memory_space<vmem>>
      %dma_start3A_96 = tpu.memref_squeeze %dma_start3A_95 : memref<1x640xf32, #tpu.memory_space<vmem>> -> memref<640xf32, #tpu.memory_space<vmem>>
      %dma_start3A_97 = tpu.memref_slice %arg7[%run_scoped3A_38, %mul3A_37] : memref<16x10240xf32, #tpu.memory_space<vmem_shared>> -> memref<1x640xf32, #tpu.memory_space<vmem_shared>>
      %dma_start3A_98 = tpu.memref_squeeze %dma_start3A_97 : memref<1x640xf32, #tpu.memory_space<vmem_shared>> -> memref<640xf32, #tpu.memory_space<vmem_shared>>
      tpu.enqueue_dma source(%dma_start3A_98 : memref<640xf32, #tpu.memory_space<vmem_shared>>) target(%dma_start3A_96 : memref<640xf32, #tpu.memory_space<vmem>>) target_semaphore(%run_scoped3A_89 : memref<!tpu.dma_semaphore, #tpu.memory_space<semaphore_mem>>)
      %dma_wait3A = arith.constant 0 : i32
      %dma_wait3A_99 = tpu.memref_slice %arg6[%run_scoped3A_39, %dma_wait3A] : memref<16x640xf32, #tpu.memory_space<vmem>> -> memref<1x640xf32, #tpu.memory_space<vmem>>
      %dma_wait3A_100 = tpu.memref_squeeze %dma_wait3A_99 : memref<1x640xf32, #tpu.memory_space<vmem>> -> memref<640xf32, #tpu.memory_space<vmem>>
      %dma_wait3A_101 = tpu.memref_slice %arg7[%run_scoped3A_38, %mul3A_37] : memref<16x10240xf32, #tpu.memory_space<vmem_shared>> -> memref<1x640xf32, #tpu.memory_space<vmem_shared>>
      %dma_wait3A_102 = tpu.memref_squeeze %dma_wait3A_101 : memref<1x640xf32, #tpu.memory_space<vmem_shared>> -> memref<640xf32, #tpu.memory_space<vmem_shared>>
      %dma_wait3A_103 = arith.constant 0 : i32
      %dma_wait3A_104 = tpu.memref_slice %arg6[%run_scoped3A_39, %dma_wait3A_103] : memref<16x640xf32, #tpu.memory_space<vmem>> -> memref<1x640xf32, #tpu.memory_space<vmem>>
      %dma_wait3A_105 = tpu.memref_squeeze %dma_wait3A_104 : memref<1x640xf32, #tpu.memory_space<vmem>> -> memref<640xf32, #tpu.memory_space<vmem>>
      %dma_wait3A_106 = tpu.memref_slice %arg7[%run_scoped3A_38, %mul3A_37] : memref<16x10240xf32, #tpu.memory_space<vmem_shared>> -> memref<1x640xf32, #tpu.memory_space<vmem_shared>>
      %dma_wait3A_107 = tpu.memref_squeeze %dma_wait3A_106 : memref<1x640xf32, #tpu.memory_space<vmem_shared>> -> memref<640xf32, #tpu.memory_space<vmem_shared>>
      tpu.wait_dma2 semaphore(%run_scoped3A_89 : memref<!tpu.dma_semaphore, #tpu.memory_space<semaphore_mem>>) src(%dma_wait3A_107 : memref<640xf32, #tpu.memory_space<vmem_shared>>) dst(%dma_wait3A_105 : memref<640xf32, #tpu.memory_space<vmem>>)
      tpu.yield
    }) : () -> ()
    %mul3A_40 = arith.constant 640 : i32
    %mul3A_41 = arith.muli %arg1, %mul3A_40 : i32
    %run_scoped3A_42 = arith.constant 6 : i32
    %run_scoped3A_43 = arith.constant 6 : i32
    "tpu.region"() ({
      %run_scoped3A_89 = tpu.sem_alloc : memref<!tpu.dma_semaphore, #tpu.memory_space<semaphore_mem>>
      %dma_start3A = arith.constant 0 : i32
      %dma_start3A_90 = tpu.memref_slice %arg6[%run_scoped3A_43, %dma_start3A] : memref<16x640xf32, #tpu.memory_space<vmem>> -> memref<1x640xf32, #tpu.memory_space<vmem>>
      %dma_start3A_91 = tpu.memref_squeeze %dma_start3A_90 : memref<1x640xf32, #tpu.memory_space<vmem>> -> memref<640xf32, #tpu.memory_space<vmem>>
      %dma_start3A_92 = tpu.memref_slice %arg7[%run_scoped3A_42, %mul3A_41] : memref<16x10240xf32, #tpu.memory_space<vmem_shared>> -> memref<1x640xf32, #tpu.memory_space<vmem_shared>>
      %dma_start3A_93 = tpu.memref_squeeze %dma_start3A_92 : memref<1x640xf32, #tpu.memory_space<vmem_shared>> -> memref<640xf32, #tpu.memory_space<vmem_shared>>
      %dma_start3A_94 = arith.constant 0 : i32
      %dma_start3A_95 = tpu.memref_slice %arg6[%run_scoped3A_43, %dma_start3A_94] : memref<16x640xf32, #tpu.memory_space<vmem>> -> memref<1x640xf32, #tpu.memory_space<vmem>>
      %dma_start3A_96 = tpu.memref_squeeze %dma_start3A_95 : memref<1x640xf32, #tpu.memory_space<vmem>> -> memref<640xf32, #tpu.memory_space<vmem>>
      %dma_start3A_97 = tpu.memref_slice %arg7[%run_scoped3A_42, %mul3A_41] : memref<16x10240xf32, #tpu.memory_space<vmem_shared>> -> memref<1x640xf32, #tpu.memory_space<vmem_shared>>
      %dma_start3A_98 = tpu.memref_squeeze %dma_start3A_97 : memref<1x640xf32, #tpu.memory_space<vmem_shared>> -> memref<640xf32, #tpu.memory_space<vmem_shared>>
      tpu.enqueue_dma source(%dma_start3A_98 : memref<640xf32, #tpu.memory_space<vmem_shared>>) target(%dma_start3A_96 : memref<640xf32, #tpu.memory_space<vmem>>) target_semaphore(%run_scoped3A_89 : memref<!tpu.dma_semaphore, #tpu.memory_space<semaphore_mem>>)
      %dma_wait3A = arith.constant 0 : i32
      %dma_wait3A_99 = tpu.memref_slice %arg6[%run_scoped3A_43, %dma_wait3A] : memref<16x640xf32, #tpu.memory_space<vmem>> -> memref<1x640xf32, #tpu.memory_space<vmem>>
      %dma_wait3A_100 = tpu.memref_squeeze %dma_wait3A_99 : memref<1x640xf32, #tpu.memory_space<vmem>> -> memref<640xf32, #tpu.memory_space<vmem>>
      %dma_wait3A_101 = tpu.memref_slice %arg7[%run_scoped3A_42, %mul3A_41] : memref<16x10240xf32, #tpu.memory_space<vmem_shared>> -> memref<1x640xf32, #tpu.memory_space<vmem_shared>>
      %dma_wait3A_102 = tpu.memref_squeeze %dma_wait3A_101 : memref<1x640xf32, #tpu.memory_space<vmem_shared>> -> memref<640xf32, #tpu.memory_space<vmem_shared>>
      %dma_wait3A_103 = arith.constant 0 : i32
      %dma_wait3A_104 = tpu.memref_slice %arg6[%run_scoped3A_43, %dma_wait3A_103] : memref<16x640xf32, #tpu.memory_space<vmem>> -> memref<1x640xf32, #tpu.memory_space<vmem>>
      %dma_wait3A_105 = tpu.memref_squeeze %dma_wait3A_104 : memref<1x640xf32, #tpu.memory_space<vmem>> -> memref<640xf32, #tpu.memory_space<vmem>>
      %dma_wait3A_106 = tpu.memref_slice %arg7[%run_scoped3A_42, %mul3A_41] : memref<16x10240xf32, #tpu.memory_space<vmem_shared>> -> memref<1x640xf32, #tpu.memory_space<vmem_shared>>
      %dma_wait3A_107 = tpu.memref_squeeze %dma_wait3A_106 : memref<1x640xf32, #tpu.memory_space<vmem_shared>> -> memref<640xf32, #tpu.memory_space<vmem_shared>>
      tpu.wait_dma2 semaphore(%run_scoped3A_89 : memref<!tpu.dma_semaphore, #tpu.memory_space<semaphore_mem>>) src(%dma_wait3A_107 : memref<640xf32, #tpu.memory_space<vmem_shared>>) dst(%dma_wait3A_105 : memref<640xf32, #tpu.memory_space<vmem>>)
      tpu.yield
    }) : () -> ()
    %mul3A_44 = arith.constant 640 : i32
    %mul3A_45 = arith.muli %arg1, %mul3A_44 : i32
    %run_scoped3A_46 = arith.constant 7 : i32
    %run_scoped3A_47 = arith.constant 7 : i32
    "tpu.region"() ({
      %run_scoped3A_89 = tpu.sem_alloc : memref<!tpu.dma_semaphore, #tpu.memory_space<semaphore_mem>>
      %dma_start3A = arith.constant 0 : i32
      %dma_start3A_90 = tpu.memref_slice %arg6[%run_scoped3A_47, %dma_start3A] : memref<16x640xf32, #tpu.memory_space<vmem>> -> memref<1x640xf32, #tpu.memory_space<vmem>>
      %dma_start3A_91 = tpu.memref_squeeze %dma_start3A_90 : memref<1x640xf32, #tpu.memory_space<vmem>> -> memref<640xf32, #tpu.memory_space<vmem>>
      %dma_start3A_92 = tpu.memref_slice %arg7[%run_scoped3A_46, %mul3A_45] : memref<16x10240xf32, #tpu.memory_space<vmem_shared>> -> memref<1x640xf32, #tpu.memory_space<vmem_shared>>
      %dma_start3A_93 = tpu.memref_squeeze %dma_start3A_92 : memref<1x640xf32, #tpu.memory_space<vmem_shared>> -> memref<640xf32, #tpu.memory_space<vmem_shared>>
      %dma_start3A_94 = arith.constant 0 : i32
      %dma_start3A_95 = tpu.memref_slice %arg6[%run_scoped3A_47, %dma_start3A_94] : memref<16x640xf32, #tpu.memory_space<vmem>> -> memref<1x640xf32, #tpu.memory_space<vmem>>
      %dma_start3A_96 = tpu.memref_squeeze %dma_start3A_95 : memref<1x640xf32, #tpu.memory_space<vmem>> -> memref<640xf32, #tpu.memory_space<vmem>>
      %dma_start3A_97 = tpu.memref_slice %arg7[%run_scoped3A_46, %mul3A_45] : memref<16x10240xf32, #tpu.memory_space<vmem_shared>> -> memref<1x640xf32, #tpu.memory_space<vmem_shared>>
      %dma_start3A_98 = tpu.memref_squeeze %dma_start3A_97 : memref<1x640xf32, #tpu.memory_space<vmem_shared>> -> memref<640xf32, #tpu.memory_space<vmem_shared>>
      tpu.enqueue_dma source(%dma_start3A_98 : memref<640xf32, #tpu.memory_space<vmem_shared>>) target(%dma_start3A_96 : memref<640xf32, #tpu.memory_space<vmem>>) target_semaphore(%run_scoped3A_89 : memref<!tpu.dma_semaphore, #tpu.memory_space<semaphore_mem>>)
      %dma_wait3A = arith.constant 0 : i32
      %dma_wait3A_99 = tpu.memref_slice %arg6[%run_scoped3A_47, %dma_wait3A] : memref<16x640xf32, #tpu.memory_space<vmem>> -> memref<1x640xf32, #tpu.memory_space<vmem>>
      %dma_wait3A_100 = tpu.memref_squeeze %dma_wait3A_99 : memref<1x640xf32, #tpu.memory_space<vmem>> -> memref<640xf32, #tpu.memory_space<vmem>>
      %dma_wait3A_101 = tpu.memref_slice %arg7[%run_scoped3A_46, %mul3A_45] : memref<16x10240xf32, #tpu.memory_space<vmem_shared>> -> memref<1x640xf32, #tpu.memory_space<vmem_shared>>
      %dma_wait3A_102 = tpu.memref_squeeze %dma_wait3A_101 : memref<1x640xf32, #tpu.memory_space<vmem_shared>> -> memref<640xf32, #tpu.memory_space<vmem_shared>>
      %dma_wait3A_103 = arith.constant 0 : i32
      %dma_wait3A_104 = tpu.memref_slice %arg6[%run_scoped3A_47, %dma_wait3A_103] : memref<16x640xf32, #tpu.memory_space<vmem>> -> memref<1x640xf32, #tpu.memory_space<vmem>>
      %dma_wait3A_105 = tpu.memref_squeeze %dma_wait3A_104 : memref<1x640xf32, #tpu.memory_space<vmem>> -> memref<640xf32, #tpu.memory_space<vmem>>
      %dma_wait3A_106 = tpu.memref_slice %arg7[%run_scoped3A_46, %mul3A_45] : memref<16x10240xf32, #tpu.memory_space<vmem_shared>> -> memref<1x640xf32, #tpu.memory_space<vmem_shared>>
      %dma_wait3A_107 = tpu.memref_squeeze %dma_wait3A_106 : memref<1x640xf32, #tpu.memory_space<vmem_shared>> -> memref<640xf32, #tpu.memory_space<vmem_shared>>
      tpu.wait_dma2 semaphore(%run_scoped3A_89 : memref<!tpu.dma_semaphore, #tpu.memory_space<semaphore_mem>>) src(%dma_wait3A_107 : memref<640xf32, #tpu.memory_space<vmem_shared>>) dst(%dma_wait3A_105 : memref<640xf32, #tpu.memory_space<vmem>>)
      tpu.yield
    }) : () -> ()
    %mul3A_48 = arith.constant 640 : i32
    %mul3A_49 = arith.muli %arg1, %mul3A_48 : i32
    %run_scoped3A_50 = arith.constant 8 : i32
    %run_scoped3A_51 = arith.constant 8 : i32
    "tpu.region"() ({
      %run_scoped3A_89 = tpu.sem_alloc : memref<!tpu.dma_semaphore, #tpu.memory_space<semaphore_mem>>
      %dma_start3A = arith.constant 0 : i32
      %dma_start3A_90 = tpu.memref_slice %arg6[%run_scoped3A_51, %dma_start3A] : memref<16x640xf32, #tpu.memory_space<vmem>> -> memref<1x640xf32, #tpu.memory_space<vmem>>
      %dma_start3A_91 = tpu.memref_squeeze %dma_start3A_90 : memref<1x640xf32, #tpu.memory_space<vmem>> -> memref<640xf32, #tpu.memory_space<vmem>>
      %dma_start3A_92 = tpu.memref_slice %arg7[%run_scoped3A_50, %mul3A_49] : memref<16x10240xf32, #tpu.memory_space<vmem_shared>> -> memref<1x640xf32, #tpu.memory_space<vmem_shared>>
      %dma_start3A_93 = tpu.memref_squeeze %dma_start3A_92 : memref<1x640xf32, #tpu.memory_space<vmem_shared>> -> memref<640xf32, #tpu.memory_space<vmem_shared>>
      %dma_start3A_94 = arith.constant 0 : i32
      %dma_start3A_95 = tpu.memref_slice %arg6[%run_scoped3A_51, %dma_start3A_94] : memref<16x640xf32, #tpu.memory_space<vmem>> -> memref<1x640xf32, #tpu.memory_space<vmem>>
      %dma_start3A_96 = tpu.memref_squeeze %dma_start3A_95 : memref<1x640xf32, #tpu.memory_space<vmem>> -> memref<640xf32, #tpu.memory_space<vmem>>
      %dma_start3A_97 = tpu.memref_slice %arg7[%run_scoped3A_50, %mul3A_49] : memref<16x10240xf32, #tpu.memory_space<vmem_shared>> -> memref<1x640xf32, #tpu.memory_space<vmem_shared>>
      %dma_start3A_98 = tpu.memref_squeeze %dma_start3A_97 : memref<1x640xf32, #tpu.memory_space<vmem_shared>> -> memref<640xf32, #tpu.memory_space<vmem_shared>>
      tpu.enqueue_dma source(%dma_start3A_98 : memref<640xf32, #tpu.memory_space<vmem_shared>>) target(%dma_start3A_96 : memref<640xf32, #tpu.memory_space<vmem>>) target_semaphore(%run_scoped3A_89 : memref<!tpu.dma_semaphore, #tpu.memory_space<semaphore_mem>>)
      %dma_wait3A = arith.constant 0 : i32
      %dma_wait3A_99 = tpu.memref_slice %arg6[%run_scoped3A_51, %dma_wait3A] : memref<16x640xf32, #tpu.memory_space<vmem>> -> memref<1x640xf32, #tpu.memory_space<vmem>>
      %dma_wait3A_100 = tpu.memref_squeeze %dma_wait3A_99 : memref<1x640xf32, #tpu.memory_space<vmem>> -> memref<640xf32, #tpu.memory_space<vmem>>
      %dma_wait3A_101 = tpu.memref_slice %arg7[%run_scoped3A_50, %mul3A_49] : memref<16x10240xf32, #tpu.memory_space<vmem_shared>> -> memref<1x640xf32, #tpu.memory_space<vmem_shared>>
      %dma_wait3A_102 = tpu.memref_squeeze %dma_wait3A_101 : memref<1x640xf32, #tpu.memory_space<vmem_shared>> -> memref<640xf32, #tpu.memory_space<vmem_shared>>
      %dma_wait3A_103 = arith.constant 0 : i32
      %dma_wait3A_104 = tpu.memref_slice %arg6[%run_scoped3A_51, %dma_wait3A_103] : memref<16x640xf32, #tpu.memory_space<vmem>> -> memref<1x640xf32, #tpu.memory_space<vmem>>
      %dma_wait3A_105 = tpu.memref_squeeze %dma_wait3A_104 : memref<1x640xf32, #tpu.memory_space<vmem>> -> memref<640xf32, #tpu.memory_space<vmem>>
      %dma_wait3A_106 = tpu.memref_slice %arg7[%run_scoped3A_50, %mul3A_49] : memref<16x10240xf32, #tpu.memory_space<vmem_shared>> -> memref<1x640xf32, #tpu.memory_space<vmem_shared>>
      %dma_wait3A_107 = tpu.memref_squeeze %dma_wait3A_106 : memref<1x640xf32, #tpu.memory_space<vmem_shared>> -> memref<640xf32, #tpu.memory_space<vmem_shared>>
      tpu.wait_dma2 semaphore(%run_scoped3A_89 : memref<!tpu.dma_semaphore, #tpu.memory_space<semaphore_mem>>) src(%dma_wait3A_107 : memref<640xf32, #tpu.memory_space<vmem_shared>>) dst(%dma_wait3A_105 : memref<640xf32, #tpu.memory_space<vmem>>)
      tpu.yield
    }) : () -> ()
    %mul3A_52 = arith.constant 640 : i32
    %mul3A_53 = arith.muli %arg1, %mul3A_52 : i32
    %run_scoped3A_54 = arith.constant 9 : i32
    %run_scoped3A_55 = arith.constant 9 : i32
    "tpu.region"() ({
      %run_scoped3A_89 = tpu.sem_alloc : memref<!tpu.dma_semaphore, #tpu.memory_space<semaphore_mem>>
      %dma_start3A = arith.constant 0 : i32
      %dma_start3A_90 = tpu.memref_slice %arg6[%run_scoped3A_55, %dma_start3A] : memref<16x640xf32, #tpu.memory_space<vmem>> -> memref<1x640xf32, #tpu.memory_space<vmem>>
      %dma_start3A_91 = tpu.memref_squeeze %dma_start3A_90 : memref<1x640xf32, #tpu.memory_space<vmem>> -> memref<640xf32, #tpu.memory_space<vmem>>
      %dma_start3A_92 = tpu.memref_slice %arg7[%run_scoped3A_54, %mul3A_53] : memref<16x10240xf32, #tpu.memory_space<vmem_shared>> -> memref<1x640xf32, #tpu.memory_space<vmem_shared>>
      %dma_start3A_93 = tpu.memref_squeeze %dma_start3A_92 : memref<1x640xf32, #tpu.memory_space<vmem_shared>> -> memref<640xf32, #tpu.memory_space<vmem_shared>>
      %dma_start3A_94 = arith.constant 0 : i32
      %dma_start3A_95 = tpu.memref_slice %arg6[%run_scoped3A_55, %dma_start3A_94] : memref<16x640xf32, #tpu.memory_space<vmem>> -> memref<1x640xf32, #tpu.memory_space<vmem>>
      %dma_start3A_96 = tpu.memref_squeeze %dma_start3A_95 : memref<1x640xf32, #tpu.memory_space<vmem>> -> memref<640xf32, #tpu.memory_space<vmem>>
      %dma_start3A_97 = tpu.memref_slice %arg7[%run_scoped3A_54, %mul3A_53] : memref<16x10240xf32, #tpu.memory_space<vmem_shared>> -> memref<1x640xf32, #tpu.memory_space<vmem_shared>>
      %dma_start3A_98 = tpu.memref_squeeze %dma_start3A_97 : memref<1x640xf32, #tpu.memory_space<vmem_shared>> -> memref<640xf32, #tpu.memory_space<vmem_shared>>
      tpu.enqueue_dma source(%dma_start3A_98 : memref<640xf32, #tpu.memory_space<vmem_shared>>) target(%dma_start3A_96 : memref<640xf32, #tpu.memory_space<vmem>>) target_semaphore(%run_scoped3A_89 : memref<!tpu.dma_semaphore, #tpu.memory_space<semaphore_mem>>)
      %dma_wait3A = arith.constant 0 : i32
      %dma_wait3A_99 = tpu.memref_slice %arg6[%run_scoped3A_55, %dma_wait3A] : memref<16x640xf32, #tpu.memory_space<vmem>> -> memref<1x640xf32, #tpu.memory_space<vmem>>
      %dma_wait3A_100 = tpu.memref_squeeze %dma_wait3A_99 : memref<1x640xf32, #tpu.memory_space<vmem>> -> memref<640xf32, #tpu.memory_space<vmem>>
      %dma_wait3A_101 = tpu.memref_slice %arg7[%run_scoped3A_54, %mul3A_53] : memref<16x10240xf32, #tpu.memory_space<vmem_shared>> -> memref<1x640xf32, #tpu.memory_space<vmem_shared>>
      %dma_wait3A_102 = tpu.memref_squeeze %dma_wait3A_101 : memref<1x640xf32, #tpu.memory_space<vmem_shared>> -> memref<640xf32, #tpu.memory_space<vmem_shared>>
      %dma_wait3A_103 = arith.constant 0 : i32
      %dma_wait3A_104 = tpu.memref_slice %arg6[%run_scoped3A_55, %dma_wait3A_103] : memref<16x640xf32, #tpu.memory_space<vmem>> -> memref<1x640xf32, #tpu.memory_space<vmem>>
      %dma_wait3A_105 = tpu.memref_squeeze %dma_wait3A_104 : memref<1x640xf32, #tpu.memory_space<vmem>> -> memref<640xf32, #tpu.memory_space<vmem>>
      %dma_wait3A_106 = tpu.memref_slice %arg7[%run_scoped3A_54, %mul3A_53] : memref<16x10240xf32, #tpu.memory_space<vmem_shared>> -> memref<1x640xf32, #tpu.memory_space<vmem_shared>>
      %dma_wait3A_107 = tpu.memref_squeeze %dma_wait3A_106 : memref<1x640xf32, #tpu.memory_space<vmem_shared>> -> memref<640xf32, #tpu.memory_space<vmem_shared>>
      tpu.wait_dma2 semaphore(%run_scoped3A_89 : memref<!tpu.dma_semaphore, #tpu.memory_space<semaphore_mem>>) src(%dma_wait3A_107 : memref<640xf32, #tpu.memory_space<vmem_shared>>) dst(%dma_wait3A_105 : memref<640xf32, #tpu.memory_space<vmem>>)
      tpu.yield
    }) : () -> ()
    %mul3A_56 = arith.constant 640 : i32
    %mul3A_57 = arith.muli %arg1, %mul3A_56 : i32
    %run_scoped3A_58 = arith.constant 10 : i32
    %run_scoped3A_59 = arith.constant 10 : i32
    "tpu.region"() ({
      %run_scoped3A_89 = tpu.sem_alloc : memref<!tpu.dma_semaphore, #tpu.memory_space<semaphore_mem>>
      %dma_start3A = arith.constant 0 : i32
      %dma_start3A_90 = tpu.memref_slice %arg6[%run_scoped3A_59, %dma_start3A] : memref<16x640xf32, #tpu.memory_space<vmem>> -> memref<1x640xf32, #tpu.memory_space<vmem>>
      %dma_start3A_91 = tpu.memref_squeeze %dma_start3A_90 : memref<1x640xf32, #tpu.memory_space<vmem>> -> memref<640xf32, #tpu.memory_space<vmem>>
      %dma_start3A_92 = tpu.memref_slice %arg7[%run_scoped3A_58, %mul3A_57] : memref<16x10240xf32, #tpu.memory_space<vmem_shared>> -> memref<1x640xf32, #tpu.memory_space<vmem_shared>>
      %dma_start3A_93 = tpu.memref_squeeze %dma_start3A_92 : memref<1x640xf32, #tpu.memory_space<vmem_shared>> -> memref<640xf32, #tpu.memory_space<vmem_shared>>
      %dma_start3A_94 = arith.constant 0 : i32
      %dma_start3A_95 = tpu.memref_slice %arg6[%run_scoped3A_59, %dma_start3A_94] : memref<16x640xf32, #tpu.memory_space<vmem>> -> memref<1x640xf32, #tpu.memory_space<vmem>>
      %dma_start3A_96 = tpu.memref_squeeze %dma_start3A_95 : memref<1x640xf32, #tpu.memory_space<vmem>> -> memref<640xf32, #tpu.memory_space<vmem>>
      %dma_start3A_97 = tpu.memref_slice %arg7[%run_scoped3A_58, %mul3A_57] : memref<16x10240xf32, #tpu.memory_space<vmem_shared>> -> memref<1x640xf32, #tpu.memory_space<vmem_shared>>
      %dma_start3A_98 = tpu.memref_squeeze %dma_start3A_97 : memref<1x640xf32, #tpu.memory_space<vmem_shared>> -> memref<640xf32, #tpu.memory_space<vmem_shared>>
      tpu.enqueue_dma source(%dma_start3A_98 : memref<640xf32, #tpu.memory_space<vmem_shared>>) target(%dma_start3A_96 : memref<640xf32, #tpu.memory_space<vmem>>) target_semaphore(%run_scoped3A_89 : memref<!tpu.dma_semaphore, #tpu.memory_space<semaphore_mem>>)
      %dma_wait3A = arith.constant 0 : i32
      %dma_wait3A_99 = tpu.memref_slice %arg6[%run_scoped3A_59, %dma_wait3A] : memref<16x640xf32, #tpu.memory_space<vmem>> -> memref<1x640xf32, #tpu.memory_space<vmem>>
      %dma_wait3A_100 = tpu.memref_squeeze %dma_wait3A_99 : memref<1x640xf32, #tpu.memory_space<vmem>> -> memref<640xf32, #tpu.memory_space<vmem>>
      %dma_wait3A_101 = tpu.memref_slice %arg7[%run_scoped3A_58, %mul3A_57] : memref<16x10240xf32, #tpu.memory_space<vmem_shared>> -> memref<1x640xf32, #tpu.memory_space<vmem_shared>>
      %dma_wait3A_102 = tpu.memref_squeeze %dma_wait3A_101 : memref<1x640xf32, #tpu.memory_space<vmem_shared>> -> memref<640xf32, #tpu.memory_space<vmem_shared>>
      %dma_wait3A_103 = arith.constant 0 : i32
      %dma_wait3A_104 = tpu.memref_slice %arg6[%run_scoped3A_59, %dma_wait3A_103] : memref<16x640xf32, #tpu.memory_space<vmem>> -> memref<1x640xf32, #tpu.memory_space<vmem>>
      %dma_wait3A_105 = tpu.memref_squeeze %dma_wait3A_104 : memref<1x640xf32, #tpu.memory_space<vmem>> -> memref<640xf32, #tpu.memory_space<vmem>>
      %dma_wait3A_106 = tpu.memref_slice %arg7[%run_scoped3A_58, %mul3A_57] : memref<16x10240xf32, #tpu.memory_space<vmem_shared>> -> memref<1x640xf32, #tpu.memory_space<vmem_shared>>
      %dma_wait3A_107 = tpu.memref_squeeze %dma_wait3A_106 : memref<1x640xf32, #tpu.memory_space<vmem_shared>> -> memref<640xf32, #tpu.memory_space<vmem_shared>>
      tpu.wait_dma2 semaphore(%run_scoped3A_89 : memref<!tpu.dma_semaphore, #tpu.memory_space<semaphore_mem>>) src(%dma_wait3A_107 : memref<640xf32, #tpu.memory_space<vmem_shared>>) dst(%dma_wait3A_105 : memref<640xf32, #tpu.memory_space<vmem>>)
      tpu.yield
    }) : () -> ()
    %mul3A_60 = arith.constant 640 : i32
    %mul3A_61 = arith.muli %arg1, %mul3A_60 : i32
    %run_scoped3A_62 = arith.constant 11 : i32
    %run_scoped3A_63 = arith.constant 11 : i32
    "tpu.region"() ({
      %run_scoped3A_89 = tpu.sem_alloc : memref<!tpu.dma_semaphore, #tpu.memory_space<semaphore_mem>>
      %dma_start3A = arith.constant 0 : i32
      %dma_start3A_90 = tpu.memref_slice %arg6[%run_scoped3A_63, %dma_start3A] : memref<16x640xf32, #tpu.memory_space<vmem>> -> memref<1x640xf32, #tpu.memory_space<vmem>>
      %dma_start3A_91 = tpu.memref_squeeze %dma_start3A_90 : memref<1x640xf32, #tpu.memory_space<vmem>> -> memref<640xf32, #tpu.memory_space<vmem>>
      %dma_start3A_92 = tpu.memref_slice %arg7[%run_scoped3A_62, %mul3A_61] : memref<16x10240xf32, #tpu.memory_space<vmem_shared>> -> memref<1x640xf32, #tpu.memory_space<vmem_shared>>
      %dma_start3A_93 = tpu.memref_squeeze %dma_start3A_92 : memref<1x640xf32, #tpu.memory_space<vmem_shared>> -> memref<640xf32, #tpu.memory_space<vmem_shared>>
      %dma_start3A_94 = arith.constant 0 : i32
      %dma_start3A_95 = tpu.memref_slice %arg6[%run_scoped3A_63, %dma_start3A_94] : memref<16x640xf32, #tpu.memory_space<vmem>> -> memref<1x640xf32, #tpu.memory_space<vmem>>
      %dma_start3A_96 = tpu.memref_squeeze %dma_start3A_95 : memref<1x640xf32, #tpu.memory_space<vmem>> -> memref<640xf32, #tpu.memory_space<vmem>>
      %dma_start3A_97 = tpu.memref_slice %arg7[%run_scoped3A_62, %mul3A_61] : memref<16x10240xf32, #tpu.memory_space<vmem_shared>> -> memref<1x640xf32, #tpu.memory_space<vmem_shared>>
      %dma_start3A_98 = tpu.memref_squeeze %dma_start3A_97 : memref<1x640xf32, #tpu.memory_space<vmem_shared>> -> memref<640xf32, #tpu.memory_space<vmem_shared>>
      tpu.enqueue_dma source(%dma_start3A_98 : memref<640xf32, #tpu.memory_space<vmem_shared>>) target(%dma_start3A_96 : memref<640xf32, #tpu.memory_space<vmem>>) target_semaphore(%run_scoped3A_89 : memref<!tpu.dma_semaphore, #tpu.memory_space<semaphore_mem>>)
      %dma_wait3A = arith.constant 0 : i32
      %dma_wait3A_99 = tpu.memref_slice %arg6[%run_scoped3A_63, %dma_wait3A] : memref<16x640xf32, #tpu.memory_space<vmem>> -> memref<1x640xf32, #tpu.memory_space<vmem>>
      %dma_wait3A_100 = tpu.memref_squeeze %dma_wait3A_99 : memref<1x640xf32, #tpu.memory_space<vmem>> -> memref<640xf32, #tpu.memory_space<vmem>>
      %dma_wait3A_101 = tpu.memref_slice %arg7[%run_scoped3A_62, %mul3A_61] : memref<16x10240xf32, #tpu.memory_space<vmem_shared>> -> memref<1x640xf32, #tpu.memory_space<vmem_shared>>
      %dma_wait3A_102 = tpu.memref_squeeze %dma_wait3A_101 : memref<1x640xf32, #tpu.memory_space<vmem_shared>> -> memref<640xf32, #tpu.memory_space<vmem_shared>>
      %dma_wait3A_103 = arith.constant 0 : i32
      %dma_wait3A_104 = tpu.memref_slice %arg6[%run_scoped3A_63, %dma_wait3A_103] : memref<16x640xf32, #tpu.memory_space<vmem>> -> memref<1x640xf32, #tpu.memory_space<vmem>>
      %dma_wait3A_105 = tpu.memref_squeeze %dma_wait3A_104 : memref<1x640xf32, #tpu.memory_space<vmem>> -> memref<640xf32, #tpu.memory_space<vmem>>
      %dma_wait3A_106 = tpu.memref_slice %arg7[%run_scoped3A_62, %mul3A_61] : memref<16x10240xf32, #tpu.memory_space<vmem_shared>> -> memref<1x640xf32, #tpu.memory_space<vmem_shared>>
      %dma_wait3A_107 = tpu.memref_squeeze %dma_wait3A_106 : memref<1x640xf32, #tpu.memory_space<vmem_shared>> -> memref<640xf32, #tpu.memory_space<vmem_shared>>
      tpu.wait_dma2 semaphore(%run_scoped3A_89 : memref<!tpu.dma_semaphore, #tpu.memory_space<semaphore_mem>>) src(%dma_wait3A_107 : memref<640xf32, #tpu.memory_space<vmem_shared>>) dst(%dma_wait3A_105 : memref<640xf32, #tpu.memory_space<vmem>>)
      tpu.yield
    }) : () -> ()
    %mul3A_64 = arith.constant 640 : i32
    %mul3A_65 = arith.muli %arg1, %mul3A_64 : i32
    %run_scoped3A_66 = arith.constant 12 : i32
    %run_scoped3A_67 = arith.constant 12 : i32
    "tpu.region"() ({
      %run_scoped3A_89 = tpu.sem_alloc : memref<!tpu.dma_semaphore, #tpu.memory_space<semaphore_mem>>
      %dma_start3A = arith.constant 0 : i32
      %dma_start3A_90 = tpu.memref_slice %arg6[%run_scoped3A_67, %dma_start3A] : memref<16x640xf32, #tpu.memory_space<vmem>> -> memref<1x640xf32, #tpu.memory_space<vmem>>
      %dma_start3A_91 = tpu.memref_squeeze %dma_start3A_90 : memref<1x640xf32, #tpu.memory_space<vmem>> -> memref<640xf32, #tpu.memory_space<vmem>>
      %dma_start3A_92 = tpu.memref_slice %arg7[%run_scoped3A_66, %mul3A_65] : memref<16x10240xf32, #tpu.memory_space<vmem_shared>> -> memref<1x640xf32, #tpu.memory_space<vmem_shared>>
      %dma_start3A_93 = tpu.memref_squeeze %dma_start3A_92 : memref<1x640xf32, #tpu.memory_space<vmem_shared>> -> memref<640xf32, #tpu.memory_space<vmem_shared>>
      %dma_start3A_94 = arith.constant 0 : i32
      %dma_start3A_95 = tpu.memref_slice %arg6[%run_scoped3A_67, %dma_start3A_94] : memref<16x640xf32, #tpu.memory_space<vmem>> -> memref<1x640xf32, #tpu.memory_space<vmem>>
      %dma_start3A_96 = tpu.memref_squeeze %dma_start3A_95 : memref<1x640xf32, #tpu.memory_space<vmem>> -> memref<640xf32, #tpu.memory_space<vmem>>
      %dma_start3A_97 = tpu.memref_slice %arg7[%run_scoped3A_66, %mul3A_65] : memref<16x10240xf32, #tpu.memory_space<vmem_shared>> -> memref<1x640xf32, #tpu.memory_space<vmem_shared>>
      %dma_start3A_98 = tpu.memref_squeeze %dma_start3A_97 : memref<1x640xf32, #tpu.memory_space<vmem_shared>> -> memref<640xf32, #tpu.memory_space<vmem_shared>>
      tpu.enqueue_dma source(%dma_start3A_98 : memref<640xf32, #tpu.memory_space<vmem_shared>>) target(%dma_start3A_96 : memref<640xf32, #tpu.memory_space<vmem>>) target_semaphore(%run_scoped3A_89 : memref<!tpu.dma_semaphore, #tpu.memory_space<semaphore_mem>>)
      %dma_wait3A = arith.constant 0 : i32
      %dma_wait3A_99 = tpu.memref_slice %arg6[%run_scoped3A_67, %dma_wait3A] : memref<16x640xf32, #tpu.memory_space<vmem>> -> memref<1x640xf32, #tpu.memory_space<vmem>>
      %dma_wait3A_100 = tpu.memref_squeeze %dma_wait3A_99 : memref<1x640xf32, #tpu.memory_space<vmem>> -> memref<640xf32, #tpu.memory_space<vmem>>
      %dma_wait3A_101 = tpu.memref_slice %arg7[%run_scoped3A_66, %mul3A_65] : memref<16x10240xf32, #tpu.memory_space<vmem_shared>> -> memref<1x640xf32, #tpu.memory_space<vmem_shared>>
      %dma_wait3A_102 = tpu.memref_squeeze %dma_wait3A_101 : memref<1x640xf32, #tpu.memory_space<vmem_shared>> -> memref<640xf32, #tpu.memory_space<vmem_shared>>
      %dma_wait3A_103 = arith.constant 0 : i32
      %dma_wait3A_104 = tpu.memref_slice %arg6[%run_scoped3A_67, %dma_wait3A_103] : memref<16x640xf32, #tpu.memory_space<vmem>> -> memref<1x640xf32, #tpu.memory_space<vmem>>
      %dma_wait3A_105 = tpu.memref_squeeze %dma_wait3A_104 : memref<1x640xf32, #tpu.memory_space<vmem>> -> memref<640xf32, #tpu.memory_space<vmem>>
      %dma_wait3A_106 = tpu.memref_slice %arg7[%run_scoped3A_66, %mul3A_65] : memref<16x10240xf32, #tpu.memory_space<vmem_shared>> -> memref<1x640xf32, #tpu.memory_space<vmem_shared>>
      %dma_wait3A_107 = tpu.memref_squeeze %dma_wait3A_106 : memref<1x640xf32, #tpu.memory_space<vmem_shared>> -> memref<640xf32, #tpu.memory_space<vmem_shared>>
      tpu.wait_dma2 semaphore(%run_scoped3A_89 : memref<!tpu.dma_semaphore, #tpu.memory_space<semaphore_mem>>) src(%dma_wait3A_107 : memref<640xf32, #tpu.memory_space<vmem_shared>>) dst(%dma_wait3A_105 : memref<640xf32, #tpu.memory_space<vmem>>)
      tpu.yield
    }) : () -> ()
    %mul3A_68 = arith.constant 640 : i32
    %mul3A_69 = arith.muli %arg1, %mul3A_68 : i32
    %run_scoped3A_70 = arith.constant 13 : i32
    %run_scoped3A_71 = arith.constant 13 : i32
    "tpu.region"() ({
      %run_scoped3A_89 = tpu.sem_alloc : memref<!tpu.dma_semaphore, #tpu.memory_space<semaphore_mem>>
      %dma_start3A = arith.constant 0 : i32
      %dma_start3A_90 = tpu.memref_slice %arg6[%run_scoped3A_71, %dma_start3A] : memref<16x640xf32, #tpu.memory_space<vmem>> -> memref<1x640xf32, #tpu.memory_space<vmem>>
      %dma_start3A_91 = tpu.memref_squeeze %dma_start3A_90 : memref<1x640xf32, #tpu.memory_space<vmem>> -> memref<640xf32, #tpu.memory_space<vmem>>
      %dma_start3A_92 = tpu.memref_slice %arg7[%run_scoped3A_70, %mul3A_69] : memref<16x10240xf32, #tpu.memory_space<vmem_shared>> -> memref<1x640xf32, #tpu.memory_space<vmem_shared>>
      %dma_start3A_93 = tpu.memref_squeeze %dma_start3A_92 : memref<1x640xf32, #tpu.memory_space<vmem_shared>> -> memref<640xf32, #tpu.memory_space<vmem_shared>>
      %dma_start3A_94 = arith.constant 0 : i32
      %dma_start3A_95 = tpu.memref_slice %arg6[%run_scoped3A_71, %dma_start3A_94] : memref<16x640xf32, #tpu.memory_space<vmem>> -> memref<1x640xf32, #tpu.memory_space<vmem>>
      %dma_start3A_96 = tpu.memref_squeeze %dma_start3A_95 : memref<1x640xf32, #tpu.memory_space<vmem>> -> memref<640xf32, #tpu.memory_space<vmem>>
      %dma_start3A_97 = tpu.memref_slice %arg7[%run_scoped3A_70, %mul3A_69] : memref<16x10240xf32, #tpu.memory_space<vmem_shared>> -> memref<1x640xf32, #tpu.memory_space<vmem_shared>>
      %dma_start3A_98 = tpu.memref_squeeze %dma_start3A_97 : memref<1x640xf32, #tpu.memory_space<vmem_shared>> -> memref<640xf32, #tpu.memory_space<vmem_shared>>
      tpu.enqueue_dma source(%dma_start3A_98 : memref<640xf32, #tpu.memory_space<vmem_shared>>) target(%dma_start3A_96 : memref<640xf32, #tpu.memory_space<vmem>>) target_semaphore(%run_scoped3A_89 : memref<!tpu.dma_semaphore, #tpu.memory_space<semaphore_mem>>)
      %dma_wait3A = arith.constant 0 : i32
      %dma_wait3A_99 = tpu.memref_slice %arg6[%run_scoped3A_71, %dma_wait3A] : memref<16x640xf32, #tpu.memory_space<vmem>> -> memref<1x640xf32, #tpu.memory_space<vmem>>
      %dma_wait3A_100 = tpu.memref_squeeze %dma_wait3A_99 : memref<1x640xf32, #tpu.memory_space<vmem>> -> memref<640xf32, #tpu.memory_space<vmem>>
      %dma_wait3A_101 = tpu.memref_slice %arg7[%run_scoped3A_70, %mul3A_69] : memref<16x10240xf32, #tpu.memory_space<vmem_shared>> -> memref<1x640xf32, #tpu.memory_space<vmem_shared>>
      %dma_wait3A_102 = tpu.memref_squeeze %dma_wait3A_101 : memref<1x640xf32, #tpu.memory_space<vmem_shared>> -> memref<640xf32, #tpu.memory_space<vmem_shared>>
      %dma_wait3A_103 = arith.constant 0 : i32
      %dma_wait3A_104 = tpu.memref_slice %arg6[%run_scoped3A_71, %dma_wait3A_103] : memref<16x640xf32, #tpu.memory_space<vmem>> -> memref<1x640xf32, #tpu.memory_space<vmem>>
      %dma_wait3A_105 = tpu.memref_squeeze %dma_wait3A_104 : memref<1x640xf32, #tpu.memory_space<vmem>> -> memref<640xf32, #tpu.memory_space<vmem>>
      %dma_wait3A_106 = tpu.memref_slice %arg7[%run_scoped3A_70, %mul3A_69] : memref<16x10240xf32, #tpu.memory_space<vmem_shared>> -> memref<1x640xf32, #tpu.memory_space<vmem_shared>>
      %dma_wait3A_107 = tpu.memref_squeeze %dma_wait3A_106 : memref<1x640xf32, #tpu.memory_space<vmem_shared>> -> memref<640xf32, #tpu.memory_space<vmem_shared>>
      tpu.wait_dma2 semaphore(%run_scoped3A_89 : memref<!tpu.dma_semaphore, #tpu.memory_space<semaphore_mem>>) src(%dma_wait3A_107 : memref<640xf32, #tpu.memory_space<vmem_shared>>) dst(%dma_wait3A_105 : memref<640xf32, #tpu.memory_space<vmem>>)
      tpu.yield
    }) : () -> ()
    %mul3A_72 = arith.constant 640 : i32
    %mul3A_73 = arith.muli %arg1, %mul3A_72 : i32
    %run_scoped3A_74 = arith.constant 14 : i32
    %run_scoped3A_75 = arith.constant 14 : i32
    "tpu.region"() ({
      %run_scoped3A_89 = tpu.sem_alloc : memref<!tpu.dma_semaphore, #tpu.memory_space<semaphore_mem>>
      %dma_start3A = arith.constant 0 : i32
      %dma_start3A_90 = tpu.memref_slice %arg6[%run_scoped3A_75, %dma_start3A] : memref<16x640xf32, #tpu.memory_space<vmem>> -> memref<1x640xf32, #tpu.memory_space<vmem>>
      %dma_start3A_91 = tpu.memref_squeeze %dma_start3A_90 : memref<1x640xf32, #tpu.memory_space<vmem>> -> memref<640xf32, #tpu.memory_space<vmem>>
      %dma_start3A_92 = tpu.memref_slice %arg7[%run_scoped3A_74, %mul3A_73] : memref<16x10240xf32, #tpu.memory_space<vmem_shared>> -> memref<1x640xf32, #tpu.memory_space<vmem_shared>>
      %dma_start3A_93 = tpu.memref_squeeze %dma_start3A_92 : memref<1x640xf32, #tpu.memory_space<vmem_shared>> -> memref<640xf32, #tpu.memory_space<vmem_shared>>
      %dma_start3A_94 = arith.constant 0 : i32
      %dma_start3A_95 = tpu.memref_slice %arg6[%run_scoped3A_75, %dma_start3A_94] : memref<16x640xf32, #tpu.memory_space<vmem>> -> memref<1x640xf32, #tpu.memory_space<vmem>>
      %dma_start3A_96 = tpu.memref_squeeze %dma_start3A_95 : memref<1x640xf32, #tpu.memory_space<vmem>> -> memref<640xf32, #tpu.memory_space<vmem>>
      %dma_start3A_97 = tpu.memref_slice %arg7[%run_scoped3A_74, %mul3A_73] : memref<16x10240xf32, #tpu.memory_space<vmem_shared>> -> memref<1x640xf32, #tpu.memory_space<vmem_shared>>
      %dma_start3A_98 = tpu.memref_squeeze %dma_start3A_97 : memref<1x640xf32, #tpu.memory_space<vmem_shared>> -> memref<640xf32, #tpu.memory_space<vmem_shared>>
      tpu.enqueue_dma source(%dma_start3A_98 : memref<640xf32, #tpu.memory_space<vmem_shared>>) target(%dma_start3A_96 : memref<640xf32, #tpu.memory_space<vmem>>) target_semaphore(%run_scoped3A_89 : memref<!tpu.dma_semaphore, #tpu.memory_space<semaphore_mem>>)
      %dma_wait3A = arith.constant 0 : i32
      %dma_wait3A_99 = tpu.memref_slice %arg6[%run_scoped3A_75, %dma_wait3A] : memref<16x640xf32, #tpu.memory_space<vmem>> -> memref<1x640xf32, #tpu.memory_space<vmem>>
      %dma_wait3A_100 = tpu.memref_squeeze %dma_wait3A_99 : memref<1x640xf32, #tpu.memory_space<vmem>> -> memref<640xf32, #tpu.memory_space<vmem>>
      %dma_wait3A_101 = tpu.memref_slice %arg7[%run_scoped3A_74, %mul3A_73] : memref<16x10240xf32, #tpu.memory_space<vmem_shared>> -> memref<1x640xf32, #tpu.memory_space<vmem_shared>>
      %dma_wait3A_102 = tpu.memref_squeeze %dma_wait3A_101 : memref<1x640xf32, #tpu.memory_space<vmem_shared>> -> memref<640xf32, #tpu.memory_space<vmem_shared>>
      %dma_wait3A_103 = arith.constant 0 : i32
      %dma_wait3A_104 = tpu.memref_slice %arg6[%run_scoped3A_75, %dma_wait3A_103] : memref<16x640xf32, #tpu.memory_space<vmem>> -> memref<1x640xf32, #tpu.memory_space<vmem>>
      %dma_wait3A_105 = tpu.memref_squeeze %dma_wait3A_104 : memref<1x640xf32, #tpu.memory_space<vmem>> -> memref<640xf32, #tpu.memory_space<vmem>>
      %dma_wait3A_106 = tpu.memref_slice %arg7[%run_scoped3A_74, %mul3A_73] : memref<16x10240xf32, #tpu.memory_space<vmem_shared>> -> memref<1x640xf32, #tpu.memory_space<vmem_shared>>
      %dma_wait3A_107 = tpu.memref_squeeze %dma_wait3A_106 : memref<1x640xf32, #tpu.memory_space<vmem_shared>> -> memref<640xf32, #tpu.memory_space<vmem_shared>>
      tpu.wait_dma2 semaphore(%run_scoped3A_89 : memref<!tpu.dma_semaphore, #tpu.memory_space<semaphore_mem>>) src(%dma_wait3A_107 : memref<640xf32, #tpu.memory_space<vmem_shared>>) dst(%dma_wait3A_105 : memref<640xf32, #tpu.memory_space<vmem>>)
      tpu.yield
    }) : () -> ()
    %mul3A_76 = arith.constant 640 : i32
    %mul3A_77 = arith.muli %arg1, %mul3A_76 : i32
    %run_scoped3A_78 = arith.constant 15 : i32
    %run_scoped3A_79 = arith.constant 15 : i32
    "tpu.region"() ({
      %run_scoped3A_89 = tpu.sem_alloc : memref<!tpu.dma_semaphore, #tpu.memory_space<semaphore_mem>>
      %dma_start3A = arith.constant 0 : i32
      %dma_start3A_90 = tpu.memref_slice %arg6[%run_scoped3A_79, %dma_start3A] : memref<16x640xf32, #tpu.memory_space<vmem>> -> memref<1x640xf32, #tpu.memory_space<vmem>>
      %dma_start3A_91 = tpu.memref_squeeze %dma_start3A_90 : memref<1x640xf32, #tpu.memory_space<vmem>> -> memref<640xf32, #tpu.memory_space<vmem>>
      %dma_start3A_92 = tpu.memref_slice %arg7[%run_scoped3A_78, %mul3A_77] : memref<16x10240xf32, #tpu.memory_space<vmem_shared>> -> memref<1x640xf32, #tpu.memory_space<vmem_shared>>
      %dma_start3A_93 = tpu.memref_squeeze %dma_start3A_92 : memref<1x640xf32, #tpu.memory_space<vmem_shared>> -> memref<640xf32, #tpu.memory_space<vmem_shared>>
      %dma_start3A_94 = arith.constant 0 : i32
      %dma_start3A_95 = tpu.memref_slice %arg6[%run_scoped3A_79, %dma_start3A_94] : memref<16x640xf32, #tpu.memory_space<vmem>> -> memref<1x640xf32, #tpu.memory_space<vmem>>
      %dma_start3A_96 = tpu.memref_squeeze %dma_start3A_95 : memref<1x640xf32, #tpu.memory_space<vmem>> -> memref<640xf32, #tpu.memory_space<vmem>>
      %dma_start3A_97 = tpu.memref_slice %arg7[%run_scoped3A_78, %mul3A_77] : memref<16x10240xf32, #tpu.memory_space<vmem_shared>> -> memref<1x640xf32, #tpu.memory_space<vmem_shared>>
      %dma_start3A_98 = tpu.memref_squeeze %dma_start3A_97 : memref<1x640xf32, #tpu.memory_space<vmem_shared>> -> memref<640xf32, #tpu.memory_space<vmem_shared>>
      tpu.enqueue_dma source(%dma_start3A_98 : memref<640xf32, #tpu.memory_space<vmem_shared>>) target(%dma_start3A_96 : memref<640xf32, #tpu.memory_space<vmem>>) target_semaphore(%run_scoped3A_89 : memref<!tpu.dma_semaphore, #tpu.memory_space<semaphore_mem>>)
      %dma_wait3A = arith.constant 0 : i32
      %dma_wait3A_99 = tpu.memref_slice %arg6[%run_scoped3A_79, %dma_wait3A] : memref<16x640xf32, #tpu.memory_space<vmem>> -> memref<1x640xf32, #tpu.memory_space<vmem>>
      %dma_wait3A_100 = tpu.memref_squeeze %dma_wait3A_99 : memref<1x640xf32, #tpu.memory_space<vmem>> -> memref<640xf32, #tpu.memory_space<vmem>>
      %dma_wait3A_101 = tpu.memref_slice %arg7[%run_scoped3A_78, %mul3A_77] : memref<16x10240xf32, #tpu.memory_space<vmem_shared>> -> memref<1x640xf32, #tpu.memory_space<vmem_shared>>
      %dma_wait3A_102 = tpu.memref_squeeze %dma_wait3A_101 : memref<1x640xf32, #tpu.memory_space<vmem_shared>> -> memref<640xf32, #tpu.memory_space<vmem_shared>>
      %dma_wait3A_103 = arith.constant 0 : i32
      %dma_wait3A_104 = tpu.memref_slice %arg6[%run_scoped3A_79, %dma_wait3A_103] : memref<16x640xf32, #tpu.memory_space<vmem>> -> memref<1x640xf32, #tpu.memory_space<vmem>>
      %dma_wait3A_105 = tpu.memref_squeeze %dma_wait3A_104 : memref<1x640xf32, #tpu.memory_space<vmem>> -> memref<640xf32, #tpu.memory_space<vmem>>
      %dma_wait3A_106 = tpu.memref_slice %arg7[%run_scoped3A_78, %mul3A_77] : memref<16x10240xf32, #tpu.memory_space<vmem_shared>> -> memref<1x640xf32, #tpu.memory_space<vmem_shared>>
      %dma_wait3A_107 = tpu.memref_squeeze %dma_wait3A_106 : memref<1x640xf32, #tpu.memory_space<vmem_shared>> -> memref<640xf32, #tpu.memory_space<vmem_shared>>
      tpu.wait_dma2 semaphore(%run_scoped3A_89 : memref<!tpu.dma_semaphore, #tpu.memory_space<semaphore_mem>>) src(%dma_wait3A_107 : memref<640xf32, #tpu.memory_space<vmem_shared>>) dst(%dma_wait3A_105 : memref<640xf32, #tpu.memory_space<vmem>>)
      tpu.yield
    }) : () -> ()
    %scan3A_80 = arith.constant 0 : i32
    %scan3A_81 = arith.constant 0 : i32
    %scan3A_82 = arith.constant 40 : i32
    %scan3A_83 = arith.addi %scan3A_81, %scan3A_82 : i32
    %scan3A_84 = arith.constant 1 : i32
    %scan3A_85 = scf.for %scan3A_89 = %scan3A_81 to %scan3A_83 step %scan3A_84 iter_args(%scan3A_90 = %scan3A_80) -> (i32)  : i32 {
      %mul3A_91 = arith.constant 16 : i32
      %mul3A_92 = arith.muli %scan3A_89, %mul3A_91 : i32
      %get3A = arith.constant 0 : i32
      %get3A_93 = arith.index_cast %get3A : i32 to index
      %get3A_94 = arith.index_cast %mul3A_92 : i32 to index
      %get3A_95 = tpu.vector_load %arg6[%get3A_93, %get3A_94] {strides = array<i32>} : memref<16x640xf32, #tpu.memory_space<vmem>>, vector<16xf32>,
      %mul3A_96 = arith.constant 16 : i32
      %mul3A_97 = arith.muli %scan3A_89, %mul3A_96 : i32
      %get3A_98 = arith.constant 1 : i32
      %get3A_99 = arith.index_cast %get3A_98 : i32 to index
      %get3A_100 = arith.index_cast %mul3A_97 : i32 to index
      %get3A_101 = tpu.vector_load %arg6[%get3A_99, %get3A_100] {strides = array<i32>} : memref<16x640xf32, #tpu.memory_space<vmem>>, vector<16xf32>,
      %add3A_102 = arith.addf %get3A_95, %get3A_101 : vector<16xf32>
      %mul3A_103 = arith.constant 16 : i32
      %mul3A_104 = arith.muli %scan3A_89, %mul3A_103 : i32
      %get3A_105 = arith.constant 2 : i32
      %get3A_106 = arith.index_cast %get3A_105 : i32 to index
      %get3A_107 = arith.index_cast %mul3A_104 : i32 to index
      %get3A_108 = tpu.vector_load %arg6[%get3A_106, %get3A_107] {strides = array<i32>} : memref<16x640xf32, #tpu.memory_space<vmem>>, vector<16xf32>,
      %add3A_109 = arith.addf %add3A_102, %get3A_108 : vector<16xf32>
      %mul3A_110 = arith.constant 16 : i32
      %mul3A_111 = arith.muli %scan3A_89, %mul3A_110 : i32
      %get3A_112 = arith.constant 3 : i32
      %get3A_113 = arith.index_cast %get3A_112 : i32 to index
      %get3A_114 = arith.index_cast %mul3A_111 : i32 to index
      %get3A_115 = tpu.vector_load %arg6[%get3A_113, %get3A_114] {strides = array<i32>} : memref<16x640xf32, #tpu.memory_space<vmem>>, vector<16xf32>,
      %add3A_116 = arith.addf %add3A_109, %get3A_115 : vector<16xf32>
      %mul3A_117 = arith.constant 16 : i32
      %mul3A_118 = arith.muli %scan3A_89, %mul3A_117 : i32
      %get3A_119 = arith.constant 4 : i32
      %get3A_120 = arith.index_cast %get3A_119 : i32 to index
      %get3A_121 = arith.index_cast %mul3A_118 : i32 to index
      %get3A_122 = tpu.vector_load %arg6[%get3A_120, %get3A_121] {strides = array<i32>} : memref<16x640xf32, #tpu.memory_space<vmem>>, vector<16xf32>,
      %add3A_123 = arith.addf %add3A_116, %get3A_122 : vector<16xf32>
      %mul3A_124 = arith.constant 16 : i32
      %mul3A_125 = arith.muli %scan3A_89, %mul3A_124 : i32
      %get3A_126 = arith.constant 5 : i32
      %get3A_127 = arith.index_cast %get3A_126 : i32 to index
      %get3A_128 = arith.index_cast %mul3A_125 : i32 to index
      %get3A_129 = tpu.vector_load %arg6[%get3A_127, %get3A_128] {strides = array<i32>} : memref<16x640xf32, #tpu.memory_space<vmem>>, vector<16xf32>,
      %add3A_130 = arith.addf %add3A_123, %get3A_129 : vector<16xf32>
      %mul3A_131 = arith.constant 16 : i32
      %mul3A_132 = arith.muli %scan3A_89, %mul3A_131 : i32
      %get3A_133 = arith.constant 6 : i32
      %get3A_134 = arith.index_cast %get3A_133 : i32 to index
      %get3A_135 = arith.index_cast %mul3A_132 : i32 to index
      %get3A_136 = tpu.vector_load %arg6[%get3A_134, %get3A_135] {strides = array<i32>} : memref<16x640xf32, #tpu.memory_space<vmem>>, vector<16xf32>,
      %add3A_137 = arith.addf %add3A_130, %get3A_136 : vector<16xf32>
      %mul3A_138 = arith.constant 16 : i32
      %mul3A_139 = arith.muli %scan3A_89, %mul3A_138 : i32
      %get3A_140 = arith.constant 7 : i32
      %get3A_141 = arith.index_cast %get3A_140 : i32 to index
      %get3A_142 = arith.index_cast %mul3A_139 : i32 to index
      %get3A_143 = tpu.vector_load %arg6[%get3A_141, %get3A_142] {strides = array<i32>} : memref<16x640xf32, #tpu.memory_space<vmem>>, vector<16xf32>,
      %add3A_144 = arith.addf %add3A_137, %get3A_143 : vector<16xf32>
      %mul3A_145 = arith.constant 16 : i32
      %mul3A_146 = arith.muli %scan3A_89, %mul3A_145 : i32
      %get3A_147 = arith.constant 8 : i32
      %get3A_148 = arith.index_cast %get3A_147 : i32 to index
      %get3A_149 = arith.index_cast %mul3A_146 : i32 to index
      %get3A_150 = tpu.vector_load %arg6[%get3A_148, %get3A_149] {strides = array<i32>} : memref<16x640xf32, #tpu.memory_space<vmem>>, vector<16xf32>,
      %add3A_151 = arith.addf %add3A_144, %get3A_150 : vector<16xf32>
      %mul3A_152 = arith.constant 16 : i32
      %mul3A_153 = arith.muli %scan3A_89, %mul3A_152 : i32
      %get3A_154 = arith.constant 9 : i32
      %get3A_155 = arith.index_cast %get3A_154 : i32 to index
      %get3A_156 = arith.index_cast %mul3A_153 : i32 to index
      %get3A_157 = tpu.vector_load %arg6[%get3A_155, %get3A_156] {strides = array<i32>} : memref<16x640xf32, #tpu.memory_space<vmem>>, vector<16xf32>,
      %add3A_158 = arith.addf %add3A_151, %get3A_157 : vector<16xf32>
      %mul3A_159 = arith.constant 16 : i32
      %mul3A_160 = arith.muli %scan3A_89, %mul3A_159 : i32
      %get3A_161 = arith.constant 10 : i32
      %get3A_162 = arith.index_cast %get3A_161 : i32 to index
      %get3A_163 = arith.index_cast %mul3A_160 : i32 to index
      %get3A_164 = tpu.vector_load %arg6[%get3A_162, %get3A_163] {strides = array<i32>} : memref<16x640xf32, #tpu.memory_space<vmem>>, vector<16xf32>,
      %add3A_165 = arith.addf %add3A_158, %get3A_164 : vector<16xf32>
      %mul3A_166 = arith.constant 16 : i32
      %mul3A_167 = arith.muli %scan3A_89, %mul3A_166 : i32
      %get3A_168 = arith.constant 11 : i32
      %get3A_169 = arith.index_cast %get3A_168 : i32 to index
      %get3A_170 = arith.index_cast %mul3A_167 : i32 to index
      %get3A_171 = tpu.vector_load %arg6[%get3A_169, %get3A_170] {strides = array<i32>} : memref<16x640xf32, #tpu.memory_space<vmem>>, vector<16xf32>,
      %add3A_172 = arith.addf %add3A_165, %get3A_171 : vector<16xf32>
      %mul3A_173 = arith.constant 16 : i32
      %mul3A_174 = arith.muli %scan3A_89, %mul3A_173 : i32
      %get3A_175 = arith.constant 12 : i32
      %get3A_176 = arith.index_cast %get3A_175 : i32 to index
      %get3A_177 = arith.index_cast %mul3A_174 : i32 to index
      %get3A_178 = tpu.vector_load %arg6[%get3A_176, %get3A_177] {strides = array<i32>} : memref<16x640xf32, #tpu.memory_space<vmem>>, vector<16xf32>,
      %add3A_179 = arith.addf %add3A_172, %get3A_178 : vector<16xf32>
      %mul3A_180 = arith.constant 16 : i32
      %mul3A_181 = arith.muli %scan3A_89, %mul3A_180 : i32
      %get3A_182 = arith.constant 13 : i32
      %get3A_183 = arith.index_cast %get3A_182 : i32 to index
      %get3A_184 = arith.index_cast %mul3A_181 : i32 to index
      %get3A_185 = tpu.vector_load %arg6[%get3A_183, %get3A_184] {strides = array<i32>} : memref<16x640xf32, #tpu.memory_space<vmem>>, vector<16xf32>,
      %add3A_186 = arith.addf %add3A_179, %get3A_185 : vector<16xf32>
      %mul3A_187 = arith.constant 16 : i32
      %mul3A_188 = arith.muli %scan3A_89, %mul3A_187 : i32
      %get3A_189 = arith.constant 14 : i32
      %get3A_190 = arith.index_cast %get3A_189 : i32 to index
      %get3A_191 = arith.index_cast %mul3A_188 : i32 to index
      %get3A_192 = tpu.vector_load %arg6[%get3A_190, %get3A_191] {strides = array<i32>} : memref<16x640xf32, #tpu.memory_space<vmem>>, vector<16xf32>,
      %add3A_193 = arith.addf %add3A_186, %get3A_192 : vector<16xf32>
      %mul3A_194 = arith.constant 16 : i32
      %mul3A_195 = arith.muli %scan3A_89, %mul3A_194 : i32
      %get3A_196 = arith.constant 15 : i32
      %get3A_197 = arith.index_cast %get3A_196 : i32 to index
      %get3A_198 = arith.index_cast %mul3A_195 : i32 to index
      %get3A_199 = tpu.vector_load %arg6[%get3A_197, %get3A_198] {strides = array<i32>} : memref<16x640xf32, #tpu.memory_space<vmem>>, vector<16xf32>,
      %add3A_200 = arith.addf %add3A_193, %get3A_199 : vector<16xf32>
      %mul3A_201 = arith.constant 16 : i32
      %mul3A_202 = arith.muli %scan3A_89, %mul3A_201 : i32
      %swap3A = arith.index_cast %mul3A_202 : i32 to index
      %swap3A_203 = tpu.vector_load %arg5[%swap3A] {strides = array<i32>} : memref<10240xf32, #tpu.memory_space<vmem>>, vector<16xf32>,
      tpu.vector_store %arg5[%swap3A], %add3A_200 {strides = array<i32>} : memref<10240xf32, #tpu.memory_space<vmem>>, vector<16xf32>,
      %scan3A_204 = arith.constant 0 : i32
      scf.yield %scan3A_204 : i32
    }
    %scan3A_86 = arith.constant 40 : i32
    %mul3A_87 = arith.constant 640 : i32
    %mul3A_88 = arith.muli %arg1, %mul3A_87 : i32
    "tpu.region"() ({
      %run_scoped3A_89 = tpu.sem_alloc : memref<!tpu.dma_semaphore, #tpu.memory_space<semaphore_mem>>
      %dma_start3A = arith.constant 0 : i32
      %dma_start3A_90 = tpu.memref_slice %arg5[%dma_start3A] : memref<10240xf32, #tpu.memory_space<vmem>> -> memref<640xf32, #tpu.memory_space<vmem>>
      %dma_start3A_91 = tpu.memref_slice %arg3[%arg0, %mul3A_88] : memref<2x10240xf32, #tpu.memory_space<hbm>> -> memref<1x640xf32, #tpu.memory_space<hbm>>
      %dma_start3A_92 = tpu.memref_squeeze %dma_start3A_91 : memref<1x640xf32, #tpu.memory_space<hbm>> -> memref<640xf32, #tpu.memory_space<hbm>>
      %dma_start3A_93 = tpu.memref_slice %arg3[%arg0, %mul3A_88] : memref<2x10240xf32, #tpu.memory_space<hbm>> -> memref<1x640xf32, #tpu.memory_space<hbm>>
      %dma_start3A_94 = tpu.memref_squeeze %dma_start3A_93 : memref<1x640xf32, #tpu.memory_space<hbm>> -> memref<640xf32, #tpu.memory_space<hbm>>
      %dma_start3A_95 = arith.constant 0 : i32
      %dma_start3A_96 = tpu.memref_slice %arg5[%dma_start3A_95] : memref<10240xf32, #tpu.memory_space<vmem>> -> memref<640xf32, #tpu.memory_space<vmem>>
      tpu.enqueue_dma source(%dma_start3A_96 : memref<640xf32, #tpu.memory_space<vmem>>) target(%dma_start3A_94 : memref<640xf32, #tpu.memory_space<hbm>>) target_semaphore(%run_scoped3A_89 : memref<!tpu.dma_semaphore, #tpu.memory_space<semaphore_mem>>)
      %dma_wait3A = arith.constant 0 : i32
      %dma_wait3A_97 = tpu.memref_slice %arg5[%dma_wait3A] : memref<10240xf32, #tpu.memory_space<vmem>> -> memref<640xf32, #tpu.memory_space<vmem>>
      %dma_wait3A_98 = tpu.memref_slice %arg3[%arg0, %mul3A_88] : memref<2x10240xf32, #tpu.memory_space<hbm>> -> memref<1x640xf32, #tpu.memory_space<hbm>>
      %dma_wait3A_99 = tpu.memref_squeeze %dma_wait3A_98 : memref<1x640xf32, #tpu.memory_space<hbm>> -> memref<640xf32, #tpu.memory_space<hbm>>
      %dma_wait3A_100 = tpu.memref_slice %arg3[%arg0, %mul3A_88] : memref<2x10240xf32, #tpu.memory_space<hbm>> -> memref<1x640xf32, #tpu.memory_space<hbm>>
      %dma_wait3A_101 = tpu.memref_squeeze %dma_wait3A_100 : memref<1x640xf32, #tpu.memory_space<hbm>> -> memref<640xf32, #tpu.memory_space<hbm>>
      %dma_wait3A_102 = arith.constant 0 : i32
      %dma_wait3A_103 = tpu.memref_slice %arg5[%dma_wait3A_102] : memref<10240xf32, #tpu.memory_space<vmem>> -> memref<640xf32, #tpu.memory_space<vmem>>
      tpu.wait_dma2 semaphore(%run_scoped3A_89 : memref<!tpu.dma_semaphore, #tpu.memory_space<semaphore_mem>>) src(%dma_wait3A_103 : memref<640xf32, #tpu.memory_space<vmem>>) dst(%dma_wait3A_101 : memref<640xf32, #tpu.memory_space<hbm>>)
      tpu.yield
    }) : () -> ()
    return
  }
}

#map = affine_map<(d0, d1) -> (0, 0)>
#map1 = affine_map<(d0, d1) -> (0, 0, 0)>
module attributes {stable_mosaic.version = 14 : i64} {
  func.func @_agg_kernel(%arg0: i32, %arg1: i32, %arg2: memref<10000x128xf32, #tpu.memory_space<hbm>>, %arg3: memref<2560x128xi32, #tpu.memory_space<hbm>>, %arg4: memref<2560x128xi32, #tpu.memory_space<hbm>>, %arg5: memref<2x10240x128xf32, #tpu.memory_space<hbm>>, %arg6: memref<40x128xi32, #tpu.memory_space<vmem>>, %arg7: memref<40x128xi32, #tpu.memory_space<vmem>>, %arg8: memref<2x128x128xf32, #tpu.memory_space<vmem>>, %arg9: memref<10240x128xf32, #tpu.memory_space<vmem_shared>>, %arg10: memref<2x!tpu.dma_semaphore, #tpu.memory_space<semaphore_mem>>, %arg11: memref<2x!tpu.dma_semaphore, #tpu.memory_space<semaphore_mem>>) attributes {dimension_semantics = [#tpu.dimension_semantics<core_parallel>, #tpu.dimension_semantics<subcore_parallel>], iteration_bounds = array<i64: 2, 16>, scalar_prefetch = 0 : i64, scratch_operands = 6 : i64, tpu.core_type = #tpu.core_type<sc_vector_subcore>, window_params = [{transform_indices = #map}, {transform_indices = #map}, {transform_indices = #map}, {transform_indices = #map1}]} {
    %mul3A = arith.constant 16 : i32
    %mul3A_0 = arith.muli %arg0, %mul3A : i32
    %add3A = arith.addi %mul3A_0, %arg1 : i32
    %scan3A = arith.constant 0 : i32
    %scan3A_1 = arith.constant 0 : i32
    %scan3A_2 = arith.constant 64 : i32
    %scan3A_3 = arith.addi %scan3A_1, %scan3A_2 : i32
    %scan3A_4 = arith.constant 1 : i32
    %scan3A_5 = scf.for %scan3A_50 = %scan3A_1 to %scan3A_3 step %scan3A_4 iter_args(%scan3A_51 = %scan3A) -> (i32)  : i32 {
      %broadcast_in_dim3A = arith.constant 0.000000e+00 : f32
      %broadcast_in_dim3A_52 = vector.broadcast %broadcast_in_dim3A : f32 to vector<16xf32>
      %swap3A = arith.constant 0 : i32
      %swap3A_53 = arith.index_cast %swap3A : i32 to index
      %swap3A_54 = arith.index_cast %scan3A_50 : i32 to index
      %swap3A_55 = arith.constant 0 : index
      %swap3A_56 = tpu.vector_load %arg8[%swap3A_53, %swap3A_54, %swap3A_55] {strides = array<i32>} : memref<2x128x128xf32, #tpu.memory_space<vmem>>, vector<16xf32>,
      tpu.vector_store %arg8[%swap3A_53, %swap3A_54, %swap3A_55], %broadcast_in_dim3A_52 {strides = array<i32>} : memref<2x128x128xf32, #tpu.memory_space<vmem>>, vector<16xf32>,
      %broadcast_in_dim3A_57 = arith.constant 0.000000e+00 : f32
      %broadcast_in_dim3A_58 = vector.broadcast %broadcast_in_dim3A_57 : f32 to vector<16xf32>
      %swap3A_59 = arith.constant 0 : i32
      %swap3A_60 = arith.index_cast %swap3A_59 : i32 to index
      %swap3A_61 = arith.index_cast %scan3A_50 : i32 to index
      %swap3A_62 = arith.constant 16 : index
      %swap3A_63 = tpu.vector_load %arg8[%swap3A_60, %swap3A_61, %swap3A_62] {strides = array<i32>} : memref<2x128x128xf32, #tpu.memory_space<vmem>>, vector<16xf32>,
      tpu.vector_store %arg8[%swap3A_60, %swap3A_61, %swap3A_62], %broadcast_in_dim3A_58 {strides = array<i32>} : memref<2x128x128xf32, #tpu.memory_space<vmem>>, vector<16xf32>,
      %broadcast_in_dim3A_64 = arith.constant 0.000000e+00 : f32
      %broadcast_in_dim3A_65 = vector.broadcast %broadcast_in_dim3A_64 : f32 to vector<16xf32>
      %swap3A_66 = arith.constant 0 : i32
      %swap3A_67 = arith.index_cast %swap3A_66 : i32 to index
      %swap3A_68 = arith.index_cast %scan3A_50 : i32 to index
      %swap3A_69 = arith.constant 32 : index
      %swap3A_70 = tpu.vector_load %arg8[%swap3A_67, %swap3A_68, %swap3A_69] {strides = array<i32>} : memref<2x128x128xf32, #tpu.memory_space<vmem>>, vector<16xf32>,
      tpu.vector_store %arg8[%swap3A_67, %swap3A_68, %swap3A_69], %broadcast_in_dim3A_65 {strides = array<i32>} : memref<2x128x128xf32, #tpu.memory_space<vmem>>, vector<16xf32>,
      %broadcast_in_dim3A_71 = arith.constant 0.000000e+00 : f32
      %broadcast_in_dim3A_72 = vector.broadcast %broadcast_in_dim3A_71 : f32 to vector<16xf32>
      %swap3A_73 = arith.constant 0 : i32
      %swap3A_74 = arith.index_cast %swap3A_73 : i32 to index
      %swap3A_75 = arith.index_cast %scan3A_50 : i32 to index
      %swap3A_76 = arith.constant 48 : index
      %swap3A_77 = tpu.vector_load %arg8[%swap3A_74, %swap3A_75, %swap3A_76] {strides = array<i32>} : memref<2x128x128xf32, #tpu.memory_space<vmem>>, vector<16xf32>,
      tpu.vector_store %arg8[%swap3A_74, %swap3A_75, %swap3A_76], %broadcast_in_dim3A_72 {strides = array<i32>} : memref<2x128x128xf32, #tpu.memory_space<vmem>>, vector<16xf32>,
      %broadcast_in_dim3A_78 = arith.constant 0.000000e+00 : f32
      %broadcast_in_dim3A_79 = vector.broadcast %broadcast_in_dim3A_78 : f32 to vector<16xf32>
      %swap3A_80 = arith.constant 0 : i32
      %swap3A_81 = arith.index_cast %swap3A_80 : i32 to index
      %swap3A_82 = arith.index_cast %scan3A_50 : i32 to index
      %swap3A_83 = arith.constant 64 : index
      %swap3A_84 = tpu.vector_load %arg8[%swap3A_81, %swap3A_82, %swap3A_83] {strides = array<i32>} : memref<2x128x128xf32, #tpu.memory_space<vmem>>, vector<16xf32>,
      tpu.vector_store %arg8[%swap3A_81, %swap3A_82, %swap3A_83], %broadcast_in_dim3A_79 {strides = array<i32>} : memref<2x128x128xf32, #tpu.memory_space<vmem>>, vector<16xf32>,
      %broadcast_in_dim3A_85 = arith.constant 0.000000e+00 : f32
      %broadcast_in_dim3A_86 = vector.broadcast %broadcast_in_dim3A_85 : f32 to vector<16xf32>
      %swap3A_87 = arith.constant 0 : i32
      %swap3A_88 = arith.index_cast %swap3A_87 : i32 to index
      %swap3A_89 = arith.index_cast %scan3A_50 : i32 to index
      %swap3A_90 = arith.constant 80 : index
      %swap3A_91 = tpu.vector_load %arg8[%swap3A_88, %swap3A_89, %swap3A_90] {strides = array<i32>} : memref<2x128x128xf32, #tpu.memory_space<vmem>>, vector<16xf32>,
      tpu.vector_store %arg8[%swap3A_88, %swap3A_89, %swap3A_90], %broadcast_in_dim3A_86 {strides = array<i32>} : memref<2x128x128xf32, #tpu.memory_space<vmem>>, vector<16xf32>,
      %broadcast_in_dim3A_92 = arith.constant 0.000000e+00 : f32
      %broadcast_in_dim3A_93 = vector.broadcast %broadcast_in_dim3A_92 : f32 to vector<16xf32>
      %swap3A_94 = arith.constant 0 : i32
      %swap3A_95 = arith.index_cast %swap3A_94 : i32 to index
      %swap3A_96 = arith.index_cast %scan3A_50 : i32 to index
      %swap3A_97 = arith.constant 96 : index
      %swap3A_98 = tpu.vector_load %arg8[%swap3A_95, %swap3A_96, %swap3A_97] {strides = array<i32>} : memref<2x128x128xf32, #tpu.memory_space<vmem>>, vector<16xf32>,
      tpu.vector_store %arg8[%swap3A_95, %swap3A_96, %swap3A_97], %broadcast_in_dim3A_93 {strides = array<i32>} : memref<2x128x128xf32, #tpu.memory_space<vmem>>, vector<16xf32>,
      %broadcast_in_dim3A_99 = arith.constant 0.000000e+00 : f32
      %broadcast_in_dim3A_100 = vector.broadcast %broadcast_in_dim3A_99 : f32 to vector<16xf32>
      %swap3A_101 = arith.constant 0 : i32
      %swap3A_102 = arith.index_cast %swap3A_101 : i32 to index
      %swap3A_103 = arith.index_cast %scan3A_50 : i32 to index
      %swap3A_104 = arith.constant 112 : index
      %swap3A_105 = tpu.vector_load %arg8[%swap3A_102, %swap3A_103, %swap3A_104] {strides = array<i32>} : memref<2x128x128xf32, #tpu.memory_space<vmem>>, vector<16xf32>,
      tpu.vector_store %arg8[%swap3A_102, %swap3A_103, %swap3A_104], %broadcast_in_dim3A_100 {strides = array<i32>} : memref<2x128x128xf32, #tpu.memory_space<vmem>>, vector<16xf32>,
      %scan3A_106 = arith.constant 0 : i32
      scf.yield %scan3A_106 : i32
    }
    %scan3A_6 = arith.constant 64 : i32
    %mul3A_7 = arith.constant 640 : i32
    %mul3A_8 = arith.muli %arg1, %mul3A_7 : i32
    %add3A_9 = arith.constant 0 : i32
    %add3A_10 = arith.addi %mul3A_8, %add3A_9 : i32
    %run_scoped3A = arith.constant 0 : i32
    "tpu.region"() ({
      %run_scoped3A_50 = tpu.sem_alloc : memref<!tpu.dma_semaphore, #tpu.memory_space<semaphore_mem>>
      %dma_start3A = arith.constant 0 : i32
      %dma_start3A_51 = arith.constant 0 : i32
      %dma_start3A_52 = tpu.memref_slice %arg8[%run_scoped3A, %dma_start3A, %dma_start3A_51] : memref<2x128x128xf32, #tpu.memory_space<vmem>> -> memref<1x64x128xf32, #tpu.memory_space<vmem>>
      %dma_start3A_53 = tpu.memref_squeeze %dma_start3A_52 : memref<1x64x128xf32, #tpu.memory_space<vmem>> -> memref<64x128xf32, #tpu.memory_space<vmem>>
      %dma_start3A_54 = arith.constant 0 : i32
      %dma_start3A_55 = tpu.memref_slice %arg9[%add3A_10, %dma_start3A_54] : memref<10240x128xf32, #tpu.memory_space<vmem_shared>> -> memref<64x128xf32, #tpu.memory_space<vmem_shared>>
      %dma_start3A_56 = arith.constant 0 : i32
      %dma_start3A_57 = tpu.memref_slice %arg9[%add3A_10, %dma_start3A_56] : memref<10240x128xf32, #tpu.memory_space<vmem_shared>> -> memref<64x128xf32, #tpu.memory_space<vmem_shared>>
      %dma_start3A_58 = arith.constant 0 : i32
      %dma_start3A_59 = arith.constant 0 : i32
      %dma_start3A_60 = tpu.memref_slice %arg8[%run_scoped3A, %dma_start3A_58, %dma_start3A_59] : memref<2x128x128xf32, #tpu.memory_space<vmem>> -> memref<1x64x128xf32, #tpu.memory_space<vmem>>
      %dma_start3A_61 = tpu.memref_squeeze %dma_start3A_60 : memref<1x64x128xf32, #tpu.memory_space<vmem>> -> memref<64x128xf32, #tpu.memory_space<vmem>>
      tpu.enqueue_dma source(%dma_start3A_61 : memref<64x128xf32, #tpu.memory_space<vmem>>) target(%dma_start3A_57 : memref<64x128xf32, #tpu.memory_space<vmem_shared>>) target_semaphore(%run_scoped3A_50 : memref<!tpu.dma_semaphore, #tpu.memory_space<semaphore_mem>>)
      %dma_wait3A = arith.constant 0 : i32
      %dma_wait3A_62 = arith.constant 0 : i32
      %dma_wait3A_63 = tpu.memref_slice %arg8[%run_scoped3A, %dma_wait3A, %dma_wait3A_62] : memref<2x128x128xf32, #tpu.memory_space<vmem>> -> memref<1x64x128xf32, #tpu.memory_space<vmem>>
      %dma_wait3A_64 = tpu.memref_squeeze %dma_wait3A_63 : memref<1x64x128xf32, #tpu.memory_space<vmem>> -> memref<64x128xf32, #tpu.memory_space<vmem>>
      %dma_wait3A_65 = arith.constant 0 : i32
      %dma_wait3A_66 = tpu.memref_slice %arg9[%add3A_10, %dma_wait3A_65] : memref<10240x128xf32, #tpu.memory_space<vmem_shared>> -> memref<64x128xf32, #tpu.memory_space<vmem_shared>>
      %dma_wait3A_67 = arith.constant 0 : i32
      %dma_wait3A_68 = tpu.memref_slice %arg9[%add3A_10, %dma_wait3A_67] : memref<10240x128xf32, #tpu.memory_space<vmem_shared>> -> memref<64x128xf32, #tpu.memory_space<vmem_shared>>
      %dma_wait3A_69 = arith.constant 0 : i32
      %dma_wait3A_70 = arith.constant 0 : i32
      %dma_wait3A_71 = tpu.memref_slice %arg8[%run_scoped3A, %dma_wait3A_69, %dma_wait3A_70] : memref<2x128x128xf32, #tpu.memory_space<vmem>> -> memref<1x64x128xf32, #tpu.memory_space<vmem>>
      %dma_wait3A_72 = tpu.memref_squeeze %dma_wait3A_71 : memref<1x64x128xf32, #tpu.memory_space<vmem>> -> memref<64x128xf32, #tpu.memory_space<vmem>>
      tpu.wait_dma2 semaphore(%run_scoped3A_50 : memref<!tpu.dma_semaphore, #tpu.memory_space<semaphore_mem>>) src(%dma_wait3A_72 : memref<64x128xf32, #tpu.memory_space<vmem>>) dst(%dma_wait3A_68 : memref<64x128xf32, #tpu.memory_space<vmem_shared>>)
      tpu.yield
    }) : () -> ()
    %add3A_11 = arith.constant 64 : i32
    %add3A_12 = arith.addi %mul3A_8, %add3A_11 : i32
    %run_scoped3A_13 = arith.constant 0 : i32
    "tpu.region"() ({
      %run_scoped3A_50 = tpu.sem_alloc : memref<!tpu.dma_semaphore, #tpu.memory_space<semaphore_mem>>
      %dma_start3A = arith.constant 0 : i32
      %dma_start3A_51 = arith.constant 0 : i32
      %dma_start3A_52 = tpu.memref_slice %arg8[%run_scoped3A_13, %dma_start3A, %dma_start3A_51] : memref<2x128x128xf32, #tpu.memory_space<vmem>> -> memref<1x64x128xf32, #tpu.memory_space<vmem>>
      %dma_start3A_53 = tpu.memref_squeeze %dma_start3A_52 : memref<1x64x128xf32, #tpu.memory_space<vmem>> -> memref<64x128xf32, #tpu.memory_space<vmem>>
      %dma_start3A_54 = arith.constant 0 : i32
      %dma_start3A_55 = tpu.memref_slice %arg9[%add3A_12, %dma_start3A_54] : memref<10240x128xf32, #tpu.memory_space<vmem_shared>> -> memref<64x128xf32, #tpu.memory_space<vmem_shared>>
      %dma_start3A_56 = arith.constant 0 : i32
      %dma_start3A_57 = tpu.memref_slice %arg9[%add3A_12, %dma_start3A_56] : memref<10240x128xf32, #tpu.memory_space<vmem_shared>> -> memref<64x128xf32, #tpu.memory_space<vmem_shared>>
      %dma_start3A_58 = arith.constant 0 : i32
      %dma_start3A_59 = arith.constant 0 : i32
      %dma_start3A_60 = tpu.memref_slice %arg8[%run_scoped3A_13, %dma_start3A_58, %dma_start3A_59] : memref<2x128x128xf32, #tpu.memory_space<vmem>> -> memref<1x64x128xf32, #tpu.memory_space<vmem>>
      %dma_start3A_61 = tpu.memref_squeeze %dma_start3A_60 : memref<1x64x128xf32, #tpu.memory_space<vmem>> -> memref<64x128xf32, #tpu.memory_space<vmem>>
      tpu.enqueue_dma source(%dma_start3A_61 : memref<64x128xf32, #tpu.memory_space<vmem>>) target(%dma_start3A_57 : memref<64x128xf32, #tpu.memory_space<vmem_shared>>) target_semaphore(%run_scoped3A_50 : memref<!tpu.dma_semaphore, #tpu.memory_space<semaphore_mem>>)
      %dma_wait3A = arith.constant 0 : i32
      %dma_wait3A_62 = arith.constant 0 : i32
      %dma_wait3A_63 = tpu.memref_slice %arg8[%run_scoped3A_13, %dma_wait3A, %dma_wait3A_62] : memref<2x128x128xf32, #tpu.memory_space<vmem>> -> memref<1x64x128xf32, #tpu.memory_space<vmem>>
      %dma_wait3A_64 = tpu.memref_squeeze %dma_wait3A_63 : memref<1x64x128xf32, #tpu.memory_space<vmem>> -> memref<64x128xf32, #tpu.memory_space<vmem>>
      %dma_wait3A_65 = arith.constant 0 : i32
      %dma_wait3A_66 = tpu.memref_slice %arg9[%add3A_12, %dma_wait3A_65] : memref<10240x128xf32, #tpu.memory_space<vmem_shared>> -> memref<64x128xf32, #tpu.memory_space<vmem_shared>>
      %dma_wait3A_67 = arith.constant 0 : i32
      %dma_wait3A_68 = tpu.memref_slice %arg9[%add3A_12, %dma_wait3A_67] : memref<10240x128xf32, #tpu.memory_space<vmem_shared>> -> memref<64x128xf32, #tpu.memory_space<vmem_shared>>
      %dma_wait3A_69 = arith.constant 0 : i32
      %dma_wait3A_70 = arith.constant 0 : i32
      %dma_wait3A_71 = tpu.memref_slice %arg8[%run_scoped3A_13, %dma_wait3A_69, %dma_wait3A_70] : memref<2x128x128xf32, #tpu.memory_space<vmem>> -> memref<1x64x128xf32, #tpu.memory_space<vmem>>
      %dma_wait3A_72 = tpu.memref_squeeze %dma_wait3A_71 : memref<1x64x128xf32, #tpu.memory_space<vmem>> -> memref<64x128xf32, #tpu.memory_space<vmem>>
      tpu.wait_dma2 semaphore(%run_scoped3A_50 : memref<!tpu.dma_semaphore, #tpu.memory_space<semaphore_mem>>) src(%dma_wait3A_72 : memref<64x128xf32, #tpu.memory_space<vmem>>) dst(%dma_wait3A_68 : memref<64x128xf32, #tpu.memory_space<vmem_shared>>)
      tpu.yield
    }) : () -> ()
    %add3A_14 = arith.constant 128 : i32
    %add3A_15 = arith.addi %mul3A_8, %add3A_14 : i32
    %run_scoped3A_16 = arith.constant 0 : i32
    "tpu.region"() ({
      %run_scoped3A_50 = tpu.sem_alloc : memref<!tpu.dma_semaphore, #tpu.memory_space<semaphore_mem>>
      %dma_start3A = arith.constant 0 : i32
      %dma_start3A_51 = arith.constant 0 : i32
      %dma_start3A_52 = tpu.memref_slice %arg8[%run_scoped3A_16, %dma_start3A, %dma_start3A_51] : memref<2x128x128xf32, #tpu.memory_space<vmem>> -> memref<1x64x128xf32, #tpu.memory_space<vmem>>
      %dma_start3A_53 = tpu.memref_squeeze %dma_start3A_52 : memref<1x64x128xf32, #tpu.memory_space<vmem>> -> memref<64x128xf32, #tpu.memory_space<vmem>>
      %dma_start3A_54 = arith.constant 0 : i32
      %dma_start3A_55 = tpu.memref_slice %arg9[%add3A_15, %dma_start3A_54] : memref<10240x128xf32, #tpu.memory_space<vmem_shared>> -> memref<64x128xf32, #tpu.memory_space<vmem_shared>>
      %dma_start3A_56 = arith.constant 0 : i32
      %dma_start3A_57 = tpu.memref_slice %arg9[%add3A_15, %dma_start3A_56] : memref<10240x128xf32, #tpu.memory_space<vmem_shared>> -> memref<64x128xf32, #tpu.memory_space<vmem_shared>>
      %dma_start3A_58 = arith.constant 0 : i32
      %dma_start3A_59 = arith.constant 0 : i32
      %dma_start3A_60 = tpu.memref_slice %arg8[%run_scoped3A_16, %dma_start3A_58, %dma_start3A_59] : memref<2x128x128xf32, #tpu.memory_space<vmem>> -> memref<1x64x128xf32, #tpu.memory_space<vmem>>
      %dma_start3A_61 = tpu.memref_squeeze %dma_start3A_60 : memref<1x64x128xf32, #tpu.memory_space<vmem>> -> memref<64x128xf32, #tpu.memory_space<vmem>>
      tpu.enqueue_dma source(%dma_start3A_61 : memref<64x128xf32, #tpu.memory_space<vmem>>) target(%dma_start3A_57 : memref<64x128xf32, #tpu.memory_space<vmem_shared>>) target_semaphore(%run_scoped3A_50 : memref<!tpu.dma_semaphore, #tpu.memory_space<semaphore_mem>>)
      %dma_wait3A = arith.constant 0 : i32
      %dma_wait3A_62 = arith.constant 0 : i32
      %dma_wait3A_63 = tpu.memref_slice %arg8[%run_scoped3A_16, %dma_wait3A, %dma_wait3A_62] : memref<2x128x128xf32, #tpu.memory_space<vmem>> -> memref<1x64x128xf32, #tpu.memory_space<vmem>>
      %dma_wait3A_64 = tpu.memref_squeeze %dma_wait3A_63 : memref<1x64x128xf32, #tpu.memory_space<vmem>> -> memref<64x128xf32, #tpu.memory_space<vmem>>
      %dma_wait3A_65 = arith.constant 0 : i32
      %dma_wait3A_66 = tpu.memref_slice %arg9[%add3A_15, %dma_wait3A_65] : memref<10240x128xf32, #tpu.memory_space<vmem_shared>> -> memref<64x128xf32, #tpu.memory_space<vmem_shared>>
      %dma_wait3A_67 = arith.constant 0 : i32
      %dma_wait3A_68 = tpu.memref_slice %arg9[%add3A_15, %dma_wait3A_67] : memref<10240x128xf32, #tpu.memory_space<vmem_shared>> -> memref<64x128xf32, #tpu.memory_space<vmem_shared>>
      %dma_wait3A_69 = arith.constant 0 : i32
      %dma_wait3A_70 = arith.constant 0 : i32
      %dma_wait3A_71 = tpu.memref_slice %arg8[%run_scoped3A_16, %dma_wait3A_69, %dma_wait3A_70] : memref<2x128x128xf32, #tpu.memory_space<vmem>> -> memref<1x64x128xf32, #tpu.memory_space<vmem>>
      %dma_wait3A_72 = tpu.memref_squeeze %dma_wait3A_71 : memref<1x64x128xf32, #tpu.memory_space<vmem>> -> memref<64x128xf32, #tpu.memory_space<vmem>>
      tpu.wait_dma2 semaphore(%run_scoped3A_50 : memref<!tpu.dma_semaphore, #tpu.memory_space<semaphore_mem>>) src(%dma_wait3A_72 : memref<64x128xf32, #tpu.memory_space<vmem>>) dst(%dma_wait3A_68 : memref<64x128xf32, #tpu.memory_space<vmem_shared>>)
      tpu.yield
    }) : () -> ()
    %add3A_17 = arith.constant 192 : i32
    %add3A_18 = arith.addi %mul3A_8, %add3A_17 : i32
    %run_scoped3A_19 = arith.constant 0 : i32
    "tpu.region"() ({
      %run_scoped3A_50 = tpu.sem_alloc : memref<!tpu.dma_semaphore, #tpu.memory_space<semaphore_mem>>
      %dma_start3A = arith.constant 0 : i32
      %dma_start3A_51 = arith.constant 0 : i32
      %dma_start3A_52 = tpu.memref_slice %arg8[%run_scoped3A_19, %dma_start3A, %dma_start3A_51] : memref<2x128x128xf32, #tpu.memory_space<vmem>> -> memref<1x64x128xf32, #tpu.memory_space<vmem>>
      %dma_start3A_53 = tpu.memref_squeeze %dma_start3A_52 : memref<1x64x128xf32, #tpu.memory_space<vmem>> -> memref<64x128xf32, #tpu.memory_space<vmem>>
      %dma_start3A_54 = arith.constant 0 : i32
      %dma_start3A_55 = tpu.memref_slice %arg9[%add3A_18, %dma_start3A_54] : memref<10240x128xf32, #tpu.memory_space<vmem_shared>> -> memref<64x128xf32, #tpu.memory_space<vmem_shared>>
      %dma_start3A_56 = arith.constant 0 : i32
      %dma_start3A_57 = tpu.memref_slice %arg9[%add3A_18, %dma_start3A_56] : memref<10240x128xf32, #tpu.memory_space<vmem_shared>> -> memref<64x128xf32, #tpu.memory_space<vmem_shared>>
      %dma_start3A_58 = arith.constant 0 : i32
      %dma_start3A_59 = arith.constant 0 : i32
      %dma_start3A_60 = tpu.memref_slice %arg8[%run_scoped3A_19, %dma_start3A_58, %dma_start3A_59] : memref<2x128x128xf32, #tpu.memory_space<vmem>> -> memref<1x64x128xf32, #tpu.memory_space<vmem>>
      %dma_start3A_61 = tpu.memref_squeeze %dma_start3A_60 : memref<1x64x128xf32, #tpu.memory_space<vmem>> -> memref<64x128xf32, #tpu.memory_space<vmem>>
      tpu.enqueue_dma source(%dma_start3A_61 : memref<64x128xf32, #tpu.memory_space<vmem>>) target(%dma_start3A_57 : memref<64x128xf32, #tpu.memory_space<vmem_shared>>) target_semaphore(%run_scoped3A_50 : memref<!tpu.dma_semaphore, #tpu.memory_space<semaphore_mem>>)
      %dma_wait3A = arith.constant 0 : i32
      %dma_wait3A_62 = arith.constant 0 : i32
      %dma_wait3A_63 = tpu.memref_slice %arg8[%run_scoped3A_19, %dma_wait3A, %dma_wait3A_62] : memref<2x128x128xf32, #tpu.memory_space<vmem>> -> memref<1x64x128xf32, #tpu.memory_space<vmem>>
      %dma_wait3A_64 = tpu.memref_squeeze %dma_wait3A_63 : memref<1x64x128xf32, #tpu.memory_space<vmem>> -> memref<64x128xf32, #tpu.memory_space<vmem>>
      %dma_wait3A_65 = arith.constant 0 : i32
      %dma_wait3A_66 = tpu.memref_slice %arg9[%add3A_18, %dma_wait3A_65] : memref<10240x128xf32, #tpu.memory_space<vmem_shared>> -> memref<64x128xf32, #tpu.memory_space<vmem_shared>>
      %dma_wait3A_67 = arith.constant 0 : i32
      %dma_wait3A_68 = tpu.memref_slice %arg9[%add3A_18, %dma_wait3A_67] : memref<10240x128xf32, #tpu.memory_space<vmem_shared>> -> memref<64x128xf32, #tpu.memory_space<vmem_shared>>
      %dma_wait3A_69 = arith.constant 0 : i32
      %dma_wait3A_70 = arith.constant 0 : i32
      %dma_wait3A_71 = tpu.memref_slice %arg8[%run_scoped3A_19, %dma_wait3A_69, %dma_wait3A_70] : memref<2x128x128xf32, #tpu.memory_space<vmem>> -> memref<1x64x128xf32, #tpu.memory_space<vmem>>
      %dma_wait3A_72 = tpu.memref_squeeze %dma_wait3A_71 : memref<1x64x128xf32, #tpu.memory_space<vmem>> -> memref<64x128xf32, #tpu.memory_space<vmem>>
      tpu.wait_dma2 semaphore(%run_scoped3A_50 : memref<!tpu.dma_semaphore, #tpu.memory_space<semaphore_mem>>) src(%dma_wait3A_72 : memref<64x128xf32, #tpu.memory_space<vmem>>) dst(%dma_wait3A_68 : memref<64x128xf32, #tpu.memory_space<vmem_shared>>)
      tpu.yield
    }) : () -> ()
    %add3A_20 = arith.constant 256 : i32
    %add3A_21 = arith.addi %mul3A_8, %add3A_20 : i32
    %run_scoped3A_22 = arith.constant 0 : i32
    "tpu.region"() ({
      %run_scoped3A_50 = tpu.sem_alloc : memref<!tpu.dma_semaphore, #tpu.memory_space<semaphore_mem>>
      %dma_start3A = arith.constant 0 : i32
      %dma_start3A_51 = arith.constant 0 : i32
      %dma_start3A_52 = tpu.memref_slice %arg8[%run_scoped3A_22, %dma_start3A, %dma_start3A_51] : memref<2x128x128xf32, #tpu.memory_space<vmem>> -> memref<1x64x128xf32, #tpu.memory_space<vmem>>
      %dma_start3A_53 = tpu.memref_squeeze %dma_start3A_52 : memref<1x64x128xf32, #tpu.memory_space<vmem>> -> memref<64x128xf32, #tpu.memory_space<vmem>>
      %dma_start3A_54 = arith.constant 0 : i32
      %dma_start3A_55 = tpu.memref_slice %arg9[%add3A_21, %dma_start3A_54] : memref<10240x128xf32, #tpu.memory_space<vmem_shared>> -> memref<64x128xf32, #tpu.memory_space<vmem_shared>>
      %dma_start3A_56 = arith.constant 0 : i32
      %dma_start3A_57 = tpu.memref_slice %arg9[%add3A_21, %dma_start3A_56] : memref<10240x128xf32, #tpu.memory_space<vmem_shared>> -> memref<64x128xf32, #tpu.memory_space<vmem_shared>>
      %dma_start3A_58 = arith.constant 0 : i32
      %dma_start3A_59 = arith.constant 0 : i32
      %dma_start3A_60 = tpu.memref_slice %arg8[%run_scoped3A_22, %dma_start3A_58, %dma_start3A_59] : memref<2x128x128xf32, #tpu.memory_space<vmem>> -> memref<1x64x128xf32, #tpu.memory_space<vmem>>
      %dma_start3A_61 = tpu.memref_squeeze %dma_start3A_60 : memref<1x64x128xf32, #tpu.memory_space<vmem>> -> memref<64x128xf32, #tpu.memory_space<vmem>>
      tpu.enqueue_dma source(%dma_start3A_61 : memref<64x128xf32, #tpu.memory_space<vmem>>) target(%dma_start3A_57 : memref<64x128xf32, #tpu.memory_space<vmem_shared>>) target_semaphore(%run_scoped3A_50 : memref<!tpu.dma_semaphore, #tpu.memory_space<semaphore_mem>>)
      %dma_wait3A = arith.constant 0 : i32
      %dma_wait3A_62 = arith.constant 0 : i32
      %dma_wait3A_63 = tpu.memref_slice %arg8[%run_scoped3A_22, %dma_wait3A, %dma_wait3A_62] : memref<2x128x128xf32, #tpu.memory_space<vmem>> -> memref<1x64x128xf32, #tpu.memory_space<vmem>>
      %dma_wait3A_64 = tpu.memref_squeeze %dma_wait3A_63 : memref<1x64x128xf32, #tpu.memory_space<vmem>> -> memref<64x128xf32, #tpu.memory_space<vmem>>
      %dma_wait3A_65 = arith.constant 0 : i32
      %dma_wait3A_66 = tpu.memref_slice %arg9[%add3A_21, %dma_wait3A_65] : memref<10240x128xf32, #tpu.memory_space<vmem_shared>> -> memref<64x128xf32, #tpu.memory_space<vmem_shared>>
      %dma_wait3A_67 = arith.constant 0 : i32
      %dma_wait3A_68 = tpu.memref_slice %arg9[%add3A_21, %dma_wait3A_67] : memref<10240x128xf32, #tpu.memory_space<vmem_shared>> -> memref<64x128xf32, #tpu.memory_space<vmem_shared>>
      %dma_wait3A_69 = arith.constant 0 : i32
      %dma_wait3A_70 = arith.constant 0 : i32
      %dma_wait3A_71 = tpu.memref_slice %arg8[%run_scoped3A_22, %dma_wait3A_69, %dma_wait3A_70] : memref<2x128x128xf32, #tpu.memory_space<vmem>> -> memref<1x64x128xf32, #tpu.memory_space<vmem>>
      %dma_wait3A_72 = tpu.memref_squeeze %dma_wait3A_71 : memref<1x64x128xf32, #tpu.memory_space<vmem>> -> memref<64x128xf32, #tpu.memory_space<vmem>>
      tpu.wait_dma2 semaphore(%run_scoped3A_50 : memref<!tpu.dma_semaphore, #tpu.memory_space<semaphore_mem>>) src(%dma_wait3A_72 : memref<64x128xf32, #tpu.memory_space<vmem>>) dst(%dma_wait3A_68 : memref<64x128xf32, #tpu.memory_space<vmem_shared>>)
      tpu.yield
    }) : () -> ()
    %add3A_23 = arith.constant 320 : i32
    %add3A_24 = arith.addi %mul3A_8, %add3A_23 : i32
    %run_scoped3A_25 = arith.constant 0 : i32
    "tpu.region"() ({
      %run_scoped3A_50 = tpu.sem_alloc : memref<!tpu.dma_semaphore, #tpu.memory_space<semaphore_mem>>
      %dma_start3A = arith.constant 0 : i32
      %dma_start3A_51 = arith.constant 0 : i32
      %dma_start3A_52 = tpu.memref_slice %arg8[%run_scoped3A_25, %dma_start3A, %dma_start3A_51] : memref<2x128x128xf32, #tpu.memory_space<vmem>> -> memref<1x64x128xf32, #tpu.memory_space<vmem>>
      %dma_start3A_53 = tpu.memref_squeeze %dma_start3A_52 : memref<1x64x128xf32, #tpu.memory_space<vmem>> -> memref<64x128xf32, #tpu.memory_space<vmem>>
      %dma_start3A_54 = arith.constant 0 : i32
      %dma_start3A_55 = tpu.memref_slice %arg9[%add3A_24, %dma_start3A_54] : memref<10240x128xf32, #tpu.memory_space<vmem_shared>> -> memref<64x128xf32, #tpu.memory_space<vmem_shared>>
      %dma_start3A_56 = arith.constant 0 : i32
      %dma_start3A_57 = tpu.memref_slice %arg9[%add3A_24, %dma_start3A_56] : memref<10240x128xf32, #tpu.memory_space<vmem_shared>> -> memref<64x128xf32, #tpu.memory_space<vmem_shared>>
      %dma_start3A_58 = arith.constant 0 : i32
      %dma_start3A_59 = arith.constant 0 : i32
      %dma_start3A_60 = tpu.memref_slice %arg8[%run_scoped3A_25, %dma_start3A_58, %dma_start3A_59] : memref<2x128x128xf32, #tpu.memory_space<vmem>> -> memref<1x64x128xf32, #tpu.memory_space<vmem>>
      %dma_start3A_61 = tpu.memref_squeeze %dma_start3A_60 : memref<1x64x128xf32, #tpu.memory_space<vmem>> -> memref<64x128xf32, #tpu.memory_space<vmem>>
      tpu.enqueue_dma source(%dma_start3A_61 : memref<64x128xf32, #tpu.memory_space<vmem>>) target(%dma_start3A_57 : memref<64x128xf32, #tpu.memory_space<vmem_shared>>) target_semaphore(%run_scoped3A_50 : memref<!tpu.dma_semaphore, #tpu.memory_space<semaphore_mem>>)
      %dma_wait3A = arith.constant 0 : i32
      %dma_wait3A_62 = arith.constant 0 : i32
      %dma_wait3A_63 = tpu.memref_slice %arg8[%run_scoped3A_25, %dma_wait3A, %dma_wait3A_62] : memref<2x128x128xf32, #tpu.memory_space<vmem>> -> memref<1x64x128xf32, #tpu.memory_space<vmem>>
      %dma_wait3A_64 = tpu.memref_squeeze %dma_wait3A_63 : memref<1x64x128xf32, #tpu.memory_space<vmem>> -> memref<64x128xf32, #tpu.memory_space<vmem>>
      %dma_wait3A_65 = arith.constant 0 : i32
      %dma_wait3A_66 = tpu.memref_slice %arg9[%add3A_24, %dma_wait3A_65] : memref<10240x128xf32, #tpu.memory_space<vmem_shared>> -> memref<64x128xf32, #tpu.memory_space<vmem_shared>>
      %dma_wait3A_67 = arith.constant 0 : i32
      %dma_wait3A_68 = tpu.memref_slice %arg9[%add3A_24, %dma_wait3A_67] : memref<10240x128xf32, #tpu.memory_space<vmem_shared>> -> memref<64x128xf32, #tpu.memory_space<vmem_shared>>
      %dma_wait3A_69 = arith.constant 0 : i32
      %dma_wait3A_70 = arith.constant 0 : i32
      %dma_wait3A_71 = tpu.memref_slice %arg8[%run_scoped3A_25, %dma_wait3A_69, %dma_wait3A_70] : memref<2x128x128xf32, #tpu.memory_space<vmem>> -> memref<1x64x128xf32, #tpu.memory_space<vmem>>
      %dma_wait3A_72 = tpu.memref_squeeze %dma_wait3A_71 : memref<1x64x128xf32, #tpu.memory_space<vmem>> -> memref<64x128xf32, #tpu.memory_space<vmem>>
      tpu.wait_dma2 semaphore(%run_scoped3A_50 : memref<!tpu.dma_semaphore, #tpu.memory_space<semaphore_mem>>) src(%dma_wait3A_72 : memref<64x128xf32, #tpu.memory_space<vmem>>) dst(%dma_wait3A_68 : memref<64x128xf32, #tpu.memory_space<vmem_shared>>)
      tpu.yield
    }) : () -> ()
    %add3A_26 = arith.constant 384 : i32
    %add3A_27 = arith.addi %mul3A_8, %add3A_26 : i32
    %run_scoped3A_28 = arith.constant 0 : i32
    "tpu.region"() ({
      %run_scoped3A_50 = tpu.sem_alloc : memref<!tpu.dma_semaphore, #tpu.memory_space<semaphore_mem>>
      %dma_start3A = arith.constant 0 : i32
      %dma_start3A_51 = arith.constant 0 : i32
      %dma_start3A_52 = tpu.memref_slice %arg8[%run_scoped3A_28, %dma_start3A, %dma_start3A_51] : memref<2x128x128xf32, #tpu.memory_space<vmem>> -> memref<1x64x128xf32, #tpu.memory_space<vmem>>
      %dma_start3A_53 = tpu.memref_squeeze %dma_start3A_52 : memref<1x64x128xf32, #tpu.memory_space<vmem>> -> memref<64x128xf32, #tpu.memory_space<vmem>>
      %dma_start3A_54 = arith.constant 0 : i32
      %dma_start3A_55 = tpu.memref_slice %arg9[%add3A_27, %dma_start3A_54] : memref<10240x128xf32, #tpu.memory_space<vmem_shared>> -> memref<64x128xf32, #tpu.memory_space<vmem_shared>>
      %dma_start3A_56 = arith.constant 0 : i32
      %dma_start3A_57 = tpu.memref_slice %arg9[%add3A_27, %dma_start3A_56] : memref<10240x128xf32, #tpu.memory_space<vmem_shared>> -> memref<64x128xf32, #tpu.memory_space<vmem_shared>>
      %dma_start3A_58 = arith.constant 0 : i32
      %dma_start3A_59 = arith.constant 0 : i32
      %dma_start3A_60 = tpu.memref_slice %arg8[%run_scoped3A_28, %dma_start3A_58, %dma_start3A_59] : memref<2x128x128xf32, #tpu.memory_space<vmem>> -> memref<1x64x128xf32, #tpu.memory_space<vmem>>
      %dma_start3A_61 = tpu.memref_squeeze %dma_start3A_60 : memref<1x64x128xf32, #tpu.memory_space<vmem>> -> memref<64x128xf32, #tpu.memory_space<vmem>>
      tpu.enqueue_dma source(%dma_start3A_61 : memref<64x128xf32, #tpu.memory_space<vmem>>) target(%dma_start3A_57 : memref<64x128xf32, #tpu.memory_space<vmem_shared>>) target_semaphore(%run_scoped3A_50 : memref<!tpu.dma_semaphore, #tpu.memory_space<semaphore_mem>>)
      %dma_wait3A = arith.constant 0 : i32
      %dma_wait3A_62 = arith.constant 0 : i32
      %dma_wait3A_63 = tpu.memref_slice %arg8[%run_scoped3A_28, %dma_wait3A, %dma_wait3A_62] : memref<2x128x128xf32, #tpu.memory_space<vmem>> -> memref<1x64x128xf32, #tpu.memory_space<vmem>>
      %dma_wait3A_64 = tpu.memref_squeeze %dma_wait3A_63 : memref<1x64x128xf32, #tpu.memory_space<vmem>> -> memref<64x128xf32, #tpu.memory_space<vmem>>
      %dma_wait3A_65 = arith.constant 0 : i32
      %dma_wait3A_66 = tpu.memref_slice %arg9[%add3A_27, %dma_wait3A_65] : memref<10240x128xf32, #tpu.memory_space<vmem_shared>> -> memref<64x128xf32, #tpu.memory_space<vmem_shared>>
      %dma_wait3A_67 = arith.constant 0 : i32
      %dma_wait3A_68 = tpu.memref_slice %arg9[%add3A_27, %dma_wait3A_67] : memref<10240x128xf32, #tpu.memory_space<vmem_shared>> -> memref<64x128xf32, #tpu.memory_space<vmem_shared>>
      %dma_wait3A_69 = arith.constant 0 : i32
      %dma_wait3A_70 = arith.constant 0 : i32
      %dma_wait3A_71 = tpu.memref_slice %arg8[%run_scoped3A_28, %dma_wait3A_69, %dma_wait3A_70] : memref<2x128x128xf32, #tpu.memory_space<vmem>> -> memref<1x64x128xf32, #tpu.memory_space<vmem>>
      %dma_wait3A_72 = tpu.memref_squeeze %dma_wait3A_71 : memref<1x64x128xf32, #tpu.memory_space<vmem>> -> memref<64x128xf32, #tpu.memory_space<vmem>>
      tpu.wait_dma2 semaphore(%run_scoped3A_50 : memref<!tpu.dma_semaphore, #tpu.memory_space<semaphore_mem>>) src(%dma_wait3A_72 : memref<64x128xf32, #tpu.memory_space<vmem>>) dst(%dma_wait3A_68 : memref<64x128xf32, #tpu.memory_space<vmem_shared>>)
      tpu.yield
    }) : () -> ()
    %add3A_29 = arith.constant 448 : i32
    %add3A_30 = arith.addi %mul3A_8, %add3A_29 : i32
    %run_scoped3A_31 = arith.constant 0 : i32
    "tpu.region"() ({
      %run_scoped3A_50 = tpu.sem_alloc : memref<!tpu.dma_semaphore, #tpu.memory_space<semaphore_mem>>
      %dma_start3A = arith.constant 0 : i32
      %dma_start3A_51 = arith.constant 0 : i32
      %dma_start3A_52 = tpu.memref_slice %arg8[%run_scoped3A_31, %dma_start3A, %dma_start3A_51] : memref<2x128x128xf32, #tpu.memory_space<vmem>> -> memref<1x64x128xf32, #tpu.memory_space<vmem>>
      %dma_start3A_53 = tpu.memref_squeeze %dma_start3A_52 : memref<1x64x128xf32, #tpu.memory_space<vmem>> -> memref<64x128xf32, #tpu.memory_space<vmem>>
      %dma_start3A_54 = arith.constant 0 : i32
      %dma_start3A_55 = tpu.memref_slice %arg9[%add3A_30, %dma_start3A_54] : memref<10240x128xf32, #tpu.memory_space<vmem_shared>> -> memref<64x128xf32, #tpu.memory_space<vmem_shared>>
      %dma_start3A_56 = arith.constant 0 : i32
      %dma_start3A_57 = tpu.memref_slice %arg9[%add3A_30, %dma_start3A_56] : memref<10240x128xf32, #tpu.memory_space<vmem_shared>> -> memref<64x128xf32, #tpu.memory_space<vmem_shared>>
      %dma_start3A_58 = arith.constant 0 : i32
      %dma_start3A_59 = arith.constant 0 : i32
      %dma_start3A_60 = tpu.memref_slice %arg8[%run_scoped3A_31, %dma_start3A_58, %dma_start3A_59] : memref<2x128x128xf32, #tpu.memory_space<vmem>> -> memref<1x64x128xf32, #tpu.memory_space<vmem>>
      %dma_start3A_61 = tpu.memref_squeeze %dma_start3A_60 : memref<1x64x128xf32, #tpu.memory_space<vmem>> -> memref<64x128xf32, #tpu.memory_space<vmem>>
      tpu.enqueue_dma source(%dma_start3A_61 : memref<64x128xf32, #tpu.memory_space<vmem>>) target(%dma_start3A_57 : memref<64x128xf32, #tpu.memory_space<vmem_shared>>) target_semaphore(%run_scoped3A_50 : memref<!tpu.dma_semaphore, #tpu.memory_space<semaphore_mem>>)
      %dma_wait3A = arith.constant 0 : i32
      %dma_wait3A_62 = arith.constant 0 : i32
      %dma_wait3A_63 = tpu.memref_slice %arg8[%run_scoped3A_31, %dma_wait3A, %dma_wait3A_62] : memref<2x128x128xf32, #tpu.memory_space<vmem>> -> memref<1x64x128xf32, #tpu.memory_space<vmem>>
      %dma_wait3A_64 = tpu.memref_squeeze %dma_wait3A_63 : memref<1x64x128xf32, #tpu.memory_space<vmem>> -> memref<64x128xf32, #tpu.memory_space<vmem>>
      %dma_wait3A_65 = arith.constant 0 : i32
      %dma_wait3A_66 = tpu.memref_slice %arg9[%add3A_30, %dma_wait3A_65] : memref<10240x128xf32, #tpu.memory_space<vmem_shared>> -> memref<64x128xf32, #tpu.memory_space<vmem_shared>>
      %dma_wait3A_67 = arith.constant 0 : i32
      %dma_wait3A_68 = tpu.memref_slice %arg9[%add3A_30, %dma_wait3A_67] : memref<10240x128xf32, #tpu.memory_space<vmem_shared>> -> memref<64x128xf32, #tpu.memory_space<vmem_shared>>
      %dma_wait3A_69 = arith.constant 0 : i32
      %dma_wait3A_70 = arith.constant 0 : i32
      %dma_wait3A_71 = tpu.memref_slice %arg8[%run_scoped3A_31, %dma_wait3A_69, %dma_wait3A_70] : memref<2x128x128xf32, #tpu.memory_space<vmem>> -> memref<1x64x128xf32, #tpu.memory_space<vmem>>
      %dma_wait3A_72 = tpu.memref_squeeze %dma_wait3A_71 : memref<1x64x128xf32, #tpu.memory_space<vmem>> -> memref<64x128xf32, #tpu.memory_space<vmem>>
      tpu.wait_dma2 semaphore(%run_scoped3A_50 : memref<!tpu.dma_semaphore, #tpu.memory_space<semaphore_mem>>) src(%dma_wait3A_72 : memref<64x128xf32, #tpu.memory_space<vmem>>) dst(%dma_wait3A_68 : memref<64x128xf32, #tpu.memory_space<vmem_shared>>)
      tpu.yield
    }) : () -> ()
    %add3A_32 = arith.constant 512 : i32
    %add3A_33 = arith.addi %mul3A_8, %add3A_32 : i32
    %run_scoped3A_34 = arith.constant 0 : i32
    "tpu.region"() ({
      %run_scoped3A_50 = tpu.sem_alloc : memref<!tpu.dma_semaphore, #tpu.memory_space<semaphore_mem>>
      %dma_start3A = arith.constant 0 : i32
      %dma_start3A_51 = arith.constant 0 : i32
      %dma_start3A_52 = tpu.memref_slice %arg8[%run_scoped3A_34, %dma_start3A, %dma_start3A_51] : memref<2x128x128xf32, #tpu.memory_space<vmem>> -> memref<1x64x128xf32, #tpu.memory_space<vmem>>
      %dma_start3A_53 = tpu.memref_squeeze %dma_start3A_52 : memref<1x64x128xf32, #tpu.memory_space<vmem>> -> memref<64x128xf32, #tpu.memory_space<vmem>>
      %dma_start3A_54 = arith.constant 0 : i32
      %dma_start3A_55 = tpu.memref_slice %arg9[%add3A_33, %dma_start3A_54] : memref<10240x128xf32, #tpu.memory_space<vmem_shared>> -> memref<64x128xf32, #tpu.memory_space<vmem_shared>>
      %dma_start3A_56 = arith.constant 0 : i32
      %dma_start3A_57 = tpu.memref_slice %arg9[%add3A_33, %dma_start3A_56] : memref<10240x128xf32, #tpu.memory_space<vmem_shared>> -> memref<64x128xf32, #tpu.memory_space<vmem_shared>>
      %dma_start3A_58 = arith.constant 0 : i32
      %dma_start3A_59 = arith.constant 0 : i32
      %dma_start3A_60 = tpu.memref_slice %arg8[%run_scoped3A_34, %dma_start3A_58, %dma_start3A_59] : memref<2x128x128xf32, #tpu.memory_space<vmem>> -> memref<1x64x128xf32, #tpu.memory_space<vmem>>
      %dma_start3A_61 = tpu.memref_squeeze %dma_start3A_60 : memref<1x64x128xf32, #tpu.memory_space<vmem>> -> memref<64x128xf32, #tpu.memory_space<vmem>>
      tpu.enqueue_dma source(%dma_start3A_61 : memref<64x128xf32, #tpu.memory_space<vmem>>) target(%dma_start3A_57 : memref<64x128xf32, #tpu.memory_space<vmem_shared>>) target_semaphore(%run_scoped3A_50 : memref<!tpu.dma_semaphore, #tpu.memory_space<semaphore_mem>>)
      %dma_wait3A = arith.constant 0 : i32
      %dma_wait3A_62 = arith.constant 0 : i32
      %dma_wait3A_63 = tpu.memref_slice %arg8[%run_scoped3A_34, %dma_wait3A, %dma_wait3A_62] : memref<2x128x128xf32, #tpu.memory_space<vmem>> -> memref<1x64x128xf32, #tpu.memory_space<vmem>>
      %dma_wait3A_64 = tpu.memref_squeeze %dma_wait3A_63 : memref<1x64x128xf32, #tpu.memory_space<vmem>> -> memref<64x128xf32, #tpu.memory_space<vmem>>
      %dma_wait3A_65 = arith.constant 0 : i32
      %dma_wait3A_66 = tpu.memref_slice %arg9[%add3A_33, %dma_wait3A_65] : memref<10240x128xf32, #tpu.memory_space<vmem_shared>> -> memref<64x128xf32, #tpu.memory_space<vmem_shared>>
      %dma_wait3A_67 = arith.constant 0 : i32
      %dma_wait3A_68 = tpu.memref_slice %arg9[%add3A_33, %dma_wait3A_67] : memref<10240x128xf32, #tpu.memory_space<vmem_shared>> -> memref<64x128xf32, #tpu.memory_space<vmem_shared>>
      %dma_wait3A_69 = arith.constant 0 : i32
      %dma_wait3A_70 = arith.constant 0 : i32
      %dma_wait3A_71 = tpu.memref_slice %arg8[%run_scoped3A_34, %dma_wait3A_69, %dma_wait3A_70] : memref<2x128x128xf32, #tpu.memory_space<vmem>> -> memref<1x64x128xf32, #tpu.memory_space<vmem>>
      %dma_wait3A_72 = tpu.memref_squeeze %dma_wait3A_71 : memref<1x64x128xf32, #tpu.memory_space<vmem>> -> memref<64x128xf32, #tpu.memory_space<vmem>>
      tpu.wait_dma2 semaphore(%run_scoped3A_50 : memref<!tpu.dma_semaphore, #tpu.memory_space<semaphore_mem>>) src(%dma_wait3A_72 : memref<64x128xf32, #tpu.memory_space<vmem>>) dst(%dma_wait3A_68 : memref<64x128xf32, #tpu.memory_space<vmem_shared>>)
      tpu.yield
    }) : () -> ()
    %add3A_35 = arith.constant 576 : i32
    %add3A_36 = arith.addi %mul3A_8, %add3A_35 : i32
    %run_scoped3A_37 = arith.constant 0 : i32
    "tpu.region"() ({
      %run_scoped3A_50 = tpu.sem_alloc : memref<!tpu.dma_semaphore, #tpu.memory_space<semaphore_mem>>
      %dma_start3A = arith.constant 0 : i32
      %dma_start3A_51 = arith.constant 0 : i32
      %dma_start3A_52 = tpu.memref_slice %arg8[%run_scoped3A_37, %dma_start3A, %dma_start3A_51] : memref<2x128x128xf32, #tpu.memory_space<vmem>> -> memref<1x64x128xf32, #tpu.memory_space<vmem>>
      %dma_start3A_53 = tpu.memref_squeeze %dma_start3A_52 : memref<1x64x128xf32, #tpu.memory_space<vmem>> -> memref<64x128xf32, #tpu.memory_space<vmem>>
      %dma_start3A_54 = arith.constant 0 : i32
      %dma_start3A_55 = tpu.memref_slice %arg9[%add3A_36, %dma_start3A_54] : memref<10240x128xf32, #tpu.memory_space<vmem_shared>> -> memref<64x128xf32, #tpu.memory_space<vmem_shared>>
      %dma_start3A_56 = arith.constant 0 : i32
      %dma_start3A_57 = tpu.memref_slice %arg9[%add3A_36, %dma_start3A_56] : memref<10240x128xf32, #tpu.memory_space<vmem_shared>> -> memref<64x128xf32, #tpu.memory_space<vmem_shared>>
      %dma_start3A_58 = arith.constant 0 : i32
      %dma_start3A_59 = arith.constant 0 : i32
      %dma_start3A_60 = tpu.memref_slice %arg8[%run_scoped3A_37, %dma_start3A_58, %dma_start3A_59] : memref<2x128x128xf32, #tpu.memory_space<vmem>> -> memref<1x64x128xf32, #tpu.memory_space<vmem>>
      %dma_start3A_61 = tpu.memref_squeeze %dma_start3A_60 : memref<1x64x128xf32, #tpu.memory_space<vmem>> -> memref<64x128xf32, #tpu.memory_space<vmem>>
      tpu.enqueue_dma source(%dma_start3A_61 : memref<64x128xf32, #tpu.memory_space<vmem>>) target(%dma_start3A_57 : memref<64x128xf32, #tpu.memory_space<vmem_shared>>) target_semaphore(%run_scoped3A_50 : memref<!tpu.dma_semaphore, #tpu.memory_space<semaphore_mem>>)
      %dma_wait3A = arith.constant 0 : i32
      %dma_wait3A_62 = arith.constant 0 : i32
      %dma_wait3A_63 = tpu.memref_slice %arg8[%run_scoped3A_37, %dma_wait3A, %dma_wait3A_62] : memref<2x128x128xf32, #tpu.memory_space<vmem>> -> memref<1x64x128xf32, #tpu.memory_space<vmem>>
      %dma_wait3A_64 = tpu.memref_squeeze %dma_wait3A_63 : memref<1x64x128xf32, #tpu.memory_space<vmem>> -> memref<64x128xf32, #tpu.memory_space<vmem>>
      %dma_wait3A_65 = arith.constant 0 : i32
      %dma_wait3A_66 = tpu.memref_slice %arg9[%add3A_36, %dma_wait3A_65] : memref<10240x128xf32, #tpu.memory_space<vmem_shared>> -> memref<64x128xf32, #tpu.memory_space<vmem_shared>>
      %dma_wait3A_67 = arith.constant 0 : i32
      %dma_wait3A_68 = tpu.memref_slice %arg9[%add3A_36, %dma_wait3A_67] : memref<10240x128xf32, #tpu.memory_space<vmem_shared>> -> memref<64x128xf32, #tpu.memory_space<vmem_shared>>
      %dma_wait3A_69 = arith.constant 0 : i32
      %dma_wait3A_70 = arith.constant 0 : i32
      %dma_wait3A_71 = tpu.memref_slice %arg8[%run_scoped3A_37, %dma_wait3A_69, %dma_wait3A_70] : memref<2x128x128xf32, #tpu.memory_space<vmem>> -> memref<1x64x128xf32, #tpu.memory_space<vmem>>
      %dma_wait3A_72 = tpu.memref_squeeze %dma_wait3A_71 : memref<1x64x128xf32, #tpu.memory_space<vmem>> -> memref<64x128xf32, #tpu.memory_space<vmem>>
      tpu.wait_dma2 semaphore(%run_scoped3A_50 : memref<!tpu.dma_semaphore, #tpu.memory_space<semaphore_mem>>) src(%dma_wait3A_72 : memref<64x128xf32, #tpu.memory_space<vmem>>) dst(%dma_wait3A_68 : memref<64x128xf32, #tpu.memory_space<vmem_shared>>)
      tpu.yield
    }) : () -> ()
    %barrier3A = arith.constant 0 : index
    tpu.barrier barrier_id(%barrier3A)
    %scan3A_38 = arith.constant 0 : i32
    %scan3A_39 = arith.constant 0 : i32
    %scan3A_40 = arith.constant 2 : i32
    %scan3A_41 = arith.addi %scan3A_39, %scan3A_40 : i32
    %scan3A_42 = arith.constant 1 : i32
    %scan3A_43 = scf.for %scan3A_50 = %scan3A_39 to %scan3A_41 step %scan3A_42 iter_args(%scan3A_51 = %scan3A_38) -> (i32)  : i32 {
      %mul3A_52 = arith.constant 80 : i32
      %mul3A_53 = arith.muli %add3A, %mul3A_52 : i32
      %mul3A_54 = arith.constant 40 : i32
      %mul3A_55 = arith.muli %scan3A_50, %mul3A_54 : i32
      %add3A_56 = arith.addi %mul3A_53, %mul3A_55 : i32
      "tpu.region"() ({
        %run_scoped3A_65 = tpu.sem_alloc : memref<!tpu.dma_semaphore, #tpu.memory_space<semaphore_mem>>
        %dma_start3A = arith.constant 0 : i32
        %dma_start3A_66 = tpu.memref_slice %arg3[%add3A_56, %dma_start3A] : memref<2560x128xi32, #tpu.memory_space<hbm>> -> memref<40x128xi32, #tpu.memory_space<hbm>>
        %dma_start3A_67 = arith.constant 0 : i32
        %dma_start3A_68 = tpu.memref_slice %arg3[%add3A_56, %dma_start3A_67] : memref<2560x128xi32, #tpu.memory_space<hbm>> -> memref<40x128xi32, #tpu.memory_space<hbm>>
        tpu.enqueue_dma source(%dma_start3A_68 : memref<40x128xi32, #tpu.memory_space<hbm>>) target(%arg6 : memref<40x128xi32, #tpu.memory_space<vmem>>) target_semaphore(%run_scoped3A_65 : memref<!tpu.dma_semaphore, #tpu.memory_space<semaphore_mem>>)
        %dma_wait3A = arith.constant 0 : i32
        %dma_wait3A_69 = tpu.memref_slice %arg3[%add3A_56, %dma_wait3A] : memref<2560x128xi32, #tpu.memory_space<hbm>> -> memref<40x128xi32, #tpu.memory_space<hbm>>
        %dma_wait3A_70 = arith.constant 0 : i32
        %dma_wait3A_71 = tpu.memref_slice %arg3[%add3A_56, %dma_wait3A_70] : memref<2560x128xi32, #tpu.memory_space<hbm>> -> memref<40x128xi32, #tpu.memory_space<hbm>>
        tpu.wait_dma2 semaphore(%run_scoped3A_65 : memref<!tpu.dma_semaphore, #tpu.memory_space<semaphore_mem>>) src(%dma_wait3A_71 : memref<40x128xi32, #tpu.memory_space<hbm>>) dst(%arg6 : memref<40x128xi32, #tpu.memory_space<vmem>>)
        tpu.yield
      }) : () -> ()
      "tpu.region"() ({
        %run_scoped3A_65 = tpu.sem_alloc : memref<!tpu.dma_semaphore, #tpu.memory_space<semaphore_mem>>
        %dma_start3A = arith.constant 0 : i32
        %dma_start3A_66 = tpu.memref_slice %arg4[%add3A_56, %dma_start3A] : memref<2560x128xi32, #tpu.memory_space<hbm>> -> memref<40x128xi32, #tpu.memory_space<hbm>>
        %dma_start3A_67 = arith.constant 0 : i32
        %dma_start3A_68 = tpu.memref_slice %arg4[%add3A_56, %dma_start3A_67] : memref<2560x128xi32, #tpu.memory_space<hbm>> -> memref<40x128xi32, #tpu.memory_space<hbm>>
        tpu.enqueue_dma source(%dma_start3A_68 : memref<40x128xi32, #tpu.memory_space<hbm>>) target(%arg7 : memref<40x128xi32, #tpu.memory_space<vmem>>) target_semaphore(%run_scoped3A_65 : memref<!tpu.dma_semaphore, #tpu.memory_space<semaphore_mem>>)
        %dma_wait3A = arith.constant 0 : i32
        %dma_wait3A_69 = tpu.memref_slice %arg4[%add3A_56, %dma_wait3A] : memref<2560x128xi32, #tpu.memory_space<hbm>> -> memref<40x128xi32, #tpu.memory_space<hbm>>
        %dma_wait3A_70 = arith.constant 0 : i32
        %dma_wait3A_71 = tpu.memref_slice %arg4[%add3A_56, %dma_wait3A_70] : memref<2560x128xi32, #tpu.memory_space<hbm>> -> memref<40x128xi32, #tpu.memory_space<hbm>>
        tpu.wait_dma2 semaphore(%run_scoped3A_65 : memref<!tpu.dma_semaphore, #tpu.memory_space<semaphore_mem>>) src(%dma_wait3A_71 : memref<40x128xi32, #tpu.memory_space<hbm>>) dst(%arg7 : memref<40x128xi32, #tpu.memory_space<vmem>>)
        tpu.yield
      }) : () -> ()
      %scan3A_57 = arith.constant 0 : i32
      %scan3A_58 = arith.constant 0 : i32
      %scan3A_59 = arith.constant 42 : i32
      %scan3A_60 = arith.addi %scan3A_58, %scan3A_59 : i32
      %scan3A_61 = arith.constant 1 : i32
      %scan3A_62 = scf.for %scan3A_65 = %scan3A_58 to %scan3A_60 step %scan3A_61 iter_args(%scan3A_66 = %scan3A_57) -> (i32)  : i32 {
        %ge3A = arith.constant 1 : i32
        %ge3A_67 = arith.cmpi sge, %scan3A_65, %ge3A : i32
        %lt3A = arith.constant 41 : i32
        %lt3A_68 = arith.cmpi slt, %scan3A_65, %lt3A : i32
        %and3A = arith.andi %ge3A_67, %lt3A_68 : i1
        %convert_element_type3A = arith.extui %and3A : i1 to i32
        %cond3A = arith.constant 0 : i32
        %cond3A_69 = arith.cmpi ne, %convert_element_type3A, %cond3A : i32
        scf.if %cond3A_69 {
          %sub3A = arith.constant 1 : i32
          %sub3A_89 = arith.subi %scan3A_65, %sub3A : i32
          %jit3A = arith.constant 2 : i32
          %eq3A = arith.constant 0 : i32
          %eq3A_90 = arith.cmpi eq, %jit3A, %eq3A : i32
          %jit3A_91 = arith.constant 1 : i32
          %select_n3A = arith.select %eq3A_90, %jit3A_91, %jit3A : i32
          %rem3A = arith.remsi %sub3A_89, %select_n3A : i32
          %ne3A = arith.constant 0 : i32
          %ne3A_92 = arith.cmpi ne, %rem3A, %ne3A : i32
          %lt3A_93 = arith.constant 0 : i32
          %lt3A_94 = arith.cmpi slt, %rem3A, %lt3A_93 : i32
          %lt3A_95 = arith.constant 0 : i32
          %lt3A_96 = arith.cmpi slt, %select_n3A, %lt3A_95 : i32
          %ne3A_97 = arith.xori %lt3A_94, %lt3A_96 : i1
          %and3A_98 = arith.andi %ne3A_97, %ne3A_92 : i1
          %add3A_99 = arith.addi %rem3A, %select_n3A : i32
          %select_n3A_100 = arith.select %and3A_98, %add3A_99, %rem3A : i32
          %dma_wait3A = arith.constant 0 : i32
          %dma_wait3A_101 = arith.constant 0 : i32
          %dma_wait3A_102 = tpu.memref_slice %arg8[%select_n3A_100, %dma_wait3A, %dma_wait3A_101] : memref<2x128x128xf32, #tpu.memory_space<vmem>> -> memref<1x128x128xf32, #tpu.memory_space<vmem>>
          %dma_wait3A_103 = tpu.memref_squeeze %dma_wait3A_102 : memref<1x128x128xf32, #tpu.memory_space<vmem>> -> memref<128x128xf32, #tpu.memory_space<vmem>>
          %dma_wait3A_104 = arith.constant 0 : i32
          %dma_wait3A_105 = tpu.memref_slice %arg6[%sub3A_89, %dma_wait3A_104] : memref<40x128xi32, #tpu.memory_space<vmem>> -> memref<1x128xi32, #tpu.memory_space<vmem>>
          %dma_wait3A_106 = tpu.memref_squeeze %dma_wait3A_105 : memref<1x128xi32, #tpu.memory_space<vmem>> -> memref<128xi32, #tpu.memory_space<vmem>>
          %dma_wait3A_107 = arith.constant 0 : i32
          %dma_wait3A_108 = arith.constant 0 : i32
          %dma_wait3A_109 = tpu.memref_slice %arg2[%dma_wait3A_107, %dma_wait3A_108] : memref<10000x128xf32, #tpu.memory_space<hbm>> -> memref<10000x128xf32, #tpu.memory_space<hbm>>
          %dma_wait3A_110 = tpu.memref_slice %arg10[%select_n3A_100] : memref<2x!tpu.dma_semaphore, #tpu.memory_space<semaphore_mem>> -> memref<1x!tpu.dma_semaphore, #tpu.memory_space<semaphore_mem>>
          %dma_wait3A_111 = tpu.memref_squeeze %dma_wait3A_110 : memref<1x!tpu.dma_semaphore, #tpu.memory_space<semaphore_mem>> -> memref<!tpu.dma_semaphore, #tpu.memory_space<semaphore_mem>>
          tpu.wait_indirect_dma semaphore(%dma_wait3A_111 : memref<!tpu.dma_semaphore, #tpu.memory_space<semaphore_mem>>) src(%dma_wait3A_109 : memref<10000x128xf32, #tpu.memory_space<hbm>>) dst(%dma_wait3A_103 : memref<128x128xf32, #tpu.memory_space<vmem>>)
          %jit3A_112 = arith.constant 2 : i32
          %eq3A_113 = arith.constant 0 : i32
          %eq3A_114 = arith.cmpi eq, %jit3A_112, %eq3A_113 : i32
          %jit3A_115 = arith.constant 1 : i32
          %select_n3A_116 = arith.select %eq3A_114, %jit3A_115, %jit3A_112 : i32
          %rem3A_117 = arith.remsi %sub3A_89, %select_n3A_116 : i32
          %ne3A_118 = arith.constant 0 : i32
          %ne3A_119 = arith.cmpi ne, %rem3A_117, %ne3A_118 : i32
          %lt3A_120 = arith.constant 0 : i32
          %lt3A_121 = arith.cmpi slt, %rem3A_117, %lt3A_120 : i32
          %lt3A_122 = arith.constant 0 : i32
          %lt3A_123 = arith.cmpi slt, %select_n3A_116, %lt3A_122 : i32
          %ne3A_124 = arith.xori %lt3A_121, %lt3A_123 : i1
          %and3A_125 = arith.andi %ne3A_124, %ne3A_119 : i1
          %add3A_126 = arith.addi %rem3A_117, %select_n3A_116 : i32
          %select_n3A_127 = arith.select %and3A_125, %add3A_126, %rem3A_117 : i32
          %dma_start3A = arith.constant 0 : i32
          %dma_start3A_128 = arith.constant 0 : i32
          %dma_start3A_129 = tpu.memref_slice %arg8[%select_n3A_127, %dma_start3A, %dma_start3A_128] : memref<2x128x128xf32, #tpu.memory_space<vmem>> -> memref<1x128x128xf32, #tpu.memory_space<vmem>>
          %dma_start3A_130 = tpu.memref_squeeze %dma_start3A_129 : memref<1x128x128xf32, #tpu.memory_space<vmem>> -> memref<128x128xf32, #tpu.memory_space<vmem>>
          %dma_start3A_131 = arith.constant 0 : i32
          %dma_start3A_132 = tpu.memref_slice %arg7[%sub3A_89, %dma_start3A_131] : memref<40x128xi32, #tpu.memory_space<vmem>> -> memref<1x128xi32, #tpu.memory_space<vmem>>
          %dma_start3A_133 = tpu.memref_squeeze %dma_start3A_132 : memref<1x128xi32, #tpu.memory_space<vmem>> -> memref<128xi32, #tpu.memory_space<vmem>>
          %dma_start3A_134 = arith.constant 0 : i32
          %dma_start3A_135 = arith.constant 0 : i32
          %dma_start3A_136 = tpu.memref_slice %arg9[%dma_start3A_134, %dma_start3A_135] : memref<10240x128xf32, #tpu.memory_space<vmem_shared>> -> memref<10240x128xf32, #tpu.memory_space<vmem_shared>>
          %dma_start3A_137 = tpu.memref_slice %arg11[%select_n3A_127] : memref<2x!tpu.dma_semaphore, #tpu.memory_space<semaphore_mem>> -> memref<1x!tpu.dma_semaphore, #tpu.memory_space<semaphore_mem>>
          %dma_start3A_138 = tpu.memref_squeeze %dma_start3A_137 : memref<1x!tpu.dma_semaphore, #tpu.memory_space<semaphore_mem>> -> memref<!tpu.dma_semaphore, #tpu.memory_space<semaphore_mem>>
          tpu.enqueue_indirect_dma source(%dma_start3A_130 : memref<128x128xf32, #tpu.memory_space<vmem>>) target(%dma_start3A_136 : memref<10240x128xf32, #tpu.memory_space<vmem_shared>>) offsets(%dma_start3A_133 : memref<128xi32, #tpu.memory_space<vmem>>) semaphore(%dma_start3A_138 : memref<!tpu.dma_semaphore, #tpu.memory_space<semaphore_mem>>) {add = true}
        } else {
        }
        %ge3A_70 = arith.constant 2 : i32
        %ge3A_71 = arith.cmpi sge, %scan3A_65, %ge3A_70 : i32
        %lt3A_72 = arith.constant 40 : i32
        %lt3A_73 = arith.cmpi slt, %scan3A_65, %lt3A_72 : i32
        %and3A_74 = arith.andi %ge3A_71, %lt3A_73 : i1
        %convert_element_type3A_75 = arith.extui %and3A_74 : i1 to i32
        %cond3A_76 = arith.constant 0 : i32
        %cond3A_77 = arith.cmpi ne, %convert_element_type3A_75, %cond3A_76 : i32
        scf.if %cond3A_77 {
          %sub3A = arith.constant 2 : i32
          %sub3A_89 = arith.subi %scan3A_65, %sub3A : i32
          %jit3A = arith.constant 2 : i32
          %eq3A = arith.constant 0 : i32
          %eq3A_90 = arith.cmpi eq, %jit3A, %eq3A : i32
          %jit3A_91 = arith.constant 1 : i32
          %select_n3A = arith.select %eq3A_90, %jit3A_91, %jit3A : i32
          %rem3A = arith.remsi %scan3A_65, %select_n3A : i32
          %ne3A = arith.constant 0 : i32
          %ne3A_92 = arith.cmpi ne, %rem3A, %ne3A : i32
          %lt3A_93 = arith.constant 0 : i32
          %lt3A_94 = arith.cmpi slt, %rem3A, %lt3A_93 : i32
          %lt3A_95 = arith.constant 0 : i32
          %lt3A_96 = arith.cmpi slt, %select_n3A, %lt3A_95 : i32
          %ne3A_97 = arith.xori %lt3A_94, %lt3A_96 : i1
          %and3A_98 = arith.andi %ne3A_97, %ne3A_92 : i1
          %add3A_99 = arith.addi %rem3A, %select_n3A : i32
          %select_n3A_100 = arith.select %and3A_98, %add3A_99, %rem3A : i32
          %dma_wait3A = arith.constant 0 : i32
          %dma_wait3A_101 = arith.constant 0 : i32
          %dma_wait3A_102 = tpu.memref_slice %arg8[%select_n3A_100, %dma_wait3A, %dma_wait3A_101] : memref<2x128x128xf32, #tpu.memory_space<vmem>> -> memref<1x128x128xf32, #tpu.memory_space<vmem>>
          %dma_wait3A_103 = tpu.memref_squeeze %dma_wait3A_102 : memref<1x128x128xf32, #tpu.memory_space<vmem>> -> memref<128x128xf32, #tpu.memory_space<vmem>>
          %dma_wait3A_104 = arith.constant 0 : i32
          %dma_wait3A_105 = tpu.memref_slice %arg7[%sub3A_89, %dma_wait3A_104] : memref<40x128xi32, #tpu.memory_space<vmem>> -> memref<1x128xi32, #tpu.memory_space<vmem>>
          %dma_wait3A_106 = tpu.memref_squeeze %dma_wait3A_105 : memref<1x128xi32, #tpu.memory_space<vmem>> -> memref<128xi32, #tpu.memory_space<vmem>>
          %dma_wait3A_107 = arith.constant 0 : i32
          %dma_wait3A_108 = arith.constant 0 : i32
          %dma_wait3A_109 = tpu.memref_slice %arg9[%dma_wait3A_107, %dma_wait3A_108] : memref<10240x128xf32, #tpu.memory_space<vmem_shared>> -> memref<10240x128xf32, #tpu.memory_space<vmem_shared>>
          %dma_wait3A_110 = tpu.memref_slice %arg11[%select_n3A_100] : memref<2x!tpu.dma_semaphore, #tpu.memory_space<semaphore_mem>> -> memref<1x!tpu.dma_semaphore, #tpu.memory_space<semaphore_mem>>
          %dma_wait3A_111 = tpu.memref_squeeze %dma_wait3A_110 : memref<1x!tpu.dma_semaphore, #tpu.memory_space<semaphore_mem>> -> memref<!tpu.dma_semaphore, #tpu.memory_space<semaphore_mem>>
          tpu.wait_indirect_dma semaphore(%dma_wait3A_111 : memref<!tpu.dma_semaphore, #tpu.memory_space<semaphore_mem>>) src(%dma_wait3A_103 : memref<128x128xf32, #tpu.memory_space<vmem>>) dst(%dma_wait3A_109 : memref<10240x128xf32, #tpu.memory_space<vmem_shared>>)
        } else {
        }
        %lt3A_78 = arith.constant 40 : i32
        %lt3A_79 = arith.cmpi slt, %scan3A_65, %lt3A_78 : i32
        %convert_element_type3A_80 = arith.extui %lt3A_79 : i1 to i32
        %cond3A_81 = arith.constant 0 : i32
        %cond3A_82 = arith.cmpi ne, %convert_element_type3A_80, %cond3A_81 : i32
        scf.if %cond3A_82 {
          %jit3A = arith.constant 2 : i32
          %eq3A = arith.constant 0 : i32
          %eq3A_89 = arith.cmpi eq, %jit3A, %eq3A : i32
          %jit3A_90 = arith.constant 1 : i32
          %select_n3A = arith.select %eq3A_89, %jit3A_90, %jit3A : i32
          %rem3A = arith.remsi %scan3A_65, %select_n3A : i32
          %ne3A = arith.constant 0 : i32
          %ne3A_91 = arith.cmpi ne, %rem3A, %ne3A : i32
          %lt3A_92 = arith.constant 0 : i32
          %lt3A_93 = arith.cmpi slt, %rem3A, %lt3A_92 : i32
          %lt3A_94 = arith.constant 0 : i32
          %lt3A_95 = arith.cmpi slt, %select_n3A, %lt3A_94 : i32
          %ne3A_96 = arith.xori %lt3A_93, %lt3A_95 : i1
          %and3A_97 = arith.andi %ne3A_96, %ne3A_91 : i1
          %add3A_98 = arith.addi %rem3A, %select_n3A : i32
          %select_n3A_99 = arith.select %and3A_97, %add3A_98, %rem3A : i32
          %dma_start3A = arith.constant 0 : i32
          %dma_start3A_100 = arith.constant 0 : i32
          %dma_start3A_101 = tpu.memref_slice %arg8[%select_n3A_99, %dma_start3A, %dma_start3A_100] : memref<2x128x128xf32, #tpu.memory_space<vmem>> -> memref<1x128x128xf32, #tpu.memory_space<vmem>>
          %dma_start3A_102 = tpu.memref_squeeze %dma_start3A_101 : memref<1x128x128xf32, #tpu.memory_space<vmem>> -> memref<128x128xf32, #tpu.memory_space<vmem>>
          %dma_start3A_103 = arith.constant 0 : i32
          %dma_start3A_104 = tpu.memref_slice %arg6[%scan3A_65, %dma_start3A_103] : memref<40x128xi32, #tpu.memory_space<vmem>> -> memref<1x128xi32, #tpu.memory_space<vmem>>
          %dma_start3A_105 = tpu.memref_squeeze %dma_start3A_104 : memref<1x128xi32, #tpu.memory_space<vmem>> -> memref<128xi32, #tpu.memory_space<vmem>>
          %dma_start3A_106 = arith.constant 0 : i32
          %dma_start3A_107 = arith.constant 0 : i32
          %dma_start3A_108 = tpu.memref_slice %arg2[%dma_start3A_106, %dma_start3A_107] : memref<10000x128xf32, #tpu.memory_space<hbm>> -> memref<10000x128xf32, #tpu.memory_space<hbm>>
          %dma_start3A_109 = tpu.memref_slice %arg10[%select_n3A_99] : memref<2x!tpu.dma_semaphore, #tpu.memory_space<semaphore_mem>> -> memref<1x!tpu.dma_semaphore, #tpu.memory_space<semaphore_mem>>
          %dma_start3A_110 = tpu.memref_squeeze %dma_start3A_109 : memref<1x!tpu.dma_semaphore, #tpu.memory_space<semaphore_mem>> -> memref<!tpu.dma_semaphore, #tpu.memory_space<semaphore_mem>>
          tpu.enqueue_indirect_dma source(%dma_start3A_108 : memref<10000x128xf32, #tpu.memory_space<hbm>>) target(%dma_start3A_102 : memref<128x128xf32, #tpu.memory_space<vmem>>) offsets(%dma_start3A_105 : memref<128xi32, #tpu.memory_space<vmem>>) semaphore(%dma_start3A_110 : memref<!tpu.dma_semaphore, #tpu.memory_space<semaphore_mem>>)
        } else {
        }
        %ge3A_83 = arith.constant 40 : i32
        %ge3A_84 = arith.cmpi sge, %scan3A_65, %ge3A_83 : i32
        %convert_element_type3A_85 = arith.extui %ge3A_84 : i1 to i32
        %cond3A_86 = arith.constant 0 : i32
        %cond3A_87 = arith.cmpi ne, %convert_element_type3A_85, %cond3A_86 : i32
        scf.if %cond3A_87 {
          %sub3A = arith.constant 2 : i32
          %sub3A_89 = arith.subi %scan3A_65, %sub3A : i32
          %jit3A = arith.constant 2 : i32
          %eq3A = arith.constant 0 : i32
          %eq3A_90 = arith.cmpi eq, %jit3A, %eq3A : i32
          %jit3A_91 = arith.constant 1 : i32
          %select_n3A = arith.select %eq3A_90, %jit3A_91, %jit3A : i32
          %rem3A = arith.remsi %scan3A_65, %select_n3A : i32
          %ne3A = arith.constant 0 : i32
          %ne3A_92 = arith.cmpi ne, %rem3A, %ne3A : i32
          %lt3A_93 = arith.constant 0 : i32
          %lt3A_94 = arith.cmpi slt, %rem3A, %lt3A_93 : i32
          %lt3A_95 = arith.constant 0 : i32
          %lt3A_96 = arith.cmpi slt, %select_n3A, %lt3A_95 : i32
          %ne3A_97 = arith.xori %lt3A_94, %lt3A_96 : i1
          %and3A_98 = arith.andi %ne3A_97, %ne3A_92 : i1
          %add3A_99 = arith.addi %rem3A, %select_n3A : i32
          %select_n3A_100 = arith.select %and3A_98, %add3A_99, %rem3A : i32
          %dma_wait3A = arith.constant 0 : i32
          %dma_wait3A_101 = arith.constant 0 : i32
          %dma_wait3A_102 = tpu.memref_slice %arg8[%select_n3A_100, %dma_wait3A, %dma_wait3A_101] : memref<2x128x128xf32, #tpu.memory_space<vmem>> -> memref<1x128x128xf32, #tpu.memory_space<vmem>>
          %dma_wait3A_103 = tpu.memref_squeeze %dma_wait3A_102 : memref<1x128x128xf32, #tpu.memory_space<vmem>> -> memref<128x128xf32, #tpu.memory_space<vmem>>
          %dma_wait3A_104 = arith.constant 0 : i32
          %dma_wait3A_105 = tpu.memref_slice %arg7[%sub3A_89, %dma_wait3A_104] : memref<40x128xi32, #tpu.memory_space<vmem>> -> memref<1x128xi32, #tpu.memory_space<vmem>>
          %dma_wait3A_106 = tpu.memref_squeeze %dma_wait3A_105 : memref<1x128xi32, #tpu.memory_space<vmem>> -> memref<128xi32, #tpu.memory_space<vmem>>
          %dma_wait3A_107 = arith.constant 0 : i32
          %dma_wait3A_108 = arith.constant 0 : i32
          %dma_wait3A_109 = tpu.memref_slice %arg9[%dma_wait3A_107, %dma_wait3A_108] : memref<10240x128xf32, #tpu.memory_space<vmem_shared>> -> memref<10240x128xf32, #tpu.memory_space<vmem_shared>>
          %dma_wait3A_110 = tpu.memref_slice %arg11[%select_n3A_100] : memref<2x!tpu.dma_semaphore, #tpu.memory_space<semaphore_mem>> -> memref<1x!tpu.dma_semaphore, #tpu.memory_space<semaphore_mem>>
          %dma_wait3A_111 = tpu.memref_squeeze %dma_wait3A_110 : memref<1x!tpu.dma_semaphore, #tpu.memory_space<semaphore_mem>> -> memref<!tpu.dma_semaphore, #tpu.memory_space<semaphore_mem>>
          tpu.wait_indirect_dma semaphore(%dma_wait3A_111 : memref<!tpu.dma_semaphore, #tpu.memory_space<semaphore_mem>>) src(%dma_wait3A_103 : memref<128x128xf32, #tpu.memory_space<vmem>>) dst(%dma_wait3A_109 : memref<10240x128xf32, #tpu.memory_space<vmem_shared>>)
        } else {
        }
        %scan3A_88 = arith.constant 0 : i32
        scf.yield %scan3A_88 : i32
      }
      %scan3A_63 = arith.constant 42 : i32
      %scan3A_64 = arith.constant 0 : i32
      scf.yield %scan3A_64 : i32
    }
    %scan3A_44 = arith.constant 2 : i32
    %barrier3A_45 = arith.constant 0 : index
    tpu.barrier barrier_id(%barrier3A_45)
    %mul3A_46 = arith.constant 640 : i32
    %mul3A_47 = arith.muli %arg1, %mul3A_46 : i32
    %mul3A_48 = arith.constant 640 : i32
    %mul3A_49 = arith.muli %arg1, %mul3A_48 : i32
    "tpu.region"() ({
      %run_scoped3A_50 = tpu.sem_alloc : memref<!tpu.dma_semaphore, #tpu.memory_space<semaphore_mem>>
      %dma_start3A = arith.constant 0 : i32
      %dma_start3A_51 = tpu.memref_slice %arg5[%arg0, %mul3A_49, %dma_start3A] : memref<2x10240x128xf32, #tpu.memory_space<hbm>> -> memref<1x640x128xf32, #tpu.memory_space<hbm>>
      %dma_start3A_52 = tpu.memref_squeeze %dma_start3A_51 : memref<1x640x128xf32, #tpu.memory_space<hbm>> -> memref<640x128xf32, #tpu.memory_space<hbm>>
      %dma_start3A_53 = arith.constant 0 : i32
      %dma_start3A_54 = tpu.memref_slice %arg9[%mul3A_47, %dma_start3A_53] : memref<10240x128xf32, #tpu.memory_space<vmem_shared>> -> memref<640x128xf32, #tpu.memory_space<vmem_shared>>
      tpu.enqueue_dma source(%dma_start3A_54 : memref<640x128xf32, #tpu.memory_space<vmem_shared>>) target(%dma_start3A_52 : memref<640x128xf32, #tpu.memory_space<hbm>>) target_semaphore(%run_scoped3A_50 : memref<!tpu.dma_semaphore, #tpu.memory_space<semaphore_mem>>)
      %dma_wait3A = arith.constant 0 : i32
      %dma_wait3A_55 = tpu.memref_slice %arg5[%arg0, %mul3A_49, %dma_wait3A] : memref<2x10240x128xf32, #tpu.memory_space<hbm>> -> memref<1x640x128xf32, #tpu.memory_space<hbm>>
      %dma_wait3A_56 = tpu.memref_squeeze %dma_wait3A_55 : memref<1x640x128xf32, #tpu.memory_space<hbm>> -> memref<640x128xf32, #tpu.memory_space<hbm>>
      %dma_wait3A_57 = arith.constant 0 : i32
      %dma_wait3A_58 = tpu.memref_slice %arg9[%mul3A_47, %dma_wait3A_57] : memref<10240x128xf32, #tpu.memory_space<vmem_shared>> -> memref<640x128xf32, #tpu.memory_space<vmem_shared>>
      tpu.wait_dma2 semaphore(%run_scoped3A_50 : memref<!tpu.dma_semaphore, #tpu.memory_space<semaphore_mem>>) src(%dma_wait3A_58 : memref<640x128xf32, #tpu.memory_space<vmem_shared>>) dst(%dma_wait3A_56 : memref<640x128xf32, #tpu.memory_space<hbm>>)
      tpu.yield
    }) : () -> ()
    return
  }
}

#map = affine_map<(d0, d1) -> (0)>
#map1 = affine_map<(d0, d1) -> (0, 0)>
#map2 = affine_map<(d0, d1) -> (0, 0, 0)>
module attributes {stable_mosaic.version = 14 : i64} {
  func.func @_ktab_kernel(%arg0: i32, %arg1: i32, %arg2: memref<10240xi32, #tpu.memory_space<hbm>>, %arg3: memref<2560x128xi32, #tpu.memory_space<hbm>>, %arg4: memref<2560x128xi32, #tpu.memory_space<hbm>>, %arg5: memref<2x10240x128xf32, #tpu.memory_space<hbm>>, %arg6: memref<10240xi32, #tpu.memory_space<vmem>>, %arg7: memref<16x128xi32, #tpu.memory_space<vmem>>, %arg8: memref<16x128xi32, #tpu.memory_space<vmem>>, %arg9: memref<2x128x128xf32, #tpu.memory_space<vmem>>, %arg10: memref<2x128xi32, #tpu.memory_space<vmem>>, %arg11: memref<10240x128xf32, #tpu.memory_space<vmem_shared>>, %arg12: memref<2x!tpu.dma_semaphore, #tpu.memory_space<semaphore_mem>>) attributes {dimension_semantics = [#tpu.dimension_semantics<core_parallel>, #tpu.dimension_semantics<subcore_parallel>], iteration_bounds = array<i64: 2, 16>, scalar_prefetch = 0 : i64, scratch_operands = 7 : i64, tpu.core_type = #tpu.core_type<sc_vector_subcore>, window_params = [{transform_indices = #map}, {transform_indices = #map1}, {transform_indices = #map1}, {transform_indices = #map2}]} {
    %mul3A = arith.constant 16 : i32
    %mul3A_0 = arith.muli %arg0, %mul3A : i32
    %add3A = arith.addi %mul3A_0, %arg1 : i32
    "tpu.region"() ({
      %run_scoped3A_51 = tpu.sem_alloc : memref<!tpu.dma_semaphore, #tpu.memory_space<semaphore_mem>>
      tpu.enqueue_dma source(%arg2 : memref<10240xi32, #tpu.memory_space<hbm>>) target(%arg6 : memref<10240xi32, #tpu.memory_space<vmem>>) target_semaphore(%run_scoped3A_51 : memref<!tpu.dma_semaphore, #tpu.memory_space<semaphore_mem>>)
      tpu.wait_dma2 semaphore(%run_scoped3A_51 : memref<!tpu.dma_semaphore, #tpu.memory_space<semaphore_mem>>) src(%arg2 : memref<10240xi32, #tpu.memory_space<hbm>>) dst(%arg6 : memref<10240xi32, #tpu.memory_space<vmem>>)
      tpu.yield
    }) : () -> ()
    %scan3A = arith.constant 0 : i32
    %scan3A_1 = arith.constant 0 : i32
    %scan3A_2 = arith.constant 256 : i32
    %scan3A_3 = arith.addi %scan3A_1, %scan3A_2 : i32
    %scan3A_4 = arith.constant 1 : i32
    %scan3A_5 = scf.for %scan3A_51 = %scan3A_1 to %scan3A_3 step %scan3A_4 iter_args(%scan3A_52 = %scan3A) -> (i32)  : i32 {
      %broadcast_in_dim3A_53 = arith.constant 0.000000e+00 : f32
      %broadcast_in_dim3A_54 = vector.broadcast %broadcast_in_dim3A_53 : f32 to vector<16xf32>
      %jit3A = arith.constant 128 : i32
      %div3A = arith.divsi %scan3A_51, %jit3A : i32
      %sign3A = arith.constant 0 : i32
      %sign3A_55 = arith.cmpi sgt, %scan3A_51, %sign3A : i32
      %sign3A_56 = arith.extui %sign3A_55 : i1 to i32
      %sign3A_57 = arith.constant 0 : i32
      %sign3A_58 = arith.cmpi slt, %scan3A_51, %sign3A_57 : i32
      %sign3A_59 = arith.extui %sign3A_58 : i1 to i32
      %sign3A_60 = arith.subi %sign3A_56, %sign3A_59 : i32
      %sign3A_61 = arith.constant 0 : i32
      %sign3A_62 = arith.cmpi sgt, %jit3A, %sign3A_61 : i32
      %sign3A_63 = arith.extui %sign3A_62 : i1 to i32
      %sign3A_64 = arith.constant 0 : i32
      %sign3A_65 = arith.cmpi slt, %jit3A, %sign3A_64 : i32
      %sign3A_66 = arith.extui %sign3A_65 : i1 to i32
      %sign3A_67 = arith.subi %sign3A_63, %sign3A_66 : i32
      %ne3A = arith.cmpi ne, %sign3A_60, %sign3A_67 : i32
      %rem3A = arith.remsi %scan3A_51, %jit3A : i32
      %ne3A_68 = arith.constant 0 : i32
      %ne3A_69 = arith.cmpi ne, %rem3A, %ne3A_68 : i32
      %and3A = arith.andi %ne3A, %ne3A_69 : i1
      %sub3A = arith.constant 1 : i32
      %sub3A_70 = arith.subi %div3A, %sub3A : i32
      %select_n3A = arith.select %and3A, %sub3A_70, %div3A : i32
      %jit3A_71 = arith.constant 128 : i32
      %eq3A = arith.constant 0 : i32
      %eq3A_72 = arith.cmpi eq, %jit3A_71, %eq3A : i32
      %jit3A_73 = arith.constant 1 : i32
      %select_n3A_74 = arith.select %eq3A_72, %jit3A_73, %jit3A_71 : i32
      %rem3A_75 = arith.remsi %scan3A_51, %select_n3A_74 : i32
      %ne3A_76 = arith.constant 0 : i32
      %ne3A_77 = arith.cmpi ne, %rem3A_75, %ne3A_76 : i32
      %lt3A = arith.constant 0 : i32
      %lt3A_78 = arith.cmpi slt, %rem3A_75, %lt3A : i32
      %lt3A_79 = arith.constant 0 : i32
      %lt3A_80 = arith.cmpi slt, %select_n3A_74, %lt3A_79 : i32
      %ne3A_81 = arith.xori %lt3A_78, %lt3A_80 : i1
      %and3A_82 = arith.andi %ne3A_81, %ne3A_77 : i1
      %add3A_83 = arith.addi %rem3A_75, %select_n3A_74 : i32
      %select_n3A_84 = arith.select %and3A_82, %add3A_83, %rem3A_75 : i32
      %swap3A = arith.index_cast %select_n3A : i32 to index
      %swap3A_85 = arith.index_cast %select_n3A_84 : i32 to index
      %swap3A_86 = arith.constant 0 : index
      %swap3A_87 = tpu.vector_load %arg9[%swap3A, %swap3A_85, %swap3A_86] {strides = array<i32>} : memref<2x128x128xf32, #tpu.memory_space<vmem>>, vector<16xf32>,
      tpu.vector_store %arg9[%swap3A, %swap3A_85, %swap3A_86], %broadcast_in_dim3A_54 {strides = array<i32>} : memref<2x128x128xf32, #tpu.memory_space<vmem>>, vector<16xf32>,
      %broadcast_in_dim3A_88 = arith.constant 0.000000e+00 : f32
      %broadcast_in_dim3A_89 = vector.broadcast %broadcast_in_dim3A_88 : f32 to vector<16xf32>
      %jit3A_90 = arith.constant 128 : i32
      %div3A_91 = arith.divsi %scan3A_51, %jit3A_90 : i32
      %sign3A_92 = arith.constant 0 : i32
      %sign3A_93 = arith.cmpi sgt, %scan3A_51, %sign3A_92 : i32
      %sign3A_94 = arith.extui %sign3A_93 : i1 to i32
      %sign3A_95 = arith.constant 0 : i32
      %sign3A_96 = arith.cmpi slt, %scan3A_51, %sign3A_95 : i32
      %sign3A_97 = arith.extui %sign3A_96 : i1 to i32
      %sign3A_98 = arith.subi %sign3A_94, %sign3A_97 : i32
      %sign3A_99 = arith.constant 0 : i32
      %sign3A_100 = arith.cmpi sgt, %jit3A_90, %sign3A_99 : i32
      %sign3A_101 = arith.extui %sign3A_100 : i1 to i32
      %sign3A_102 = arith.constant 0 : i32
      %sign3A_103 = arith.cmpi slt, %jit3A_90, %sign3A_102 : i32
      %sign3A_104 = arith.extui %sign3A_103 : i1 to i32
      %sign3A_105 = arith.subi %sign3A_101, %sign3A_104 : i32
      %ne3A_106 = arith.cmpi ne, %sign3A_98, %sign3A_105 : i32
      %rem3A_107 = arith.remsi %scan3A_51, %jit3A_90 : i32
      %ne3A_108 = arith.constant 0 : i32
      %ne3A_109 = arith.cmpi ne, %rem3A_107, %ne3A_108 : i32
      %and3A_110 = arith.andi %ne3A_106, %ne3A_109 : i1
      %sub3A_111 = arith.constant 1 : i32
      %sub3A_112 = arith.subi %div3A_91, %sub3A_111 : i32
      %select_n3A_113 = arith.select %and3A_110, %sub3A_112, %div3A_91 : i32
      %jit3A_114 = arith.constant 128 : i32
      %eq3A_115 = arith.constant 0 : i32
      %eq3A_116 = arith.cmpi eq, %jit3A_114, %eq3A_115 : i32
      %jit3A_117 = arith.constant 1 : i32
      %select_n3A_118 = arith.select %eq3A_116, %jit3A_117, %jit3A_114 : i32
      %rem3A_119 = arith.remsi %scan3A_51, %select_n3A_118 : i32
      %ne3A_120 = arith.constant 0 : i32
      %ne3A_121 = arith.cmpi ne, %rem3A_119, %ne3A_120 : i32
      %lt3A_122 = arith.constant 0 : i32
      %lt3A_123 = arith.cmpi slt, %rem3A_119, %lt3A_122 : i32
      %lt3A_124 = arith.constant 0 : i32
      %lt3A_125 = arith.cmpi slt, %select_n3A_118, %lt3A_124 : i32
      %ne3A_126 = arith.xori %lt3A_123, %lt3A_125 : i1
      %and3A_127 = arith.andi %ne3A_126, %ne3A_121 : i1
      %add3A_128 = arith.addi %rem3A_119, %select_n3A_118 : i32
      %select_n3A_129 = arith.select %and3A_127, %add3A_128, %rem3A_119 : i32
      %swap3A_130 = arith.index_cast %select_n3A_113 : i32 to index
      %swap3A_131 = arith.index_cast %select_n3A_129 : i32 to index
      %swap3A_132 = arith.constant 16 : index
      %swap3A_133 = tpu.vector_load %arg9[%swap3A_130, %swap3A_131, %swap3A_132] {strides = array<i32>} : memref<2x128x128xf32, #tpu.memory_space<vmem>>, vector<16xf32>,
      tpu.vector_store %arg9[%swap3A_130, %swap3A_131, %swap3A_132], %broadcast_in_dim3A_89 {strides = array<i32>} : memref<2x128x128xf32, #tpu.memory_space<vmem>>, vector<16xf32>,
      %broadcast_in_dim3A_134 = arith.constant 0.000000e+00 : f32
      %broadcast_in_dim3A_135 = vector.broadcast %broadcast_in_dim3A_134 : f32 to vector<16xf32>
      %jit3A_136 = arith.constant 128 : i32
      %div3A_137 = arith.divsi %scan3A_51, %jit3A_136 : i32
      %sign3A_138 = arith.constant 0 : i32
      %sign3A_139 = arith.cmpi sgt, %scan3A_51, %sign3A_138 : i32
      %sign3A_140 = arith.extui %sign3A_139 : i1 to i32
      %sign3A_141 = arith.constant 0 : i32
      %sign3A_142 = arith.cmpi slt, %scan3A_51, %sign3A_141 : i32
      %sign3A_143 = arith.extui %sign3A_142 : i1 to i32
      %sign3A_144 = arith.subi %sign3A_140, %sign3A_143 : i32
      %sign3A_145 = arith.constant 0 : i32
      %sign3A_146 = arith.cmpi sgt, %jit3A_136, %sign3A_145 : i32
      %sign3A_147 = arith.extui %sign3A_146 : i1 to i32
      %sign3A_148 = arith.constant 0 : i32
      %sign3A_149 = arith.cmpi slt, %jit3A_136, %sign3A_148 : i32
      %sign3A_150 = arith.extui %sign3A_149 : i1 to i32
      %sign3A_151 = arith.subi %sign3A_147, %sign3A_150 : i32
      %ne3A_152 = arith.cmpi ne, %sign3A_144, %sign3A_151 : i32
      %rem3A_153 = arith.remsi %scan3A_51, %jit3A_136 : i32
      %ne3A_154 = arith.constant 0 : i32
      %ne3A_155 = arith.cmpi ne, %rem3A_153, %ne3A_154 : i32
      %and3A_156 = arith.andi %ne3A_152, %ne3A_155 : i1
      %sub3A_157 = arith.constant 1 : i32
      %sub3A_158 = arith.subi %div3A_137, %sub3A_157 : i32
      %select_n3A_159 = arith.select %and3A_156, %sub3A_158, %div3A_137 : i32
      %jit3A_160 = arith.constant 128 : i32
      %eq3A_161 = arith.constant 0 : i32
      %eq3A_162 = arith.cmpi eq, %jit3A_160, %eq3A_161 : i32
      %jit3A_163 = arith.constant 1 : i32
      %select_n3A_164 = arith.select %eq3A_162, %jit3A_163, %jit3A_160 : i32
      %rem3A_165 = arith.remsi %scan3A_51, %select_n3A_164 : i32
      %ne3A_166 = arith.constant 0 : i32
      %ne3A_167 = arith.cmpi ne, %rem3A_165, %ne3A_166 : i32
      %lt3A_168 = arith.constant 0 : i32
      %lt3A_169 = arith.cmpi slt, %rem3A_165, %lt3A_168 : i32
      %lt3A_170 = arith.constant 0 : i32
      %lt3A_171 = arith.cmpi slt, %select_n3A_164, %lt3A_170 : i32
      %ne3A_172 = arith.xori %lt3A_169, %lt3A_171 : i1
      %and3A_173 = arith.andi %ne3A_172, %ne3A_167 : i1
      %add3A_174 = arith.addi %rem3A_165, %select_n3A_164 : i32
      %select_n3A_175 = arith.select %and3A_173, %add3A_174, %rem3A_165 : i32
      %swap3A_176 = arith.index_cast %select_n3A_159 : i32 to index
      %swap3A_177 = arith.index_cast %select_n3A_175 : i32 to index
      %swap3A_178 = arith.constant 32 : index
      %swap3A_179 = tpu.vector_load %arg9[%swap3A_176, %swap3A_177, %swap3A_178] {strides = array<i32>} : memref<2x128x128xf32, #tpu.memory_space<vmem>>, vector<16xf32>,
      tpu.vector_store %arg9[%swap3A_176, %swap3A_177, %swap3A_178], %broadcast_in_dim3A_135 {strides = array<i32>} : memref<2x128x128xf32, #tpu.memory_space<vmem>>, vector<16xf32>,
      %broadcast_in_dim3A_180 = arith.constant 0.000000e+00 : f32
      %broadcast_in_dim3A_181 = vector.broadcast %broadcast_in_dim3A_180 : f32 to vector<16xf32>
      %jit3A_182 = arith.constant 128 : i32
      %div3A_183 = arith.divsi %scan3A_51, %jit3A_182 : i32
      %sign3A_184 = arith.constant 0 : i32
      %sign3A_185 = arith.cmpi sgt, %scan3A_51, %sign3A_184 : i32
      %sign3A_186 = arith.extui %sign3A_185 : i1 to i32
      %sign3A_187 = arith.constant 0 : i32
      %sign3A_188 = arith.cmpi slt, %scan3A_51, %sign3A_187 : i32
      %sign3A_189 = arith.extui %sign3A_188 : i1 to i32
      %sign3A_190 = arith.subi %sign3A_186, %sign3A_189 : i32
      %sign3A_191 = arith.constant 0 : i32
      %sign3A_192 = arith.cmpi sgt, %jit3A_182, %sign3A_191 : i32
      %sign3A_193 = arith.extui %sign3A_192 : i1 to i32
      %sign3A_194 = arith.constant 0 : i32
      %sign3A_195 = arith.cmpi slt, %jit3A_182, %sign3A_194 : i32
      %sign3A_196 = arith.extui %sign3A_195 : i1 to i32
      %sign3A_197 = arith.subi %sign3A_193, %sign3A_196 : i32
      %ne3A_198 = arith.cmpi ne, %sign3A_190, %sign3A_197 : i32
      %rem3A_199 = arith.remsi %scan3A_51, %jit3A_182 : i32
      %ne3A_200 = arith.constant 0 : i32
      %ne3A_201 = arith.cmpi ne, %rem3A_199, %ne3A_200 : i32
      %and3A_202 = arith.andi %ne3A_198, %ne3A_201 : i1
      %sub3A_203 = arith.constant 1 : i32
      %sub3A_204 = arith.subi %div3A_183, %sub3A_203 : i32
      %select_n3A_205 = arith.select %and3A_202, %sub3A_204, %div3A_183 : i32
      %jit3A_206 = arith.constant 128 : i32
      %eq3A_207 = arith.constant 0 : i32
      %eq3A_208 = arith.cmpi eq, %jit3A_206, %eq3A_207 : i32
      %jit3A_209 = arith.constant 1 : i32
      %select_n3A_210 = arith.select %eq3A_208, %jit3A_209, %jit3A_206 : i32
      %rem3A_211 = arith.remsi %scan3A_51, %select_n3A_210 : i32
      %ne3A_212 = arith.constant 0 : i32
      %ne3A_213 = arith.cmpi ne, %rem3A_211, %ne3A_212 : i32
      %lt3A_214 = arith.constant 0 : i32
      %lt3A_215 = arith.cmpi slt, %rem3A_211, %lt3A_214 : i32
      %lt3A_216 = arith.constant 0 : i32
      %lt3A_217 = arith.cmpi slt, %select_n3A_210, %lt3A_216 : i32
      %ne3A_218 = arith.xori %lt3A_215, %lt3A_217 : i1
      %and3A_219 = arith.andi %ne3A_218, %ne3A_213 : i1
      %add3A_220 = arith.addi %rem3A_211, %select_n3A_210 : i32
      %select_n3A_221 = arith.select %and3A_219, %add3A_220, %rem3A_211 : i32
      %swap3A_222 = arith.index_cast %select_n3A_205 : i32 to index
      %swap3A_223 = arith.index_cast %select_n3A_221 : i32 to index
      %swap3A_224 = arith.constant 48 : index
      %swap3A_225 = tpu.vector_load %arg9[%swap3A_222, %swap3A_223, %swap3A_224] {strides = array<i32>} : memref<2x128x128xf32, #tpu.memory_space<vmem>>, vector<16xf32>,
      tpu.vector_store %arg9[%swap3A_222, %swap3A_223, %swap3A_224], %broadcast_in_dim3A_181 {strides = array<i32>} : memref<2x128x128xf32, #tpu.memory_space<vmem>>, vector<16xf32>,
      %broadcast_in_dim3A_226 = arith.constant 0.000000e+00 : f32
      %broadcast_in_dim3A_227 = vector.broadcast %broadcast_in_dim3A_226 : f32 to vector<16xf32>
      %jit3A_228 = arith.constant 128 : i32
      %div3A_229 = arith.divsi %scan3A_51, %jit3A_228 : i32
      %sign3A_230 = arith.constant 0 : i32
      %sign3A_231 = arith.cmpi sgt, %scan3A_51, %sign3A_230 : i32
      %sign3A_232 = arith.extui %sign3A_231 : i1 to i32
      %sign3A_233 = arith.constant 0 : i32
      %sign3A_234 = arith.cmpi slt, %scan3A_51, %sign3A_233 : i32
      %sign3A_235 = arith.extui %sign3A_234 : i1 to i32
      %sign3A_236 = arith.subi %sign3A_232, %sign3A_235 : i32
      %sign3A_237 = arith.constant 0 : i32
      %sign3A_238 = arith.cmpi sgt, %jit3A_228, %sign3A_237 : i32
      %sign3A_239 = arith.extui %sign3A_238 : i1 to i32
      %sign3A_240 = arith.constant 0 : i32
      %sign3A_241 = arith.cmpi slt, %jit3A_228, %sign3A_240 : i32
      %sign3A_242 = arith.extui %sign3A_241 : i1 to i32
      %sign3A_243 = arith.subi %sign3A_239, %sign3A_242 : i32
      %ne3A_244 = arith.cmpi ne, %sign3A_236, %sign3A_243 : i32
      %rem3A_245 = arith.remsi %scan3A_51, %jit3A_228 : i32
      %ne3A_246 = arith.constant 0 : i32
      %ne3A_247 = arith.cmpi ne, %rem3A_245, %ne3A_246 : i32
      %and3A_248 = arith.andi %ne3A_244, %ne3A_247 : i1
      %sub3A_249 = arith.constant 1 : i32
      %sub3A_250 = arith.subi %div3A_229, %sub3A_249 : i32
      %select_n3A_251 = arith.select %and3A_248, %sub3A_250, %div3A_229 : i32
      %jit3A_252 = arith.constant 128 : i32
      %eq3A_253 = arith.constant 0 : i32
      %eq3A_254 = arith.cmpi eq, %jit3A_252, %eq3A_253 : i32
      %jit3A_255 = arith.constant 1 : i32
      %select_n3A_256 = arith.select %eq3A_254, %jit3A_255, %jit3A_252 : i32
      %rem3A_257 = arith.remsi %scan3A_51, %select_n3A_256 : i32
      %ne3A_258 = arith.constant 0 : i32
      %ne3A_259 = arith.cmpi ne, %rem3A_257, %ne3A_258 : i32
      %lt3A_260 = arith.constant 0 : i32
      %lt3A_261 = arith.cmpi slt, %rem3A_257, %lt3A_260 : i32
      %lt3A_262 = arith.constant 0 : i32
      %lt3A_263 = arith.cmpi slt, %select_n3A_256, %lt3A_262 : i32
      %ne3A_264 = arith.xori %lt3A_261, %lt3A_263 : i1
      %and3A_265 = arith.andi %ne3A_264, %ne3A_259 : i1
      %add3A_266 = arith.addi %rem3A_257, %select_n3A_256 : i32
      %select_n3A_267 = arith.select %and3A_265, %add3A_266, %rem3A_257 : i32
      %swap3A_268 = arith.index_cast %select_n3A_251 : i32 to index
      %swap3A_269 = arith.index_cast %select_n3A_267 : i32 to index
      %swap3A_270 = arith.constant 64 : index
      %swap3A_271 = tpu.vector_load %arg9[%swap3A_268, %swap3A_269, %swap3A_270] {strides = array<i32>} : memref<2x128x128xf32, #tpu.memory_space<vmem>>, vector<16xf32>,
      tpu.vector_store %arg9[%swap3A_268, %swap3A_269, %swap3A_270], %broadcast_in_dim3A_227 {strides = array<i32>} : memref<2x128x128xf32, #tpu.memory_space<vmem>>, vector<16xf32>,
      %broadcast_in_dim3A_272 = arith.constant 0.000000e+00 : f32
      %broadcast_in_dim3A_273 = vector.broadcast %broadcast_in_dim3A_272 : f32 to vector<16xf32>
      %jit3A_274 = arith.constant 128 : i32
      %div3A_275 = arith.divsi %scan3A_51, %jit3A_274 : i32
      %sign3A_276 = arith.constant 0 : i32
      %sign3A_277 = arith.cmpi sgt, %scan3A_51, %sign3A_276 : i32
      %sign3A_278 = arith.extui %sign3A_277 : i1 to i32
      %sign3A_279 = arith.constant 0 : i32
      %sign3A_280 = arith.cmpi slt, %scan3A_51, %sign3A_279 : i32
      %sign3A_281 = arith.extui %sign3A_280 : i1 to i32
      %sign3A_282 = arith.subi %sign3A_278, %sign3A_281 : i32
      %sign3A_283 = arith.constant 0 : i32
      %sign3A_284 = arith.cmpi sgt, %jit3A_274, %sign3A_283 : i32
      %sign3A_285 = arith.extui %sign3A_284 : i1 to i32
      %sign3A_286 = arith.constant 0 : i32
      %sign3A_287 = arith.cmpi slt, %jit3A_274, %sign3A_286 : i32
      %sign3A_288 = arith.extui %sign3A_287 : i1 to i32
      %sign3A_289 = arith.subi %sign3A_285, %sign3A_288 : i32
      %ne3A_290 = arith.cmpi ne, %sign3A_282, %sign3A_289 : i32
      %rem3A_291 = arith.remsi %scan3A_51, %jit3A_274 : i32
      %ne3A_292 = arith.constant 0 : i32
      %ne3A_293 = arith.cmpi ne, %rem3A_291, %ne3A_292 : i32
      %and3A_294 = arith.andi %ne3A_290, %ne3A_293 : i1
      %sub3A_295 = arith.constant 1 : i32
      %sub3A_296 = arith.subi %div3A_275, %sub3A_295 : i32
      %select_n3A_297 = arith.select %and3A_294, %sub3A_296, %div3A_275 : i32
      %jit3A_298 = arith.constant 128 : i32
      %eq3A_299 = arith.constant 0 : i32
      %eq3A_300 = arith.cmpi eq, %jit3A_298, %eq3A_299 : i32
      %jit3A_301 = arith.constant 1 : i32
      %select_n3A_302 = arith.select %eq3A_300, %jit3A_301, %jit3A_298 : i32
      %rem3A_303 = arith.remsi %scan3A_51, %select_n3A_302 : i32
      %ne3A_304 = arith.constant 0 : i32
      %ne3A_305 = arith.cmpi ne, %rem3A_303, %ne3A_304 : i32
      %lt3A_306 = arith.constant 0 : i32
      %lt3A_307 = arith.cmpi slt, %rem3A_303, %lt3A_306 : i32
      %lt3A_308 = arith.constant 0 : i32
      %lt3A_309 = arith.cmpi slt, %select_n3A_302, %lt3A_308 : i32
      %ne3A_310 = arith.xori %lt3A_307, %lt3A_309 : i1
      %and3A_311 = arith.andi %ne3A_310, %ne3A_305 : i1
      %add3A_312 = arith.addi %rem3A_303, %select_n3A_302 : i32
      %select_n3A_313 = arith.select %and3A_311, %add3A_312, %rem3A_303 : i32
      %swap3A_314 = arith.index_cast %select_n3A_297 : i32 to index
      %swap3A_315 = arith.index_cast %select_n3A_313 : i32 to index
      %swap3A_316 = arith.constant 80 : index
      %swap3A_317 = tpu.vector_load %arg9[%swap3A_314, %swap3A_315, %swap3A_316] {strides = array<i32>} : memref<2x128x128xf32, #tpu.memory_space<vmem>>, vector<16xf32>,
      tpu.vector_store %arg9[%swap3A_314, %swap3A_315, %swap3A_316], %broadcast_in_dim3A_273 {strides = array<i32>} : memref<2x128x128xf32, #tpu.memory_space<vmem>>, vector<16xf32>,
      %broadcast_in_dim3A_318 = arith.constant 0.000000e+00 : f32
      %broadcast_in_dim3A_319 = vector.broadcast %broadcast_in_dim3A_318 : f32 to vector<16xf32>
      %jit3A_320 = arith.constant 128 : i32
      %div3A_321 = arith.divsi %scan3A_51, %jit3A_320 : i32
      %sign3A_322 = arith.constant 0 : i32
      %sign3A_323 = arith.cmpi sgt, %scan3A_51, %sign3A_322 : i32
      %sign3A_324 = arith.extui %sign3A_323 : i1 to i32
      %sign3A_325 = arith.constant 0 : i32
      %sign3A_326 = arith.cmpi slt, %scan3A_51, %sign3A_325 : i32
      %sign3A_327 = arith.extui %sign3A_326 : i1 to i32
      %sign3A_328 = arith.subi %sign3A_324, %sign3A_327 : i32
      %sign3A_329 = arith.constant 0 : i32
      %sign3A_330 = arith.cmpi sgt, %jit3A_320, %sign3A_329 : i32
      %sign3A_331 = arith.extui %sign3A_330 : i1 to i32
      %sign3A_332 = arith.constant 0 : i32
      %sign3A_333 = arith.cmpi slt, %jit3A_320, %sign3A_332 : i32
      %sign3A_334 = arith.extui %sign3A_333 : i1 to i32
      %sign3A_335 = arith.subi %sign3A_331, %sign3A_334 : i32
      %ne3A_336 = arith.cmpi ne, %sign3A_328, %sign3A_335 : i32
      %rem3A_337 = arith.remsi %scan3A_51, %jit3A_320 : i32
      %ne3A_338 = arith.constant 0 : i32
      %ne3A_339 = arith.cmpi ne, %rem3A_337, %ne3A_338 : i32
      %and3A_340 = arith.andi %ne3A_336, %ne3A_339 : i1
      %sub3A_341 = arith.constant 1 : i32
      %sub3A_342 = arith.subi %div3A_321, %sub3A_341 : i32
      %select_n3A_343 = arith.select %and3A_340, %sub3A_342, %div3A_321 : i32
      %jit3A_344 = arith.constant 128 : i32
      %eq3A_345 = arith.constant 0 : i32
      %eq3A_346 = arith.cmpi eq, %jit3A_344, %eq3A_345 : i32
      %jit3A_347 = arith.constant 1 : i32
      %select_n3A_348 = arith.select %eq3A_346, %jit3A_347, %jit3A_344 : i32
      %rem3A_349 = arith.remsi %scan3A_51, %select_n3A_348 : i32
      %ne3A_350 = arith.constant 0 : i32
      %ne3A_351 = arith.cmpi ne, %rem3A_349, %ne3A_350 : i32
      %lt3A_352 = arith.constant 0 : i32
      %lt3A_353 = arith.cmpi slt, %rem3A_349, %lt3A_352 : i32
      %lt3A_354 = arith.constant 0 : i32
      %lt3A_355 = arith.cmpi slt, %select_n3A_348, %lt3A_354 : i32
      %ne3A_356 = arith.xori %lt3A_353, %lt3A_355 : i1
      %and3A_357 = arith.andi %ne3A_356, %ne3A_351 : i1
      %add3A_358 = arith.addi %rem3A_349, %select_n3A_348 : i32
      %select_n3A_359 = arith.select %and3A_357, %add3A_358, %rem3A_349 : i32
      %swap3A_360 = arith.index_cast %select_n3A_343 : i32 to index
      %swap3A_361 = arith.index_cast %select_n3A_359 : i32 to index
      %swap3A_362 = arith.constant 96 : index
      %swap3A_363 = tpu.vector_load %arg9[%swap3A_360, %swap3A_361, %swap3A_362] {strides = array<i32>} : memref<2x128x128xf32, #tpu.memory_space<vmem>>, vector<16xf32>,
      tpu.vector_store %arg9[%swap3A_360, %swap3A_361, %swap3A_362], %broadcast_in_dim3A_319 {strides = array<i32>} : memref<2x128x128xf32, #tpu.memory_space<vmem>>, vector<16xf32>,
      %broadcast_in_dim3A_364 = arith.constant 0.000000e+00 : f32
      %broadcast_in_dim3A_365 = vector.broadcast %broadcast_in_dim3A_364 : f32 to vector<16xf32>
      %jit3A_366 = arith.constant 128 : i32
      %div3A_367 = arith.divsi %scan3A_51, %jit3A_366 : i32
      %sign3A_368 = arith.constant 0 : i32
      %sign3A_369 = arith.cmpi sgt, %scan3A_51, %sign3A_368 : i32
      %sign3A_370 = arith.extui %sign3A_369 : i1 to i32
      %sign3A_371 = arith.constant 0 : i32
      %sign3A_372 = arith.cmpi slt, %scan3A_51, %sign3A_371 : i32
      %sign3A_373 = arith.extui %sign3A_372 : i1 to i32
      %sign3A_374 = arith.subi %sign3A_370, %sign3A_373 : i32
      %sign3A_375 = arith.constant 0 : i32
      %sign3A_376 = arith.cmpi sgt, %jit3A_366, %sign3A_375 : i32
      %sign3A_377 = arith.extui %sign3A_376 : i1 to i32
      %sign3A_378 = arith.constant 0 : i32
      %sign3A_379 = arith.cmpi slt, %jit3A_366, %sign3A_378 : i32
      %sign3A_380 = arith.extui %sign3A_379 : i1 to i32
      %sign3A_381 = arith.subi %sign3A_377, %sign3A_380 : i32
      %ne3A_382 = arith.cmpi ne, %sign3A_374, %sign3A_381 : i32
      %rem3A_383 = arith.remsi %scan3A_51, %jit3A_366 : i32
      %ne3A_384 = arith.constant 0 : i32
      %ne3A_385 = arith.cmpi ne, %rem3A_383, %ne3A_384 : i32
      %and3A_386 = arith.andi %ne3A_382, %ne3A_385 : i1
      %sub3A_387 = arith.constant 1 : i32
      %sub3A_388 = arith.subi %div3A_367, %sub3A_387 : i32
      %select_n3A_389 = arith.select %and3A_386, %sub3A_388, %div3A_367 : i32
      %jit3A_390 = arith.constant 128 : i32
      %eq3A_391 = arith.constant 0 : i32
      %eq3A_392 = arith.cmpi eq, %jit3A_390, %eq3A_391 : i32
      %jit3A_393 = arith.constant 1 : i32
      %select_n3A_394 = arith.select %eq3A_392, %jit3A_393, %jit3A_390 : i32
      %rem3A_395 = arith.remsi %scan3A_51, %select_n3A_394 : i32
      %ne3A_396 = arith.constant 0 : i32
      %ne3A_397 = arith.cmpi ne, %rem3A_395, %ne3A_396 : i32
      %lt3A_398 = arith.constant 0 : i32
      %lt3A_399 = arith.cmpi slt, %rem3A_395, %lt3A_398 : i32
      %lt3A_400 = arith.constant 0 : i32
      %lt3A_401 = arith.cmpi slt, %select_n3A_394, %lt3A_400 : i32
      %ne3A_402 = arith.xori %lt3A_399, %lt3A_401 : i1
      %and3A_403 = arith.andi %ne3A_402, %ne3A_397 : i1
      %add3A_404 = arith.addi %rem3A_395, %select_n3A_394 : i32
      %select_n3A_405 = arith.select %and3A_403, %add3A_404, %rem3A_395 : i32
      %swap3A_406 = arith.index_cast %select_n3A_389 : i32 to index
      %swap3A_407 = arith.index_cast %select_n3A_405 : i32 to index
      %swap3A_408 = arith.constant 112 : index
      %swap3A_409 = tpu.vector_load %arg9[%swap3A_406, %swap3A_407, %swap3A_408] {strides = array<i32>} : memref<2x128x128xf32, #tpu.memory_space<vmem>>, vector<16xf32>,
      tpu.vector_store %arg9[%swap3A_406, %swap3A_407, %swap3A_408], %broadcast_in_dim3A_365 {strides = array<i32>} : memref<2x128x128xf32, #tpu.memory_space<vmem>>, vector<16xf32>,
      %scan3A_410 = arith.constant 0 : i32
      scf.yield %scan3A_410 : i32
    }
    %scan3A_6 = arith.constant 256 : i32
    %mul3A_7 = arith.constant 640 : i32
    %mul3A_8 = arith.muli %arg1, %mul3A_7 : i32
    %add3A_9 = arith.constant 0 : i32
    %add3A_10 = arith.addi %mul3A_8, %add3A_9 : i32
    %run_scoped3A = arith.constant 0 : i32
    "tpu.region"() ({
      %run_scoped3A_51 = tpu.sem_alloc : memref<!tpu.dma_semaphore, #tpu.memory_space<semaphore_mem>>
      %dma_start3A = arith.constant 0 : i32
      %dma_start3A_52 = arith.constant 0 : i32
      %dma_start3A_53 = tpu.memref_slice %arg9[%run_scoped3A, %dma_start3A, %dma_start3A_52] : memref<2x128x128xf32, #tpu.memory_space<vmem>> -> memref<1x64x128xf32, #tpu.memory_space<vmem>>
      %dma_start3A_54 = tpu.memref_squeeze %dma_start3A_53 : memref<1x64x128xf32, #tpu.memory_space<vmem>> -> memref<64x128xf32, #tpu.memory_space<vmem>>
      %dma_start3A_55 = arith.constant 0 : i32
      %dma_start3A_56 = tpu.memref_slice %arg11[%add3A_10, %dma_start3A_55] : memref<10240x128xf32, #tpu.memory_space<vmem_shared>> -> memref<64x128xf32, #tpu.memory_space<vmem_shared>>
      %dma_start3A_57 = arith.constant 0 : i32
      %dma_start3A_58 = tpu.memref_slice %arg11[%add3A_10, %dma_start3A_57] : memref<10240x128xf32, #tpu.memory_space<vmem_shared>> -> memref<64x128xf32, #tpu.memory_space<vmem_shared>>
      %dma_start3A_59 = arith.constant 0 : i32
      %dma_start3A_60 = arith.constant 0 : i32
      %dma_start3A_61 = tpu.memref_slice %arg9[%run_scoped3A, %dma_start3A_59, %dma_start3A_60] : memref<2x128x128xf32, #tpu.memory_space<vmem>> -> memref<1x64x128xf32, #tpu.memory_space<vmem>>
      %dma_start3A_62 = tpu.memref_squeeze %dma_start3A_61 : memref<1x64x128xf32, #tpu.memory_space<vmem>> -> memref<64x128xf32, #tpu.memory_space<vmem>>
      tpu.enqueue_dma source(%dma_start3A_62 : memref<64x128xf32, #tpu.memory_space<vmem>>) target(%dma_start3A_58 : memref<64x128xf32, #tpu.memory_space<vmem_shared>>) target_semaphore(%run_scoped3A_51 : memref<!tpu.dma_semaphore, #tpu.memory_space<semaphore_mem>>)
      %dma_wait3A = arith.constant 0 : i32
      %dma_wait3A_63 = arith.constant 0 : i32
      %dma_wait3A_64 = tpu.memref_slice %arg9[%run_scoped3A, %dma_wait3A, %dma_wait3A_63] : memref<2x128x128xf32, #tpu.memory_space<vmem>> -> memref<1x64x128xf32, #tpu.memory_space<vmem>>
      %dma_wait3A_65 = tpu.memref_squeeze %dma_wait3A_64 : memref<1x64x128xf32, #tpu.memory_space<vmem>> -> memref<64x128xf32, #tpu.memory_space<vmem>>
      %dma_wait3A_66 = arith.constant 0 : i32
      %dma_wait3A_67 = tpu.memref_slice %arg11[%add3A_10, %dma_wait3A_66] : memref<10240x128xf32, #tpu.memory_space<vmem_shared>> -> memref<64x128xf32, #tpu.memory_space<vmem_shared>>
      %dma_wait3A_68 = arith.constant 0 : i32
      %dma_wait3A_69 = tpu.memref_slice %arg11[%add3A_10, %dma_wait3A_68] : memref<10240x128xf32, #tpu.memory_space<vmem_shared>> -> memref<64x128xf32, #tpu.memory_space<vmem_shared>>
      %dma_wait3A_70 = arith.constant 0 : i32
      %dma_wait3A_71 = arith.constant 0 : i32
      %dma_wait3A_72 = tpu.memref_slice %arg9[%run_scoped3A, %dma_wait3A_70, %dma_wait3A_71] : memref<2x128x128xf32, #tpu.memory_space<vmem>> -> memref<1x64x128xf32, #tpu.memory_space<vmem>>
      %dma_wait3A_73 = tpu.memref_squeeze %dma_wait3A_72 : memref<1x64x128xf32, #tpu.memory_space<vmem>> -> memref<64x128xf32, #tpu.memory_space<vmem>>
      tpu.wait_dma2 semaphore(%run_scoped3A_51 : memref<!tpu.dma_semaphore, #tpu.memory_space<semaphore_mem>>) src(%dma_wait3A_73 : memref<64x128xf32, #tpu.memory_space<vmem>>) dst(%dma_wait3A_69 : memref<64x128xf32, #tpu.memory_space<vmem_shared>>)
      tpu.yield
    }) : () -> ()
    %add3A_11 = arith.constant 64 : i32
    %add3A_12 = arith.addi %mul3A_8, %add3A_11 : i32
    %run_scoped3A_13 = arith.constant 0 : i32
    "tpu.region"() ({
      %run_scoped3A_51 = tpu.sem_alloc : memref<!tpu.dma_semaphore, #tpu.memory_space<semaphore_mem>>
      %dma_start3A = arith.constant 0 : i32
      %dma_start3A_52 = arith.constant 0 : i32
      %dma_start3A_53 = tpu.memref_slice %arg9[%run_scoped3A_13, %dma_start3A, %dma_start3A_52] : memref<2x128x128xf32, #tpu.memory_space<vmem>> -> memref<1x64x128xf32, #tpu.memory_space<vmem>>
      %dma_start3A_54 = tpu.memref_squeeze %dma_start3A_53 : memref<1x64x128xf32, #tpu.memory_space<vmem>> -> memref<64x128xf32, #tpu.memory_space<vmem>>
      %dma_start3A_55 = arith.constant 0 : i32
      %dma_start3A_56 = tpu.memref_slice %arg11[%add3A_12, %dma_start3A_55] : memref<10240x128xf32, #tpu.memory_space<vmem_shared>> -> memref<64x128xf32, #tpu.memory_space<vmem_shared>>
      %dma_start3A_57 = arith.constant 0 : i32
      %dma_start3A_58 = tpu.memref_slice %arg11[%add3A_12, %dma_start3A_57] : memref<10240x128xf32, #tpu.memory_space<vmem_shared>> -> memref<64x128xf32, #tpu.memory_space<vmem_shared>>
      %dma_start3A_59 = arith.constant 0 : i32
      %dma_start3A_60 = arith.constant 0 : i32
      %dma_start3A_61 = tpu.memref_slice %arg9[%run_scoped3A_13, %dma_start3A_59, %dma_start3A_60] : memref<2x128x128xf32, #tpu.memory_space<vmem>> -> memref<1x64x128xf32, #tpu.memory_space<vmem>>
      %dma_start3A_62 = tpu.memref_squeeze %dma_start3A_61 : memref<1x64x128xf32, #tpu.memory_space<vmem>> -> memref<64x128xf32, #tpu.memory_space<vmem>>
      tpu.enqueue_dma source(%dma_start3A_62 : memref<64x128xf32, #tpu.memory_space<vmem>>) target(%dma_start3A_58 : memref<64x128xf32, #tpu.memory_space<vmem_shared>>) target_semaphore(%run_scoped3A_51 : memref<!tpu.dma_semaphore, #tpu.memory_space<semaphore_mem>>)
      %dma_wait3A = arith.constant 0 : i32
      %dma_wait3A_63 = arith.constant 0 : i32
      %dma_wait3A_64 = tpu.memref_slice %arg9[%run_scoped3A_13, %dma_wait3A, %dma_wait3A_63] : memref<2x128x128xf32, #tpu.memory_space<vmem>> -> memref<1x64x128xf32, #tpu.memory_space<vmem>>
      %dma_wait3A_65 = tpu.memref_squeeze %dma_wait3A_64 : memref<1x64x128xf32, #tpu.memory_space<vmem>> -> memref<64x128xf32, #tpu.memory_space<vmem>>
      %dma_wait3A_66 = arith.constant 0 : i32
      %dma_wait3A_67 = tpu.memref_slice %arg11[%add3A_12, %dma_wait3A_66] : memref<10240x128xf32, #tpu.memory_space<vmem_shared>> -> memref<64x128xf32, #tpu.memory_space<vmem_shared>>
      %dma_wait3A_68 = arith.constant 0 : i32
      %dma_wait3A_69 = tpu.memref_slice %arg11[%add3A_12, %dma_wait3A_68] : memref<10240x128xf32, #tpu.memory_space<vmem_shared>> -> memref<64x128xf32, #tpu.memory_space<vmem_shared>>
      %dma_wait3A_70 = arith.constant 0 : i32
      %dma_wait3A_71 = arith.constant 0 : i32
      %dma_wait3A_72 = tpu.memref_slice %arg9[%run_scoped3A_13, %dma_wait3A_70, %dma_wait3A_71] : memref<2x128x128xf32, #tpu.memory_space<vmem>> -> memref<1x64x128xf32, #tpu.memory_space<vmem>>
      %dma_wait3A_73 = tpu.memref_squeeze %dma_wait3A_72 : memref<1x64x128xf32, #tpu.memory_space<vmem>> -> memref<64x128xf32, #tpu.memory_space<vmem>>
      tpu.wait_dma2 semaphore(%run_scoped3A_51 : memref<!tpu.dma_semaphore, #tpu.memory_space<semaphore_mem>>) src(%dma_wait3A_73 : memref<64x128xf32, #tpu.memory_space<vmem>>) dst(%dma_wait3A_69 : memref<64x128xf32, #tpu.memory_space<vmem_shared>>)
      tpu.yield
    }) : () -> ()
    %add3A_14 = arith.constant 128 : i32
    %add3A_15 = arith.addi %mul3A_8, %add3A_14 : i32
    %run_scoped3A_16 = arith.constant 0 : i32
    "tpu.region"() ({
      %run_scoped3A_51 = tpu.sem_alloc : memref<!tpu.dma_semaphore, #tpu.memory_space<semaphore_mem>>
      %dma_start3A = arith.constant 0 : i32
      %dma_start3A_52 = arith.constant 0 : i32
      %dma_start3A_53 = tpu.memref_slice %arg9[%run_scoped3A_16, %dma_start3A, %dma_start3A_52] : memref<2x128x128xf32, #tpu.memory_space<vmem>> -> memref<1x64x128xf32, #tpu.memory_space<vmem>>
      %dma_start3A_54 = tpu.memref_squeeze %dma_start3A_53 : memref<1x64x128xf32, #tpu.memory_space<vmem>> -> memref<64x128xf32, #tpu.memory_space<vmem>>
      %dma_start3A_55 = arith.constant 0 : i32
      %dma_start3A_56 = tpu.memref_slice %arg11[%add3A_15, %dma_start3A_55] : memref<10240x128xf32, #tpu.memory_space<vmem_shared>> -> memref<64x128xf32, #tpu.memory_space<vmem_shared>>
      %dma_start3A_57 = arith.constant 0 : i32
      %dma_start3A_58 = tpu.memref_slice %arg11[%add3A_15, %dma_start3A_57] : memref<10240x128xf32, #tpu.memory_space<vmem_shared>> -> memref<64x128xf32, #tpu.memory_space<vmem_shared>>
      %dma_start3A_59 = arith.constant 0 : i32
      %dma_start3A_60 = arith.constant 0 : i32
      %dma_start3A_61 = tpu.memref_slice %arg9[%run_scoped3A_16, %dma_start3A_59, %dma_start3A_60] : memref<2x128x128xf32, #tpu.memory_space<vmem>> -> memref<1x64x128xf32, #tpu.memory_space<vmem>>
      %dma_start3A_62 = tpu.memref_squeeze %dma_start3A_61 : memref<1x64x128xf32, #tpu.memory_space<vmem>> -> memref<64x128xf32, #tpu.memory_space<vmem>>
      tpu.enqueue_dma source(%dma_start3A_62 : memref<64x128xf32, #tpu.memory_space<vmem>>) target(%dma_start3A_58 : memref<64x128xf32, #tpu.memory_space<vmem_shared>>) target_semaphore(%run_scoped3A_51 : memref<!tpu.dma_semaphore, #tpu.memory_space<semaphore_mem>>)
      %dma_wait3A = arith.constant 0 : i32
      %dma_wait3A_63 = arith.constant 0 : i32
      %dma_wait3A_64 = tpu.memref_slice %arg9[%run_scoped3A_16, %dma_wait3A, %dma_wait3A_63] : memref<2x128x128xf32, #tpu.memory_space<vmem>> -> memref<1x64x128xf32, #tpu.memory_space<vmem>>
      %dma_wait3A_65 = tpu.memref_squeeze %dma_wait3A_64 : memref<1x64x128xf32, #tpu.memory_space<vmem>> -> memref<64x128xf32, #tpu.memory_space<vmem>>
      %dma_wait3A_66 = arith.constant 0 : i32
      %dma_wait3A_67 = tpu.memref_slice %arg11[%add3A_15, %dma_wait3A_66] : memref<10240x128xf32, #tpu.memory_space<vmem_shared>> -> memref<64x128xf32, #tpu.memory_space<vmem_shared>>
      %dma_wait3A_68 = arith.constant 0 : i32
      %dma_wait3A_69 = tpu.memref_slice %arg11[%add3A_15, %dma_wait3A_68] : memref<10240x128xf32, #tpu.memory_space<vmem_shared>> -> memref<64x128xf32, #tpu.memory_space<vmem_shared>>
      %dma_wait3A_70 = arith.constant 0 : i32
      %dma_wait3A_71 = arith.constant 0 : i32
      %dma_wait3A_72 = tpu.memref_slice %arg9[%run_scoped3A_16, %dma_wait3A_70, %dma_wait3A_71] : memref<2x128x128xf32, #tpu.memory_space<vmem>> -> memref<1x64x128xf32, #tpu.memory_space<vmem>>
      %dma_wait3A_73 = tpu.memref_squeeze %dma_wait3A_72 : memref<1x64x128xf32, #tpu.memory_space<vmem>> -> memref<64x128xf32, #tpu.memory_space<vmem>>
      tpu.wait_dma2 semaphore(%run_scoped3A_51 : memref<!tpu.dma_semaphore, #tpu.memory_space<semaphore_mem>>) src(%dma_wait3A_73 : memref<64x128xf32, #tpu.memory_space<vmem>>) dst(%dma_wait3A_69 : memref<64x128xf32, #tpu.memory_space<vmem_shared>>)
      tpu.yield
    }) : () -> ()
    %add3A_17 = arith.constant 192 : i32
    %add3A_18 = arith.addi %mul3A_8, %add3A_17 : i32
    %run_scoped3A_19 = arith.constant 0 : i32
    "tpu.region"() ({
      %run_scoped3A_51 = tpu.sem_alloc : memref<!tpu.dma_semaphore, #tpu.memory_space<semaphore_mem>>
      %dma_start3A = arith.constant 0 : i32
      %dma_start3A_52 = arith.constant 0 : i32
      %dma_start3A_53 = tpu.memref_slice %arg9[%run_scoped3A_19, %dma_start3A, %dma_start3A_52] : memref<2x128x128xf32, #tpu.memory_space<vmem>> -> memref<1x64x128xf32, #tpu.memory_space<vmem>>
      %dma_start3A_54 = tpu.memref_squeeze %dma_start3A_53 : memref<1x64x128xf32, #tpu.memory_space<vmem>> -> memref<64x128xf32, #tpu.memory_space<vmem>>
      %dma_start3A_55 = arith.constant 0 : i32
      %dma_start3A_56 = tpu.memref_slice %arg11[%add3A_18, %dma_start3A_55] : memref<10240x128xf32, #tpu.memory_space<vmem_shared>> -> memref<64x128xf32, #tpu.memory_space<vmem_shared>>
      %dma_start3A_57 = arith.constant 0 : i32
      %dma_start3A_58 = tpu.memref_slice %arg11[%add3A_18, %dma_start3A_57] : memref<10240x128xf32, #tpu.memory_space<vmem_shared>> -> memref<64x128xf32, #tpu.memory_space<vmem_shared>>
      %dma_start3A_59 = arith.constant 0 : i32
      %dma_start3A_60 = arith.constant 0 : i32
      %dma_start3A_61 = tpu.memref_slice %arg9[%run_scoped3A_19, %dma_start3A_59, %dma_start3A_60] : memref<2x128x128xf32, #tpu.memory_space<vmem>> -> memref<1x64x128xf32, #tpu.memory_space<vmem>>
      %dma_start3A_62 = tpu.memref_squeeze %dma_start3A_61 : memref<1x64x128xf32, #tpu.memory_space<vmem>> -> memref<64x128xf32, #tpu.memory_space<vmem>>
      tpu.enqueue_dma source(%dma_start3A_62 : memref<64x128xf32, #tpu.memory_space<vmem>>) target(%dma_start3A_58 : memref<64x128xf32, #tpu.memory_space<vmem_shared>>) target_semaphore(%run_scoped3A_51 : memref<!tpu.dma_semaphore, #tpu.memory_space<semaphore_mem>>)
      %dma_wait3A = arith.constant 0 : i32
      %dma_wait3A_63 = arith.constant 0 : i32
      %dma_wait3A_64 = tpu.memref_slice %arg9[%run_scoped3A_19, %dma_wait3A, %dma_wait3A_63] : memref<2x128x128xf32, #tpu.memory_space<vmem>> -> memref<1x64x128xf32, #tpu.memory_space<vmem>>
      %dma_wait3A_65 = tpu.memref_squeeze %dma_wait3A_64 : memref<1x64x128xf32, #tpu.memory_space<vmem>> -> memref<64x128xf32, #tpu.memory_space<vmem>>
      %dma_wait3A_66 = arith.constant 0 : i32
      %dma_wait3A_67 = tpu.memref_slice %arg11[%add3A_18, %dma_wait3A_66] : memref<10240x128xf32, #tpu.memory_space<vmem_shared>> -> memref<64x128xf32, #tpu.memory_space<vmem_shared>>
      %dma_wait3A_68 = arith.constant 0 : i32
      %dma_wait3A_69 = tpu.memref_slice %arg11[%add3A_18, %dma_wait3A_68] : memref<10240x128xf32, #tpu.memory_space<vmem_shared>> -> memref<64x128xf32, #tpu.memory_space<vmem_shared>>
      %dma_wait3A_70 = arith.constant 0 : i32
      %dma_wait3A_71 = arith.constant 0 : i32
      %dma_wait3A_72 = tpu.memref_slice %arg9[%run_scoped3A_19, %dma_wait3A_70, %dma_wait3A_71] : memref<2x128x128xf32, #tpu.memory_space<vmem>> -> memref<1x64x128xf32, #tpu.memory_space<vmem>>
      %dma_wait3A_73 = tpu.memref_squeeze %dma_wait3A_72 : memref<1x64x128xf32, #tpu.memory_space<vmem>> -> memref<64x128xf32, #tpu.memory_space<vmem>>
      tpu.wait_dma2 semaphore(%run_scoped3A_51 : memref<!tpu.dma_semaphore, #tpu.memory_space<semaphore_mem>>) src(%dma_wait3A_73 : memref<64x128xf32, #tpu.memory_space<vmem>>) dst(%dma_wait3A_69 : memref<64x128xf32, #tpu.memory_space<vmem_shared>>)
      tpu.yield
    }) : () -> ()
    %add3A_20 = arith.constant 256 : i32
    %add3A_21 = arith.addi %mul3A_8, %add3A_20 : i32
    %run_scoped3A_22 = arith.constant 0 : i32
    "tpu.region"() ({
      %run_scoped3A_51 = tpu.sem_alloc : memref<!tpu.dma_semaphore, #tpu.memory_space<semaphore_mem>>
      %dma_start3A = arith.constant 0 : i32
      %dma_start3A_52 = arith.constant 0 : i32
      %dma_start3A_53 = tpu.memref_slice %arg9[%run_scoped3A_22, %dma_start3A, %dma_start3A_52] : memref<2x128x128xf32, #tpu.memory_space<vmem>> -> memref<1x64x128xf32, #tpu.memory_space<vmem>>
      %dma_start3A_54 = tpu.memref_squeeze %dma_start3A_53 : memref<1x64x128xf32, #tpu.memory_space<vmem>> -> memref<64x128xf32, #tpu.memory_space<vmem>>
      %dma_start3A_55 = arith.constant 0 : i32
      %dma_start3A_56 = tpu.memref_slice %arg11[%add3A_21, %dma_start3A_55] : memref<10240x128xf32, #tpu.memory_space<vmem_shared>> -> memref<64x128xf32, #tpu.memory_space<vmem_shared>>
      %dma_start3A_57 = arith.constant 0 : i32
      %dma_start3A_58 = tpu.memref_slice %arg11[%add3A_21, %dma_start3A_57] : memref<10240x128xf32, #tpu.memory_space<vmem_shared>> -> memref<64x128xf32, #tpu.memory_space<vmem_shared>>
      %dma_start3A_59 = arith.constant 0 : i32
      %dma_start3A_60 = arith.constant 0 : i32
      %dma_start3A_61 = tpu.memref_slice %arg9[%run_scoped3A_22, %dma_start3A_59, %dma_start3A_60] : memref<2x128x128xf32, #tpu.memory_space<vmem>> -> memref<1x64x128xf32, #tpu.memory_space<vmem>>
      %dma_start3A_62 = tpu.memref_squeeze %dma_start3A_61 : memref<1x64x128xf32, #tpu.memory_space<vmem>> -> memref<64x128xf32, #tpu.memory_space<vmem>>
      tpu.enqueue_dma source(%dma_start3A_62 : memref<64x128xf32, #tpu.memory_space<vmem>>) target(%dma_start3A_58 : memref<64x128xf32, #tpu.memory_space<vmem_shared>>) target_semaphore(%run_scoped3A_51 : memref<!tpu.dma_semaphore, #tpu.memory_space<semaphore_mem>>)
      %dma_wait3A = arith.constant 0 : i32
      %dma_wait3A_63 = arith.constant 0 : i32
      %dma_wait3A_64 = tpu.memref_slice %arg9[%run_scoped3A_22, %dma_wait3A, %dma_wait3A_63] : memref<2x128x128xf32, #tpu.memory_space<vmem>> -> memref<1x64x128xf32, #tpu.memory_space<vmem>>
      %dma_wait3A_65 = tpu.memref_squeeze %dma_wait3A_64 : memref<1x64x128xf32, #tpu.memory_space<vmem>> -> memref<64x128xf32, #tpu.memory_space<vmem>>
      %dma_wait3A_66 = arith.constant 0 : i32
      %dma_wait3A_67 = tpu.memref_slice %arg11[%add3A_21, %dma_wait3A_66] : memref<10240x128xf32, #tpu.memory_space<vmem_shared>> -> memref<64x128xf32, #tpu.memory_space<vmem_shared>>
      %dma_wait3A_68 = arith.constant 0 : i32
      %dma_wait3A_69 = tpu.memref_slice %arg11[%add3A_21, %dma_wait3A_68] : memref<10240x128xf32, #tpu.memory_space<vmem_shared>> -> memref<64x128xf32, #tpu.memory_space<vmem_shared>>
      %dma_wait3A_70 = arith.constant 0 : i32
      %dma_wait3A_71 = arith.constant 0 : i32
      %dma_wait3A_72 = tpu.memref_slice %arg9[%run_scoped3A_22, %dma_wait3A_70, %dma_wait3A_71] : memref<2x128x128xf32, #tpu.memory_space<vmem>> -> memref<1x64x128xf32, #tpu.memory_space<vmem>>
      %dma_wait3A_73 = tpu.memref_squeeze %dma_wait3A_72 : memref<1x64x128xf32, #tpu.memory_space<vmem>> -> memref<64x128xf32, #tpu.memory_space<vmem>>
      tpu.wait_dma2 semaphore(%run_scoped3A_51 : memref<!tpu.dma_semaphore, #tpu.memory_space<semaphore_mem>>) src(%dma_wait3A_73 : memref<64x128xf32, #tpu.memory_space<vmem>>) dst(%dma_wait3A_69 : memref<64x128xf32, #tpu.memory_space<vmem_shared>>)
      tpu.yield
    }) : () -> ()
    %add3A_23 = arith.constant 320 : i32
    %add3A_24 = arith.addi %mul3A_8, %add3A_23 : i32
    %run_scoped3A_25 = arith.constant 0 : i32
    "tpu.region"() ({
      %run_scoped3A_51 = tpu.sem_alloc : memref<!tpu.dma_semaphore, #tpu.memory_space<semaphore_mem>>
      %dma_start3A = arith.constant 0 : i32
      %dma_start3A_52 = arith.constant 0 : i32
      %dma_start3A_53 = tpu.memref_slice %arg9[%run_scoped3A_25, %dma_start3A, %dma_start3A_52] : memref<2x128x128xf32, #tpu.memory_space<vmem>> -> memref<1x64x128xf32, #tpu.memory_space<vmem>>
      %dma_start3A_54 = tpu.memref_squeeze %dma_start3A_53 : memref<1x64x128xf32, #tpu.memory_space<vmem>> -> memref<64x128xf32, #tpu.memory_space<vmem>>
      %dma_start3A_55 = arith.constant 0 : i32
      %dma_start3A_56 = tpu.memref_slice %arg11[%add3A_24, %dma_start3A_55] : memref<10240x128xf32, #tpu.memory_space<vmem_shared>> -> memref<64x128xf32, #tpu.memory_space<vmem_shared>>
      %dma_start3A_57 = arith.constant 0 : i32
      %dma_start3A_58 = tpu.memref_slice %arg11[%add3A_24, %dma_start3A_57] : memref<10240x128xf32, #tpu.memory_space<vmem_shared>> -> memref<64x128xf32, #tpu.memory_space<vmem_shared>>
      %dma_start3A_59 = arith.constant 0 : i32
      %dma_start3A_60 = arith.constant 0 : i32
      %dma_start3A_61 = tpu.memref_slice %arg9[%run_scoped3A_25, %dma_start3A_59, %dma_start3A_60] : memref<2x128x128xf32, #tpu.memory_space<vmem>> -> memref<1x64x128xf32, #tpu.memory_space<vmem>>
      %dma_start3A_62 = tpu.memref_squeeze %dma_start3A_61 : memref<1x64x128xf32, #tpu.memory_space<vmem>> -> memref<64x128xf32, #tpu.memory_space<vmem>>
      tpu.enqueue_dma source(%dma_start3A_62 : memref<64x128xf32, #tpu.memory_space<vmem>>) target(%dma_start3A_58 : memref<64x128xf32, #tpu.memory_space<vmem_shared>>) target_semaphore(%run_scoped3A_51 : memref<!tpu.dma_semaphore, #tpu.memory_space<semaphore_mem>>)
      %dma_wait3A = arith.constant 0 : i32
      %dma_wait3A_63 = arith.constant 0 : i32
      %dma_wait3A_64 = tpu.memref_slice %arg9[%run_scoped3A_25, %dma_wait3A, %dma_wait3A_63] : memref<2x128x128xf32, #tpu.memory_space<vmem>> -> memref<1x64x128xf32, #tpu.memory_space<vmem>>
      %dma_wait3A_65 = tpu.memref_squeeze %dma_wait3A_64 : memref<1x64x128xf32, #tpu.memory_space<vmem>> -> memref<64x128xf32, #tpu.memory_space<vmem>>
      %dma_wait3A_66 = arith.constant 0 : i32
      %dma_wait3A_67 = tpu.memref_slice %arg11[%add3A_24, %dma_wait3A_66] : memref<10240x128xf32, #tpu.memory_space<vmem_shared>> -> memref<64x128xf32, #tpu.memory_space<vmem_shared>>
      %dma_wait3A_68 = arith.constant 0 : i32
      %dma_wait3A_69 = tpu.memref_slice %arg11[%add3A_24, %dma_wait3A_68] : memref<10240x128xf32, #tpu.memory_space<vmem_shared>> -> memref<64x128xf32, #tpu.memory_space<vmem_shared>>
      %dma_wait3A_70 = arith.constant 0 : i32
      %dma_wait3A_71 = arith.constant 0 : i32
      %dma_wait3A_72 = tpu.memref_slice %arg9[%run_scoped3A_25, %dma_wait3A_70, %dma_wait3A_71] : memref<2x128x128xf32, #tpu.memory_space<vmem>> -> memref<1x64x128xf32, #tpu.memory_space<vmem>>
      %dma_wait3A_73 = tpu.memref_squeeze %dma_wait3A_72 : memref<1x64x128xf32, #tpu.memory_space<vmem>> -> memref<64x128xf32, #tpu.memory_space<vmem>>
      tpu.wait_dma2 semaphore(%run_scoped3A_51 : memref<!tpu.dma_semaphore, #tpu.memory_space<semaphore_mem>>) src(%dma_wait3A_73 : memref<64x128xf32, #tpu.memory_space<vmem>>) dst(%dma_wait3A_69 : memref<64x128xf32, #tpu.memory_space<vmem_shared>>)
      tpu.yield
    }) : () -> ()
    %add3A_26 = arith.constant 384 : i32
    %add3A_27 = arith.addi %mul3A_8, %add3A_26 : i32
    %run_scoped3A_28 = arith.constant 0 : i32
    "tpu.region"() ({
      %run_scoped3A_51 = tpu.sem_alloc : memref<!tpu.dma_semaphore, #tpu.memory_space<semaphore_mem>>
      %dma_start3A = arith.constant 0 : i32
      %dma_start3A_52 = arith.constant 0 : i32
      %dma_start3A_53 = tpu.memref_slice %arg9[%run_scoped3A_28, %dma_start3A, %dma_start3A_52] : memref<2x128x128xf32, #tpu.memory_space<vmem>> -> memref<1x64x128xf32, #tpu.memory_space<vmem>>
      %dma_start3A_54 = tpu.memref_squeeze %dma_start3A_53 : memref<1x64x128xf32, #tpu.memory_space<vmem>> -> memref<64x128xf32, #tpu.memory_space<vmem>>
      %dma_start3A_55 = arith.constant 0 : i32
      %dma_start3A_56 = tpu.memref_slice %arg11[%add3A_27, %dma_start3A_55] : memref<10240x128xf32, #tpu.memory_space<vmem_shared>> -> memref<64x128xf32, #tpu.memory_space<vmem_shared>>
      %dma_start3A_57 = arith.constant 0 : i32
      %dma_start3A_58 = tpu.memref_slice %arg11[%add3A_27, %dma_start3A_57] : memref<10240x128xf32, #tpu.memory_space<vmem_shared>> -> memref<64x128xf32, #tpu.memory_space<vmem_shared>>
      %dma_start3A_59 = arith.constant 0 : i32
      %dma_start3A_60 = arith.constant 0 : i32
      %dma_start3A_61 = tpu.memref_slice %arg9[%run_scoped3A_28, %dma_start3A_59, %dma_start3A_60] : memref<2x128x128xf32, #tpu.memory_space<vmem>> -> memref<1x64x128xf32, #tpu.memory_space<vmem>>
      %dma_start3A_62 = tpu.memref_squeeze %dma_start3A_61 : memref<1x64x128xf32, #tpu.memory_space<vmem>> -> memref<64x128xf32, #tpu.memory_space<vmem>>
      tpu.enqueue_dma source(%dma_start3A_62 : memref<64x128xf32, #tpu.memory_space<vmem>>) target(%dma_start3A_58 : memref<64x128xf32, #tpu.memory_space<vmem_shared>>) target_semaphore(%run_scoped3A_51 : memref<!tpu.dma_semaphore, #tpu.memory_space<semaphore_mem>>)
      %dma_wait3A = arith.constant 0 : i32
      %dma_wait3A_63 = arith.constant 0 : i32
      %dma_wait3A_64 = tpu.memref_slice %arg9[%run_scoped3A_28, %dma_wait3A, %dma_wait3A_63] : memref<2x128x128xf32, #tpu.memory_space<vmem>> -> memref<1x64x128xf32, #tpu.memory_space<vmem>>
      %dma_wait3A_65 = tpu.memref_squeeze %dma_wait3A_64 : memref<1x64x128xf32, #tpu.memory_space<vmem>> -> memref<64x128xf32, #tpu.memory_space<vmem>>
      %dma_wait3A_66 = arith.constant 0 : i32
      %dma_wait3A_67 = tpu.memref_slice %arg11[%add3A_27, %dma_wait3A_66] : memref<10240x128xf32, #tpu.memory_space<vmem_shared>> -> memref<64x128xf32, #tpu.memory_space<vmem_shared>>
      %dma_wait3A_68 = arith.constant 0 : i32
      %dma_wait3A_69 = tpu.memref_slice %arg11[%add3A_27, %dma_wait3A_68] : memref<10240x128xf32, #tpu.memory_space<vmem_shared>> -> memref<64x128xf32, #tpu.memory_space<vmem_shared>>
      %dma_wait3A_70 = arith.constant 0 : i32
      %dma_wait3A_71 = arith.constant 0 : i32
      %dma_wait3A_72 = tpu.memref_slice %arg9[%run_scoped3A_28, %dma_wait3A_70, %dma_wait3A_71] : memref<2x128x128xf32, #tpu.memory_space<vmem>> -> memref<1x64x128xf32, #tpu.memory_space<vmem>>
      %dma_wait3A_73 = tpu.memref_squeeze %dma_wait3A_72 : memref<1x64x128xf32, #tpu.memory_space<vmem>> -> memref<64x128xf32, #tpu.memory_space<vmem>>
      tpu.wait_dma2 semaphore(%run_scoped3A_51 : memref<!tpu.dma_semaphore, #tpu.memory_space<semaphore_mem>>) src(%dma_wait3A_73 : memref<64x128xf32, #tpu.memory_space<vmem>>) dst(%dma_wait3A_69 : memref<64x128xf32, #tpu.memory_space<vmem_shared>>)
      tpu.yield
    }) : () -> ()
    %add3A_29 = arith.constant 448 : i32
    %add3A_30 = arith.addi %mul3A_8, %add3A_29 : i32
    %run_scoped3A_31 = arith.constant 0 : i32
    "tpu.region"() ({
      %run_scoped3A_51 = tpu.sem_alloc : memref<!tpu.dma_semaphore, #tpu.memory_space<semaphore_mem>>
      %dma_start3A = arith.constant 0 : i32
      %dma_start3A_52 = arith.constant 0 : i32
      %dma_start3A_53 = tpu.memref_slice %arg9[%run_scoped3A_31, %dma_start3A, %dma_start3A_52] : memref<2x128x128xf32, #tpu.memory_space<vmem>> -> memref<1x64x128xf32, #tpu.memory_space<vmem>>
      %dma_start3A_54 = tpu.memref_squeeze %dma_start3A_53 : memref<1x64x128xf32, #tpu.memory_space<vmem>> -> memref<64x128xf32, #tpu.memory_space<vmem>>
      %dma_start3A_55 = arith.constant 0 : i32
      %dma_start3A_56 = tpu.memref_slice %arg11[%add3A_30, %dma_start3A_55] : memref<10240x128xf32, #tpu.memory_space<vmem_shared>> -> memref<64x128xf32, #tpu.memory_space<vmem_shared>>
      %dma_start3A_57 = arith.constant 0 : i32
      %dma_start3A_58 = tpu.memref_slice %arg11[%add3A_30, %dma_start3A_57] : memref<10240x128xf32, #tpu.memory_space<vmem_shared>> -> memref<64x128xf32, #tpu.memory_space<vmem_shared>>
      %dma_start3A_59 = arith.constant 0 : i32
      %dma_start3A_60 = arith.constant 0 : i32
      %dma_start3A_61 = tpu.memref_slice %arg9[%run_scoped3A_31, %dma_start3A_59, %dma_start3A_60] : memref<2x128x128xf32, #tpu.memory_space<vmem>> -> memref<1x64x128xf32, #tpu.memory_space<vmem>>
      %dma_start3A_62 = tpu.memref_squeeze %dma_start3A_61 : memref<1x64x128xf32, #tpu.memory_space<vmem>> -> memref<64x128xf32, #tpu.memory_space<vmem>>
      tpu.enqueue_dma source(%dma_start3A_62 : memref<64x128xf32, #tpu.memory_space<vmem>>) target(%dma_start3A_58 : memref<64x128xf32, #tpu.memory_space<vmem_shared>>) target_semaphore(%run_scoped3A_51 : memref<!tpu.dma_semaphore, #tpu.memory_space<semaphore_mem>>)
      %dma_wait3A = arith.constant 0 : i32
      %dma_wait3A_63 = arith.constant 0 : i32
      %dma_wait3A_64 = tpu.memref_slice %arg9[%run_scoped3A_31, %dma_wait3A, %dma_wait3A_63] : memref<2x128x128xf32, #tpu.memory_space<vmem>> -> memref<1x64x128xf32, #tpu.memory_space<vmem>>
      %dma_wait3A_65 = tpu.memref_squeeze %dma_wait3A_64 : memref<1x64x128xf32, #tpu.memory_space<vmem>> -> memref<64x128xf32, #tpu.memory_space<vmem>>
      %dma_wait3A_66 = arith.constant 0 : i32
      %dma_wait3A_67 = tpu.memref_slice %arg11[%add3A_30, %dma_wait3A_66] : memref<10240x128xf32, #tpu.memory_space<vmem_shared>> -> memref<64x128xf32, #tpu.memory_space<vmem_shared>>
      %dma_wait3A_68 = arith.constant 0 : i32
      %dma_wait3A_69 = tpu.memref_slice %arg11[%add3A_30, %dma_wait3A_68] : memref<10240x128xf32, #tpu.memory_space<vmem_shared>> -> memref<64x128xf32, #tpu.memory_space<vmem_shared>>
      %dma_wait3A_70 = arith.constant 0 : i32
      %dma_wait3A_71 = arith.constant 0 : i32
      %dma_wait3A_72 = tpu.memref_slice %arg9[%run_scoped3A_31, %dma_wait3A_70, %dma_wait3A_71] : memref<2x128x128xf32, #tpu.memory_space<vmem>> -> memref<1x64x128xf32, #tpu.memory_space<vmem>>
      %dma_wait3A_73 = tpu.memref_squeeze %dma_wait3A_72 : memref<1x64x128xf32, #tpu.memory_space<vmem>> -> memref<64x128xf32, #tpu.memory_space<vmem>>
      tpu.wait_dma2 semaphore(%run_scoped3A_51 : memref<!tpu.dma_semaphore, #tpu.memory_space<semaphore_mem>>) src(%dma_wait3A_73 : memref<64x128xf32, #tpu.memory_space<vmem>>) dst(%dma_wait3A_69 : memref<64x128xf32, #tpu.memory_space<vmem_shared>>)
      tpu.yield
    }) : () -> ()
    %add3A_32 = arith.constant 512 : i32
    %add3A_33 = arith.addi %mul3A_8, %add3A_32 : i32
    %run_scoped3A_34 = arith.constant 0 : i32
    "tpu.region"() ({
      %run_scoped3A_51 = tpu.sem_alloc : memref<!tpu.dma_semaphore, #tpu.memory_space<semaphore_mem>>
      %dma_start3A = arith.constant 0 : i32
      %dma_start3A_52 = arith.constant 0 : i32
      %dma_start3A_53 = tpu.memref_slice %arg9[%run_scoped3A_34, %dma_start3A, %dma_start3A_52] : memref<2x128x128xf32, #tpu.memory_space<vmem>> -> memref<1x64x128xf32, #tpu.memory_space<vmem>>
      %dma_start3A_54 = tpu.memref_squeeze %dma_start3A_53 : memref<1x64x128xf32, #tpu.memory_space<vmem>> -> memref<64x128xf32, #tpu.memory_space<vmem>>
      %dma_start3A_55 = arith.constant 0 : i32
      %dma_start3A_56 = tpu.memref_slice %arg11[%add3A_33, %dma_start3A_55] : memref<10240x128xf32, #tpu.memory_space<vmem_shared>> -> memref<64x128xf32, #tpu.memory_space<vmem_shared>>
      %dma_start3A_57 = arith.constant 0 : i32
      %dma_start3A_58 = tpu.memref_slice %arg11[%add3A_33, %dma_start3A_57] : memref<10240x128xf32, #tpu.memory_space<vmem_shared>> -> memref<64x128xf32, #tpu.memory_space<vmem_shared>>
      %dma_start3A_59 = arith.constant 0 : i32
      %dma_start3A_60 = arith.constant 0 : i32
      %dma_start3A_61 = tpu.memref_slice %arg9[%run_scoped3A_34, %dma_start3A_59, %dma_start3A_60] : memref<2x128x128xf32, #tpu.memory_space<vmem>> -> memref<1x64x128xf32, #tpu.memory_space<vmem>>
      %dma_start3A_62 = tpu.memref_squeeze %dma_start3A_61 : memref<1x64x128xf32, #tpu.memory_space<vmem>> -> memref<64x128xf32, #tpu.memory_space<vmem>>
      tpu.enqueue_dma source(%dma_start3A_62 : memref<64x128xf32, #tpu.memory_space<vmem>>) target(%dma_start3A_58 : memref<64x128xf32, #tpu.memory_space<vmem_shared>>) target_semaphore(%run_scoped3A_51 : memref<!tpu.dma_semaphore, #tpu.memory_space<semaphore_mem>>)
      %dma_wait3A = arith.constant 0 : i32
      %dma_wait3A_63 = arith.constant 0 : i32
      %dma_wait3A_64 = tpu.memref_slice %arg9[%run_scoped3A_34, %dma_wait3A, %dma_wait3A_63] : memref<2x128x128xf32, #tpu.memory_space<vmem>> -> memref<1x64x128xf32, #tpu.memory_space<vmem>>
      %dma_wait3A_65 = tpu.memref_squeeze %dma_wait3A_64 : memref<1x64x128xf32, #tpu.memory_space<vmem>> -> memref<64x128xf32, #tpu.memory_space<vmem>>
      %dma_wait3A_66 = arith.constant 0 : i32
      %dma_wait3A_67 = tpu.memref_slice %arg11[%add3A_33, %dma_wait3A_66] : memref<10240x128xf32, #tpu.memory_space<vmem_shared>> -> memref<64x128xf32, #tpu.memory_space<vmem_shared>>
      %dma_wait3A_68 = arith.constant 0 : i32
      %dma_wait3A_69 = tpu.memref_slice %arg11[%add3A_33, %dma_wait3A_68] : memref<10240x128xf32, #tpu.memory_space<vmem_shared>> -> memref<64x128xf32, #tpu.memory_space<vmem_shared>>
      %dma_wait3A_70 = arith.constant 0 : i32
      %dma_wait3A_71 = arith.constant 0 : i32
      %dma_wait3A_72 = tpu.memref_slice %arg9[%run_scoped3A_34, %dma_wait3A_70, %dma_wait3A_71] : memref<2x128x128xf32, #tpu.memory_space<vmem>> -> memref<1x64x128xf32, #tpu.memory_space<vmem>>
      %dma_wait3A_73 = tpu.memref_squeeze %dma_wait3A_72 : memref<1x64x128xf32, #tpu.memory_space<vmem>> -> memref<64x128xf32, #tpu.memory_space<vmem>>
      tpu.wait_dma2 semaphore(%run_scoped3A_51 : memref<!tpu.dma_semaphore, #tpu.memory_space<semaphore_mem>>) src(%dma_wait3A_73 : memref<64x128xf32, #tpu.memory_space<vmem>>) dst(%dma_wait3A_69 : memref<64x128xf32, #tpu.memory_space<vmem_shared>>)
      tpu.yield
    }) : () -> ()
    %add3A_35 = arith.constant 576 : i32
    %add3A_36 = arith.addi %mul3A_8, %add3A_35 : i32
    %run_scoped3A_37 = arith.constant 0 : i32
    "tpu.region"() ({
      %run_scoped3A_51 = tpu.sem_alloc : memref<!tpu.dma_semaphore, #tpu.memory_space<semaphore_mem>>
      %dma_start3A = arith.constant 0 : i32
      %dma_start3A_52 = arith.constant 0 : i32
      %dma_start3A_53 = tpu.memref_slice %arg9[%run_scoped3A_37, %dma_start3A, %dma_start3A_52] : memref<2x128x128xf32, #tpu.memory_space<vmem>> -> memref<1x64x128xf32, #tpu.memory_space<vmem>>
      %dma_start3A_54 = tpu.memref_squeeze %dma_start3A_53 : memref<1x64x128xf32, #tpu.memory_space<vmem>> -> memref<64x128xf32, #tpu.memory_space<vmem>>
      %dma_start3A_55 = arith.constant 0 : i32
      %dma_start3A_56 = tpu.memref_slice %arg11[%add3A_36, %dma_start3A_55] : memref<10240x128xf32, #tpu.memory_space<vmem_shared>> -> memref<64x128xf32, #tpu.memory_space<vmem_shared>>
      %dma_start3A_57 = arith.constant 0 : i32
      %dma_start3A_58 = tpu.memref_slice %arg11[%add3A_36, %dma_start3A_57] : memref<10240x128xf32, #tpu.memory_space<vmem_shared>> -> memref<64x128xf32, #tpu.memory_space<vmem_shared>>
      %dma_start3A_59 = arith.constant 0 : i32
      %dma_start3A_60 = arith.constant 0 : i32
      %dma_start3A_61 = tpu.memref_slice %arg9[%run_scoped3A_37, %dma_start3A_59, %dma_start3A_60] : memref<2x128x128xf32, #tpu.memory_space<vmem>> -> memref<1x64x128xf32, #tpu.memory_space<vmem>>
      %dma_start3A_62 = tpu.memref_squeeze %dma_start3A_61 : memref<1x64x128xf32, #tpu.memory_space<vmem>> -> memref<64x128xf32, #tpu.memory_space<vmem>>
      tpu.enqueue_dma source(%dma_start3A_62 : memref<64x128xf32, #tpu.memory_space<vmem>>) target(%dma_start3A_58 : memref<64x128xf32, #tpu.memory_space<vmem_shared>>) target_semaphore(%run_scoped3A_51 : memref<!tpu.dma_semaphore, #tpu.memory_space<semaphore_mem>>)
      %dma_wait3A = arith.constant 0 : i32
      %dma_wait3A_63 = arith.constant 0 : i32
      %dma_wait3A_64 = tpu.memref_slice %arg9[%run_scoped3A_37, %dma_wait3A, %dma_wait3A_63] : memref<2x128x128xf32, #tpu.memory_space<vmem>> -> memref<1x64x128xf32, #tpu.memory_space<vmem>>
      %dma_wait3A_65 = tpu.memref_squeeze %dma_wait3A_64 : memref<1x64x128xf32, #tpu.memory_space<vmem>> -> memref<64x128xf32, #tpu.memory_space<vmem>>
      %dma_wait3A_66 = arith.constant 0 : i32
      %dma_wait3A_67 = tpu.memref_slice %arg11[%add3A_36, %dma_wait3A_66] : memref<10240x128xf32, #tpu.memory_space<vmem_shared>> -> memref<64x128xf32, #tpu.memory_space<vmem_shared>>
      %dma_wait3A_68 = arith.constant 0 : i32
      %dma_wait3A_69 = tpu.memref_slice %arg11[%add3A_36, %dma_wait3A_68] : memref<10240x128xf32, #tpu.memory_space<vmem_shared>> -> memref<64x128xf32, #tpu.memory_space<vmem_shared>>
      %dma_wait3A_70 = arith.constant 0 : i32
      %dma_wait3A_71 = arith.constant 0 : i32
      %dma_wait3A_72 = tpu.memref_slice %arg9[%run_scoped3A_37, %dma_wait3A_70, %dma_wait3A_71] : memref<2x128x128xf32, #tpu.memory_space<vmem>> -> memref<1x64x128xf32, #tpu.memory_space<vmem>>
      %dma_wait3A_73 = tpu.memref_squeeze %dma_wait3A_72 : memref<1x64x128xf32, #tpu.memory_space<vmem>> -> memref<64x128xf32, #tpu.memory_space<vmem>>
      tpu.wait_dma2 semaphore(%run_scoped3A_51 : memref<!tpu.dma_semaphore, #tpu.memory_space<semaphore_mem>>) src(%dma_wait3A_73 : memref<64x128xf32, #tpu.memory_space<vmem>>) dst(%dma_wait3A_69 : memref<64x128xf32, #tpu.memory_space<vmem_shared>>)
      tpu.yield
    }) : () -> ()
    %barrier3A = arith.constant 0 : index
    tpu.barrier barrier_id(%barrier3A)
    %iota3A = tpu.iota {dimensions = array<i32: 0>} : vector<16xi32>
    %broadcast_in_dim3A = arith.constant 0.000000e+00 : f32
    %broadcast_in_dim3A_38 = vector.broadcast %broadcast_in_dim3A : f32 to vector<16xf32>
    %scan3A_39 = arith.constant 0 : i32
    %scan3A_40 = arith.constant 0 : i32
    %scan3A_41 = arith.constant 5 : i32
    %scan3A_42 = arith.addi %scan3A_40, %scan3A_41 : i32
    %scan3A_43 = arith.constant 1 : i32
    %scan3A_44 = scf.for %scan3A_51 = %scan3A_40 to %scan3A_42 step %scan3A_43 iter_args(%scan3A_52 = %scan3A_39) -> (i32)  : i32 {
      %mul3A_53 = arith.constant 80 : i32
      %mul3A_54 = arith.muli %add3A, %mul3A_53 : i32
      %mul3A_55 = arith.constant 16 : i32
      %mul3A_56 = arith.muli %scan3A_51, %mul3A_55 : i32
      %add3A_57 = arith.addi %mul3A_54, %mul3A_56 : i32
      "tpu.region"() ({
        %run_scoped3A_66 = tpu.sem_alloc : memref<!tpu.dma_semaphore, #tpu.memory_space<semaphore_mem>>
        %dma_start3A = arith.constant 0 : i32
        %dma_start3A_67 = tpu.memref_slice %arg3[%add3A_57, %dma_start3A] : memref<2560x128xi32, #tpu.memory_space<hbm>> -> memref<16x128xi32, #tpu.memory_space<hbm>>
        %dma_start3A_68 = arith.constant 0 : i32
        %dma_start3A_69 = tpu.memref_slice %arg3[%add3A_57, %dma_start3A_68] : memref<2560x128xi32, #tpu.memory_space<hbm>> -> memref<16x128xi32, #tpu.memory_space<hbm>>
        tpu.enqueue_dma source(%dma_start3A_69 : memref<16x128xi32, #tpu.memory_space<hbm>>) target(%arg7 : memref<16x128xi32, #tpu.memory_space<vmem>>) target_semaphore(%run_scoped3A_66 : memref<!tpu.dma_semaphore, #tpu.memory_space<semaphore_mem>>)
        %dma_wait3A = arith.constant 0 : i32
        %dma_wait3A_70 = tpu.memref_slice %arg3[%add3A_57, %dma_wait3A] : memref<2560x128xi32, #tpu.memory_space<hbm>> -> memref<16x128xi32, #tpu.memory_space<hbm>>
        %dma_wait3A_71 = arith.constant 0 : i32
        %dma_wait3A_72 = tpu.memref_slice %arg3[%add3A_57, %dma_wait3A_71] : memref<2560x128xi32, #tpu.memory_space<hbm>> -> memref<16x128xi32, #tpu.memory_space<hbm>>
        tpu.wait_dma2 semaphore(%run_scoped3A_66 : memref<!tpu.dma_semaphore, #tpu.memory_space<semaphore_mem>>) src(%dma_wait3A_72 : memref<16x128xi32, #tpu.memory_space<hbm>>) dst(%arg7 : memref<16x128xi32, #tpu.memory_space<vmem>>)
        tpu.yield
      }) : () -> ()
      "tpu.region"() ({
        %run_scoped3A_66 = tpu.sem_alloc : memref<!tpu.dma_semaphore, #tpu.memory_space<semaphore_mem>>
        %dma_start3A = arith.constant 0 : i32
        %dma_start3A_67 = tpu.memref_slice %arg4[%add3A_57, %dma_start3A] : memref<2560x128xi32, #tpu.memory_space<hbm>> -> memref<16x128xi32, #tpu.memory_space<hbm>>
        %dma_start3A_68 = arith.constant 0 : i32
        %dma_start3A_69 = tpu.memref_slice %arg4[%add3A_57, %dma_start3A_68] : memref<2560x128xi32, #tpu.memory_space<hbm>> -> memref<16x128xi32, #tpu.memory_space<hbm>>
        tpu.enqueue_dma source(%dma_start3A_69 : memref<16x128xi32, #tpu.memory_space<hbm>>) target(%arg8 : memref<16x128xi32, #tpu.memory_space<vmem>>) target_semaphore(%run_scoped3A_66 : memref<!tpu.dma_semaphore, #tpu.memory_space<semaphore_mem>>)
        %dma_wait3A = arith.constant 0 : i32
        %dma_wait3A_70 = tpu.memref_slice %arg4[%add3A_57, %dma_wait3A] : memref<2560x128xi32, #tpu.memory_space<hbm>> -> memref<16x128xi32, #tpu.memory_space<hbm>>
        %dma_wait3A_71 = arith.constant 0 : i32
        %dma_wait3A_72 = tpu.memref_slice %arg4[%add3A_57, %dma_wait3A_71] : memref<2560x128xi32, #tpu.memory_space<hbm>> -> memref<16x128xi32, #tpu.memory_space<hbm>>
        tpu.wait_dma2 semaphore(%run_scoped3A_66 : memref<!tpu.dma_semaphore, #tpu.memory_space<semaphore_mem>>) src(%dma_wait3A_72 : memref<16x128xi32, #tpu.memory_space<hbm>>) dst(%arg8 : memref<16x128xi32, #tpu.memory_space<vmem>>)
        tpu.yield
      }) : () -> ()
      %scan3A_58 = arith.constant 0 : i32
      %scan3A_59 = arith.constant 0 : i32
      %scan3A_60 = arith.constant 18 : i32
      %scan3A_61 = arith.addi %scan3A_59, %scan3A_60 : i32
      %scan3A_62 = arith.constant 1 : i32
      %scan3A_63 = scf.for %scan3A_66 = %scan3A_59 to %scan3A_61 step %scan3A_62 iter_args(%scan3A_67 = %scan3A_58) -> (i32)  : i32 {
        %ge3A = arith.constant 2 : i32
        %ge3A_68 = arith.cmpi sge, %scan3A_66, %ge3A : i32
        %convert_element_type3A = arith.extui %ge3A_68 : i1 to i32
        %cond3A = arith.constant 0 : i32
        %cond3A_69 = arith.cmpi ne, %convert_element_type3A, %cond3A : i32
        scf.if %cond3A_69 {
          %sub3A = arith.constant 2 : i32
          %sub3A_75 = arith.subi %scan3A_66, %sub3A : i32
          %jit3A = arith.constant 2 : i32
          %eq3A = arith.constant 0 : i32
          %eq3A_76 = arith.cmpi eq, %jit3A, %eq3A : i32
          %jit3A_77 = arith.constant 1 : i32
          %select_n3A = arith.select %eq3A_76, %jit3A_77, %jit3A : i32
          %rem3A = arith.remsi %scan3A_66, %select_n3A : i32
          %ne3A = arith.constant 0 : i32
          %ne3A_78 = arith.cmpi ne, %rem3A, %ne3A : i32
          %lt3A_79 = arith.constant 0 : i32
          %lt3A_80 = arith.cmpi slt, %rem3A, %lt3A_79 : i32
          %lt3A_81 = arith.constant 0 : i32
          %lt3A_82 = arith.cmpi slt, %select_n3A, %lt3A_81 : i32
          %ne3A_83 = arith.xori %lt3A_80, %lt3A_82 : i1
          %and3A = arith.andi %ne3A_83, %ne3A_78 : i1
          %add3A_84 = arith.addi %rem3A, %select_n3A : i32
          %select_n3A_85 = arith.select %and3A, %add3A_84, %rem3A : i32
          %dma_wait3A = arith.constant 0 : i32
          %dma_wait3A_86 = arith.constant 0 : i32
          %dma_wait3A_87 = tpu.memref_slice %arg9[%select_n3A_85, %dma_wait3A, %dma_wait3A_86] : memref<2x128x128xf32, #tpu.memory_space<vmem>> -> memref<1x128x128xf32, #tpu.memory_space<vmem>>
          %dma_wait3A_88 = tpu.memref_squeeze %dma_wait3A_87 : memref<1x128x128xf32, #tpu.memory_space<vmem>> -> memref<128x128xf32, #tpu.memory_space<vmem>>
          %dma_wait3A_89 = arith.constant 0 : i32
          %dma_wait3A_90 = tpu.memref_slice %arg7[%sub3A_75, %dma_wait3A_89] : memref<16x128xi32, #tpu.memory_space<vmem>> -> memref<1x128xi32, #tpu.memory_space<vmem>>
          %dma_wait3A_91 = tpu.memref_squeeze %dma_wait3A_90 : memref<1x128xi32, #tpu.memory_space<vmem>> -> memref<128xi32, #tpu.memory_space<vmem>>
          %dma_wait3A_92 = arith.constant 0 : i32
          %dma_wait3A_93 = arith.constant 0 : i32
          %dma_wait3A_94 = tpu.memref_slice %arg11[%dma_wait3A_92, %dma_wait3A_93] : memref<10240x128xf32, #tpu.memory_space<vmem_shared>> -> memref<10240x128xf32, #tpu.memory_space<vmem_shared>>
          %dma_wait3A_95 = tpu.memref_slice %arg12[%select_n3A_85] : memref<2x!tpu.dma_semaphore, #tpu.memory_space<semaphore_mem>> -> memref<1x!tpu.dma_semaphore, #tpu.memory_space<semaphore_mem>>
          %dma_wait3A_96 = tpu.memref_squeeze %dma_wait3A_95 : memref<1x!tpu.dma_semaphore, #tpu.memory_space<semaphore_mem>> -> memref<!tpu.dma_semaphore, #tpu.memory_space<semaphore_mem>>
          tpu.wait_indirect_dma semaphore(%dma_wait3A_96 : memref<!tpu.dma_semaphore, #tpu.memory_space<semaphore_mem>>) src(%dma_wait3A_88 : memref<128x128xf32, #tpu.memory_space<vmem>>) dst(%dma_wait3A_94 : memref<10240x128xf32, #tpu.memory_space<vmem_shared>>)
          %sub3A_97 = arith.constant 2 : i32
          %sub3A_98 = arith.subi %scan3A_66, %sub3A_97 : i32
          %jit3A_99 = arith.constant 2 : i32
          %eq3A_100 = arith.constant 0 : i32
          %eq3A_101 = arith.cmpi eq, %jit3A_99, %eq3A_100 : i32
          %jit3A_102 = arith.constant 1 : i32
          %select_n3A_103 = arith.select %eq3A_101, %jit3A_102, %jit3A_99 : i32
          %rem3A_104 = arith.remsi %scan3A_66, %select_n3A_103 : i32
          %ne3A_105 = arith.constant 0 : i32
          %ne3A_106 = arith.cmpi ne, %rem3A_104, %ne3A_105 : i32
          %lt3A_107 = arith.constant 0 : i32
          %lt3A_108 = arith.cmpi slt, %rem3A_104, %lt3A_107 : i32
          %lt3A_109 = arith.constant 0 : i32
          %lt3A_110 = arith.cmpi slt, %select_n3A_103, %lt3A_109 : i32
          %ne3A_111 = arith.xori %lt3A_108, %lt3A_110 : i1
          %and3A_112 = arith.andi %ne3A_111, %ne3A_106 : i1
          %add3A_113 = arith.addi %rem3A_104, %select_n3A_103 : i32
          %select_n3A_114 = arith.select %and3A_112, %add3A_113, %rem3A_104 : i32
          %broadcast_in_dim3A_115 = arith.constant 0 : i32
          %broadcast_in_dim3A_116 = vector.broadcast %broadcast_in_dim3A_115 : i32 to vector<16xi32>
          %add3A_117 = vector.broadcast %select_n3A_114 : i32 to vector<16xi32>
          %add3A_118 = arith.addi %broadcast_in_dim3A_116, %add3A_117 : vector<16xi32>
          %get3A = arith.index_cast %select_n3A_114 : i32 to index
          %get3A_119 = arith.constant 0 : index
          %get3A_120 = tpu.vector_load %arg10[%get3A, %get3A_119] {strides = array<i32>} : memref<2x128xi32, #tpu.memory_space<vmem>>, vector<16xi32>,
          %add3A_121 = arith.constant 0 : i32
          %add3A_122 = vector.broadcast %add3A_121 : i32 to vector<16xi32>
          %add3A_123 = arith.addi %iota3A, %add3A_122 : vector<16xi32>
          tpu.vector_store_idx %arg9[%add3A_118, %add3A_123, %get3A_120], %broadcast_in_dim3A_38 : memref<2x128x128xf32, #tpu.memory_space<vmem>>[vector<16xi32>, vector<16xi32>, vector<16xi32>], vector<16xf32>,
          %get3A_124 = arith.index_cast %select_n3A_114 : i32 to index
          %get3A_125 = arith.constant 16 : index
          %get3A_126 = tpu.vector_load %arg10[%get3A_124, %get3A_125] {strides = array<i32>} : memref<2x128xi32, #tpu.memory_space<vmem>>, vector<16xi32>,
          %add3A_127 = arith.constant 16 : i32
          %add3A_128 = vector.broadcast %add3A_127 : i32 to vector<16xi32>
          %add3A_129 = arith.addi %iota3A, %add3A_128 : vector<16xi32>
          tpu.vector_store_idx %arg9[%add3A_118, %add3A_129, %get3A_126], %broadcast_in_dim3A_38 : memref<2x128x128xf32, #tpu.memory_space<vmem>>[vector<16xi32>, vector<16xi32>, vector<16xi32>], vector<16xf32>,
          %get3A_130 = arith.index_cast %select_n3A_114 : i32 to index
          %get3A_131 = arith.constant 32 : index
          %get3A_132 = tpu.vector_load %arg10[%get3A_130, %get3A_131] {strides = array<i32>} : memref<2x128xi32, #tpu.memory_space<vmem>>, vector<16xi32>,
          %add3A_133 = arith.constant 32 : i32
          %add3A_134 = vector.broadcast %add3A_133 : i32 to vector<16xi32>
          %add3A_135 = arith.addi %iota3A, %add3A_134 : vector<16xi32>
          tpu.vector_store_idx %arg9[%add3A_118, %add3A_135, %get3A_132], %broadcast_in_dim3A_38 : memref<2x128x128xf32, #tpu.memory_space<vmem>>[vector<16xi32>, vector<16xi32>, vector<16xi32>], vector<16xf32>,
          %get3A_136 = arith.index_cast %select_n3A_114 : i32 to index
          %get3A_137 = arith.constant 48 : index
          %get3A_138 = tpu.vector_load %arg10[%get3A_136, %get3A_137] {strides = array<i32>} : memref<2x128xi32, #tpu.memory_space<vmem>>, vector<16xi32>,
          %add3A_139 = arith.constant 48 : i32
          %add3A_140 = vector.broadcast %add3A_139 : i32 to vector<16xi32>
          %add3A_141 = arith.addi %iota3A, %add3A_140 : vector<16xi32>
          tpu.vector_store_idx %arg9[%add3A_118, %add3A_141, %get3A_138], %broadcast_in_dim3A_38 : memref<2x128x128xf32, #tpu.memory_space<vmem>>[vector<16xi32>, vector<16xi32>, vector<16xi32>], vector<16xf32>,
          %get3A_142 = arith.index_cast %select_n3A_114 : i32 to index
          %get3A_143 = arith.constant 64 : index
          %get3A_144 = tpu.vector_load %arg10[%get3A_142, %get3A_143] {strides = array<i32>} : memref<2x128xi32, #tpu.memory_space<vmem>>, vector<16xi32>,
          %add3A_145 = arith.constant 64 : i32
          %add3A_146 = vector.broadcast %add3A_145 : i32 to vector<16xi32>
          %add3A_147 = arith.addi %iota3A, %add3A_146 : vector<16xi32>
          tpu.vector_store_idx %arg9[%add3A_118, %add3A_147, %get3A_144], %broadcast_in_dim3A_38 : memref<2x128x128xf32, #tpu.memory_space<vmem>>[vector<16xi32>, vector<16xi32>, vector<16xi32>], vector<16xf32>,
          %get3A_148 = arith.index_cast %select_n3A_114 : i32 to index
          %get3A_149 = arith.constant 80 : index
          %get3A_150 = tpu.vector_load %arg10[%get3A_148, %get3A_149] {strides = array<i32>} : memref<2x128xi32, #tpu.memory_space<vmem>>, vector<16xi32>,
          %add3A_151 = arith.constant 80 : i32
          %add3A_152 = vector.broadcast %add3A_151 : i32 to vector<16xi32>
          %add3A_153 = arith.addi %iota3A, %add3A_152 : vector<16xi32>
          tpu.vector_store_idx %arg9[%add3A_118, %add3A_153, %get3A_150], %broadcast_in_dim3A_38 : memref<2x128x128xf32, #tpu.memory_space<vmem>>[vector<16xi32>, vector<16xi32>, vector<16xi32>], vector<16xf32>,
          %get3A_154 = arith.index_cast %select_n3A_114 : i32 to index
          %get3A_155 = arith.constant 96 : index
          %get3A_156 = tpu.vector_load %arg10[%get3A_154, %get3A_155] {strides = array<i32>} : memref<2x128xi32, #tpu.memory_space<vmem>>, vector<16xi32>,
          %add3A_157 = arith.constant 96 : i32
          %add3A_158 = vector.broadcast %add3A_157 : i32 to vector<16xi32>
          %add3A_159 = arith.addi %iota3A, %add3A_158 : vector<16xi32>
          tpu.vector_store_idx %arg9[%add3A_118, %add3A_159, %get3A_156], %broadcast_in_dim3A_38 : memref<2x128x128xf32, #tpu.memory_space<vmem>>[vector<16xi32>, vector<16xi32>, vector<16xi32>], vector<16xf32>,
          %get3A_160 = arith.index_cast %select_n3A_114 : i32 to index
          %get3A_161 = arith.constant 112 : index
          %get3A_162 = tpu.vector_load %arg10[%get3A_160, %get3A_161] {strides = array<i32>} : memref<2x128xi32, #tpu.memory_space<vmem>>, vector<16xi32>,
          %add3A_163 = arith.constant 112 : i32
          %add3A_164 = vector.broadcast %add3A_163 : i32 to vector<16xi32>
          %add3A_165 = arith.addi %iota3A, %add3A_164 : vector<16xi32>
          tpu.vector_store_idx %arg9[%add3A_118, %add3A_165, %get3A_162], %broadcast_in_dim3A_38 : memref<2x128x128xf32, #tpu.memory_space<vmem>>[vector<16xi32>, vector<16xi32>, vector<16xi32>], vector<16xf32>,
        } else {
        }
        %lt3A = arith.constant 16 : i32
        %lt3A_70 = arith.cmpi slt, %scan3A_66, %lt3A : i32
        %convert_element_type3A_71 = arith.extui %lt3A_70 : i1 to i32
        %cond3A_72 = arith.constant 0 : i32
        %cond3A_73 = arith.cmpi ne, %convert_element_type3A_71, %cond3A_72 : i32
        scf.if %cond3A_73 {
          %jit3A = arith.constant 2 : i32
          %eq3A = arith.constant 0 : i32
          %eq3A_75 = arith.cmpi eq, %jit3A, %eq3A : i32
          %jit3A_76 = arith.constant 1 : i32
          %select_n3A = arith.select %eq3A_75, %jit3A_76, %jit3A : i32
          %rem3A = arith.remsi %scan3A_66, %select_n3A : i32
          %ne3A = arith.constant 0 : i32
          %ne3A_77 = arith.cmpi ne, %rem3A, %ne3A : i32
          %lt3A_78 = arith.constant 0 : i32
          %lt3A_79 = arith.cmpi slt, %rem3A, %lt3A_78 : i32
          %lt3A_80 = arith.constant 0 : i32
          %lt3A_81 = arith.cmpi slt, %select_n3A, %lt3A_80 : i32
          %ne3A_82 = arith.xori %lt3A_79, %lt3A_81 : i1
          %and3A = arith.andi %ne3A_82, %ne3A_77 : i1
          %add3A_83 = arith.addi %rem3A, %select_n3A : i32
          %select_n3A_84 = arith.select %and3A, %add3A_83, %rem3A : i32
          %broadcast_in_dim3A_85 = arith.constant 0 : i32
          %broadcast_in_dim3A_86 = vector.broadcast %broadcast_in_dim3A_85 : i32 to vector<16xi32>
          %add3A_87 = vector.broadcast %select_n3A_84 : i32 to vector<16xi32>
          %add3A_88 = arith.addi %broadcast_in_dim3A_86, %add3A_87 : vector<16xi32>
          %get3A = arith.index_cast %scan3A_66 : i32 to index
          %get3A_89 = arith.constant 0 : index
          %get3A_90 = tpu.vector_load %arg8[%get3A, %get3A_89] {strides = array<i32>} : memref<16x128xi32, #tpu.memory_space<vmem>>, vector<16xi32>,
          %gather3A = tpu.vector_load_idx %arg6[%get3A_90] : memref<10240xi32, #tpu.memory_space<vmem>>[vector<16xi32>], vector<16xi32>,
          %and3A_91 = arith.constant 63 : i32
          %and3A_92 = vector.broadcast %and3A_91 : i32 to vector<16xi32>
          %and3A_93 = arith.andi %gather3A, %and3A_92 : vector<16xi32>
          %and3A_94 = arith.constant -64 : i32
          %and3A_95 = vector.broadcast %and3A_94 : i32 to vector<16xi32>
          %and3A_96 = arith.andi %gather3A, %and3A_95 : vector<16xi32>
          %bitcast3A = vector.bitcast %and3A_96 : vector<16xi32> to vector<16xf32>
          %add3A_97 = arith.constant 0 : i32
          %add3A_98 = vector.broadcast %add3A_97 : i32 to vector<16xi32>
          %add3A_99 = arith.addi %iota3A, %add3A_98 : vector<16xi32>
          tpu.vector_store_idx %arg9[%add3A_88, %add3A_99, %and3A_93], %bitcast3A {add = true} : memref<2x128x128xf32, #tpu.memory_space<vmem>>[vector<16xi32>, vector<16xi32>, vector<16xi32>], vector<16xf32>,
          %swap3A = arith.index_cast %select_n3A_84 : i32 to index
          %swap3A_100 = arith.constant 0 : index
          %swap3A_101 = tpu.vector_load %arg10[%swap3A, %swap3A_100] {strides = array<i32>} : memref<2x128xi32, #tpu.memory_space<vmem>>, vector<16xi32>,
          tpu.vector_store %arg10[%swap3A, %swap3A_100], %and3A_93 {strides = array<i32>} : memref<2x128xi32, #tpu.memory_space<vmem>>, vector<16xi32>,
          %get3A_102 = arith.index_cast %scan3A_66 : i32 to index
          %get3A_103 = arith.constant 16 : index
          %get3A_104 = tpu.vector_load %arg8[%get3A_102, %get3A_103] {strides = array<i32>} : memref<16x128xi32, #tpu.memory_space<vmem>>, vector<16xi32>,
          %gather3A_105 = tpu.vector_load_idx %arg6[%get3A_104] : memref<10240xi32, #tpu.memory_space<vmem>>[vector<16xi32>], vector<16xi32>,
          %and3A_106 = arith.constant 63 : i32
          %and3A_107 = vector.broadcast %and3A_106 : i32 to vector<16xi32>
          %and3A_108 = arith.andi %gather3A_105, %and3A_107 : vector<16xi32>
          %and3A_109 = arith.constant -64 : i32
          %and3A_110 = vector.broadcast %and3A_109 : i32 to vector<16xi32>
          %and3A_111 = arith.andi %gather3A_105, %and3A_110 : vector<16xi32>
          %bitcast3A_112 = vector.bitcast %and3A_111 : vector<16xi32> to vector<16xf32>
          %add3A_113 = arith.constant 16 : i32
          %add3A_114 = vector.broadcast %add3A_113 : i32 to vector<16xi32>
          %add3A_115 = arith.addi %iota3A, %add3A_114 : vector<16xi32>
          tpu.vector_store_idx %arg9[%add3A_88, %add3A_115, %and3A_108], %bitcast3A_112 {add = true} : memref<2x128x128xf32, #tpu.memory_space<vmem>>[vector<16xi32>, vector<16xi32>, vector<16xi32>], vector<16xf32>,
          %swap3A_116 = arith.index_cast %select_n3A_84 : i32 to index
          %swap3A_117 = arith.constant 16 : index
          %swap3A_118 = tpu.vector_load %arg10[%swap3A_116, %swap3A_117] {strides = array<i32>} : memref<2x128xi32, #tpu.memory_space<vmem>>, vector<16xi32>,
          tpu.vector_store %arg10[%swap3A_116, %swap3A_117], %and3A_108 {strides = array<i32>} : memref<2x128xi32, #tpu.memory_space<vmem>>, vector<16xi32>,
          %get3A_119 = arith.index_cast %scan3A_66 : i32 to index
          %get3A_120 = arith.constant 32 : index
          %get3A_121 = tpu.vector_load %arg8[%get3A_119, %get3A_120] {strides = array<i32>} : memref<16x128xi32, #tpu.memory_space<vmem>>, vector<16xi32>,
          %gather3A_122 = tpu.vector_load_idx %arg6[%get3A_121] : memref<10240xi32, #tpu.memory_space<vmem>>[vector<16xi32>], vector<16xi32>,
          %and3A_123 = arith.constant 63 : i32
          %and3A_124 = vector.broadcast %and3A_123 : i32 to vector<16xi32>
          %and3A_125 = arith.andi %gather3A_122, %and3A_124 : vector<16xi32>
          %and3A_126 = arith.constant -64 : i32
          %and3A_127 = vector.broadcast %and3A_126 : i32 to vector<16xi32>
          %and3A_128 = arith.andi %gather3A_122, %and3A_127 : vector<16xi32>
          %bitcast3A_129 = vector.bitcast %and3A_128 : vector<16xi32> to vector<16xf32>
          %add3A_130 = arith.constant 32 : i32
          %add3A_131 = vector.broadcast %add3A_130 : i32 to vector<16xi32>
          %add3A_132 = arith.addi %iota3A, %add3A_131 : vector<16xi32>
          tpu.vector_store_idx %arg9[%add3A_88, %add3A_132, %and3A_125], %bitcast3A_129 {add = true} : memref<2x128x128xf32, #tpu.memory_space<vmem>>[vector<16xi32>, vector<16xi32>, vector<16xi32>], vector<16xf32>,
          %swap3A_133 = arith.index_cast %select_n3A_84 : i32 to index
          %swap3A_134 = arith.constant 32 : index
          %swap3A_135 = tpu.vector_load %arg10[%swap3A_133, %swap3A_134] {strides = array<i32>} : memref<2x128xi32, #tpu.memory_space<vmem>>, vector<16xi32>,
          tpu.vector_store %arg10[%swap3A_133, %swap3A_134], %and3A_125 {strides = array<i32>} : memref<2x128xi32, #tpu.memory_space<vmem>>, vector<16xi32>,
          %get3A_136 = arith.index_cast %scan3A_66 : i32 to index
          %get3A_137 = arith.constant 48 : index
          %get3A_138 = tpu.vector_load %arg8[%get3A_136, %get3A_137] {strides = array<i32>} : memref<16x128xi32, #tpu.memory_space<vmem>>, vector<16xi32>,
          %gather3A_139 = tpu.vector_load_idx %arg6[%get3A_138] : memref<10240xi32, #tpu.memory_space<vmem>>[vector<16xi32>], vector<16xi32>,
          %and3A_140 = arith.constant 63 : i32
          %and3A_141 = vector.broadcast %and3A_140 : i32 to vector<16xi32>
          %and3A_142 = arith.andi %gather3A_139, %and3A_141 : vector<16xi32>
          %and3A_143 = arith.constant -64 : i32
          %and3A_144 = vector.broadcast %and3A_143 : i32 to vector<16xi32>
          %and3A_145 = arith.andi %gather3A_139, %and3A_144 : vector<16xi32>
          %bitcast3A_146 = vector.bitcast %and3A_145 : vector<16xi32> to vector<16xf32>
          %add3A_147 = arith.constant 48 : i32
          %add3A_148 = vector.broadcast %add3A_147 : i32 to vector<16xi32>
          %add3A_149 = arith.addi %iota3A, %add3A_148 : vector<16xi32>
          tpu.vector_store_idx %arg9[%add3A_88, %add3A_149, %and3A_142], %bitcast3A_146 {add = true} : memref<2x128x128xf32, #tpu.memory_space<vmem>>[vector<16xi32>, vector<16xi32>, vector<16xi32>], vector<16xf32>,
          %swap3A_150 = arith.index_cast %select_n3A_84 : i32 to index
          %swap3A_151 = arith.constant 48 : index
          %swap3A_152 = tpu.vector_load %arg10[%swap3A_150, %swap3A_151] {strides = array<i32>} : memref<2x128xi32, #tpu.memory_space<vmem>>, vector<16xi32>,
          tpu.vector_store %arg10[%swap3A_150, %swap3A_151], %and3A_142 {strides = array<i32>} : memref<2x128xi32, #tpu.memory_space<vmem>>, vector<16xi32>,
          %get3A_153 = arith.index_cast %scan3A_66 : i32 to index
          %get3A_154 = arith.constant 64 : index
          %get3A_155 = tpu.vector_load %arg8[%get3A_153, %get3A_154] {strides = array<i32>} : memref<16x128xi32, #tpu.memory_space<vmem>>, vector<16xi32>,
          %gather3A_156 = tpu.vector_load_idx %arg6[%get3A_155] : memref<10240xi32, #tpu.memory_space<vmem>>[vector<16xi32>], vector<16xi32>,
          %and3A_157 = arith.constant 63 : i32
          %and3A_158 = vector.broadcast %and3A_157 : i32 to vector<16xi32>
          %and3A_159 = arith.andi %gather3A_156, %and3A_158 : vector<16xi32>
          %and3A_160 = arith.constant -64 : i32
          %and3A_161 = vector.broadcast %and3A_160 : i32 to vector<16xi32>
          %and3A_162 = arith.andi %gather3A_156, %and3A_161 : vector<16xi32>
          %bitcast3A_163 = vector.bitcast %and3A_162 : vector<16xi32> to vector<16xf32>
          %add3A_164 = arith.constant 64 : i32
          %add3A_165 = vector.broadcast %add3A_164 : i32 to vector<16xi32>
          %add3A_166 = arith.addi %iota3A, %add3A_165 : vector<16xi32>
          tpu.vector_store_idx %arg9[%add3A_88, %add3A_166, %and3A_159], %bitcast3A_163 {add = true} : memref<2x128x128xf32, #tpu.memory_space<vmem>>[vector<16xi32>, vector<16xi32>, vector<16xi32>], vector<16xf32>,
          %swap3A_167 = arith.index_cast %select_n3A_84 : i32 to index
          %swap3A_168 = arith.constant 64 : index
          %swap3A_169 = tpu.vector_load %arg10[%swap3A_167, %swap3A_168] {strides = array<i32>} : memref<2x128xi32, #tpu.memory_space<vmem>>, vector<16xi32>,
          tpu.vector_store %arg10[%swap3A_167, %swap3A_168], %and3A_159 {strides = array<i32>} : memref<2x128xi32, #tpu.memory_space<vmem>>, vector<16xi32>,
          %get3A_170 = arith.index_cast %scan3A_66 : i32 to index
          %get3A_171 = arith.constant 80 : index
          %get3A_172 = tpu.vector_load %arg8[%get3A_170, %get3A_171] {strides = array<i32>} : memref<16x128xi32, #tpu.memory_space<vmem>>, vector<16xi32>,
          %gather3A_173 = tpu.vector_load_idx %arg6[%get3A_172] : memref<10240xi32, #tpu.memory_space<vmem>>[vector<16xi32>], vector<16xi32>,
          %and3A_174 = arith.constant 63 : i32
          %and3A_175 = vector.broadcast %and3A_174 : i32 to vector<16xi32>
          %and3A_176 = arith.andi %gather3A_173, %and3A_175 : vector<16xi32>
          %and3A_177 = arith.constant -64 : i32
          %and3A_178 = vector.broadcast %and3A_177 : i32 to vector<16xi32>
          %and3A_179 = arith.andi %gather3A_173, %and3A_178 : vector<16xi32>
          %bitcast3A_180 = vector.bitcast %and3A_179 : vector<16xi32> to vector<16xf32>
          %add3A_181 = arith.constant 80 : i32
          %add3A_182 = vector.broadcast %add3A_181 : i32 to vector<16xi32>
          %add3A_183 = arith.addi %iota3A, %add3A_182 : vector<16xi32>
          tpu.vector_store_idx %arg9[%add3A_88, %add3A_183, %and3A_176], %bitcast3A_180 {add = true} : memref<2x128x128xf32, #tpu.memory_space<vmem>>[vector<16xi32>, vector<16xi32>, vector<16xi32>], vector<16xf32>,
          %swap3A_184 = arith.index_cast %select_n3A_84 : i32 to index
          %swap3A_185 = arith.constant 80 : index
          %swap3A_186 = tpu.vector_load %arg10[%swap3A_184, %swap3A_185] {strides = array<i32>} : memref<2x128xi32, #tpu.memory_space<vmem>>, vector<16xi32>,
          tpu.vector_store %arg10[%swap3A_184, %swap3A_185], %and3A_176 {strides = array<i32>} : memref<2x128xi32, #tpu.memory_space<vmem>>, vector<16xi32>,
          %get3A_187 = arith.index_cast %scan3A_66 : i32 to index
          %get3A_188 = arith.constant 96 : index
          %get3A_189 = tpu.vector_load %arg8[%get3A_187, %get3A_188] {strides = array<i32>} : memref<16x128xi32, #tpu.memory_space<vmem>>, vector<16xi32>,
          %gather3A_190 = tpu.vector_load_idx %arg6[%get3A_189] : memref<10240xi32, #tpu.memory_space<vmem>>[vector<16xi32>], vector<16xi32>,
          %and3A_191 = arith.constant 63 : i32
          %and3A_192 = vector.broadcast %and3A_191 : i32 to vector<16xi32>
          %and3A_193 = arith.andi %gather3A_190, %and3A_192 : vector<16xi32>
          %and3A_194 = arith.constant -64 : i32
          %and3A_195 = vector.broadcast %and3A_194 : i32 to vector<16xi32>
          %and3A_196 = arith.andi %gather3A_190, %and3A_195 : vector<16xi32>
          %bitcast3A_197 = vector.bitcast %and3A_196 : vector<16xi32> to vector<16xf32>
          %add3A_198 = arith.constant 96 : i32
          %add3A_199 = vector.broadcast %add3A_198 : i32 to vector<16xi32>
          %add3A_200 = arith.addi %iota3A, %add3A_199 : vector<16xi32>
          tpu.vector_store_idx %arg9[%add3A_88, %add3A_200, %and3A_193], %bitcast3A_197 {add = true} : memref<2x128x128xf32, #tpu.memory_space<vmem>>[vector<16xi32>, vector<16xi32>, vector<16xi32>], vector<16xf32>,
          %swap3A_201 = arith.index_cast %select_n3A_84 : i32 to index
          %swap3A_202 = arith.constant 96 : index
          %swap3A_203 = tpu.vector_load %arg10[%swap3A_201, %swap3A_202] {strides = array<i32>} : memref<2x128xi32, #tpu.memory_space<vmem>>, vector<16xi32>,
          tpu.vector_store %arg10[%swap3A_201, %swap3A_202], %and3A_193 {strides = array<i32>} : memref<2x128xi32, #tpu.memory_space<vmem>>, vector<16xi32>,
          %get3A_204 = arith.index_cast %scan3A_66 : i32 to index
          %get3A_205 = arith.constant 112 : index
          %get3A_206 = tpu.vector_load %arg8[%get3A_204, %get3A_205] {strides = array<i32>} : memref<16x128xi32, #tpu.memory_space<vmem>>, vector<16xi32>,
          %gather3A_207 = tpu.vector_load_idx %arg6[%get3A_206] : memref<10240xi32, #tpu.memory_space<vmem>>[vector<16xi32>], vector<16xi32>,
          %and3A_208 = arith.constant 63 : i32
          %and3A_209 = vector.broadcast %and3A_208 : i32 to vector<16xi32>
          %and3A_210 = arith.andi %gather3A_207, %and3A_209 : vector<16xi32>
          %and3A_211 = arith.constant -64 : i32
          %and3A_212 = vector.broadcast %and3A_211 : i32 to vector<16xi32>
          %and3A_213 = arith.andi %gather3A_207, %and3A_212 : vector<16xi32>
          %bitcast3A_214 = vector.bitcast %and3A_213 : vector<16xi32> to vector<16xf32>
          %add3A_215 = arith.constant 112 : i32
          %add3A_216 = vector.broadcast %add3A_215 : i32 to vector<16xi32>
          %add3A_217 = arith.addi %iota3A, %add3A_216 : vector<16xi32>
          tpu.vector_store_idx %arg9[%add3A_88, %add3A_217, %and3A_210], %bitcast3A_214 {add = true} : memref<2x128x128xf32, #tpu.memory_space<vmem>>[vector<16xi32>, vector<16xi32>, vector<16xi32>], vector<16xf32>,
          %swap3A_218 = arith.index_cast %select_n3A_84 : i32 to index
          %swap3A_219 = arith.constant 112 : index
          %swap3A_220 = tpu.vector_load %arg10[%swap3A_218, %swap3A_219] {strides = array<i32>} : memref<2x128xi32, #tpu.memory_space<vmem>>, vector<16xi32>,
          tpu.vector_store %arg10[%swap3A_218, %swap3A_219], %and3A_210 {strides = array<i32>} : memref<2x128xi32, #tpu.memory_space<vmem>>, vector<16xi32>,
          %jit3A_221 = arith.constant 2 : i32
          %eq3A_222 = arith.constant 0 : i32
          %eq3A_223 = arith.cmpi eq, %jit3A_221, %eq3A_222 : i32
          %jit3A_224 = arith.constant 1 : i32
          %select_n3A_225 = arith.select %eq3A_223, %jit3A_224, %jit3A_221 : i32
          %rem3A_226 = arith.remsi %scan3A_66, %select_n3A_225 : i32
          %ne3A_227 = arith.constant 0 : i32
          %ne3A_228 = arith.cmpi ne, %rem3A_226, %ne3A_227 : i32
          %lt3A_229 = arith.constant 0 : i32
          %lt3A_230 = arith.cmpi slt, %rem3A_226, %lt3A_229 : i32
          %lt3A_231 = arith.constant 0 : i32
          %lt3A_232 = arith.cmpi slt, %select_n3A_225, %lt3A_231 : i32
          %ne3A_233 = arith.xori %lt3A_230, %lt3A_232 : i1
          %and3A_234 = arith.andi %ne3A_233, %ne3A_228 : i1
          %add3A_235 = arith.addi %rem3A_226, %select_n3A_225 : i32
          %select_n3A_236 = arith.select %and3A_234, %add3A_235, %rem3A_226 : i32
          %dma_start3A = arith.constant 0 : i32
          %dma_start3A_237 = arith.constant 0 : i32
          %dma_start3A_238 = tpu.memref_slice %arg9[%select_n3A_236, %dma_start3A, %dma_start3A_237] : memref<2x128x128xf32, #tpu.memory_space<vmem>> -> memref<1x128x128xf32, #tpu.memory_space<vmem>>
          %dma_start3A_239 = tpu.memref_squeeze %dma_start3A_238 : memref<1x128x128xf32, #tpu.memory_space<vmem>> -> memref<128x128xf32, #tpu.memory_space<vmem>>
          %dma_start3A_240 = arith.constant 0 : i32
          %dma_start3A_241 = tpu.memref_slice %arg7[%scan3A_66, %dma_start3A_240] : memref<16x128xi32, #tpu.memory_space<vmem>> -> memref<1x128xi32, #tpu.memory_space<vmem>>
          %dma_start3A_242 = tpu.memref_squeeze %dma_start3A_241 : memref<1x128xi32, #tpu.memory_space<vmem>> -> memref<128xi32, #tpu.memory_space<vmem>>
          %dma_start3A_243 = arith.constant 0 : i32
          %dma_start3A_244 = arith.constant 0 : i32
          %dma_start3A_245 = tpu.memref_slice %arg11[%dma_start3A_243, %dma_start3A_244] : memref<10240x128xf32, #tpu.memory_space<vmem_shared>> -> memref<10240x128xf32, #tpu.memory_space<vmem_shared>>
          %dma_start3A_246 = tpu.memref_slice %arg12[%select_n3A_236] : memref<2x!tpu.dma_semaphore, #tpu.memory_space<semaphore_mem>> -> memref<1x!tpu.dma_semaphore, #tpu.memory_space<semaphore_mem>>
          %dma_start3A_247 = tpu.memref_squeeze %dma_start3A_246 : memref<1x!tpu.dma_semaphore, #tpu.memory_space<semaphore_mem>> -> memref<!tpu.dma_semaphore, #tpu.memory_space<semaphore_mem>>
          tpu.enqueue_indirect_dma source(%dma_start3A_239 : memref<128x128xf32, #tpu.memory_space<vmem>>) target(%dma_start3A_245 : memref<10240x128xf32, #tpu.memory_space<vmem_shared>>) offsets(%dma_start3A_242 : memref<128xi32, #tpu.memory_space<vmem>>) semaphore(%dma_start3A_247 : memref<!tpu.dma_semaphore, #tpu.memory_space<semaphore_mem>>) {add = true}
        } else {
        }
        %scan3A_74 = arith.constant 0 : i32
        scf.yield %scan3A_74 : i32
      }
      %scan3A_64 = arith.constant 18 : i32
      %scan3A_65 = arith.constant 0 : i32
      scf.yield %scan3A_65 : i32
    }
    %scan3A_45 = arith.constant 5 : i32
    %barrier3A_46 = arith.constant 0 : index
    tpu.barrier barrier_id(%barrier3A_46)
    %mul3A_47 = arith.constant 640 : i32
    %mul3A_48 = arith.muli %arg1, %mul3A_47 : i32
    %mul3A_49 = arith.constant 640 : i32
    %mul3A_50 = arith.muli %arg1, %mul3A_49 : i32
    "tpu.region"() ({
      %run_scoped3A_51 = tpu.sem_alloc : memref<!tpu.dma_semaphore, #tpu.memory_space<semaphore_mem>>
      %dma_start3A = arith.constant 0 : i32
      %dma_start3A_52 = tpu.memref_slice %arg5[%arg0, %mul3A_50, %dma_start3A] : memref<2x10240x128xf32, #tpu.memory_space<hbm>> -> memref<1x640x128xf32, #tpu.memory_space<hbm>>
      %dma_start3A_53 = tpu.memref_squeeze %dma_start3A_52 : memref<1x640x128xf32, #tpu.memory_space<hbm>> -> memref<640x128xf32, #tpu.memory_space<hbm>>
      %dma_start3A_54 = arith.constant 0 : i32
      %dma_start3A_55 = tpu.memref_slice %arg11[%mul3A_48, %dma_start3A_54] : memref<10240x128xf32, #tpu.memory_space<vmem_shared>> -> memref<640x128xf32, #tpu.memory_space<vmem_shared>>
      tpu.enqueue_dma source(%dma_start3A_55 : memref<640x128xf32, #tpu.memory_space<vmem_shared>>) target(%dma_start3A_53 : memref<640x128xf32, #tpu.memory_space<hbm>>) target_semaphore(%run_scoped3A_51 : memref<!tpu.dma_semaphore, #tpu.memory_space<semaphore_mem>>)
      %dma_wait3A = arith.constant 0 : i32
      %dma_wait3A_56 = tpu.memref_slice %arg5[%arg0, %mul3A_50, %dma_wait3A] : memref<2x10240x128xf32, #tpu.memory_space<hbm>> -> memref<1x640x128xf32, #tpu.memory_space<hbm>>
      %dma_wait3A_57 = tpu.memref_squeeze %dma_wait3A_56 : memref<1x640x128xf32, #tpu.memory_space<hbm>> -> memref<640x128xf32, #tpu.memory_space<hbm>>
      %dma_wait3A_58 = arith.constant 0 : i32
      %dma_wait3A_59 = tpu.memref_slice %arg11[%mul3A_48, %dma_wait3A_58] : memref<10240x128xf32, #tpu.memory_space<vmem_shared>> -> memref<640x128xf32, #tpu.memory_space<vmem_shared>>
      tpu.wait_dma2 semaphore(%run_scoped3A_51 : memref<!tpu.dma_semaphore, #tpu.memory_space<semaphore_mem>>) src(%dma_wait3A_59 : memref<640x128xf32, #tpu.memory_space<vmem_shared>>) dst(%dma_wait3A_57 : memref<640x128xf32, #tpu.memory_space<hbm>>)
      tpu.yield
    }) : () -> ()
    return
  }
}

module attributes {stable_mosaic.version = 14 : i64} {
  func.func @_tc1_body(%arg0: memref<10240x1xf32, #tpu.memory_space<vmem>>, %arg1: memref<10240x1xf32, #tpu.memory_space<vmem>>, %arg2: memref<10000x128xf32, #tpu.memory_space<vmem>>, %arg3: memref<128x128xf32, #tpu.memory_space<vmem>>, %arg4: memref<10000x1xi32, #tpu.memory_space<vmem>>, %arg5: memref<10000x128xf32, #tpu.memory_space<vmem>>, %arg6: memref<10000x1xf32, #tpu.memory_space<vmem>>, %arg7: memref<10240x1xi32, #tpu.memory_space<vmem>>) attributes {dimension_semantics = [], scalar_prefetch = 0 : i64, scratch_operands = 0 : i64, tpu.core_type = #tpu.core_type<tc>} {
    %get3A = arith.constant 0 : index
    %get3A_0 = arith.constant 0 : index
    %get3A_1 = vector.load %arg0[%get3A, %get3A_0] : memref<10240x1xf32, #tpu.memory_space<vmem>>, vector<10240x1xf32>
    %get3A_2 = arith.constant 0 : index
    %get3A_3 = arith.constant 0 : index
    %get3A_4 = vector.load %arg1[%get3A_2, %get3A_3] : memref<10240x1xf32, #tpu.memory_space<vmem>>, vector<10240x1xf32>
    %add3A = arith.addf %get3A_1, %get3A_4 : vector<10240x1xf32>
    %add3A_5 = arith.constant 1.000000e+00 : f32
    %add3A_6 = vector.broadcast %add3A_5 : f32 to vector<10240x1xf32>
    %add3A_7 = arith.addf %add3A, %add3A_6 : vector<10240x1xf32>
    %rsqrt3A = math.rsqrt %add3A_7 : vector<10240x1xf32>
    %slice3A = vector.extract_strided_slice %rsqrt3A {offsets = [0, 0], sizes = [10000, 1], strides = [1, 1]} : vector<10240x1xf32> to vector<10000x1xf32>
    %get3A_8 = arith.constant 0 : index
    %get3A_9 = arith.constant 0 : index
    %get3A_10 = vector.load %arg2[%get3A_8, %get3A_9] : memref<10000x128xf32, #tpu.memory_space<vmem>>, vector<10000x128xf32>
    %get3A_11 = arith.constant 0 : index
    %get3A_12 = arith.constant 0 : index
    %get3A_13 = vector.load %arg3[%get3A_11, %get3A_12] : memref<128x128xf32, #tpu.memory_space<vmem>>, vector<128x128xf32>
    %dot_general3A = arith.constant dense<0.000000e+00> : vector<10000x128xf32>
    %dot_general3A_14 = tpu.matmul %get3A_10, %get3A_13, %dot_general3A {dimension_numbers = #tpu.dot_dimension_numbers<[1], [0], [0], [1], [0, 0, 1, 1], [], []>, transpose_lhs_hint = false} : vector<10000x128xf32>, vector<128x128xf32>, vector<10000x128xf32> -> vector<10000x128xf32>
    %mul3A = vector.broadcast %slice3A : vector<10000x1xf32> to vector<10000x128xf32>
    %mul3A_15 = arith.mulf %dot_general3A_14, %mul3A : vector<10000x128xf32>
    %swap3A = arith.constant 0 : index
    %swap3A_16 = arith.constant 0 : index
    %swap3A_17 = vector.load %arg5[%swap3A, %swap3A_16] : memref<10000x128xf32, #tpu.memory_space<vmem>>, vector<10000x128xf32>
    tpu.vector_store %arg5[%swap3A, %swap3A_16], %mul3A_15 {strides = array<i32>} : memref<10000x128xf32, #tpu.memory_space<vmem>>, vector<10000x128xf32>,
    %swap3A_18 = arith.constant 0 : index
    %swap3A_19 = arith.constant 0 : index
    %swap3A_20 = vector.load %arg6[%swap3A_18, %swap3A_19] : memref<10000x1xf32, #tpu.memory_space<vmem>>, vector<10000x1xf32>
    tpu.vector_store %arg6[%swap3A_18, %swap3A_19], %slice3A {strides = array<i32>} : memref<10000x1xf32, #tpu.memory_space<vmem>>, vector<10000x1xf32>,
    %bitcast_convert_type3A = tpu.bitcast %slice3A : vector<10000x1xf32> -> vector<10000x1xi32>
    %and3A = arith.constant -64 : i32
    %and3A_21 = vector.broadcast %and3A : i32 to vector<10000x1xi32>
    %and3A_22 = arith.andi %bitcast_convert_type3A, %and3A_21 : vector<10000x1xi32>
    %get3A_23 = arith.constant 0 : index
    %get3A_24 = arith.constant 0 : index
    %get3A_25 = vector.load %arg4[%get3A_23, %get3A_24] : memref<10000x1xi32, #tpu.memory_space<vmem>>, vector<10000x1xi32>
    %or3A = arith.ori %and3A_22, %get3A_25 : vector<10000x1xi32>
    %broadcast_in_dim3A = arith.constant 0 : i32
    %broadcast_in_dim3A_26 = vector.broadcast %broadcast_in_dim3A : i32 to vector<240x1xi32>
    %concatenate3A = tpu.concatenate %or3A, %broadcast_in_dim3A_26 in 0 : vector<10000x1xi32>, vector<240x1xi32> -> vector<10240x1xi32>
    %swap3A_27 = arith.constant 0 : index
    %swap3A_28 = arith.constant 0 : index
    %swap3A_29 = vector.load %arg7[%swap3A_27, %swap3A_28] : memref<10240x1xi32, #tpu.memory_space<vmem>>, vector<10240x1xi32>
    tpu.vector_store %arg7[%swap3A_27, %swap3A_28], %concatenate3A {strides = array<i32>} : memref<10240x1xi32, #tpu.memory_space<vmem>>, vector<10240x1xi32>,
    return
  }
}

module attributes {stable_mosaic.version = 14 : i64} {
  func.func @_tc2_body(%arg0: memref<2x10240x128xf32, #tpu.memory_space<vmem>>, %arg1: memref<10000x128xf32, #tpu.memory_space<vmem>>, %arg2: memref<10000x1xf32, #tpu.memory_space<vmem>>, %arg3: memref<1x128xf32, #tpu.memory_space<vmem>>, %arg4: memref<128x16xf32, #tpu.memory_space<vmem>>, %arg5: memref<2x10240x128xf32, #tpu.memory_space<vmem>>, %arg6: memref<1x16xf32, #tpu.memory_space<vmem>>, %arg7: memref<1x10000xi32, #tpu.memory_space<vmem>>, %arg8: memref<16x16xf32, #tpu.memory_space<vmem>>, %arg9: memref<1x16xf32, #tpu.memory_space<vmem>>, %arg10: memref<64x16xf32, #tpu.memory_space<vmem>>) attributes {dimension_semantics = [], scalar_prefetch = 0 : i64, scratch_operands = 0 : i64, tpu.core_type = #tpu.core_type<tc>} {
    %get3A = arith.constant 0 : index
    %get3A_0 = arith.constant 0 : index
    %get3A_1 = vector.load %arg2[%get3A, %get3A_0] : memref<10000x1xf32, #tpu.memory_space<vmem>>, vector<10000x1xf32>
    %get3A_2 = arith.constant 0 : index
    %get3A_3 = arith.constant 0 : index
    %get3A_4 = arith.constant 0 : index
    %get3A_5 = vector.load %arg0[%get3A_2, %get3A_3, %get3A_4] : memref<2x10240x128xf32, #tpu.memory_space<vmem>>, vector<1x10000x128xf32>
    %get3A_6 = vector.shape_cast %get3A_5 : vector<1x10000x128xf32> to vector<10000x128xf32>
    %get3A_7 = arith.constant 1 : index
    %get3A_8 = arith.constant 0 : index
    %get3A_9 = arith.constant 0 : index
    %get3A_10 = vector.load %arg0[%get3A_7, %get3A_8, %get3A_9] : memref<2x10240x128xf32, #tpu.memory_space<vmem>>, vector<1x10000x128xf32>
    %get3A_11 = vector.shape_cast %get3A_10 : vector<1x10000x128xf32> to vector<10000x128xf32>
    %add3A = arith.addf %get3A_6, %get3A_11 : vector<10000x128xf32>
    %get3A_12 = arith.constant 0 : index
    %get3A_13 = arith.constant 0 : index
    %get3A_14 = vector.load %arg1[%get3A_12, %get3A_13] : memref<10000x128xf32, #tpu.memory_space<vmem>>, vector<10000x128xf32>
    %add3A_15 = arith.addf %add3A, %get3A_14 : vector<10000x128xf32>
    %mul3A = vector.broadcast %get3A_1 : vector<10000x1xf32> to vector<10000x128xf32>
    %mul3A_16 = arith.mulf %add3A_15, %mul3A : vector<10000x128xf32>
    %get3A_17 = arith.constant 0 : index
    %get3A_18 = arith.constant 0 : index
    %get3A_19 = vector.load %arg3[%get3A_17, %get3A_18] : memref<1x128xf32, #tpu.memory_space<vmem>>, vector<1x128xf32>
    %add3A_20 = vector.broadcast %get3A_19 : vector<1x128xf32> to vector<10000x128xf32>
    %add3A_21 = arith.addf %mul3A_16, %add3A_20 : vector<10000x128xf32>
    %max3A = arith.constant 0.000000e+00 : f32
    %max3A_22 = vector.broadcast %max3A : f32 to vector<10000x128xf32>
    %max3A_23 = arith.maximumf %add3A_21, %max3A_22 : vector<10000x128xf32>
    %get3A_24 = arith.constant 0 : index
    %get3A_25 = arith.constant 0 : index
    %get3A_26 = vector.load %arg4[%get3A_24, %get3A_25] : memref<128x16xf32, #tpu.memory_space<vmem>>, vector<128x16xf32>
    %dot_general3A = arith.constant dense<0.000000e+00> : vector<10000x16xf32>
    %dot_general3A_27 = tpu.matmul %max3A_23, %get3A_26, %dot_general3A {dimension_numbers = #tpu.dot_dimension_numbers<[1], [0], [0], [1], [0, 0, 1, 1], [], []>, transpose_lhs_hint = false} : vector<10000x128xf32>, vector<128x16xf32>, vector<10000x16xf32> -> vector<10000x16xf32>
    %mul3A_28 = vector.broadcast %get3A_1 : vector<10000x1xf32> to vector<10000x16xf32>
    %mul3A_29 = arith.mulf %dot_general3A_27, %mul3A_28 : vector<10000x16xf32>
    %get3A_30 = arith.constant 0 : index
    %get3A_31 = arith.constant 0 : index
    %get3A_32 = arith.constant 0 : index
    %get3A_33 = vector.load %arg5[%get3A_30, %get3A_31, %get3A_32] : memref<2x10240x128xf32, #tpu.memory_space<vmem>>, vector<1x10000x64xf32>
    %get3A_34 = vector.shape_cast %get3A_33 : vector<1x10000x64xf32> to vector<10000x64xf32>
    %get3A_35 = arith.constant 1 : index
    %get3A_36 = arith.constant 0 : index
    %get3A_37 = arith.constant 0 : index
    %get3A_38 = vector.load %arg5[%get3A_35, %get3A_36, %get3A_37] : memref<2x10240x128xf32, #tpu.memory_space<vmem>>, vector<1x10000x64xf32>
    %get3A_39 = vector.shape_cast %get3A_38 : vector<1x10000x64xf32> to vector<10000x64xf32>
    %add3A_40 = arith.addf %get3A_34, %get3A_39 : vector<10000x64xf32>
    %dot_general3A_41 = arith.constant dense<0.000000e+00> : vector<64x16xf32>
    %dot_general3A_42 = tpu.matmul %add3A_40, %mul3A_29, %dot_general3A_41 {dimension_numbers = #tpu.dot_dimension_numbers<[0], [0], [1], [1], [0, 1, 1, 1], [], []>, transpose_lhs_hint = false} : vector<10000x64xf32>, vector<10000x16xf32>, vector<64x16xf32> -> vector<64x16xf32>
    %iota3A = tpu.iota {dimensions = array<i32: 0>} : vector<64x1xi32>
    %get3A_43 = arith.constant 0 : index
    %get3A_44 = arith.constant 0 : index
    %get3A_45 = vector.load %arg7[%get3A_43, %get3A_44] : memref<1x10000xi32, #tpu.memory_space<vmem>>, vector<1x10000xi32>
    %eq3A = vector.broadcast %get3A_45 : vector<1x10000xi32> to vector<64x10000xi32>
    %eq3A_46 = vector.broadcast %iota3A : vector<64x1xi32> to vector<64x10000xi32>
    %eq3A_47 = arith.cmpi eq, %eq3A, %eq3A_46 : vector<64x10000xi32>
    %convert_element_type3A = arith.extui %eq3A_47 : vector<64x10000xi1> to vector<64x10000xi32>
    %convert_element_type3A_48 = arith.sitofp %convert_element_type3A : vector<64x10000xi32> to vector<64x10000xf32>
    %mul3A_49 = vector.broadcast %get3A_1 : vector<10000x1xf32> to vector<10000x16xf32>
    %mul3A_50 = arith.mulf %mul3A_29, %mul3A_49 : vector<10000x16xf32>
    %dot_general3A_51 = arith.constant dense<0.000000e+00> : vector<64x16xf32>
    %dot_general3A_52 = tpu.matmul %convert_element_type3A_48, %mul3A_50, %dot_general3A_51 {dimension_numbers = #tpu.dot_dimension_numbers<[1], [0], [0], [1], [0, 0, 1, 1], [], []>, transpose_lhs_hint = false} : vector<64x10000xf32>, vector<10000x16xf32>, vector<64x16xf32> -> vector<64x16xf32>
    %reduce_sum3A = arith.constant dense<0.000000e+00> : vector<64xf32>
    %reduce_sum3A_53 = vector.multi_reduction <add>, %convert_element_type3A_48, %reduce_sum3A [1] : vector<64x10000xf32> to vector<64xf32>
    %broadcast_in_dim3A = vector.shape_cast %reduce_sum3A_53 : vector<64xf32> to vector<64x1xf32>
    %add3A_54 = arith.addf %dot_general3A_42, %dot_general3A_52 : vector<64x16xf32>
    %get3A_55 = arith.constant 0 : index
    %get3A_56 = arith.constant 0 : index
    %get3A_57 = vector.load %arg6[%get3A_55, %get3A_56] : memref<1x16xf32, #tpu.memory_space<vmem>>, vector<1x16xf32>
    %mul3A_58 = vector.broadcast %broadcast_in_dim3A : vector<64x1xf32> to vector<64x16xf32>
    %mul3A_59 = vector.broadcast %get3A_57 : vector<1x16xf32> to vector<64x16xf32>
    %mul3A_60 = arith.mulf %mul3A_58, %mul3A_59 : vector<64x16xf32>
    %add3A_61 = arith.addf %add3A_54, %mul3A_60 : vector<64x16xf32>
    %max3A_62 = arith.constant 1.000000e+00 : f32
    %max3A_63 = vector.broadcast %max3A_62 : f32 to vector<64x1xf32>
    %max3A_64 = arith.maximumf %broadcast_in_dim3A, %max3A_63 : vector<64x1xf32>
    %div3A = vector.broadcast %max3A_64 : vector<64x1xf32> to vector<64x16xf32>
    %div3A_65 = arith.divf %add3A_61, %div3A : vector<64x16xf32>
    %get3A_66 = arith.constant 0 : index
    %get3A_67 = arith.constant 0 : index
    %get3A_68 = vector.load %arg8[%get3A_66, %get3A_67] : memref<16x16xf32, #tpu.memory_space<vmem>>, vector<16x16xf32>
    %dot_general3A_69 = arith.constant dense<0.000000e+00> : vector<64x16xf32>
    %dot_general3A_70 = tpu.matmul %div3A_65, %get3A_68, %dot_general3A_69 {dimension_numbers = #tpu.dot_dimension_numbers<[1], [0], [0], [1], [0, 0, 1, 1], [], []>, transpose_lhs_hint = false} : vector<64x16xf32>, vector<16x16xf32>, vector<64x16xf32> -> vector<64x16xf32>
    %get3A_71 = arith.constant 0 : index
    %get3A_72 = arith.constant 0 : index
    %get3A_73 = vector.load %arg9[%get3A_71, %get3A_72] : memref<1x16xf32, #tpu.memory_space<vmem>>, vector<1x16xf32>
    %add3A_74 = vector.broadcast %get3A_73 : vector<1x16xf32> to vector<64x16xf32>
    %add3A_75 = arith.addf %dot_general3A_70, %add3A_74 : vector<64x16xf32>
    %swap3A = arith.constant 0 : index
    %swap3A_76 = arith.constant 0 : index
    %swap3A_77 = vector.load %arg10[%swap3A, %swap3A_76] : memref<64x16xf32, #tpu.memory_space<vmem>>, vector<64x16xf32>
    tpu.vector_store %arg10[%swap3A, %swap3A_76], %add3A_75 {strides = array<i32>} : memref<64x16xf32, #tpu.memory_space<vmem>>, vector<64x16xf32>,
    return
  }
}

</mosaic_0001>

<sc_bundles>
// kernel: kernel.10.cloned.1.call-start
scs
__scs_entry_jumppad:
0x0: {  	(pc) =	sbr.rel $0x88, $3  }
0x1: {  	(tag) =	ssettag $0x0;
	lr =	simm.s32 $0x1  }
0x2: {  	[smem:$0x3F98] =	sst lr;
	_ =	strace $0xD0000000  }
0x3: {  	_ = 	snop  }
0x4: {  	_ = 	snop  }
0x5: {  	_ = 	snop  }
0x6: {  	_ = 	snop  }
0x7: {  	_ = 	snop  }
__scs_overlays_trampoline_lowered:
0x8: {  	[smem:$0x3FA7] =	sst s0  }
0x9: {  	[smem:$0x3FA8] =	sst s1  }
0xa: {  	[smem:$0x3FA9] =	sst s2  }
0xb: {  	[smem:$0x3FAA] =	sst s3  }
0xc: {  	[smem:$0x3FAB] =	sst s4  }
0xd: {  	[smem:$0x3FAC] =	sst s5  }
0xe: {  	[smem:$0x3FAD] =	sst s6  }
0xf: {  	[smem:$0x3FAE] =	sst s7  }
0x10: {  	[smem:$0x3FAF] =	sst s8  }
0x11: {  	[smem:$0x3FB0] =	sst s9;
	s0 =	simm.s32 @!p0 $0x0  }
0x12: {  	s1 =	sld [smem:$0x3F96];
	s0 =	simm.s32 @p0 $0x1  }
0x13: {  	[smem:$0x3FB1] =	sst s0;
	s0 =	simm.s32 @!p1 $0x0  }
0x14: {  	s2 =	sld [smem:$0x3F95];
	s0 =	simm.s32 @p1 $0x1  }
0x15: {  	[smem:$0x3FB2] =	sst s0;
	s0 =	simm.s32 @!p2 $0x0  }
0x16: {  	s3 =	sld [smem:$0x3FDB];
	s0 =	simm.s32 @p2 $0x1  }
0x17: {  	s4 =	simm.s32 $0x1BF5;
	[smem:$0x3FB4] =	sst s0  }
0x18: {  	s0 =	sld [smem:$0x3F97];
	_ =	swait.ge [sflag:s4], $0x0  }
0x19: {  	s7 =	sld [smem:$0x3F98]  }
0x1a: {  	s8 =	sadd.s32 $0xFFFFE003, lr  }
0x1b: {  	s9 =	sadd.s32 $0xFFFFFEF7, lr;
	s5 =	simm.s32 $0xFFFFFFFF;
	p2 =	slt.u32 s8, $0xFFFFF086  }
0x1c: {  	p1 =	slt.u32 s9, $0xF7A;
	s5 =	simm.s32 @!p2 $0x0  }
0x1d: {  	s5 =	simm.s32 @p1 $0x1;
	p0 =	seq.s32 s7, s2  }
0x1e: {  	s7 =	smul.u32 @!p0 $0xF7A, s2;
	p2 =	seq.s32 @!p0 s5, $0x0  }
0x1f: {  	s9 =	smul.u32 $0xF7A, s1;
	s8 =	simm.s32 @!p0 $0x1BF5;
	p2 =	por !p2, p0  }
0x20: {  	[sflag:s8] =	ssyncset.s32 @!p0 $0xFFFFF086;
	s6 =	sadd.s32 @!p0 s3, s7;
	s7 =	simm.s32 @!p0 $0x108  }
0x21: {  	s3 =	sadd.s32 s3, s9;
	s6 =	sadd.s32 @!p0 $0x88, s6;
	s7 =	simm.s32 @p2 $0x1082  }
0x22: {  	[simem:s7], [sflag:s8] =	dma.local @!p0 [hbm:s6], $0xF7A  }
0x23: {  	s9 =	sor.u32 $0xD0000000, s2;
	s6 =	simm.s32 $0x108;
	_ =	swait.ge @!p0 [sflag:s8], $0x0  }
0x24: {  	s3 =	sadd.s32 $0x88, s3;
	s6 =	simm.s32 @!p1 $0x1082;
	[sflag:s4] =	ssyncset.s32 $0xFFFFF086  }
0x25: {  	[simem:s6], [sflag:s4] =	dma.local [hbm:s3], $0xF7A  }
0x26: {  	[smem:$0x3F98] =	sst s1;
	(tag) =	ssettag s2;
	_ =	strace s9  }
0x27: {  	s1 =	sld [smem:$0x3FA8]  }
0x28: {  	s2 =	sld [smem:$0x3FA9]  }
0x29: {  	s4 =	sld [smem:$0x3FAB]  }
0x2a: {  	p0 =	seq.s32 s5, $0x0;
	s5 =	sld [smem:$0x3FAC]  }
0x2b: {  	s6 =	sld [smem:$0x3FAD]  }
0x2c: {  	s7 =	sld [smem:$0x3FAE]  }
0x2d: {  	s3 =	simm.s32 $0x108;
	s8 =	sld [smem:$0x3FAF]  }
0x2e: {  	s3 =	simm.s32 @!p0 $0x1082;
	s9 =	sld [smem:$0x3FB0]  }
0x2f: {  	lr =	sadd.s32 s0, s3;
	s0 =	sld [smem:$0x3FA7]  }
0x30: {  	s3 =	sld [smem:$0x3FAA]  }
0x31: {  	[smem:$0x3FB3] =	sst s10  }
0x32: {  	s10 =	sld [smem:$0x3FB1];
	_ =	sdelay $0x3  }
0x33: {  	p0 =	seq.s32 s10, $0x1;
	s10 =	sld [smem:$0x3FB3];
	_ =	sdelay $0x3  }
0x34: {  	[smem:$0x3FB3] =	sst s10  }
0x35: {  	s10 =	sld [smem:$0x3FB2];
	_ =	sdelay $0x3  }
0x36: {  	p1 =	seq.s32 s10, $0x1;
	s10 =	sld [smem:$0x3FB3];
	_ =	sdelay $0x3  }
0x37: {  	[smem:$0x3FB3] =	sst s10  }
0x38: {  	s10 =	sld [smem:$0x3FB4]  }
0x39: {  	_ = 	snop;
	(pc) =	sbr.ind lr, $3  }
0x3a: {  	_ = 	snop  }
0x3b: {  	_ = 	snop  }
0x3c: {  	p2 =	seq.s32 s10, $0x1;
	s10 =	sld [smem:$0x3FB3]  }
0x3d: {  	_ =	shalt  }
0x3e: {  	_ =	shalt  }
0x3f: {  	_ =	shalt  }
0x40: {  	_ =	shalt  }
0x41: {  	_ =	shalt  }
0x42: {  	_ =	shalt  }
0x43: {  	_ =	shalt  }
0x44: {  	_ =	shalt  }
0x45: {  	_ =	shalt  }
0x46: {  	_ =	shalt  }
0x47: {  	_ =	shalt  }
0x48: {  	_ =	shalt  }
0x49: {  	_ =	shalt  }
0x4a: {  	_ =	shalt  }
0x4b: {  	_ =	shalt  }
0x4c: {  	_ =	shalt  }
0x4d: {  	_ =	shalt  }
0x4e: {  	_ =	shalt  }
0x4f: {  	_ =	shalt  }
0x50: {  	_ =	shalt  }
0x51: {  	_ =	shalt  }
0x52: {  	_ =	shalt  }
0x53: {  	_ =	shalt  }
0x54: {  	_ =	shalt  }
0x55: {  	_ =	shalt  }
0x56: {  	_ =	shalt  }
0x57: {  	_ =	shalt  }
0x58: {  	_ =	shalt  }
0x59: {  	_ =	shalt  }
0x5a: {  	_ =	shalt  }
0x5b: {  	_ =	shalt  }
0x5c: {  	_ =	shalt  }
0x5d: {  	_ =	shalt  }
0x5e: {  	_ =	shalt  }
0x5f: {  	_ =	shalt  }
0x60: {  	_ =	shalt  }
0x61: {  	_ =	shalt  }
0x62: {  	_ =	shalt  }
0x63: {  	_ =	shalt  }
0x64: {  	_ =	shalt  }
0x65: {  	_ =	shalt  }
0x66: {  	_ =	shalt  }
0x67: {  	_ =	shalt  }
0x68: {  	_ =	shalt  }
0x69: {  	_ =	shalt  }
0x6a: {  	_ =	shalt  }
0x6b: {  	_ =	shalt  }
0x6c: {  	_ =	shalt  }
0x6d: {  	_ =	shalt  }
0x6e: {  	_ =	shalt  }
0x6f: {  	_ =	shalt  }
0x70: {  	_ =	shalt  }
0x71: {  	_ =	shalt  }
0x72: {  	_ =	shalt  }
0x73: {  	_ =	shalt  }
0x74: {  	_ =	shalt  }
0x75: {  	_ =	shalt  }
0x76: {  	_ =	shalt  }
0x77: {  	_ =	shalt  }
0x78: {  	_ =	shalt  }
0x79: {  	_ =	shalt  }
0x7a: {  	_ =	shalt  }
0x7b: {  	_ =	shalt  }
0x7c: {  	_ =	shalt  }
0x7d: {  	_ =	shalt  }
0x7e: {  	_ =	shalt  }
0x7f: {  	_ =	shalt  }
0x80: {  	_ =	shalt  }
0x81: {  	_ =	shalt  }
0x82: {  	_ =	shalt  }
0x83: {  	_ =	shalt  }
0x84: {  	_ =	shalt  }
0x85: {  	_ =	shalt  }
0x86: {  	_ =	shalt  }
0x87: {  	_ =	shalt  }
.Lfunc_end0:
.L_simem_size_0:
called_computation.1_lowered:
.L_overlay_start_0:
0x88: {  	s2 =	sld [smem:$0x3FD9]  }
0x89: {  	s3 =	sld [smem:$0x3FFE];
	_ =	sdelay $0x1  }
0x8a: {  	s1 =	srdreg.scid  }
0x8b: {  	s0 =	sand.u32 $0x1, s1  }
0x8c: {  	s16 =	sshll.u32 s0, $0xA;
	s2 =	sadd.s32 s3, s2  }
0x8d: {  	s2 =	sadd.s32 s2, s16  }
0x8e: {  	[smem:$0x3FBF] =	sst s2  }
0x8f: {  	_ = 	snop  }
0x90: {  	(tm) =	ssettm $0x1  }
0x91: {  	s17 =	sld [smem:$0x3FFB];
	_ =	sdelay $0x3  }
0x92: {  	_ =	strace s17  }
0x93: {  	s2 =	sld [smem:$0x3FFC];
	_ =	sdelay $0x3  }
0x94: {  	_ =	strace s2  }
0x95: {  	s2 =	sld [smem:$0x3FFD];
	_ =	sdelay $0x3  }
0x96: {  	_ =	strace s2  }
0x97: {  	_ =	strace $0x8FFFFFFF  }
0x98: {  	s18 =	sld [smem:$0x3FDB];
	_ =	sdelay $0x1  }
0x99: {  	s19 =	simm.s32 $_scs_section_size  }
0x9a: {  	s4 =	simm.s32 $_size__tile_overlayer_lowered;
	s5 =	simm.s32 $_tile_overlayer_lowered  }
0x9b: {  	s22 =	simm.s32 $0x1BFF;
	s21 =	sshll.u32 s5, $0x1;
	s2 =	sadd.s32 s19, s18  }
0x9c: {  	s6 =	simm.s32 $0x0;
	s20 =	sshll.u32 s4, $0x1;
	s4 =	sadd.s32 s21, s2  }
0x9d: {  	[timem:s6], [sflag:s22] =	dma.local [hbm:s4], s20  }
0x9e: {  	_ =	swait.ge [sflag:s22], s20  }
0x9f: {  	s3 =	ssub.s32 $0x0, s20;
	[sflag:s22] =	ssyncset.done $0x0  }
0xa0: {  	[sflag:s22] =	ssyncadd.s32 s3;
	_ =	sdelay $0x1  }
0xa1: {  	s23 =	simm.s32 $0x1B8B  }
0xa2: {  	_ =	swait.ge [sflag:s23], $0x1  }
0xa3: {  	[sflag:s23] =	ssyncset.done $0x0  }
0xa4: {  	s25 =	simm.s32 $0x1B8E;
	s24 =	sld [smem:$0x3FFE];
	[sflag:s23] =	ssyncadd.s32 $0xFFFFFFFF  }
0xa5: {  	s26 =	simm.s32 $execute0_lowered;
	[smem:$0x3FD2] =	sst s25  }
0xa6: {  	s4 =	sshll.u32 s26, $0x1;
	_ =	strace $0x80000049;
	[dreg:$0x1] =	wrdreg $0xFFFFFFFF  }
0xa7: {  	s28 =	simm.s32 $_size_execute0_lowered;
	s2 =	sadd.s32 s2, s4;
	[dreg:$0x0] =	wrdreg $0x0  }
0xa8: {  	s4 =	sshll.u32 s28, $0x1;
	[dreg:$0x2] =	wrdreg s2  }
0xa9: {  	[dreg:$0x3] =	wrdreg s4  }
0xaa: {  	[dreg:$0x4] =	wrdreg $0xC0  }
0xab: {  	_ =	task [dreg:s6], $0x5FFFF  }
0xac: {  	[dreg:$0x1] =	wrdreg $0xFFFFFFFF  }
0xad: {  	[dreg:$0x0] =	wrdreg $0x60  }
0xae: {  	[dreg:$0x2] =	wrdreg s24  }
0xaf: {  	[dreg:$0x3] =	wrdreg $0xA8000  }
0xb0: {  	[dreg:$0x4] =	wrdreg $0x9  }
0xb1: {  	_ =	task.clear_ibuf [dreg:s6], $0x5FFFF;
	_ =	strace $0x90000049  }
0xb2: {  	s29 =	simm.s32 $0x9;
	_ =	strace $0x8000004B  }
0xb3: {  	_ =	swait.ge [sflag:s29], $0x1  }
0xb4: {  	[sflag:s29] =	ssyncadd.s32 $0xFFFFFFFF  }
0xb5: {  	_ =	strace $0x9000004B  }
0xb6: {  	_ =	sfence  }
0xb7: {  	s30 =	sld [smem:$0x0];
	_ =	sdelay $0x2  }
0xb8: {  	s31 =	sshll.u32 s1, $0xD;
	s1 =	sshrl.u32 s1, $0x2  }
0xb9: {  	s3 =	sand.u32 $0x4000, s31;
	s1 =	sadd.s32 s1, s30  }
0xba: {  	s0 =	sor.u32 s3, s0;
	s1 =	sshll.u32 s1, $0x11  }
0xbb: {  	s0 =	sor.u32 s1, s0  }
0xbc: {  	s0 =	sadd.s32 $0x8F2B, s0  }
0xbd: {  	[sflag:s0] =	ssyncadd.remote.s32 $0x1  }
0xbe: {  	_ =	sfence.sel $0xFFFF  }
0xbf: {  	[dreg:$0x0] =	wrdreg $0xFFFFFFFF;
	(pc) =	sbr.abs _section_cstart, $3  }
0xc0: {  	[dreg:$0x1] =	wrdreg $0xFFFFFFFF  }
0xc1: {  	_ =	task.clear_ibuf [dreg:s6], $0x2FFFF;
	_ =	strace $0x9FFFFFFF  }
0xc2: {  	(tm) =	ssettm $0x7FFFFFFF  }
0xc3: {  	_ =	shalt  }
tec
execute0_lowered:
.L_overlay_start_1:
0x0: {  	(tag) =	ssettag $0x1  }
0x1: {  	s5 =	rddreg [dreg:$0x0];
	s0 =	srdreg.scid  }
0x2: {  	s2 =	rddreg [dreg:$0x1];
	s1 =	stileid.u32;
	s3 =	simm.s32 $0x0  }
0x3: {  	s22 =	simm.s32 $0x5;
	s23 =	simm.s32 $0x1400;
	s24 =	simm.s32 $0x80  }
0x4: {  	s6 =	sand.u32 $0x1, s0;
	s0 =	rddreg [dreg:$0x2];
	s8 =	smul.u32 $0x14000, s1  }
0x5: {  	[smem:$0x7FF] =	sst s3;
	s4 =	sadd.s32 $0x16E00, s5;
	s29 =	smul.u32 $0x50000, s1  }
0x6: {  	s19 =	sadd.s32 $0x2E00, s5;
	s20 =	sadd.s32 $0xCE00, s5;
	s7 =	smul.u32 $0x140000, s6  }
0x7: {  	_ =	strace $0x8000004A;
	s30 =	ssub.s32 $0x2, s6;
	s6 =	sshll.u32 s6, $0x4  }
0x8: {  	s31 =	sshrl.u32 s30, $0x1;
	s14 =	sor.u32 s1, s6;
	s7 =	sadd.s32 s8, s7  }
0x9: {  	s16 =	ssub.s32 s30, s31;
	s21 =	smul.u32 $0x500, s14;
	s7 =	sshrl.u32 s7, $0x3  }
0xa: {  	s8 =	sshrl.u32 s29, $0x2;
	s16 =	smax.u32 s16, $0x1;
	s15 =	sadd.s32 s7, s5  }
0xb: {  	s5 =	sadd.s32 s8, s2;
	s17 =	sadd.s32 s19, s21;
	s18 =	sadd.s32 s20, s21  }
.Ltmp0:
0xc: {  	s21 =	sadd.s32 $0x280, s21;
	s6 =	sadd.s32 $0x2000, s5;
	(pc) =	sbr.rel .LBB2_1-.Ltmp0, $4  }
0xd: {  	s7 =	sadd.s32 $0x4000, s5;
	s8 =	sadd.s32 $0x6000, s5;
	s9 =	sadd.s32 $0x8000, s5  }
0xe: {  	s10 =	sadd.s32 $0xA000, s5;
	s11 =	sadd.s32 $0xC000, s5;
	s12 =	sadd.s32 $0xE000, s5  }
0xf: {  	s13 =	sadd.s32 $0x10000, s5;
	s14 =	sadd.s32 $0x12000, s5;
	s15 =	sadd.s32 $0x8EE00, s15  }
0x10: {  	v0 =	vimm.f32 $0.0e+00;
	s19 =	sadd.s32 s19, s21;
	s20 =	sadd.s32 s20, s21;
	s21 =	simm.s32 $0x2800  }
.LBB2_17:
0x11: {  	s3 =	sadd.s32 $0x1, s3  }
0x12: {  	s25 =	sshll.u32 s1, $0x6;
	[bflag:$0x0] =	sbarrier.arrive $0xFFFF;
	p0 =	sne.s32 s3, s16  }
.Ltmp1:
0x13: {  	s26 =	sshrl.u32 s5, $0x3;
	s25 =	sor.u32 $0x1C05, s25;
	(pc) =	sbr.rel @!p0 .LBB2_18-.Ltmp1, $4  }
0x14: {  	[hbm:s15], [sflag:s25] =	dma.local [spmem:s26], $0x2800  }
0x15: {  	_ =	swait.ge [sflag:s22], $0x2800  }
0x16: {  	[sflag:s22] =	ssyncset.done $0x0  }
0x17: {  	[sflag:s22] =	ssyncadd.s32 $0xFFFFD800  }
.LBB2_1:
0x18: {  	s25 =	simm.s32 $0x0;
	s26 =	simm.s32 $0x200  }
.LBB2_2:
0x19: {  	p0 =	sne.s32 s26, $0x7E00;
	[tilespmem:s25+$0x2870] =	vst v0  }
0x1a: {  	[tilespmem:s25+$0x2800] =	vst v0  }
0x1b: {  	[tilespmem:s25+$0x2810] =	vst v0  }
.Ltmp2:
0x1c: {  	[tilespmem:s25+$0x2820] =	vst v0;
	(pc) =	sbr.rel @p0 .LBB2_2-.Ltmp2, $4  }
0x1d: {  	[tilespmem:s25+$0x2830] =	vst v0  }
0x1e: {  	[tilespmem:s25+$0x2840] =	vst v0  }
0x1f: {  	[tilespmem:s25+$0x2850] =	vst v0  }
0x20: {  	[tilespmem:s25+$0x2860] =	vst v0;
	s25 =	sshra.s32 s26, $0x2;
	s26 =	sadd.s32 $0x200, s26  }
0x21: {  	[tilespmem:s25+$0x2870] =	vst v0  }
0x22: {  	[tilespmem:s25+$0x2800] =	vst v0  }
0x23: {  	[tilespmem:s25+$0x2810] =	vst v0  }
0x24: {  	[tilespmem:s25+$0x2820] =	vst v0  }
0x25: {  	[tilespmem:s25+$0x2830] =	vst v0  }
0x26: {  	[tilespmem:s25+$0x2840] =	vst v0  }
0x27: {  	[tilespmem:s25+$0x2850] =	vst v0  }
0x28: {  	[tilespmem:s25+$0x2860] =	vst v0  }
0x29: {  	[spmem:s5] =	stream.linear.scatter [tilespmem:s21], [sflag:$0x5], $0x2000, $0x38;
	[tilespmem:$0x1E800] =	vst v63  }
0x2a: {  	_ =	swait.ge [sflag:s22], $0x2000  }
0x2b: {  	[sflag:s22] =	ssyncset.done $0x0  }
0x2c: {  	[sflag:s22] =	ssyncadd.s32 $0xFFFFE000  }
0x2d: {  	[spmem:s6] =	stream.linear.scatter [tilespmem:s21], [sflag:$0x5], $0x2000, $0x38;
	[tilespmem:$0x1E800] =	vst v63  }
0x2e: {  	_ =	swait.ge [sflag:s22], $0x2000  }
0x2f: {  	[sflag:s22] =	ssyncset.done $0x0  }
0x30: {  	[sflag:s22] =	ssyncadd.s32 $0xFFFFE000  }
0x31: {  	[spmem:s7] =	stream.linear.scatter [tilespmem:s21], [sflag:$0x5], $0x2000, $0x38;
	[tilespmem:$0x1E800] =	vst v63  }
0x32: {  	_ =	swait.ge [sflag:s22], $0x2000  }
0x33: {  	[sflag:s22] =	ssyncset.done $0x0  }
0x34: {  	[sflag:s22] =	ssyncadd.s32 $0xFFFFE000  }
0x35: {  	[spmem:s8] =	stream.linear.scatter [tilespmem:s21], [sflag:$0x5], $0x2000, $0x38;
	[tilespmem:$0x1E800] =	vst v63  }
0x36: {  	_ =	swait.ge [sflag:s22], $0x2000  }
0x37: {  	[sflag:s22] =	ssyncset.done $0x0  }
0x38: {  	[sflag:s22] =	ssyncadd.s32 $0xFFFFE000  }
0x39: {  	[spmem:s9] =	stream.linear.scatter [tilespmem:s21], [sflag:$0x5], $0x2000, $0x38;
	[tilespmem:$0x1E800] =	vst v63  }
0x3a: {  	_ =	swait.ge [sflag:s22], $0x2000  }
0x3b: {  	[sflag:s22] =	ssyncset.done $0x0  }
0x3c: {  	[sflag:s22] =	ssyncadd.s32 $0xFFFFE000  }
0x3d: {  	[spmem:s10] =	stream.linear.scatter [tilespmem:s21], [sflag:$0x5], $0x2000, $0x38;
	[tilespmem:$0x1E800] =	vst v63  }
0x3e: {  	_ =	swait.ge [sflag:s22], $0x2000  }
0x3f: {  	[sflag:s22] =	ssyncset.done $0x0  }
0x40: {  	[sflag:s22] =	ssyncadd.s32 $0xFFFFE000  }
0x41: {  	[spmem:s11] =	stream.linear.scatter [tilespmem:s21], [sflag:$0x5], $0x2000, $0x38;
	[tilespmem:$0x1E800] =	vst v63  }
0x42: {  	_ =	swait.ge [sflag:s22], $0x2000  }
0x43: {  	[sflag:s22] =	ssyncset.done $0x0  }
0x44: {  	[sflag:s22] =	ssyncadd.s32 $0xFFFFE000  }
0x45: {  	[spmem:s12] =	stream.linear.scatter [tilespmem:s21], [sflag:$0x5], $0x2000, $0x38;
	[tilespmem:$0x1E800] =	vst v63  }
0x46: {  	_ =	swait.ge [sflag:s22], $0x2000  }
0x47: {  	[sflag:s22] =	ssyncset.done $0x0  }
0x48: {  	[sflag:s22] =	ssyncadd.s32 $0xFFFFE000  }
0x49: {  	[spmem:s13] =	stream.linear.scatter [tilespmem:s21], [sflag:$0x5], $0x2000, $0x38;
	[tilespmem:$0x1E800] =	vst v63  }
0x4a: {  	_ =	swait.ge [sflag:s22], $0x2000  }
0x4b: {  	[sflag:s22] =	ssyncset.done $0x0  }
0x4c: {  	[sflag:s22] =	ssyncadd.s32 $0xFFFFE000  }
0x4d: {  	[spmem:s14] =	stream.linear.scatter [tilespmem:s21], [sflag:$0x5], $0x2000, $0x38;
	[tilespmem:$0x1E800] =	vst v63  }
0x4e: {  	_ =	swait.ge [sflag:s22], $0x2000  }
0x4f: {  	[sflag:s22] =	ssyncset.done $0x0  }
0x50: {  	[sflag:s22] =	ssyncadd.s32 $0xFFFFE000  }
0x51: {  	s25 =	simm.s32 $0x0;
	[bflag:$0x0] =	sbarrier.arrive $0xFFFF  }
0x52: {  	[tilespmem:s25], [sflag:$0x5] =	stream.linear.gather [hbm4b:s17+s25], $0x1400, $0x38;
	[tilespmem:$0x1E800] =	vst v63  }
0x53: {  	_ =	swait.ge [sflag:s22], $0x1400  }
0x54: {  	[sflag:s22] =	ssyncset.done $0x0  }
.Ltmp3:
0x55: {  	[sflag:s22] =	ssyncadd.s32 $0xFFFFEC00;
	(pc) =	sbr.rel .LBB2_4-.Ltmp3, $4  }
0x56: {  	[tilespmem:s23], [sflag:$0x5] =	stream.linear.gather [hbm4b:s18+s25], $0x1400, $0x38;
	[tilespmem:$0x1E800] =	vst v63  }
0x57: {  	_ =	swait.ge [sflag:s22], $0x1400  }
0x58: {  	[sflag:s22] =	ssyncset.done $0x0  }
0x59: {  	s26 =	simm.s32 $0x1380;
	s28 =	simm.s32 $0x0;
	[sflag:s22] =	ssyncadd.s32 $0xFFFFEC00  }
.LBB2_8:
0x5a: {  	s29 =	sand.u32 $0x1, s25  }
0x5b: {  	s29 =	sadd.s32 $0x3, s29  }
0x5c: {  	_ =	swait.ge [sflag:s29], $0x4000  }
0x5d: {  	[sflag:s29] =	ssyncset.done $0x0  }
0x5e: {  	[sflag:s29] =	ssyncadd.s32 $0xFFFFC000  }
.LBB2_9:
0x5f: {  	s25 =	sadd.s32 $0x1, s25  }
0x60: {  	p0 =	sne.s32 s25, $0x2A  }
.Ltmp4:
0x61: {  	_ = 	snop;
	(pc) =	sbr.rel @!p0 .LBB2_10-.Ltmp4, $2  }
0x62: {  	_ =	sdelay $0x2  }
0x63: {  	s26 =	sadd.s32 $0x80, s26;
	s28 =	sadd.s32 $0x80, s28  }
.LBB2_4:
0x64: {  	p0 =	seq.s32 s25, $0x0  }
0x65: {  	p1 =	seq.s32 @!p0 s25, $0x29  }
0x66: {  	p0 =	por p1, p0  }
0x67: {  	s29 =	sadd.s32 @!p0 $0xFFFFFFFF, s25  }
0x68: {  	s29 =	sand.u32 @!p0 $0x1, s29  }
0x69: {  	s30 =	sadd.s32 @!p0 $0x1, s29  }
0x6a: {  	_ =	swait.ge @!p0 [sflag:s30], $0x4000  }
0x6b: {  	[sflag:s30] =	ssyncset.done @!p0 $0x0  }
0x6c: {  	[sflag:s30] =	ssyncadd.s32 @!p0 $0xFFFFC000;
	s30 =	sshll.u32 @!p0 s29, $0xE  }
0x6d: {  	s31 =	simm.s32 @!p0 $0x80;
	s29 =	sadd.s32 @!p0 $0x3, s29;
	s30 =	sor.u32 @!p0 $0x2800, s30  }
0x6e: {  	[spmem:s2] =	stream.indirect.scatter.add.f32 @!p0 [tilespmem:s30], [sflag:s29], $0x80, s26, s31, $0xb8;
	[tilespmem:$0x1E800] =	vst v63  }
0x6f: {  	s31 =	sadd.s32 $0xFFFFFFFE, s25  }
0x70: {  	p0 =	sgt.u32 s31, $0x25  }
.Ltmp5:
0x71: {  	_ = 	snop;
	(pc) =	sbr.rel @p0 .LBB2_6-.Ltmp5, $1  }
0x72: {  	_ =	sdelay $0x3  }
.Ltmp6:
0x73: {  	s29 =	sand.u32 $0x1, s25;
	(pc) =	sbr.rel .LBB2_7-.Ltmp6, $4  }
0x74: {  	s30 =	sadd.s32 $0x3, s29  }
0x75: {  	_ =	swait.ge [sflag:s30], $0x4000  }
0x76: {  	[sflag:s30] =	ssyncset.done $0x0  }
0x77: {  	[sflag:s30] =	ssyncadd.s32 $0xFFFFC000  }
.LBB2_6:
0x78: {  	p0 =	sgt.u32 s25, $0x27  }
.Ltmp7:
0x79: {  	_ = 	snop;
	(pc) =	sbr.rel @p0 .LBB2_8-.Ltmp7, $2  }
0x7a: {  	_ =	sdelay $0x2  }
0x7b: {  	s29 =	smov.u32 s25  }
.LBB2_7:
.Ltmp8:
0x7c: {  	(pc) =	sbr.rel .LBB2_9-.Ltmp8, $4  }
0x7d: {  	s30 =	sshll.u32 s29, $0xE  }
0x7e: {  	s30 =	sand.u32 $0x3FFFC000, s30  }
0x7f: {  	s31 =	sadd.s32 $0x1, s29;
	s30 =	sor.u32 $0x2800, s30  }
0x80: {  	[tilespmem:s30], [sflag:s31] =	stream.indirect.gather [hbm4b:s4+s24], $0x80, s28, s24, $0xb8;
	[tilespmem:$0x1E800] =	vst v63  }
.LBB2_10:
0x81: {  	s25 =	simm.s32 $0x0  }
0x82: {  	[tilespmem:s25], [sflag:$0x5] =	stream.linear.gather [hbm4b:s19+s25], $0x1400, $0x38;
	[tilespmem:$0x1E800] =	vst v63  }
0x83: {  	_ =	swait.ge [sflag:s22], $0x1400  }
0x84: {  	[sflag:s22] =	ssyncset.done $0x0  }
.Ltmp9:
0x85: {  	[sflag:s22] =	ssyncadd.s32 $0xFFFFEC00;
	(pc) =	sbr.rel .LBB2_11-.Ltmp9, $4  }
0x86: {  	[tilespmem:s23], [sflag:$0x5] =	stream.linear.gather [hbm4b:s20+s25], $0x1400, $0x38;
	[tilespmem:$0x1E800] =	vst v63  }
0x87: {  	_ =	swait.ge [sflag:s22], $0x1400  }
0x88: {  	[sflag:s22] =	ssyncset.done $0x0  }
0x89: {  	s26 =	simm.s32 $0x1380;
	s28 =	simm.s32 $0x0;
	[sflag:s22] =	ssyncadd.s32 $0xFFFFEC00  }
.LBB2_14:
0x8a: {  	s29 =	sand.u32 $0x1, s25  }
0x8b: {  	s30 =	sadd.s32 $0x3, s29  }
0x8c: {  	_ =	swait.ge [sflag:s30], $0x4000  }
0x8d: {  	[sflag:s30] =	ssyncset.done $0x0  }
0x8e: {  	[sflag:s30] =	ssyncadd.s32 $0xFFFFC000  }
.LBB2_15:
0x8f: {  	s30 =	sshll.u32 s29, $0xE  }
0x90: {  	s30 =	sand.u32 $0x3FFFC000, s30  }
0x91: {  	s31 =	sadd.s32 $0x1, s29;
	s30 =	sor.u32 $0x2800, s30  }
0x92: {  	[tilespmem:s30], [sflag:s31] =	stream.indirect.gather [hbm4b:s4+s24], $0x80, s28, s24, $0xb8;
	[tilespmem:$0x1E800] =	vst v63  }
.LBB2_16:
0x93: {  	s25 =	sadd.s32 $0x1, s25  }
0x94: {  	p0 =	sne.s32 s25, $0x2A  }
.Ltmp10:
0x95: {  	_ = 	snop;
	(pc) =	sbr.rel @!p0 .LBB2_17-.Ltmp10, $2  }
0x96: {  	_ =	sdelay $0x2  }
0x97: {  	s28 =	sadd.s32 $0x80, s28;
	s26 =	sadd.s32 $0x80, s26  }
.LBB2_11:
0x98: {  	p0 =	seq.s32 s25, $0x0  }
0x99: {  	p1 =	seq.s32 @!p0 s25, $0x29  }
0x9a: {  	p0 =	por p1, p0  }
0x9b: {  	s29 =	sadd.s32 @!p0 $0xFFFFFFFF, s25  }
0x9c: {  	s29 =	sand.u32 @!p0 $0x1, s29  }
0x9d: {  	s30 =	sadd.s32 @!p0 $0x1, s29  }
0x9e: {  	_ =	swait.ge @!p0 [sflag:s30], $0x4000  }
0x9f: {  	[sflag:s30] =	ssyncset.done @!p0 $0x0  }
0xa0: {  	[sflag:s30] =	ssyncadd.s32 @!p0 $0xFFFFC000;
	s30 =	sshll.u32 @!p0 s29, $0xE  }
0xa1: {  	s31 =	simm.s32 @!p0 $0x80;
	s29 =	sadd.s32 @!p0 $0x3, s29;
	s30 =	sor.u32 @!p0 $0x2800, s30  }
0xa2: {  	[spmem:s2] =	stream.indirect.scatter.add.f32 @!p0 [tilespmem:s30], [sflag:s29], $0x80, s26, s31, $0xb8;
	[tilespmem:$0x1E800] =	vst v63  }
0xa3: {  	s31 =	sadd.s32 $0xFFFFFFFE, s25  }
0xa4: {  	p0 =	slt.u32 s31, $0x26  }
.Ltmp11:
0xa5: {  	_ = 	snop;
	(pc) =	sbr.rel @p0 .LBB2_14-.Ltmp11, $1  }
0xa6: {  	_ =	sdelay $0x3  }
0xa7: {  	p0 =	slt.u32 s25, $0x28  }
.Ltmp12:
0xa8: {  	_ = 	snop;
	(pc) =	sbr.rel @p0 .LBB2_15-.Ltmp12, $2  }
0xa9: {  	_ =	sdelay $0x2  }
0xaa: {  	s29 =	smov.u32 s25  }
.Ltmp13:
0xab: {  	s29 =	sand.u32 $0x1, s25;
	(pc) =	sbr.rel .LBB2_16-.Ltmp13, $4  }
0xac: {  	s29 =	sadd.s32 $0x3, s29  }
0xad: {  	_ =	swait.ge [sflag:s29], $0x4000  }
0xae: {  	[sflag:s29] =	ssyncset.done $0x0  }
0xaf: {  	[sflag:s29] =	ssyncadd.s32 $0xFFFFC000  }
.LBB2_18:
0xb0: {  	_ =	sfence.sel $0x180000  }
0xb1: {  	[bflag:$0x0] =	sbarrier.arrive $0xFFFF  }
0xb2: {  	p0 =	sne.s32 s1, $0x0;
	_ =	strace $0x9000004A  }
0xb3: {  	s0 =	sadd.s32 @!p0 $0x100000, s0;
	[bflag:$0x2] =	sbarrier.arrive $0xFFFF  }
0xb4: {  	[sflag:s0] =	ssyncadd.tile.s32 @!p0 $0x1;
	_ =	shalt  }
.Lfunc_end2:
_tile_overlayer_lowered:
.L_overlay_start_2:
0xb5: {  	(tag) =	ssettag $0x2  }
0xb6: {  	s0 =	rddreg [dreg:$0x0];
	s2 =	stileid.u32  }
0xb7: {  	s1 =	rddreg [dreg:$0x1];
	p0 =	sne.s32 s2, $0x0  }
0xb8: {  	s3 =	rddreg [dreg:$0x2];
	[bflag:$0x3] =	sbarrier.arrive $0xFFFF;
	s2 =	simm.s32 @!p0 $0x1C05  }
0xb9: {  	[timem:s3], [sflag:s2] =	dma.local @!p0 [hbm:s0], s1  }
0xba: {  	s0 =	simm.s32 @!p0 $0x5  }
0xbb: {  	_ =	swait.ge @!p0 [sflag:s0], s1  }
0xbc: {  	s1 =	ssub.s32 @!p0 $0x0, s1;
	[sflag:s0] =	ssyncset.done @!p0 $0x0  }
0xbd: {  	[sflag:s0] =	ssyncadd.s32 @!p0 s1  }
0xbe: {  	[bflag:$0x3] =	sbarrier.arrive $0xFFFF  }
0xbf: {  	_ =	shalt  }

// kernel: kernel.13.cloned.1.call-start
scs
__scs_entry_jumppad:
0x0: {  	(pc) =	sbr.rel $0x88, $3  }
0x1: {  	(tag) =	ssettag $0x0;
	lr =	simm.s32 $0x1  }
0x2: {  	[smem:$0x3F98] =	sst lr;
	_ =	strace $0xD0000000  }
0x3: {  	_ = 	snop  }
0x4: {  	_ = 	snop  }
0x5: {  	_ = 	snop  }
0x6: {  	_ = 	snop  }
0x7: {  	_ = 	snop  }
__scs_overlays_trampoline_lowered:
0x8: {  	[smem:$0x3FA7] =	sst s0  }
0x9: {  	[smem:$0x3FA8] =	sst s1  }
0xa: {  	[smem:$0x3FA9] =	sst s2  }
0xb: {  	[smem:$0x3FAA] =	sst s3  }
0xc: {  	[smem:$0x3FAB] =	sst s4  }
0xd: {  	[smem:$0x3FAC] =	sst s5  }
0xe: {  	[smem:$0x3FAD] =	sst s6  }
0xf: {  	[smem:$0x3FAE] =	sst s7  }
0x10: {  	[smem:$0x3FAF] =	sst s8  }
0x11: {  	[smem:$0x3FB0] =	sst s9;
	s0 =	simm.s32 @!p0 $0x0  }
0x12: {  	s1 =	sld [smem:$0x3F96];
	s0 =	simm.s32 @p0 $0x1  }
0x13: {  	[smem:$0x3FB1] =	sst s0;
	s0 =	simm.s32 @!p1 $0x0  }
0x14: {  	s2 =	sld [smem:$0x3F95];
	s0 =	simm.s32 @p1 $0x1  }
0x15: {  	[smem:$0x3FB2] =	sst s0;
	s0 =	simm.s32 @!p2 $0x0  }
0x16: {  	s3 =	sld [smem:$0x3FDB];
	s0 =	simm.s32 @p2 $0x1  }
0x17: {  	s4 =	simm.s32 $0x1BF5;
	[smem:$0x3FB4] =	sst s0  }
0x18: {  	s0 =	sld [smem:$0x3F97];
	_ =	swait.ge [sflag:s4], $0x0  }
0x19: {  	s7 =	sld [smem:$0x3F98]  }
0x1a: {  	s8 =	sadd.s32 $0xFFFFE003, lr  }
0x1b: {  	s9 =	sadd.s32 $0xFFFFFEF7, lr;
	s5 =	simm.s32 $0xFFFFFFFF;
	p2 =	slt.u32 s8, $0xFFFFF086  }
0x1c: {  	p1 =	slt.u32 s9, $0xF7A;
	s5 =	simm.s32 @!p2 $0x0  }
0x1d: {  	s5 =	simm.s32 @p1 $0x1;
	p0 =	seq.s32 s7, s2  }
0x1e: {  	s7 =	smul.u32 @!p0 $0xF7A, s2;
	p2 =	seq.s32 @!p0 s5, $0x0  }
0x1f: {  	s9 =	smul.u32 $0xF7A, s1;
	s8 =	simm.s32 @!p0 $0x1BF5;
	p2 =	por !p2, p0  }
0x20: {  	[sflag:s8] =	ssyncset.s32 @!p0 $0xFFFFF086;
	s6 =	sadd.s32 @!p0 s3, s7;
	s7 =	simm.s32 @!p0 $0x108  }
0x21: {  	s3 =	sadd.s32 s3, s9;
	s6 =	sadd.s32 @!p0 $0x88, s6;
	s7 =	simm.s32 @p2 $0x1082  }
0x22: {  	[simem:s7], [sflag:s8] =	dma.local @!p0 [hbm:s6], $0xF7A  }
0x23: {  	s9 =	sor.u32 $0xD0000000, s2;
	s6 =	simm.s32 $0x108;
	_ =	swait.ge @!p0 [sflag:s8], $0x0  }
0x24: {  	s3 =	sadd.s32 $0x88, s3;
	s6 =	simm.s32 @!p1 $0x1082;
	[sflag:s4] =	ssyncset.s32 $0xFFFFF086  }
0x25: {  	[simem:s6], [sflag:s4] =	dma.local [hbm:s3], $0xF7A  }
0x26: {  	[smem:$0x3F98] =	sst s1;
	(tag) =	ssettag s2;
	_ =	strace s9  }
0x27: {  	s1 =	sld [smem:$0x3FA8]  }
0x28: {  	s2 =	sld [smem:$0x3FA9]  }
0x29: {  	s4 =	sld [smem:$0x3FAB]  }
0x2a: {  	p0 =	seq.s32 s5, $0x0;
	s5 =	sld [smem:$0x3FAC]  }
0x2b: {  	s6 =	sld [smem:$0x3FAD]  }
0x2c: {  	s7 =	sld [smem:$0x3FAE]  }
0x2d: {  	s3 =	simm.s32 $0x108;
	s8 =	sld [smem:$0x3FAF]  }
0x2e: {  	s3 =	simm.s32 @!p0 $0x1082;
	s9 =	sld [smem:$0x3FB0]  }
0x2f: {  	lr =	sadd.s32 s0, s3;
	s0 =	sld [smem:$0x3FA7]  }
0x30: {  	s3 =	sld [smem:$0x3FAA]  }
0x31: {  	[smem:$0x3FB3] =	sst s10  }
0x32: {  	s10 =	sld [smem:$0x3FB1];
	_ =	sdelay $0x3  }
0x33: {  	p0 =	seq.s32 s10, $0x1;
	s10 =	sld [smem:$0x3FB3];
	_ =	sdelay $0x3  }
0x34: {  	[smem:$0x3FB3] =	sst s10  }
0x35: {  	s10 =	sld [smem:$0x3FB2];
	_ =	sdelay $0x3  }
0x36: {  	p1 =	seq.s32 s10, $0x1;
	s10 =	sld [smem:$0x3FB3];
	_ =	sdelay $0x3  }
0x37: {  	[smem:$0x3FB3] =	sst s10  }
0x38: {  	s10 =	sld [smem:$0x3FB4]  }
0x39: {  	_ = 	snop;
	(pc) =	sbr.ind lr, $3  }
0x3a: {  	_ = 	snop  }
0x3b: {  	_ = 	snop  }
0x3c: {  	p2 =	seq.s32 s10, $0x1;
	s10 =	sld [smem:$0x3FB3]  }
0x3d: {  	_ =	shalt  }
0x3e: {  	_ =	shalt  }
0x3f: {  	_ =	shalt  }
0x40: {  	_ =	shalt  }
0x41: {  	_ =	shalt  }
0x42: {  	_ =	shalt  }
0x43: {  	_ =	shalt  }
0x44: {  	_ =	shalt  }
0x45: {  	_ =	shalt  }
0x46: {  	_ =	shalt  }
0x47: {  	_ =	shalt  }
0x48: {  	_ =	shalt  }
0x49: {  	_ =	shalt  }
0x4a: {  	_ =	shalt  }
0x4b: {  	_ =	shalt  }
0x4c: {  	_ =	shalt  }
0x4d: {  	_ =	shalt  }
0x4e: {  	_ =	shalt  }
0x4f: {  	_ =	shalt  }
0x50: {  	_ =	shalt  }
0x51: {  	_ =	shalt  }
0x52: {  	_ =	shalt  }
0x53: {  	_ =	shalt  }
0x54: {  	_ =	shalt  }
0x55: {  	_ =	shalt  }
0x56: {  	_ =	shalt  }
0x57: {  	_ =	shalt  }
0x58: {  	_ =	shalt  }
0x59: {  	_ =	shalt  }
0x5a: {  	_ =	shalt  }
0x5b: {  	_ =	shalt  }
0x5c: {  	_ =	shalt  }
0x5d: {  	_ =	shalt  }
0x5e: {  	_ =	shalt  }
0x5f: {  	_ =	shalt  }
0x60: {  	_ =	shalt  }
0x61: {  	_ =	shalt  }
0x62: {  	_ =	shalt  }
0x63: {  	_ =	shalt  }
0x64: {  	_ =	shalt  }
0x65: {  	_ =	shalt  }
0x66: {  	_ =	shalt  }
0x67: {  	_ =	shalt  }
0x68: {  	_ =	shalt  }
0x69: {  	_ =	shalt  }
0x6a: {  	_ =	shalt  }
0x6b: {  	_ =	shalt  }
0x6c: {  	_ =	shalt  }
0x6d: {  	_ =	shalt  }
0x6e: {  	_ =	shalt  }
0x6f: {  	_ =	shalt  }
0x70: {  	_ =	shalt  }
0x71: {  	_ =	shalt  }
0x72: {  	_ =	shalt  }
0x73: {  	_ =	shalt  }
0x74: {  	_ =	shalt  }
0x75: {  	_ =	shalt  }
0x76: {  	_ =	shalt  }
0x77: {  	_ =	shalt  }
0x78: {  	_ =	shalt  }
0x79: {  	_ =	shalt  }
0x7a: {  	_ =	shalt  }
0x7b: {  	_ =	shalt  }
0x7c: {  	_ =	shalt  }
0x7d: {  	_ =	shalt  }
0x7e: {  	_ =	shalt  }
0x7f: {  	_ =	shalt  }
0x80: {  	_ =	shalt  }
0x81: {  	_ =	shalt  }
0x82: {  	_ =	shalt  }
0x83: {  	_ =	shalt  }
0x84: {  	_ =	shalt  }
0x85: {  	_ =	shalt  }
0x86: {  	_ =	shalt  }
0x87: {  	_ =	shalt  }
.Lfunc_end0:
.L_simem_size_0:
called_computation.2_lowered:
.L_overlay_start_0:
0x88: {  	s2 =	sld [smem:$0x3FD9]  }
0x89: {  	s3 =	sld [smem:$0x3FFE];
	_ =	sdelay $0x1  }
0x8a: {  	s1 =	srdreg.scid  }
0x8b: {  	s0 =	sand.u32 $0x1, s1  }
0x8c: {  	s17 =	sshll.u32 s0, $0xA;
	s2 =	sadd.s32 s3, s2  }
0x8d: {  	s2 =	sadd.s32 s2, s17  }
0x8e: {  	[smem:$0x3FBF] =	sst s2  }
0x8f: {  	_ = 	snop  }
0x90: {  	(tm) =	ssettm $0x1  }
0x91: {  	s18 =	sld [smem:$0x3FFB];
	_ =	sdelay $0x3  }
0x92: {  	_ =	strace s18  }
0x93: {  	s2 =	sld [smem:$0x3FFC];
	_ =	sdelay $0x3  }
0x94: {  	_ =	strace s2  }
0x95: {  	s2 =	sld [smem:$0x3FFD];
	_ =	sdelay $0x3  }
0x96: {  	_ =	strace s2  }
0x97: {  	_ =	strace $0x8FFFFFFF  }
0x98: {  	s19 =	sld [smem:$0x3FDB];
	_ =	sdelay $0x1  }
0x99: {  	s20 =	simm.s32 $_scs_section_size  }
0x9a: {  	s4 =	simm.s32 $_size__tile_overlayer_lowered;
	s5 =	simm.s32 $_tile_overlayer_lowered  }
0x9b: {  	s6 =	simm.s32 $0x1BFF;
	s21 =	sshll.u32 s5, $0x1;
	s3 =	sadd.s32 s20, s19  }
0x9c: {  	s22 =	simm.s32 $0x0;
	s4 =	sshll.u32 s4, $0x1;
	s5 =	sadd.s32 s21, s3  }
0x9d: {  	[timem:s22], [sflag:s6] =	dma.local [hbm:s5], s4  }
0x9e: {  	_ =	swait.ge [sflag:s6], s4  }
0x9f: {  	s4 =	ssub.s32 $0x0, s4;
	[sflag:s6] =	ssyncset.done $0x0  }
0xa0: {  	[sflag:s6] =	ssyncadd.s32 s4;
	_ =	sdelay $0x1  }
0xa1: {  	s23 =	simm.s32 $0x1B8B  }
0xa2: {  	_ =	swait.ge [sflag:s23], $0x1  }
0xa3: {  	[sflag:s23] =	ssyncset.done $0x0  }
0xa4: {  	[sflag:s23] =	ssyncadd.s32 $0xFFFFFFFF  }
0xa5: {  	s4 =	sld [smem:$0x0]  }
0xa6: {  	s5 =	sand.u32 $0xFFFFFFFE, s1  }
0xa7: {  	p0 =	sne.s32 s1, s5  }
0xa8: {  	s5 =	sshll.u32 @p0 s5, $0xE  }
0xa9: {  	s5 =	sadd.s32 @p0 $0x11B8D, s5;
	s6 =	sshll.u32 @p0 s4, $0x11  }
0xaa: {  	s5 =	sor.u32 @p0 s6, s5  }
0xab: {  	[sflag:s5] =	ssyncadd.remote.s32 @p0 $0x1;
	_ =	sdelay $0x1  }
0xac: {  	s5 =	simm.s32 @p0 $0x1B8D  }
0xad: {  	_ =	swait.eq @p0 [sflag:s5], $0x1  }
0xae: {  	[sflag:s5] =	ssyncadd.s32 @p0 $0xFFFFFFFF  }
0xaf: {  	s6 =	sshll.u32 @!p0 s1, $0xE  }
0xb0: {  	s6 =	sor.u32 @!p0 $0x4000, s6;
	s5 =	simm.s32 @!p0 $0x1B8D  }
0xb1: {  	s4 =	sshll.u32 @!p0 s4, $0x11;
	s6 =	sadd.s32 @!p0 $0x11B8D, s6;
	_ =	swait.eq @!p0 [sflag:s5], $0x1  }
0xb2: {  	s4 =	sor.u32 @!p0 s4, s6;
	[sflag:s5] =	ssyncadd.s32 @!p0 $0xFFFFFFFF  }
0xb3: {  	s25 =	simm.s32 $0x1B8E;
	s24 =	sld [smem:$0x3FFE];
	[sflag:s4] =	ssyncadd.remote.s32 @!p0 $0x1  }
0xb4: {  	s26 =	simm.s32 $execute0_lowered;
	[smem:$0x3FD2] =	sst s25  }
0xb5: {  	s5 =	sshll.u32 s26, $0x1;
	_ =	strace $0x8000004C;
	[dreg:$0x1] =	wrdreg $0xFFFFFFFF  }
0xb6: {  	s28 =	simm.s32 $_size_execute0_lowered;
	s3 =	sadd.s32 s3, s5;
	[dreg:$0x0] =	wrdreg $0x0  }
0xb7: {  	s5 =	sshll.u32 s28, $0x1;
	[dreg:$0x2] =	wrdreg s3  }
0xb8: {  	[dreg:$0x3] =	wrdreg s5  }
0xb9: {  	[dreg:$0x4] =	wrdreg $0xC0  }
0xba: {  	_ =	task [dreg:s22], $0x5FFFF  }
0xbb: {  	[dreg:$0x1] =	wrdreg $0xFFFFFFFF  }
0xbc: {  	[dreg:$0x0] =	wrdreg $0x60  }
0xbd: {  	[dreg:$0x2] =	wrdreg s24  }
0xbe: {  	[dreg:$0x3] =	wrdreg $0xB9000  }
0xbf: {  	[dreg:$0x4] =	wrdreg $0xA  }
0xc0: {  	_ =	task.clear_ibuf [dreg:s22], $0x5FFFF;
	_ =	strace $0x9000004C  }
0xc1: {  	s29 =	simm.s32 $0xA;
	_ =	strace $0x8000004E  }
0xc2: {  	_ =	swait.ge [sflag:s29], $0x1  }
0xc3: {  	[sflag:s29] =	ssyncadd.s32 $0xFFFFFFFF  }
0xc4: {  	_ =	strace $0x9000004E  }
0xc5: {  	_ =	sfence  }
0xc6: {  	s30 =	sld [smem:$0x0];
	_ =	sdelay $0x2  }
0xc7: {  	s31 =	sshll.u32 s1, $0xD;
	s1 =	sshrl.u32 s1, $0x2  }
0xc8: {  	s4 =	sand.u32 $0x4000, s31;
	s1 =	sadd.s32 s1, s30  }
0xc9: {  	s0 =	sor.u32 s4, s0;
	s1 =	sshll.u32 s1, $0x11  }
0xca: {  	s0 =	sor.u32 s1, s0  }
0xcb: {  	s0 =	sadd.s32 $0x8F2B, s0  }
0xcc: {  	[sflag:s0] =	ssyncadd.remote.s32 $0x1  }
0xcd: {  	_ =	sfence.sel $0xFFFF  }
0xce: {  	[dreg:$0x0] =	wrdreg $0xFFFFFFFF;
	(pc) =	sbr.abs _section_cstart, $3  }
0xcf: {  	[dreg:$0x1] =	wrdreg $0xFFFFFFFF  }
0xd0: {  	_ =	task.clear_ibuf [dreg:s22], $0x2FFFF;
	_ =	strace $0x9FFFFFFF  }
0xd1: {  	(tm) =	ssettm $0x7FFFFFFF  }
tec
execute0_lowered:
.L_overlay_start_1:
0x0: {  	(tag) =	ssettag $0x1  }
0x1: {  	s0 =	rddreg [dreg:$0x0];
	s1 =	srdreg.scid  }
0x2: {  	s2 =	rddreg [dreg:$0x1];
	s30 =	stileid.u32;
	s3 =	simm.s32 $0x0  }
0x3: {  	s20 =	simm.s32 $0x3;
	s21 =	simm.s32 $0x3800;
	s22 =	simm.s32 $0x2800  }
0x4: {  	s23 =	simm.s32 $0x3000;
	s24 =	simm.s32 $0x80;
	s6 =	smul.u32 $0x14000, s30  }
0x5: {  	s25 =	simm.s32 $0x0;
	s7 =	sand.u32 $0x1, s1;
	s9 =	smul.u32 $0x50000, s30  }
0x6: {  	[smem:$0x7FF] =	sst s3;
	s4 =	sadd.s32 $0x3E000, s0;
	s5 =	smul.u32 $0x140000, s7  }
0x7: {  	_ =	strace $0x8000004D;
	[dreg:$0x3] =	wrdreg s4;
	s31 =	ssub.s32 $0x2, s7  }
0x8: {  	s7 =	sshll.u32 s7, $0x4;
	s10 =	sshrl.u32 s31, $0x1;
	s9 =	sshrl.u32 s9, $0x2  }
0x9: {  	s17 =	sor.u32 s30, s7;
	s6 =	sadd.s32 s6, s5;
	s5 =	sadd.s32 $0x2E00, s0  }
0xa: {  	v0 =	vlaneseq.u32;
	s19 =	ssub.s32 s31, s10;
	s7 =	sadd.s32 s9, s2;
	s17 =	smul.u32 $0x2800, s17  }
.Ltmp0:
0xb: {  	v0 =	vmul.u32 $0x80, v0;
	s8 =	sshrl.u32 s6, $0x3;
	s6 =	sadd.s32 $0xCE00, s0;
	(pc) =	sbr.rel .LBB2_1-.Ltmp0, $4  }
0xc: {  	s9 =	sadd.s32 $0x4000, s7;
	s10 =	sadd.s32 $0x6000, s7;
	s11 =	sadd.s32 $0x8000, s7  }
0xd: {  	v1 =	vimm.f32 $0.0e+00;
	v2 =	vor.u32 $0x800, v0;
	s12 =	sadd.s32 $0xA000, s7;
	s13 =	sadd.s32 $0xC000, s7;
	s14 =	sadd.s32 $0xE000, s7  }
0xe: {  	v3 =	vor.u32 $0x1000, v0;
	v4 =	vor.u32 $0x1800, v0;
	v5 =	vor.u32 $0x2000, v0;
	s15 =	sadd.s32 $0x10000, s7;
	s16 =	sadd.s32 $0x12000, s7;
	s0 =	sadd.s32 s8, s0  }
0xf: {  	v6 =	vor.u32 $0x2800, v0;
	v7 =	vor.u32 $0x3000, v0;
	v8 =	vor.u32 $0x3800, v0;
	s19 =	smax.u32 s19, $0x1;
	s8 =	sadd.s32 $0x2000, s7;
	s18 =	sadd.s32 $0x3E600, s0  }
.LBB2_11:
0x10: {  	s0 =	stileid.u32;
	s25 =	sadd.s32 $0x1, s25  }
0x11: {  	[bflag:$0x0] =	sbarrier.arrive $0xFFFF;
	s0 =	sshll.u32 s0, $0x6;
	p0 =	sne.s32 s25, s19  }
.Ltmp1:
0x12: {  	s1 =	sshrl.u32 s7, $0x3;
	s0 =	sor.u32 $0x1C03, s0;
	(pc) =	sbr.rel @!p0 .LBB2_12-.Ltmp1, $4  }
0x13: {  	[hbm:s18], [sflag:s0] =	dma.local [spmem:s1], $0x2800  }
0x14: {  	_ =	swait.ge [sflag:s20], $0x2800  }
0x15: {  	[sflag:s20] =	ssyncset.done $0x0  }
0x16: {  	[sflag:s20] =	ssyncadd.s32 $0xFFFFD800  }
.LBB2_1:
0x17: {  	s0 =	rddreg [dreg:$0x3]  }
0x18: {  	[tilespmem:s3], [sflag:$0x3] =	stream.linear.gather [hbm4b:s0+s3], $0x2800, $0x38;
	[tilespmem:$0x1F900] =	vst v63  }
0x19: {  	_ =	swait.ge [sflag:s20], $0x2800  }
0x1a: {  	[sflag:s20] =	ssyncset.done $0x0  }
0x1b: {  	s26 =	simm.s32 $0x200;
	s0 =	simm.s32 $0x0;
	[sflag:s20] =	ssyncadd.s32 $0xFFFFD800  }
.LBB2_2:
0x1c: {  	p0 =	sne.s32 s26, $0x1FE00;
	[tilespmem:s0+$0x3870] =	vst v1  }
0x1d: {  	[tilespmem:s0+$0x3800] =	vst v1  }
0x1e: {  	[tilespmem:s0+$0x3810] =	vst v1  }
.Ltmp2:
0x1f: {  	[tilespmem:s0+$0x3820] =	vst v1;
	(pc) =	sbr.rel @p0 .LBB2_2-.Ltmp2, $4  }
0x20: {  	[tilespmem:s0+$0x3830] =	vst v1  }
0x21: {  	[tilespmem:s0+$0x3840] =	vst v1  }
0x22: {  	[tilespmem:s0+$0x3850] =	vst v1  }
0x23: {  	[tilespmem:s0+$0x3860] =	vst v1;
	s0 =	sshra.s32 s26, $0x2;
	s26 =	sadd.s32 $0x200, s26  }
0x24: {  	[tilespmem:s0+$0x3870] =	vst v1  }
0x25: {  	[tilespmem:s0+$0x3800] =	vst v1  }
0x26: {  	[tilespmem:s0+$0x3810] =	vst v1  }
0x27: {  	[tilespmem:s0+$0x3820] =	vst v1  }
0x28: {  	[tilespmem:s0+$0x3830] =	vst v1  }
0x29: {  	[tilespmem:s0+$0x3840] =	vst v1  }
0x2a: {  	[tilespmem:s0+$0x3850] =	vst v1  }
0x2b: {  	[tilespmem:s0+$0x3860] =	vst v1  }
0x2c: {  	[spmem:s7] =	stream.linear.scatter [tilespmem:s21], [sflag:$0x3], $0x2000, $0x38;
	[tilespmem:$0x1F900] =	vst v63  }
0x2d: {  	_ =	swait.ge [sflag:s20], $0x2000  }
0x2e: {  	[sflag:s20] =	ssyncset.done $0x0  }
0x2f: {  	[sflag:s20] =	ssyncadd.s32 $0xFFFFE000  }
0x30: {  	[spmem:s8] =	stream.linear.scatter [tilespmem:s21], [sflag:$0x3], $0x2000, $0x38;
	[tilespmem:$0x1F900] =	vst v63  }
0x31: {  	_ =	swait.ge [sflag:s20], $0x2000  }
0x32: {  	[sflag:s20] =	ssyncset.done $0x0  }
0x33: {  	[sflag:s20] =	ssyncadd.s32 $0xFFFFE000  }
0x34: {  	[spmem:s9] =	stream.linear.scatter [tilespmem:s21], [sflag:$0x3], $0x2000, $0x38;
	[tilespmem:$0x1F900] =	vst v63  }
0x35: {  	_ =	swait.ge [sflag:s20], $0x2000  }
0x36: {  	[sflag:s20] =	ssyncset.done $0x0  }
0x37: {  	[sflag:s20] =	ssyncadd.s32 $0xFFFFE000  }
0x38: {  	[spmem:s10] =	stream.linear.scatter [tilespmem:s21], [sflag:$0x3], $0x2000, $0x38;
	[tilespmem:$0x1F900] =	vst v63  }
0x39: {  	_ =	swait.ge [sflag:s20], $0x2000  }
0x3a: {  	[sflag:s20] =	ssyncset.done $0x0  }
0x3b: {  	[sflag:s20] =	ssyncadd.s32 $0xFFFFE000  }
0x3c: {  	[spmem:s11] =	stream.linear.scatter [tilespmem:s21], [sflag:$0x3], $0x2000, $0x38;
	[tilespmem:$0x1F900] =	vst v63  }
0x3d: {  	_ =	swait.ge [sflag:s20], $0x2000  }
0x3e: {  	[sflag:s20] =	ssyncset.done $0x0  }
0x3f: {  	[sflag:s20] =	ssyncadd.s32 $0xFFFFE000  }
0x40: {  	[spmem:s12] =	stream.linear.scatter [tilespmem:s21], [sflag:$0x3], $0x2000, $0x38;
	[tilespmem:$0x1F900] =	vst v63  }
0x41: {  	_ =	swait.ge [sflag:s20], $0x2000  }
0x42: {  	[sflag:s20] =	ssyncset.done $0x0  }
0x43: {  	[sflag:s20] =	ssyncadd.s32 $0xFFFFE000  }
0x44: {  	[spmem:s13] =	stream.linear.scatter [tilespmem:s21], [sflag:$0x3], $0x2000, $0x38;
	[tilespmem:$0x1F900] =	vst v63  }
0x45: {  	_ =	swait.ge [sflag:s20], $0x2000  }
0x46: {  	[sflag:s20] =	ssyncset.done $0x0  }
0x47: {  	[sflag:s20] =	ssyncadd.s32 $0xFFFFE000  }
0x48: {  	[spmem:s14] =	stream.linear.scatter [tilespmem:s21], [sflag:$0x3], $0x2000, $0x38;
	[tilespmem:$0x1F900] =	vst v63  }
0x49: {  	_ =	swait.ge [sflag:s20], $0x2000  }
0x4a: {  	[sflag:s20] =	ssyncset.done $0x0  }
0x4b: {  	[sflag:s20] =	ssyncadd.s32 $0xFFFFE000  }
0x4c: {  	[spmem:s15] =	stream.linear.scatter [tilespmem:s21], [sflag:$0x3], $0x2000, $0x38;
	[tilespmem:$0x1F900] =	vst v63  }
0x4d: {  	_ =	swait.ge [sflag:s20], $0x2000  }
0x4e: {  	[sflag:s20] =	ssyncset.done $0x0  }
0x4f: {  	[sflag:s20] =	ssyncadd.s32 $0xFFFFE000  }
0x50: {  	[spmem:s16] =	stream.linear.scatter [tilespmem:s21], [sflag:$0x3], $0x2000, $0x38;
	[tilespmem:$0x1F900] =	vst v63  }
.Ltmp3:
0x51: {  	_ =	swait.ge [sflag:s20], $0x2000;
	(pc) =	sbr.rel .LBB2_4-.Ltmp3, $4  }
0x52: {  	[sflag:s20] =	ssyncset.done $0x0  }
0x53: {  	[sflag:s20] =	ssyncadd.s32 $0xFFFFE000  }
0x54: {  	[bflag:$0x0] =	sbarrier.arrive $0xFFFF  }
0x55: {  	s26 =	simm.s32 $0x0;
	s28 =	simm.s32 $0x0  }
.LBB2_10:
0x56: {  	s28 =	sadd.s32 $0x1, s28  }
0x57: {  	p0 =	sne.s32 s28, $0x5  }
.Ltmp4:
0x58: {  	_ = 	snop;
	(pc) =	sbr.rel @!p0 .LBB2_11-.Ltmp4, $1  }
0x59: {  	_ =	sdelay $0x3  }
.LBB2_4:
0x5a: {  	s0 =	sshll.u32 s28, $0xB  }
0x5b: {  	s0 =	sadd.s32 s17, s0  }
0x5c: {  	s0 =	sshrl.u32 s0, $0x3  }
0x5d: {  	s29 =	sadd.s32 s5, s0  }
0x5e: {  	[tilespmem:s22], [sflag:$0x3] =	stream.linear.gather [hbm4b:s29+s26], $0x800, $0x38;
	[tilespmem:$0x1F900] =	vst v63  }
0x5f: {  	_ =	swait.ge [sflag:s20], $0x800  }
0x60: {  	[sflag:s20] =	ssyncset.done $0x0  }
.Ltmp5:
0x61: {  	s0 =	sadd.s32 s6, s0;
	[sflag:s20] =	ssyncadd.s32 $0xFFFFF800;
	(pc) =	sbr.rel .LBB2_5-.Ltmp5, $4  }
0x62: {  	[tilespmem:s23], [sflag:$0x3] =	stream.linear.gather [hbm4b:s0+s26], $0x800, $0x38;
	[tilespmem:$0x1F900] =	vst v63  }
0x63: {  	_ =	swait.ge [sflag:s20], $0x800  }
0x64: {  	[sflag:s20] =	ssyncset.done $0x0  }
0x65: {  	s30 =	simm.s32 $0x0;
	s29 =	simm.s32 $0x0;
	[sflag:s20] =	ssyncadd.s32 $0xFFFFF800  }
.LBB2_6:
0x66: {  	s0 =	sshll.u32 s30, $0xE  }
0x67: {  	v10 =	vor.u32 s0, v0;
	v9 =	vor.u32 s0, v2  }
0x68: {  	v11 =	vor.u32 s0, v3;
	v12 =	vor.u32 s0, v4;
	v13 =	vor.u32 s0, v5  }
0x69: {  	s31 =	smov.u32 s30;
	v14 =	vor.u32 s0, v6;
	v15 =	vor.u32 s0, v7;
	v16 =	vor.u32 s0, v8;
	s0 =	smov.u32 s29  }
.LBB2_8:
0x6a: {  	s1 =	sshra.s32 s29, $0x2  }
0x6b: {  	v17 =	vld [tilespmem:s1+$0x3000];
	_ =	sdelay $0x7  }
0x6c: {  	v17 =	vld.idx.msk [tilespmem:v17+s3+$0x0], $0xffff;
	_ =	sdelay $0x4  }
0x6d: {  	v18 =	vand.u32 $0x3F, v17  }
0x6e: {  	v10 =	vor.u32 v18, v10;
	_ =	sdelay $0x3  }
0x6f: {  	v17 =	vand.u32 $0xFFFFFFC0, v17  }
0x70: {  	s0 =	sshra.s32 s0, $0x2;
	[tilespmem:v10+s21+$0x0] =	vst.idx.add.f32.msk $0xffff, v17  }
0x71: {  	[tilespmem:s0+$0xB800] =	vst v18  }
0x72: {  	v10 =	vld [tilespmem:s1+$0x3010];
	_ =	sdelay $0x7  }
0x73: {  	v10 =	vld.idx.msk [tilespmem:v10+s3+$0x0], $0xffff;
	_ =	sdelay $0x4  }
0x74: {  	v63 =	vand.u32 $0x3F, v10  }
0x75: {  	v9 =	vor.u32 v63, v9;
	_ =	sdelay $0x3  }
0x76: {  	v10 =	vand.u32 $0xFFFFFFC0, v10  }
0x77: {  	[tilespmem:v9+s21+$0x0] =	vst.idx.add.f32.msk $0xffff, v10  }
0x78: {  	[tilespmem:s0+$0xB810] =	vst v63  }
0x79: {  	v9 =	vld [tilespmem:s1+$0x3020];
	_ =	sdelay $0x7  }
0x7a: {  	v9 =	vld.idx.msk [tilespmem:v9+s3+$0x0], $0xffff;
	_ =	sdelay $0x4  }
0x7b: {  	v10 =	vand.u32 $0x3F, v9  }
0x7c: {  	v11 =	vor.u32 v10, v11;
	_ =	sdelay $0x3  }
0x7d: {  	v9 =	vand.u32 $0xFFFFFFC0, v9  }
0x7e: {  	[tilespmem:v11+s21+$0x0] =	vst.idx.add.f32.msk $0xffff, v9  }
0x7f: {  	[tilespmem:s0+$0xB820] =	vst v10  }
0x80: {  	v9 =	vld [tilespmem:s1+$0x3030];
	_ =	sdelay $0x7  }
0x81: {  	v9 =	vld.idx.msk [tilespmem:v9+s3+$0x0], $0xffff;
	_ =	sdelay $0x4  }
0x82: {  	v10 =	vand.u32 $0x3F, v9  }
0x83: {  	v11 =	vor.u32 v10, v12;
	_ =	sdelay $0x3  }
0x84: {  	v9 =	vand.u32 $0xFFFFFFC0, v9  }
0x85: {  	[tilespmem:v11+s21+$0x0] =	vst.idx.add.f32.msk $0xffff, v9  }
0x86: {  	[tilespmem:s0+$0xB830] =	vst v10  }
0x87: {  	v9 =	vld [tilespmem:s1+$0x3040];
	_ =	sdelay $0x7  }
0x88: {  	v9 =	vld.idx.msk [tilespmem:v9+s3+$0x0], $0xffff;
	_ =	sdelay $0x4  }
0x89: {  	v10 =	vand.u32 $0x3F, v9  }
0x8a: {  	v11 =	vor.u32 v10, v13;
	_ =	sdelay $0x3  }
0x8b: {  	v9 =	vand.u32 $0xFFFFFFC0, v9  }
0x8c: {  	[tilespmem:v11+s21+$0x0] =	vst.idx.add.f32.msk $0xffff, v9  }
0x8d: {  	[tilespmem:s0+$0xB840] =	vst v10  }
0x8e: {  	v9 =	vld [tilespmem:s1+$0x3050];
	_ =	sdelay $0x7  }
0x8f: {  	v9 =	vld.idx.msk [tilespmem:v9+s3+$0x0], $0xffff;
	_ =	sdelay $0x4  }
0x90: {  	v10 =	vand.u32 $0x3F, v9  }
0x91: {  	v11 =	vor.u32 v10, v14;
	_ =	sdelay $0x3  }
0x92: {  	v9 =	vand.u32 $0xFFFFFFC0, v9  }
0x93: {  	[tilespmem:v11+s21+$0x0] =	vst.idx.add.f32.msk $0xffff, v9  }
0x94: {  	[tilespmem:s0+$0xB850] =	vst v10  }
0x95: {  	v9 =	vld [tilespmem:s1+$0x3060];
	_ =	sdelay $0x7  }
0x96: {  	v9 =	vld.idx.msk [tilespmem:v9+s3+$0x0], $0xffff;
	_ =	sdelay $0x4  }
0x97: {  	v10 =	vand.u32 $0x3F, v9  }
0x98: {  	v11 =	vor.u32 v10, v15;
	_ =	sdelay $0x3  }
0x99: {  	v9 =	vand.u32 $0xFFFFFFC0, v9  }
0x9a: {  	[tilespmem:v11+s21+$0x0] =	vst.idx.add.f32.msk $0xffff, v9  }
0x9b: {  	[tilespmem:s0+$0xB860] =	vst v10  }
0x9c: {  	v9 =	vld [tilespmem:s1+$0x3070];
	_ =	sdelay $0x7  }
0x9d: {  	v9 =	vld.idx.msk [tilespmem:v9+s3+$0x0], $0xffff;
	_ =	sdelay $0x4  }
0x9e: {  	v10 =	vand.u32 $0x3F, v9  }
0x9f: {  	v11 =	vor.u32 v10, v16;
	_ =	sdelay $0x3  }
0xa0: {  	s4 =	sshll.u32 s31, $0xE;
	v9 =	vand.u32 $0xFFFFFFC0, v9  }
0xa1: {  	s4 =	sand.u32 $0x3FFFC000, s4;
	[tilespmem:v11+s21+$0x0] =	vst.idx.add.f32.msk $0xffff, v9  }
0xa2: {  	s31 =	sadd.s32 $0x1, s31;
	s4 =	sor.u32 $0x3800, s4;
	s1 =	sadd.s32 $0x2800, s1;
	[tilespmem:s0+$0xB870] =	vst v10  }
0xa3: {  	[spmem:s2] =	stream.indirect.scatter.add.f32 [tilespmem:s4], [sflag:s31], $0x80, s1, s24, $0xb8;
	[tilespmem:$0x1F900] =	vst v63  }
.LBB2_9:
0xa4: {  	s30 =	sadd.s32 $0x1, s30  }
0xa5: {  	p0 =	sne.s32 s30, $0x12  }
.Ltmp6:
0xa6: {  	_ = 	snop;
	(pc) =	sbr.rel @!p0 .LBB2_10-.Ltmp6, $2  }
0xa7: {  	_ =	sdelay $0x2  }
0xa8: {  	s29 =	sadd.s32 $0x200, s29  }
.LBB2_5:
0xa9: {  	p0 =	sgt.u32 s30, $0x1  }
.Ltmp7:
0xaa: {  	_ = 	snop;
	(pc) =	sbr.rel @!p0 .LBB2_6-.Ltmp7, $1  }
0xab: {  	_ =	sdelay $0x3  }
0xac: {  	s31 =	sand.u32 $0x1, s30  }
0xad: {  	s1 =	sadd.s32 $0x1, s31  }
0xae: {  	_ =	swait.ge [sflag:s1], $0x4000  }
0xaf: {  	s0 =	sshll.u32 s31, $0x9;
	[sflag:s1] =	ssyncset.done $0x0  }
0xb0: {  	[sflag:s1] =	ssyncadd.s32 $0xFFFFC000;
	s1 =	sshrl.u32 s0, $0x2  }
0xb1: {  	v9 =	vld [tilespmem:s1+$0xB800];
	_ =	sdelay $0x3  }
0xb2: {  	s4 =	sshll.u32 s31, $0xE  }
0xb3: {  	v10 =	vor.u32 s4, v0;
	v11 =	vand.u32 $0xFFFFFF80, v9  }
0xb4: {  	v9 =	vand.u32 $0x7F, v9;
	v11 =	vadd.s32 v11, v10  }
0xb5: {  	v9 =	vor.u32 v9, v11;
	_ =	sdelay $0x4  }
0xb6: {  	[tilespmem:v9+s21+$0x0] =	vst.idx.msk $0xffff, v1  }
0xb7: {  	v11 =	vld [tilespmem:s1+$0xB810];
	_ =	sdelay $0x4  }
0xb8: {  	v9 =	vor.u32 s4, v2;
	v12 =	vand.u32 $0xFFFFFF80, v11  }
0xb9: {  	v11 =	vand.u32 $0x7F, v11;
	v12 =	vadd.s32 v12, v9  }
0xba: {  	v11 =	vor.u32 v11, v12;
	_ =	sdelay $0x4  }
0xbb: {  	[tilespmem:v11+s21+$0x0] =	vst.idx.msk $0xffff, v1  }
0xbc: {  	v12 =	vld [tilespmem:s1+$0xB820];
	_ =	sdelay $0x4  }
0xbd: {  	v11 =	vor.u32 s4, v3;
	v13 =	vand.u32 $0xFFFFFF80, v12  }
0xbe: {  	v12 =	vand.u32 $0x7F, v12;
	v13 =	vadd.s32 v13, v11  }
0xbf: {  	v12 =	vor.u32 v12, v13;
	_ =	sdelay $0x4  }
0xc0: {  	[tilespmem:v12+s21+$0x0] =	vst.idx.msk $0xffff, v1  }
0xc1: {  	v13 =	vld [tilespmem:s1+$0xB830];
	_ =	sdelay $0x4  }
0xc2: {  	v12 =	vor.u32 s4, v4;
	v14 =	vand.u32 $0xFFFFFF80, v13  }
0xc3: {  	v13 =	vand.u32 $0x7F, v13;
	v14 =	vadd.s32 v14, v12  }
0xc4: {  	v13 =	vor.u32 v13, v14;
	_ =	sdelay $0x4  }
0xc5: {  	[tilespmem:v13+s21+$0x0] =	vst.idx.msk $0xffff, v1  }
0xc6: {  	v14 =	vld [tilespmem:s1+$0xB840];
	_ =	sdelay $0x4  }
0xc7: {  	v13 =	vor.u32 s4, v5;
	v15 =	vand.u32 $0xFFFFFF80, v14  }
0xc8: {  	v14 =	vand.u32 $0x7F, v14;
	v15 =	vadd.s32 v15, v13  }
0xc9: {  	v14 =	vor.u32 v14, v15;
	_ =	sdelay $0x4  }
0xca: {  	[tilespmem:v14+s21+$0x0] =	vst.idx.msk $0xffff, v1  }
0xcb: {  	v15 =	vld [tilespmem:s1+$0xB850];
	_ =	sdelay $0x4  }
0xcc: {  	v14 =	vor.u32 s4, v6;
	v16 =	vand.u32 $0xFFFFFF80, v15  }
0xcd: {  	v15 =	vand.u32 $0x7F, v15;
	v16 =	vadd.s32 v16, v14  }
0xce: {  	v15 =	vor.u32 v15, v16;
	_ =	sdelay $0x4  }
0xcf: {  	[tilespmem:v15+s21+$0x0] =	vst.idx.msk $0xffff, v1  }
0xd0: {  	v16 =	vld [tilespmem:s1+$0xB860];
	_ =	sdelay $0x4  }
0xd1: {  	v15 =	vor.u32 s4, v7;
	v17 =	vand.u32 $0xFFFFFF80, v16  }
0xd2: {  	v16 =	vand.u32 $0x7F, v16;
	v17 =	vadd.s32 v17, v15  }
0xd3: {  	v16 =	vor.u32 v16, v17;
	_ =	sdelay $0x4  }
0xd4: {  	[tilespmem:v16+s21+$0x0] =	vst.idx.msk $0xffff, v1  }
0xd5: {  	v17 =	vld [tilespmem:s1+$0xB870];
	_ =	sdelay $0x4  }
0xd6: {  	v16 =	vor.u32 s4, v8;
	v18 =	vand.u32 $0xFFFFFF80, v17  }
0xd7: {  	v17 =	vand.u32 $0x7F, v17;
	v18 =	vadd.s32 v18, v16  }
0xd8: {  	p0 =	sgt.u32 s30, $0xF;
	v17 =	vor.u32 v17, v18  }
.Ltmp8:
0xd9: {  	_ = 	snop;
	(pc) =	sbr.rel @p0 .LBB2_9-.Ltmp8, $4  }
.Ltmp9:
0xda: {  	_ = 	snop;
	(pc) =	sbr.rel @!p0 .LBB2_8-.Ltmp9, $4  }
0xdb: {  	_ = 	snop  }
0xdc: {  	_ = 	snop  }
0xdd: {  	[tilespmem:v17+s21+$0x0] =	vst.idx.msk $0xffff, v1  }
0xde: {  	_ = 	snop  }
.LBB2_12:
0xdf: {  	_ =	sfence.sel $0x180000  }
0xe0: {  	[bflag:$0x0] =	sbarrier.arrive $0xFFFF  }
0xe1: {  	_ =	strace $0x9000004D  }
0xe2: {  	s0 =	stileid.u32;
	[bflag:$0x2] =	sbarrier.arrive $0xFFFF  }
0xe3: {  	p0 =	sne.s32 s0, $0x0;
	s0 =	rddreg [dreg:$0x2]  }
0xe4: {  	s0 =	sadd.s32 @!p0 $0x100000, s0  }
0xe5: {  	[sflag:s0] =	ssyncadd.tile.s32 @!p0 $0x1;
	_ =	shalt  }
.Lfunc_end2:
_tile_overlayer_lowered:
.L_overlay_start_2:
0xe6: {  	(tag) =	ssettag $0x2  }
0xe7: {  	s0 =	rddreg [dreg:$0x0];
	s2 =	stileid.u32  }
0xe8: {  	s1 =	rddreg [dreg:$0x1];
	p0 =	sne.s32 s2, $0x0  }
0xe9: {  	s3 =	rddreg [dreg:$0x2];
	[bflag:$0x3] =	sbarrier.arrive $0xFFFF;
	s2 =	simm.s32 @!p0 $0x1C03  }
0xea: {  	[timem:s3], [sflag:s2] =	dma.local @!p0 [hbm:s0], s1  }
0xeb: {  	s0 =	simm.s32 @!p0 $0x3  }
0xec: {  	_ =	swait.ge @!p0 [sflag:s0], s1  }
0xed: {  	s1 =	ssub.s32 @!p0 $0x0, s1;
	[sflag:s0] =	ssyncset.done @!p0 $0x0  }
0xee: {  	[sflag:s0] =	ssyncadd.s32 @!p0 s1  }
0xef: {  	[bflag:$0x3] =	sbarrier.arrive $0xFFFF  }
0xf0: {  	_ =	shalt  }

// kernel: kernel.7.cloned.1.call-start
scs
__scs_entry_jumppad:
0x0: {  	(pc) =	sbr.rel $0x88, $3  }
0x1: {  	(tag) =	ssettag $0x0;
	lr =	simm.s32 $0x1  }
0x2: {  	[smem:$0x3F98] =	sst lr;
	_ =	strace $0xD0000000  }
0x3: {  	_ = 	snop  }
0x4: {  	_ = 	snop  }
0x5: {  	_ = 	snop  }
0x6: {  	_ = 	snop  }
0x7: {  	_ = 	snop  }
__scs_overlays_trampoline_lowered:
0x8: {  	[smem:$0x3FA7] =	sst s0  }
0x9: {  	[smem:$0x3FA8] =	sst s1  }
0xa: {  	[smem:$0x3FA9] =	sst s2  }
0xb: {  	[smem:$0x3FAA] =	sst s3  }
0xc: {  	[smem:$0x3FAB] =	sst s4  }
0xd: {  	[smem:$0x3FAC] =	sst s5  }
0xe: {  	[smem:$0x3FAD] =	sst s6  }
0xf: {  	[smem:$0x3FAE] =	sst s7  }
0x10: {  	[smem:$0x3FAF] =	sst s8  }
0x11: {  	[smem:$0x3FB0] =	sst s9;
	s0 =	simm.s32 @!p0 $0x0  }
0x12: {  	s1 =	sld [smem:$0x3F96];
	s0 =	simm.s32 @p0 $0x1  }
0x13: {  	[smem:$0x3FB1] =	sst s0;
	s0 =	simm.s32 @!p1 $0x0  }
0x14: {  	s2 =	sld [smem:$0x3F95];
	s0 =	simm.s32 @p1 $0x1  }
0x15: {  	[smem:$0x3FB2] =	sst s0;
	s0 =	simm.s32 @!p2 $0x0  }
0x16: {  	s3 =	sld [smem:$0x3FDB];
	s0 =	simm.s32 @p2 $0x1  }
0x17: {  	s4 =	simm.s32 $0x1BF5;
	[smem:$0x3FB4] =	sst s0  }
0x18: {  	s0 =	sld [smem:$0x3F97];
	_ =	swait.ge [sflag:s4], $0x0  }
0x19: {  	s7 =	sld [smem:$0x3F98]  }
0x1a: {  	s8 =	sadd.s32 $0xFFFFE003, lr  }
0x1b: {  	s9 =	sadd.s32 $0xFFFFFEF7, lr;
	s5 =	simm.s32 $0xFFFFFFFF;
	p2 =	slt.u32 s8, $0xFFFFF086  }
0x1c: {  	p1 =	slt.u32 s9, $0xF7A;
	s5 =	simm.s32 @!p2 $0x0  }
0x1d: {  	s5 =	simm.s32 @p1 $0x1;
	p0 =	seq.s32 s7, s2  }
0x1e: {  	s7 =	smul.u32 @!p0 $0xF7A, s2;
	p2 =	seq.s32 @!p0 s5, $0x0  }
0x1f: {  	s9 =	smul.u32 $0xF7A, s1;
	s8 =	simm.s32 @!p0 $0x1BF5;
	p2 =	por !p2, p0  }
0x20: {  	[sflag:s8] =	ssyncset.s32 @!p0 $0xFFFFF086;
	s6 =	sadd.s32 @!p0 s3, s7;
	s7 =	simm.s32 @!p0 $0x108  }
0x21: {  	s3 =	sadd.s32 s3, s9;
	s6 =	sadd.s32 @!p0 $0x88, s6;
	s7 =	simm.s32 @p2 $0x1082  }
0x22: {  	[simem:s7], [sflag:s8] =	dma.local @!p0 [hbm:s6], $0xF7A  }
0x23: {  	s9 =	sor.u32 $0xD0000000, s2;
	s6 =	simm.s32 $0x108;
	_ =	swait.ge @!p0 [sflag:s8], $0x0  }
0x24: {  	s3 =	sadd.s32 $0x88, s3;
	s6 =	simm.s32 @!p1 $0x1082;
	[sflag:s4] =	ssyncset.s32 $0xFFFFF086  }
0x25: {  	[simem:s6], [sflag:s4] =	dma.local [hbm:s3], $0xF7A  }
0x26: {  	[smem:$0x3F98] =	sst s1;
	(tag) =	ssettag s2;
	_ =	strace s9  }
0x27: {  	s1 =	sld [smem:$0x3FA8]  }
0x28: {  	s2 =	sld [smem:$0x3FA9]  }
0x29: {  	s4 =	sld [smem:$0x3FAB]  }
0x2a: {  	p0 =	seq.s32 s5, $0x0;
	s5 =	sld [smem:$0x3FAC]  }
0x2b: {  	s6 =	sld [smem:$0x3FAD]  }
0x2c: {  	s7 =	sld [smem:$0x3FAE]  }
0x2d: {  	s3 =	simm.s32 $0x108;
	s8 =	sld [smem:$0x3FAF]  }
0x2e: {  	s3 =	simm.s32 @!p0 $0x1082;
	s9 =	sld [smem:$0x3FB0]  }
0x2f: {  	lr =	sadd.s32 s0, s3;
	s0 =	sld [smem:$0x3FA7]  }
0x30: {  	s3 =	sld [smem:$0x3FAA]  }
0x31: {  	[smem:$0x3FB3] =	sst s10  }
0x32: {  	s10 =	sld [smem:$0x3FB1];
	_ =	sdelay $0x3  }
0x33: {  	p0 =	seq.s32 s10, $0x1;
	s10 =	sld [smem:$0x3FB3];
	_ =	sdelay $0x3  }
0x34: {  	[smem:$0x3FB3] =	sst s10  }
0x35: {  	s10 =	sld [smem:$0x3FB2];
	_ =	sdelay $0x3  }
0x36: {  	p1 =	seq.s32 s10, $0x1;
	s10 =	sld [smem:$0x3FB3];
	_ =	sdelay $0x3  }
0x37: {  	[smem:$0x3FB3] =	sst s10  }
0x38: {  	s10 =	sld [smem:$0x3FB4]  }
0x39: {  	_ = 	snop;
	(pc) =	sbr.ind lr, $3  }
0x3a: {  	_ = 	snop  }
0x3b: {  	_ = 	snop  }
0x3c: {  	p2 =	seq.s32 s10, $0x1;
	s10 =	sld [smem:$0x3FB3]  }
0x3d: {  	_ =	shalt  }
0x3e: {  	_ =	shalt  }
0x3f: {  	_ =	shalt  }
0x40: {  	_ =	shalt  }
0x41: {  	_ =	shalt  }
0x42: {  	_ =	shalt  }
0x43: {  	_ =	shalt  }
0x44: {  	_ =	shalt  }
0x45: {  	_ =	shalt  }
0x46: {  	_ =	shalt  }
0x47: {  	_ =	shalt  }
0x48: {  	_ =	shalt  }
0x49: {  	_ =	shalt  }
0x4a: {  	_ =	shalt  }
0x4b: {  	_ =	shalt  }
0x4c: {  	_ =	shalt  }
0x4d: {  	_ =	shalt  }
0x4e: {  	_ =	shalt  }
0x4f: {  	_ =	shalt  }
0x50: {  	_ =	shalt  }
0x51: {  	_ =	shalt  }
0x52: {  	_ =	shalt  }
0x53: {  	_ =	shalt  }
0x54: {  	_ =	shalt  }
0x55: {  	_ =	shalt  }
0x56: {  	_ =	shalt  }
0x57: {  	_ =	shalt  }
0x58: {  	_ =	shalt  }
0x59: {  	_ =	shalt  }
0x5a: {  	_ =	shalt  }
0x5b: {  	_ =	shalt  }
0x5c: {  	_ =	shalt  }
0x5d: {  	_ =	shalt  }
0x5e: {  	_ =	shalt  }
0x5f: {  	_ =	shalt  }
0x60: {  	_ =	shalt  }
0x61: {  	_ =	shalt  }
0x62: {  	_ =	shalt  }
0x63: {  	_ =	shalt  }
0x64: {  	_ =	shalt  }
0x65: {  	_ =	shalt  }
0x66: {  	_ =	shalt  }
0x67: {  	_ =	shalt  }
0x68: {  	_ =	shalt  }
0x69: {  	_ =	shalt  }
0x6a: {  	_ =	shalt  }
0x6b: {  	_ =	shalt  }
0x6c: {  	_ =	shalt  }
0x6d: {  	_ =	shalt  }
0x6e: {  	_ =	shalt  }
0x6f: {  	_ =	shalt  }
0x70: {  	_ =	shalt  }
0x71: {  	_ =	shalt  }
0x72: {  	_ =	shalt  }
0x73: {  	_ =	shalt  }
0x74: {  	_ =	shalt  }
0x75: {  	_ =	shalt  }
0x76: {  	_ =	shalt  }
0x77: {  	_ =	shalt  }
0x78: {  	_ =	shalt  }
0x79: {  	_ =	shalt  }
0x7a: {  	_ =	shalt  }
0x7b: {  	_ =	shalt  }
0x7c: {  	_ =	shalt  }
0x7d: {  	_ =	shalt  }
0x7e: {  	_ =	shalt  }
0x7f: {  	_ =	shalt  }
0x80: {  	_ =	shalt  }
0x81: {  	_ =	shalt  }
0x82: {  	_ =	shalt  }
0x83: {  	_ =	shalt  }
0x84: {  	_ =	shalt  }
0x85: {  	_ =	shalt  }
0x86: {  	_ =	shalt  }
0x87: {  	_ =	shalt  }
.Lfunc_end0:
.L_simem_size_0:
called_computation_lowered:
.L_overlay_start_0:
0x88: {  	s2 =	sld [smem:$0x3FD9]  }
0x89: {  	s3 =	sld [smem:$0x3FFE];
	_ =	sdelay $0x1  }
0x8a: {  	s1 =	srdreg.scid  }
0x8b: {  	s0 =	sand.u32 $0x1, s1  }
0x8c: {  	s16 =	sshll.u32 s0, $0xA;
	s2 =	sadd.s32 s3, s2  }
0x8d: {  	s2 =	sadd.s32 s2, s16  }
0x8e: {  	[smem:$0x3FBF] =	sst s2  }
0x8f: {  	_ = 	snop  }
0x90: {  	(tm) =	ssettm $0x1  }
0x91: {  	s17 =	sld [smem:$0x3FFB];
	_ =	sdelay $0x3  }
0x92: {  	_ =	strace s17  }
0x93: {  	s2 =	sld [smem:$0x3FFC];
	_ =	sdelay $0x3  }
0x94: {  	_ =	strace s2  }
0x95: {  	s2 =	sld [smem:$0x3FFD];
	_ =	sdelay $0x3  }
0x96: {  	_ =	strace s2  }
0x97: {  	_ =	strace $0x8FFFFFFF  }
0x98: {  	s18 =	sld [smem:$0x3FDB];
	_ =	sdelay $0x1  }
0x99: {  	s19 =	simm.s32 $_scs_section_size  }
0x9a: {  	s4 =	simm.s32 $_size__tile_overlayer_lowered;
	s5 =	simm.s32 $_tile_overlayer_lowered  }
0x9b: {  	s22 =	simm.s32 $0x1BFF;
	s21 =	sshll.u32 s5, $0x1;
	s2 =	sadd.s32 s19, s18  }
0x9c: {  	s6 =	simm.s32 $0x0;
	s20 =	sshll.u32 s4, $0x1;
	s4 =	sadd.s32 s21, s2  }
0x9d: {  	[timem:s6], [sflag:s22] =	dma.local [hbm:s4], s20  }
0x9e: {  	_ =	swait.ge [sflag:s22], s20  }
0x9f: {  	s3 =	ssub.s32 $0x0, s20;
	[sflag:s22] =	ssyncset.done $0x0  }
0xa0: {  	[sflag:s22] =	ssyncadd.s32 s3;
	_ =	sdelay $0x1  }
0xa1: {  	s23 =	simm.s32 $0x1B8B  }
0xa2: {  	_ =	swait.ge [sflag:s23], $0x1  }
0xa3: {  	[sflag:s23] =	ssyncset.done $0x0  }
0xa4: {  	s25 =	simm.s32 $0x1B8E;
	s24 =	sld [smem:$0x3FFE];
	[sflag:s23] =	ssyncadd.s32 $0xFFFFFFFF  }
0xa5: {  	s26 =	simm.s32 $execute0_lowered;
	[smem:$0x3FD2] =	sst s25  }
0xa6: {  	s4 =	sshll.u32 s26, $0x1;
	_ =	strace $0x80000046;
	[dreg:$0x1] =	wrdreg $0xFFFFFFFF  }
0xa7: {  	s28 =	simm.s32 $_size_execute0_lowered;
	s2 =	sadd.s32 s2, s4;
	[dreg:$0x0] =	wrdreg $0x0  }
0xa8: {  	s4 =	sshll.u32 s28, $0x1;
	[dreg:$0x2] =	wrdreg s2  }
0xa9: {  	[dreg:$0x3] =	wrdreg s4  }
0xaa: {  	[dreg:$0x4] =	wrdreg $0xC0  }
0xab: {  	_ =	task [dreg:s6], $0x5FFFF  }
0xac: {  	[dreg:$0x1] =	wrdreg $0xFFFFFFFF  }
0xad: {  	[dreg:$0x0] =	wrdreg $0x60  }
0xae: {  	[dreg:$0x2] =	wrdreg s24  }
0xaf: {  	[dreg:$0x3] =	wrdreg $0x78000  }
0xb0: {  	[dreg:$0x4] =	wrdreg $0x9  }
0xb1: {  	_ =	task.clear_ibuf [dreg:s6], $0x5FFFF;
	_ =	strace $0x90000046  }
0xb2: {  	s29 =	simm.s32 $0x9;
	_ =	strace $0x80000048  }
0xb3: {  	_ =	swait.ge [sflag:s29], $0x1  }
0xb4: {  	[sflag:s29] =	ssyncadd.s32 $0xFFFFFFFF  }
0xb5: {  	_ =	strace $0x90000048  }
0xb6: {  	_ =	sfence  }
0xb7: {  	s30 =	sld [smem:$0x0];
	_ =	sdelay $0x2  }
0xb8: {  	s31 =	sshll.u32 s1, $0xD;
	s1 =	sshrl.u32 s1, $0x2  }
0xb9: {  	s3 =	sand.u32 $0x4000, s31;
	s1 =	sadd.s32 s1, s30  }
0xba: {  	s0 =	sor.u32 s3, s0;
	s1 =	sshll.u32 s1, $0x11  }
0xbb: {  	s0 =	sor.u32 s1, s0  }
0xbc: {  	s0 =	sadd.s32 $0x8F2B, s0  }
0xbd: {  	[sflag:s0] =	ssyncadd.remote.s32 $0x1  }
0xbe: {  	_ =	sfence.sel $0xFFFF  }
0xbf: {  	[dreg:$0x0] =	wrdreg $0xFFFFFFFF;
	(pc) =	sbr.abs _section_cstart, $3  }
0xc0: {  	[dreg:$0x1] =	wrdreg $0xFFFFFFFF  }
0xc1: {  	_ =	task.clear_ibuf [dreg:s6], $0x2FFFF;
	_ =	strace $0x9FFFFFFF  }
0xc2: {  	(tm) =	ssettm $0x7FFFFFFF  }
0xc3: {  	_ =	shalt  }
tec
execute0_lowered:
.L_overlay_start_1:
0x0: {  	(tag) =	ssettag $0x1  }
0x1: {  	s0 =	srdreg.scid;
	s1 =	rddreg [dreg:$0x0]  }
0x2: {  	s2 =	rddreg [dreg:$0x1];
	s8 =	stileid.u32;
	s4 =	simm.s32 $0x0  }
0x3: {  	s0 =	sand.u32 $0x1, s0;
	[smem:$0x7FF] =	sst s4;
	s9 =	smul.u32 $0x500, s8  }
0x4: {  	s7 =	smul.u32 $0x5000, s8;
	s3 =	sshll.u32 s0, $0x4;
	_ =	strace $0x80000047  }
0x5: {  	s5 =	sshll.u32 s0, $0x7;
	s0 =	ssub.s32 $0x2, s0;
	s3 =	sor.u32 s8, s3  }
0x6: {  	s4 =	sor.u32 s5, s9;
	s11 =	sshrl.u32 s0, $0x1;
	s3 =	smul.u32 $0x500, s3  }
0x7: {  	s14 =	sshrl.u32 s7, $0x2;
	s4 =	sshrl.u32 s4, $0x3;
	s0 =	ssub.s32 s0, s11  }
0x8: {  	s0 =	smax.u32 s0, $0x1;
	s3 =	sadd.s32 s3, s1;
	s1 =	sadd.s32 s4, s1  }
0x9: {  	s4 =	sadd.s32 s14, s2;
	[dreg:$0x15] =	wrdreg s0;
	s3 =	sadd.s32 $0xCE00, s3  }
0xa: {  	s17 =	sadd.s32 $0x80, s4;
	[dreg:$0x3] =	wrdreg s3  }
0xb: {  	s18 =	sadd.s32 $0x100, s4;
	[dreg:$0x5] =	wrdreg s17  }
0xc: {  	s19 =	sadd.s32 $0x180, s4;
	[dreg:$0x6] =	wrdreg s18  }
0xd: {  	s20 =	sadd.s32 $0x200, s4;
	[dreg:$0x7] =	wrdreg s19  }
0xe: {  	s21 =	sadd.s32 $0x280, s4;
	[dreg:$0x8] =	wrdreg s20  }
0xf: {  	s22 =	sadd.s32 $0x300, s4;
	[dreg:$0x9] =	wrdreg s21  }
0x10: {  	s23 =	sadd.s32 $0x380, s4;
	[dreg:$0xa] =	wrdreg s22  }
0x11: {  	s24 =	sadd.s32 $0x14000, s4;
	[dreg:$0xb] =	wrdreg s23  }
0x12: {  	s25 =	sadd.s32 $0x14080, s4;
	[dreg:$0xc] =	wrdreg s24  }
0x13: {  	s26 =	sadd.s32 $0x14100, s4;
	[dreg:$0xd] =	wrdreg s25  }
0x14: {  	s6 =	sshrl.u32 s8, $0x3;
	s5 =	sadd.s32 $0x14200, s4;
	[dreg:$0xe] =	wrdreg s26  }
0x15: {  	s10 =	smul.u32 $0x50000, s6;
	s6 =	sadd.s32 $0x14280, s4;
	[dreg:$0x10] =	wrdreg s5  }
0x16: {  	s7 =	sadd.s32 $0x14300, s4;
	[dreg:$0x11] =	wrdreg s6  }
0x17: {  	s12 =	sshll.u32 s8, $0x7;
	s8 =	sadd.s32 $0x14380, s4;
	[dreg:$0x12] =	wrdreg s7  }
0x18: {  	s1 =	sadd.s32 $0x16E00, s1;
	[dreg:$0x13] =	wrdreg s8  }
0x19: {  	s9 =	sadd.s32 $0x400, s4;
	[dreg:$0x14] =	wrdreg s1  }
0x1a: {  	s13 =	sshrl.u32 s10, $0x2;
	s10 =	sadd.s32 $0x800, s4;
	[dreg:$0x16] =	wrdreg s9  }
0x1b: {  	s11 =	sadd.s32 $0xC00, s4;
	[dreg:$0x17] =	wrdreg s10  }
0x1c: {  	s15 =	sadd.s32 s13, s2;
	s13 =	sadd.s32 $0x480, s4;
	[dreg:$0x18] =	wrdreg s11  }
0x1d: {  	s14 =	sadd.s32 $0x880, s4;
	[dreg:$0x1a] =	wrdreg s13  }
0x1e: {  	s2 =	sadd.s32 $0x1200, s4;
	[dreg:$0x1b] =	wrdreg s14  }
0x1f: {  	s3 =	sand.u32 $0x380, s12;
	s12 =	sadd.s32 $0x1000, s4;
	[smem:$0x7E6] =	sst s2  }
0x20: {  	s17 =	sadd.s32 $0x500, s4;
	[dreg:$0x19] =	wrdreg s12  }
0x21: {  	s18 =	sadd.s32 $0x900, s4;
	[dreg:$0x1e] =	wrdreg s17  }
0x22: {  	s19 =	sadd.s32 $0xD00, s4;
	[dreg:$0x1f] =	wrdreg s18  }
0x23: {  	s20 =	sadd.s32 $0x1100, s4;
	[smem:$0x7DD] =	sst s19  }
0x24: {  	s21 =	sadd.s32 $0x580, s4;
	[smem:$0x7DE] =	sst s20  }
0x25: {  	s22 =	sadd.s32 $0x980, s4;
	[smem:$0x7DF] =	sst s21  }
0x26: {  	s23 =	sadd.s32 $0xD80, s4;
	[smem:$0x7E0] =	sst s22  }
0x27: {  	s24 =	sadd.s32 $0x1180, s4;
	[smem:$0x7E1] =	sst s23  }
0x28: {  	s25 =	sadd.s32 $0x600, s4;
	[smem:$0x7E2] =	sst s24  }
0x29: {  	s26 =	sadd.s32 $0xA00, s4;
	[smem:$0x7E3] =	sst s25  }
0x2a: {  	s1 =	sadd.s32 $0xE00, s4;
	[smem:$0x7E4] =	sst s26  }
0x2b: {  	s5 =	sadd.s32 $0xA80, s4;
	[smem:$0x7E5] =	sst s1  }
0x2c: {  	s6 =	sadd.s32 $0xE80, s4;
	[smem:$0x7E8] =	sst s5  }
0x2d: {  	s7 =	sadd.s32 $0x1280, s4;
	[smem:$0x7E9] =	sst s6  }
0x2e: {  	s8 =	sadd.s32 $0x700, s4;
	[smem:$0x7EA] =	sst s7  }
0x2f: {  	s9 =	sadd.s32 $0xB00, s4;
	[smem:$0x7EB] =	sst s8  }
0x30: {  	s10 =	sadd.s32 $0xF00, s4;
	[smem:$0x7EC] =	sst s9  }
0x31: {  	s11 =	sadd.s32 $0x1300, s4;
	[smem:$0x7ED] =	sst s10  }
0x32: {  	s13 =	sadd.s32 $0xB80, s4;
	[smem:$0x7EE] =	sst s11  }
0x33: {  	s14 =	sadd.s32 $0xF80, s4;
	[smem:$0x7F0] =	sst s13  }
0x34: {  	s16 =	sadd.s32 s3, s15;
	[smem:$0x7F1] =	sst s14  }
0x35: {  	s28 =	simm.s32 $0x1;
	s3 =	sadd.s32 $0x14180, s4;
	[dreg:$0x4] =	wrdreg s16  }
0x36: {  	s29 =	simm.s32 $0x2800;
	s15 =	sadd.s32 $0xC80, s4;
	[dreg:$0xf] =	wrdreg s3  }
0x37: {  	s30 =	simm.s32 $0x80;
	s12 =	sadd.s32 $0x780, s4;
	[dreg:$0x1c] =	wrdreg s15  }
0x38: {  	s31 =	simm.s32 $0x0;
	s17 =	sadd.s32 $0x14800, s4;
	[smem:$0x7EF] =	sst s12  }
0x39: {  	s18 =	sadd.s32 $0x14C00, s4;
	s19 =	sadd.s32 $0x15000, s4;
	[smem:$0x7F4] =	sst s17  }
0x3a: {  	s20 =	sadd.s32 $0x14480, s4;
	s21 =	sadd.s32 $0x14880, s4;
	[smem:$0x7F5] =	sst s18  }
0x3b: {  	s22 =	sadd.s32 $0x14C80, s4;
	s23 =	sadd.s32 $0x15080, s4;
	[smem:$0x7F6] =	sst s19  }
0x3c: {  	s24 =	sadd.s32 $0x14500, s4;
	s25 =	sadd.s32 $0x14900, s4;
	[smem:$0x7F7] =	sst s20  }
0x3d: {  	s26 =	sadd.s32 $0x14D00, s4;
	s6 =	sadd.s32 $0x15100, s4;
	[smem:$0x7F8] =	sst s21  }
0x3e: {  	s7 =	sadd.s32 $0x14580, s4;
	s8 =	sadd.s32 $0x14980, s4;
	[smem:$0x7F9] =	sst s22  }
0x3f: {  	s9 =	sadd.s32 $0x14D80, s4;
	s10 =	sadd.s32 $0x15180, s4;
	[smem:$0x7FA] =	sst s23  }
0x40: {  	s11 =	sadd.s32 $0x14600, s4;
	s13 =	sadd.s32 $0x14E00, s4;
	[smem:$0x7FB] =	sst s24  }
0x41: {  	s14 =	sadd.s32 $0x15200, s4;
	s16 =	sadd.s32 $0x1080, s4;
	[smem:$0x7FC] =	sst s25  }
0x42: {  	s3 =	sadd.s32 $0x680, s4;
	s15 =	sadd.s32 $0x1380, s4;
	[smem:$0x7FD] =	sst s26  }
0x43: {  	s12 =	sadd.s32 $0x14A00, s4;
	s17 =	sadd.s32 $0x14E80, s4;
	s18 =	sadd.s32 $0x15280, s4  }
0x44: {  	s19 =	sadd.s32 $0x14700, s4;
	s20 =	sadd.s32 $0x14B00, s4;
	s21 =	sadd.s32 $0x14F00, s4  }
0x45: {  	s22 =	sadd.s32 $0x15300, s4;
	s23 =	sadd.s32 $0x14780, s4;
	[dreg:$0x1d] =	wrdreg s16  }
0x46: {  	s24 =	sadd.s32 $0x14B80, s4;
	s25 =	sadd.s32 $0x14F80, s4;
	[smem:$0x7E7] =	sst s3  }
0x47: {  	s26 =	sadd.s32 $0x15380, s4;
	[smem:$0x7F2] =	sst s15;
	s16 =	sadd.s32 $0x14400, s4  }
0x48: {  	v0 =	vimm.f32 $0.0e+00;
	v1 =	vimm.f32 $1.000000000e+00;
	s15 =	sadd.s32 $0x14680, s4;
	[smem:$0x7F3] =	sst s16;
	s16 =	sadd.s32 $0x14A80, s4  }
.LBB2_1:
0x49: {  	s0 =	simm.s32 $0x0;
	s1 =	rddreg [dreg:$0x3]  }
0x4a: {  	[tilespmem:s0], [sflag:$0x1] =	stream.linear.gather [hbm4b:s1+s0], $0x2800, $0x38;
	[tilespmem:$0xA000] =	vst v63  }
0x4b: {  	_ =	swait.ge [sflag:s28], $0x2800  }
0x4c: {  	[sflag:s28] =	ssyncset.done $0x0  }
0x4d: {  	s0 =	simm.s32 $0x0;
	[sflag:s28] =	ssyncadd.s32 $0xFFFFD800  }
.LBB2_2:
0x4e: {  	p0 =	sne.s32 s0, $0x9FC0  }
.Ltmp0:
0x4f: {  	_ = 	snop;
	(pc) =	sbr.rel @p0 .LBB2_2-.Ltmp0, $3  }
0x50: {  	_ =	sdelay $0x1  }
0x51: {  	s1 =	sshra.s32 s0, $0x2  }
0x52: {  	s0 =	sadd.s32 $0x40, s0;
	[tilespmem:s1+$0x2800] =	vst v0  }
0x53: {  	s0 =	simm.s32 $0x0  }
.LBB2_4:
0x54: {  	s1 =	sshra.s32 s0, $0x2  }
0x55: {  	v2 =	vld [tilespmem:s1+$0x0];
	_ =	sdelay $0x7  }
0x56: {  	[tilespmem:v2+s29+$0x0] =	vst.idx.add.f32.msk $0xffff, v1  }
0x57: {  	v2 =	vld [tilespmem:s1+$0x10];
	_ =	sdelay $0x7  }
0x58: {  	[tilespmem:v2+s29+$0x0] =	vst.idx.add.f32.msk $0xffff, v1  }
0x59: {  	v2 =	vld [tilespmem:s1+$0x20];
	_ =	sdelay $0x7  }
0x5a: {  	[tilespmem:v2+s29+$0x0] =	vst.idx.add.f32.msk $0xffff, v1  }
0x5b: {  	v2 =	vld [tilespmem:s1+$0x30];
	_ =	sdelay $0x7  }
0x5c: {  	[tilespmem:v2+s29+$0x0] =	vst.idx.add.f32.msk $0xffff, v1  }
0x5d: {  	v2 =	vld [tilespmem:s1+$0x40];
	_ =	sdelay $0x7  }
0x5e: {  	[tilespmem:v2+s29+$0x0] =	vst.idx.add.f32.msk $0xffff, v1  }
0x5f: {  	v2 =	vld [tilespmem:s1+$0x50];
	_ =	sdelay $0x7  }
0x60: {  	[tilespmem:v2+s29+$0x0] =	vst.idx.add.f32.msk $0xffff, v1  }
0x61: {  	v2 =	vld [tilespmem:s1+$0x60];
	_ =	sdelay $0x7  }
0x62: {  	[tilespmem:v2+s29+$0x0] =	vst.idx.add.f32.msk $0xffff, v1  }
0x63: {  	v2 =	vld [tilespmem:s1+$0x70];
	_ =	sdelay $0x2  }
0x64: {  	p0 =	sne.s32 s0, $0x9E00  }
.Ltmp1:
0x65: {  	_ = 	snop;
	(pc) =	sbr.rel @p0 .LBB2_4-.Ltmp1, $2  }
0x66: {  	_ =	sdelay $0x2  }
0x67: {  	s0 =	sadd.s32 $0x200, s0;
	[tilespmem:v2+s29+$0x0] =	vst.idx.add.f32.msk $0xffff, v1  }
0x68: {  	s0 =	simm.s32 $0x2800;
	s1 =	rddreg [dreg:$0x4];
	s2 =	simm.s32 $0x400  }
0x69: {  	[spmem:s1] =	stream.strided.scatter [tilespmem:s0], [sflag:$0x1], $0x2800, s2, s30, $0x38;
	[tilespmem:$0xA000] =	vst v63  }
0x6a: {  	_ =	swait.ge [sflag:s28], $0x2800  }
0x6b: {  	[sflag:s28] =	ssyncset.done $0x0  }
0x6c: {  	[sflag:s28] =	ssyncadd.s32 $0xFFFFD800  }
0x6d: {  	s2 =	simm.s32 $0x5000;
	[bflag:$0x0] =	sbarrier.arrive $0xFFFF  }
0x6e: {  	[tilespmem:s2], [sflag:$0x1] =	stream.linear.gather [spmem:s4], $0x80, $0x38;
	[tilespmem:$0xA000] =	vst v63  }
0x6f: {  	s5 =	simm.s32 $0x5400;
	s3 =	rddreg [dreg:$0x16]  }
0x70: {  	[tilespmem:s5], [sflag:$0x1] =	stream.linear.gather [spmem:s3], $0x80, $0x38;
	[tilespmem:$0xA000] =	vst v63  }
0x71: {  	s3 =	rddreg [dreg:$0x17];
	s5 =	simm.s32 $0x5800  }
0x72: {  	[tilespmem:s5], [sflag:$0x1] =	stream.linear.gather [spmem:s3], $0x80, $0x38;
	[tilespmem:$0xA000] =	vst v63  }
0x73: {  	s3 =	rddreg [dreg:$0x18];
	s5 =	simm.s32 $0x5C00  }
0x74: {  	[tilespmem:s5], [sflag:$0x1] =	stream.linear.gather [spmem:s3], $0x80, $0x38;
	[tilespmem:$0xA000] =	vst v63  }
0x75: {  	s3 =	rddreg [dreg:$0x19];
	s5 =	simm.s32 $0x6000  }
0x76: {  	[tilespmem:s5], [sflag:$0x1] =	stream.linear.gather [spmem:s3], $0x80, $0x38;
	[tilespmem:$0xA000] =	vst v63  }
0x77: {  	_ =	swait.ge [sflag:s28], $0x280  }
0x78: {  	[sflag:s28] =	ssyncset.done $0x0  }
0x79: {  	s5 =	simm.s32 $0x5080;
	s3 =	rddreg [dreg:$0x5];
	[sflag:s28] =	ssyncadd.s32 $0xFFFFFD80  }
0x7a: {  	[tilespmem:s5], [sflag:$0x1] =	stream.linear.gather [spmem:s3], $0x80, $0x38;
	[tilespmem:$0xA000] =	vst v63  }
0x7b: {  	s3 =	rddreg [dreg:$0x1a];
	s5 =	simm.s32 $0x5480  }
0x7c: {  	[tilespmem:s5], [sflag:$0x1] =	stream.linear.gather [spmem:s3], $0x80, $0x38;
	[tilespmem:$0xA000] =	vst v63  }
0x7d: {  	s3 =	rddreg [dreg:$0x1b];
	s5 =	simm.s32 $0x5880  }
0x7e: {  	[tilespmem:s5], [sflag:$0x1] =	stream.linear.gather [spmem:s3], $0x80, $0x38;
	[tilespmem:$0xA000] =	vst v63  }
0x7f: {  	s3 =	rddreg [dreg:$0x1c];
	s5 =	simm.s32 $0x5C80  }
0x80: {  	[tilespmem:s5], [sflag:$0x1] =	stream.linear.gather [spmem:s3], $0x80, $0x38;
	[tilespmem:$0xA000] =	vst v63  }
0x81: {  	s3 =	rddreg [dreg:$0x1d];
	s5 =	simm.s32 $0x6080  }
0x82: {  	[tilespmem:s5], [sflag:$0x1] =	stream.linear.gather [spmem:s3], $0x80, $0x38;
	[tilespmem:$0xA000] =	vst v63  }
0x83: {  	_ =	swait.ge [sflag:s28], $0x280  }
0x84: {  	[sflag:s28] =	ssyncset.done $0x0  }
0x85: {  	s5 =	simm.s32 $0x5100;
	s3 =	rddreg [dreg:$0x6];
	[sflag:s28] =	ssyncadd.s32 $0xFFFFFD80  }
0x86: {  	[tilespmem:s5], [sflag:$0x1] =	stream.linear.gather [spmem:s3], $0x80, $0x38;
	[tilespmem:$0xA000] =	vst v63  }
0x87: {  	s3 =	rddreg [dreg:$0x1e];
	s5 =	simm.s32 $0x5500  }
0x88: {  	[tilespmem:s5], [sflag:$0x1] =	stream.linear.gather [spmem:s3], $0x80, $0x38;
	[tilespmem:$0xA000] =	vst v63  }
0x89: {  	s3 =	rddreg [dreg:$0x1f];
	s5 =	simm.s32 $0x5900  }
0x8a: {  	[tilespmem:s5], [sflag:$0x1] =	stream.linear.gather [spmem:s3], $0x80, $0x38;
	[tilespmem:$0xA000] =	vst v63  }
0x8b: {  	s3 =	sld [smem:$0x7DD];
	_ =	sdelay $0x1  }
0x8c: {  	s5 =	simm.s32 $0x5D00  }
0x8d: {  	[tilespmem:s5], [sflag:$0x1] =	stream.linear.gather [spmem:s3], $0x80, $0x38;
	[tilespmem:$0xA000] =	vst v63  }
0x8e: {  	s3 =	sld [smem:$0x7DE];
	_ =	sdelay $0x1  }
0x8f: {  	s5 =	simm.s32 $0x6100  }
0x90: {  	[tilespmem:s5], [sflag:$0x1] =	stream.linear.gather [spmem:s3], $0x80, $0x38;
	[tilespmem:$0xA000] =	vst v63  }
0x91: {  	_ =	swait.ge [sflag:s28], $0x280  }
0x92: {  	[sflag:s28] =	ssyncset.done $0x0  }
0x93: {  	s5 =	simm.s32 $0x5180;
	s3 =	rddreg [dreg:$0x7];
	[sflag:s28] =	ssyncadd.s32 $0xFFFFFD80  }
0x94: {  	[tilespmem:s5], [sflag:$0x1] =	stream.linear.gather [spmem:s3], $0x80, $0x38;
	[tilespmem:$0xA000] =	vst v63  }
0x95: {  	s3 =	sld [smem:$0x7DF];
	_ =	sdelay $0x1  }
0x96: {  	s5 =	simm.s32 $0x5580  }
0x97: {  	[tilespmem:s5], [sflag:$0x1] =	stream.linear.gather [spmem:s3], $0x80, $0x38;
	[tilespmem:$0xA000] =	vst v63  }
0x98: {  	s3 =	sld [smem:$0x7E0];
	_ =	sdelay $0x1  }
0x99: {  	s5 =	simm.s32 $0x5980  }
0x9a: {  	[tilespmem:s5], [sflag:$0x1] =	stream.linear.gather [spmem:s3], $0x80, $0x38;
	[tilespmem:$0xA000] =	vst v63  }
0x9b: {  	s3 =	sld [smem:$0x7E1];
	_ =	sdelay $0x1  }
0x9c: {  	s5 =	simm.s32 $0x5D80  }
0x9d: {  	[tilespmem:s5], [sflag:$0x1] =	stream.linear.gather [spmem:s3], $0x80, $0x38;
	[tilespmem:$0xA000] =	vst v63  }
0x9e: {  	s3 =	sld [smem:$0x7E2];
	_ =	sdelay $0x1  }
0x9f: {  	s5 =	simm.s32 $0x6180  }
0xa0: {  	[tilespmem:s5], [sflag:$0x1] =	stream.linear.gather [spmem:s3], $0x80, $0x38;
	[tilespmem:$0xA000] =	vst v63  }
0xa1: {  	_ =	swait.ge [sflag:s28], $0x280  }
0xa2: {  	[sflag:s28] =	ssyncset.done $0x0  }
0xa3: {  	s5 =	simm.s32 $0x5200;
	s3 =	rddreg [dreg:$0x8];
	[sflag:s28] =	ssyncadd.s32 $0xFFFFFD80  }
0xa4: {  	[tilespmem:s5], [sflag:$0x1] =	stream.linear.gather [spmem:s3], $0x80, $0x38;
	[tilespmem:$0xA000] =	vst v63  }
0xa5: {  	s3 =	sld [smem:$0x7E3];
	_ =	sdelay $0x1  }
0xa6: {  	s5 =	simm.s32 $0x5600  }
0xa7: {  	[tilespmem:s5], [sflag:$0x1] =	stream.linear.gather [spmem:s3], $0x80, $0x38;
	[tilespmem:$0xA000] =	vst v63  }
0xa8: {  	s3 =	sld [smem:$0x7E4];
	_ =	sdelay $0x1  }
0xa9: {  	s5 =	simm.s32 $0x5A00  }
0xaa: {  	[tilespmem:s5], [sflag:$0x1] =	stream.linear.gather [spmem:s3], $0x80, $0x38;
	[tilespmem:$0xA000] =	vst v63  }
0xab: {  	s3 =	sld [smem:$0x7E5];
	_ =	sdelay $0x1  }
0xac: {  	s5 =	simm.s32 $0x5E00  }
0xad: {  	[tilespmem:s5], [sflag:$0x1] =	stream.linear.gather [spmem:s3], $0x80, $0x38;
	[tilespmem:$0xA000] =	vst v63  }
0xae: {  	s3 =	sld [smem:$0x7E6];
	_ =	sdelay $0x1  }
0xaf: {  	s5 =	simm.s32 $0x6200  }
0xb0: {  	[tilespmem:s5], [sflag:$0x1] =	stream.linear.gather [spmem:s3], $0x80, $0x38;
	[tilespmem:$0xA000] =	vst v63  }
0xb1: {  	_ =	swait.ge [sflag:s28], $0x280  }
0xb2: {  	[sflag:s28] =	ssyncset.done $0x0  }
0xb3: {  	s5 =	simm.s32 $0x5280;
	s3 =	rddreg [dreg:$0x9];
	[sflag:s28] =	ssyncadd.s32 $0xFFFFFD80  }
0xb4: {  	[tilespmem:s5], [sflag:$0x1] =	stream.linear.gather [spmem:s3], $0x80, $0x38;
	[tilespmem:$0xA000] =	vst v63  }
0xb5: {  	s3 =	sld [smem:$0x7E7];
	_ =	sdelay $0x1  }
0xb6: {  	s5 =	simm.s32 $0x5680  }
0xb7: {  	[tilespmem:s5], [sflag:$0x1] =	stream.linear.gather [spmem:s3], $0x80, $0x38;
	[tilespmem:$0xA000] =	vst v63  }
0xb8: {  	s3 =	sld [smem:$0x7E8];
	_ =	sdelay $0x1  }
0xb9: {  	s5 =	simm.s32 $0x5A80  }
0xba: {  	[tilespmem:s5], [sflag:$0x1] =	stream.linear.gather [spmem:s3], $0x80, $0x38;
	[tilespmem:$0xA000] =	vst v63  }
0xbb: {  	s3 =	sld [smem:$0x7E9];
	_ =	sdelay $0x1  }
0xbc: {  	s5 =	simm.s32 $0x5E80  }
0xbd: {  	[tilespmem:s5], [sflag:$0x1] =	stream.linear.gather [spmem:s3], $0x80, $0x38;
	[tilespmem:$0xA000] =	vst v63  }
0xbe: {  	s3 =	sld [smem:$0x7EA];
	_ =	sdelay $0x1  }
0xbf: {  	s5 =	simm.s32 $0x6280  }
0xc0: {  	[tilespmem:s5], [sflag:$0x1] =	stream.linear.gather [spmem:s3], $0x80, $0x38;
	[tilespmem:$0xA000] =	vst v63  }
0xc1: {  	_ =	swait.ge [sflag:s28], $0x280  }
0xc2: {  	[sflag:s28] =	ssyncset.done $0x0  }
0xc3: {  	s5 =	simm.s32 $0x5300;
	s3 =	rddreg [dreg:$0xa];
	[sflag:s28] =	ssyncadd.s32 $0xFFFFFD80  }
0xc4: {  	[tilespmem:s5], [sflag:$0x1] =	stream.linear.gather [spmem:s3], $0x80, $0x38;
	[tilespmem:$0xA000] =	vst v63  }
0xc5: {  	s3 =	sld [smem:$0x7EB];
	_ =	sdelay $0x1  }
0xc6: {  	s5 =	simm.s32 $0x5700  }
0xc7: {  	[tilespmem:s5], [sflag:$0x1] =	stream.linear.gather [spmem:s3], $0x80, $0x38;
	[tilespmem:$0xA000] =	vst v63  }
0xc8: {  	s3 =	sld [smem:$0x7EC];
	_ =	sdelay $0x1  }
0xc9: {  	s5 =	simm.s32 $0x5B00  }
0xca: {  	[tilespmem:s5], [sflag:$0x1] =	stream.linear.gather [spmem:s3], $0x80, $0x38;
	[tilespmem:$0xA000] =	vst v63  }
0xcb: {  	s3 =	sld [smem:$0x7ED];
	_ =	sdelay $0x1  }
0xcc: {  	s5 =	simm.s32 $0x5F00  }
0xcd: {  	[tilespmem:s5], [sflag:$0x1] =	stream.linear.gather [spmem:s3], $0x80, $0x38;
	[tilespmem:$0xA000] =	vst v63  }
0xce: {  	s3 =	sld [smem:$0x7EE];
	_ =	sdelay $0x1  }
0xcf: {  	s5 =	simm.s32 $0x6300  }
0xd0: {  	[tilespmem:s5], [sflag:$0x1] =	stream.linear.gather [spmem:s3], $0x80, $0x38;
	[tilespmem:$0xA000] =	vst v63  }
0xd1: {  	_ =	swait.ge [sflag:s28], $0x280  }
0xd2: {  	[sflag:s28] =	ssyncset.done $0x0  }
0xd3: {  	s5 =	simm.s32 $0x5380;
	s3 =	rddreg [dreg:$0xb];
	[sflag:s28] =	ssyncadd.s32 $0xFFFFFD80  }
0xd4: {  	[tilespmem:s5], [sflag:$0x1] =	stream.linear.gather [spmem:s3], $0x80, $0x38;
	[tilespmem:$0xA000] =	vst v63  }
0xd5: {  	s3 =	sld [smem:$0x7EF];
	_ =	sdelay $0x1  }
0xd6: {  	s5 =	simm.s32 $0x5780  }
0xd7: {  	[tilespmem:s5], [sflag:$0x1] =	stream.linear.gather [spmem:s3], $0x80, $0x38;
	[tilespmem:$0xA000] =	vst v63  }
0xd8: {  	s3 =	sld [smem:$0x7F0];
	_ =	sdelay $0x1  }
0xd9: {  	s5 =	simm.s32 $0x5B80  }
0xda: {  	[tilespmem:s5], [sflag:$0x1] =	stream.linear.gather [spmem:s3], $0x80, $0x38;
	[tilespmem:$0xA000] =	vst v63  }
0xdb: {  	s3 =	sld [smem:$0x7F1];
	_ =	sdelay $0x1  }
0xdc: {  	s5 =	simm.s32 $0x5F80  }
0xdd: {  	[tilespmem:s5], [sflag:$0x1] =	stream.linear.gather [spmem:s3], $0x80, $0x38;
	[tilespmem:$0xA000] =	vst v63  }
0xde: {  	s3 =	sld [smem:$0x7F2];
	_ =	sdelay $0x1  }
0xdf: {  	s5 =	simm.s32 $0x6380  }
0xe0: {  	[tilespmem:s5], [sflag:$0x1] =	stream.linear.gather [spmem:s3], $0x80, $0x38;
	[tilespmem:$0xA000] =	vst v63  }
0xe1: {  	_ =	swait.ge [sflag:s28], $0x280  }
0xe2: {  	[sflag:s28] =	ssyncset.done $0x0  }
0xe3: {  	s5 =	simm.s32 $0x6400;
	s3 =	rddreg [dreg:$0xc];
	[sflag:s28] =	ssyncadd.s32 $0xFFFFFD80  }
0xe4: {  	[tilespmem:s5], [sflag:$0x1] =	stream.linear.gather [spmem:s3], $0x80, $0x38;
	[tilespmem:$0xA000] =	vst v63  }
0xe5: {  	s3 =	sld [smem:$0x7F3];
	_ =	sdelay $0x1  }
0xe6: {  	s5 =	simm.s32 $0x6800  }
0xe7: {  	[tilespmem:s5], [sflag:$0x1] =	stream.linear.gather [spmem:s3], $0x80, $0x38;
	[tilespmem:$0xA000] =	vst v63  }
0xe8: {  	s3 =	sld [smem:$0x7F4];
	_ =	sdelay $0x1  }
0xe9: {  	s5 =	simm.s32 $0x6C00  }
0xea: {  	[tilespmem:s5], [sflag:$0x1] =	stream.linear.gather [spmem:s3], $0x80, $0x38;
	[tilespmem:$0xA000] =	vst v63  }
0xeb: {  	s3 =	sld [smem:$0x7F5];
	_ =	sdelay $0x1  }
0xec: {  	s5 =	simm.s32 $0x7000  }
0xed: {  	[tilespmem:s5], [sflag:$0x1] =	stream.linear.gather [spmem:s3], $0x80, $0x38;
	[tilespmem:$0xA000] =	vst v63  }
0xee: {  	s3 =	sld [smem:$0x7F6];
	_ =	sdelay $0x1  }
0xef: {  	s5 =	simm.s32 $0x7400  }
0xf0: {  	[tilespmem:s5], [sflag:$0x1] =	stream.linear.gather [spmem:s3], $0x80, $0x38;
	[tilespmem:$0xA000] =	vst v63  }
0xf1: {  	_ =	swait.ge [sflag:s28], $0x280  }
0xf2: {  	[sflag:s28] =	ssyncset.done $0x0  }
0xf3: {  	s5 =	simm.s32 $0x6480;
	s3 =	rddreg [dreg:$0xd];
	[sflag:s28] =	ssyncadd.s32 $0xFFFFFD80  }
0xf4: {  	[tilespmem:s5], [sflag:$0x1] =	stream.linear.gather [spmem:s3], $0x80, $0x38;
	[tilespmem:$0xA000] =	vst v63  }
0xf5: {  	s3 =	sld [smem:$0x7F7];
	_ =	sdelay $0x1  }
0xf6: {  	s5 =	simm.s32 $0x6880  }
0xf7: {  	[tilespmem:s5], [sflag:$0x1] =	stream.linear.gather [spmem:s3], $0x80, $0x38;
	[tilespmem:$0xA000] =	vst v63  }
0xf8: {  	s3 =	sld [smem:$0x7F8];
	_ =	sdelay $0x1  }
0xf9: {  	s5 =	simm.s32 $0x6C80  }
0xfa: {  	[tilespmem:s5], [sflag:$0x1] =	stream.linear.gather [spmem:s3], $0x80, $0x38;
	[tilespmem:$0xA000] =	vst v63  }
0xfb: {  	s3 =	sld [smem:$0x7F9];
	_ =	sdelay $0x1  }
0xfc: {  	s5 =	simm.s32 $0x7080  }
0xfd: {  	[tilespmem:s5], [sflag:$0x1] =	stream.linear.gather [spmem:s3], $0x80, $0x38;
	[tilespmem:$0xA000] =	vst v63  }
0xfe: {  	s3 =	sld [smem:$0x7FA];
	_ =	sdelay $0x1  }
0xff: {  	s5 =	simm.s32 $0x7480  }
0x100: {  	[tilespmem:s5], [sflag:$0x1] =	stream.linear.gather [spmem:s3], $0x80, $0x38;
	[tilespmem:$0xA000] =	vst v63  }
0x101: {  	_ =	swait.ge [sflag:s28], $0x280  }
0x102: {  	[sflag:s28] =	ssyncset.done $0x0  }
0x103: {  	s5 =	simm.s32 $0x6500;
	s3 =	rddreg [dreg:$0xe];
	[sflag:s28] =	ssyncadd.s32 $0xFFFFFD80  }
0x104: {  	[tilespmem:s5], [sflag:$0x1] =	stream.linear.gather [spmem:s3], $0x80, $0x38;
	[tilespmem:$0xA000] =	vst v63  }
0x105: {  	s3 =	sld [smem:$0x7FB];
	_ =	sdelay $0x1  }
0x106: {  	s5 =	simm.s32 $0x6900  }
0x107: {  	[tilespmem:s5], [sflag:$0x1] =	stream.linear.gather [spmem:s3], $0x80, $0x38;
	[tilespmem:$0xA000] =	vst v63  }
0x108: {  	s3 =	sld [smem:$0x7FC];
	_ =	sdelay $0x1  }
0x109: {  	s2 =	sld [smem:$0x7FD];
	s5 =	simm.s32 $0x6D00  }
0x10a: {  	[tilespmem:s5], [sflag:$0x1] =	stream.linear.gather [spmem:s3], $0x80, $0x38;
	[tilespmem:$0xA000] =	vst v63  }
0x10b: {  	s3 =	simm.s32 $0x7100  }
0x10c: {  	[tilespmem:s3], [sflag:$0x1] =	stream.linear.gather [spmem:s2], $0x80, $0x38;
	[tilespmem:$0xA000] =	vst v63  }
0x10d: {  	s5 =	simm.s32 $0x7500  }
0x10e: {  	[tilespmem:s5], [sflag:$0x1] =	stream.linear.gather [spmem:s6], $0x80, $0x38;
	[tilespmem:$0xA000] =	vst v63  }
0x10f: {  	_ =	swait.ge [sflag:s28], $0x280  }
0x110: {  	[sflag:s28] =	ssyncset.done $0x0  }
0x111: {  	s3 =	simm.s32 $0x6580;
	s2 =	rddreg [dreg:$0xf];
	[sflag:s28] =	ssyncadd.s32 $0xFFFFFD80  }
0x112: {  	[tilespmem:s3], [sflag:$0x1] =	stream.linear.gather [spmem:s2], $0x80, $0x38;
	[tilespmem:$0xA000] =	vst v63  }
0x113: {  	s5 =	simm.s32 $0x6980  }
0x114: {  	[tilespmem:s5], [sflag:$0x1] =	stream.linear.gather [spmem:s7], $0x80, $0x38;
	[tilespmem:$0xA000] =	vst v63  }
0x115: {  	s2 =	simm.s32 $0x6D80  }
0x116: {  	[tilespmem:s2], [sflag:$0x1] =	stream.linear.gather [spmem:s8], $0x80, $0x38;
	[tilespmem:$0xA000] =	vst v63  }
0x117: {  	s3 =	simm.s32 $0x7180  }
0x118: {  	[tilespmem:s3], [sflag:$0x1] =	stream.linear.gather [spmem:s9], $0x80, $0x38;
	[tilespmem:$0xA000] =	vst v63  }
0x119: {  	s5 =	simm.s32 $0x7580  }
0x11a: {  	[tilespmem:s5], [sflag:$0x1] =	stream.linear.gather [spmem:s10], $0x80, $0x38;
	[tilespmem:$0xA000] =	vst v63  }
0x11b: {  	_ =	swait.ge [sflag:s28], $0x280  }
0x11c: {  	[sflag:s28] =	ssyncset.done $0x0  }
0x11d: {  	s3 =	simm.s32 $0x6600;
	s2 =	rddreg [dreg:$0x10];
	[sflag:s28] =	ssyncadd.s32 $0xFFFFFD80  }
0x11e: {  	[tilespmem:s3], [sflag:$0x1] =	stream.linear.gather [spmem:s2], $0x80, $0x38;
	[tilespmem:$0xA000] =	vst v63  }
0x11f: {  	s5 =	simm.s32 $0x6A00  }
0x120: {  	[tilespmem:s5], [sflag:$0x1] =	stream.linear.gather [spmem:s11], $0x80, $0x38;
	[tilespmem:$0xA000] =	vst v63  }
0x121: {  	s2 =	simm.s32 $0x6E00  }
0x122: {  	[tilespmem:s2], [sflag:$0x1] =	stream.linear.gather [spmem:s12], $0x80, $0x38;
	[tilespmem:$0xA000] =	vst v63  }
0x123: {  	s3 =	simm.s32 $0x7200  }
0x124: {  	[tilespmem:s3], [sflag:$0x1] =	stream.linear.gather [spmem:s13], $0x80, $0x38;
	[tilespmem:$0xA000] =	vst v63  }
0x125: {  	s5 =	simm.s32 $0x7600  }
0x126: {  	[tilespmem:s5], [sflag:$0x1] =	stream.linear.gather [spmem:s14], $0x80, $0x38;
	[tilespmem:$0xA000] =	vst v63  }
0x127: {  	_ =	swait.ge [sflag:s28], $0x280  }
0x128: {  	[sflag:s28] =	ssyncset.done $0x0  }
0x129: {  	s3 =	simm.s32 $0x6680;
	s2 =	rddreg [dreg:$0x11];
	[sflag:s28] =	ssyncadd.s32 $0xFFFFFD80  }
0x12a: {  	[tilespmem:s3], [sflag:$0x1] =	stream.linear.gather [spmem:s2], $0x80, $0x38;
	[tilespmem:$0xA000] =	vst v63  }
0x12b: {  	s5 =	simm.s32 $0x6A80  }
0x12c: {  	[tilespmem:s5], [sflag:$0x1] =	stream.linear.gather [spmem:s15], $0x80, $0x38;
	[tilespmem:$0xA000] =	vst v63  }
0x12d: {  	s2 =	simm.s32 $0x6E80  }
0x12e: {  	[tilespmem:s2], [sflag:$0x1] =	stream.linear.gather [spmem:s16], $0x80, $0x38;
	[tilespmem:$0xA000] =	vst v63  }
0x12f: {  	s3 =	simm.s32 $0x7280  }
0x130: {  	[tilespmem:s3], [sflag:$0x1] =	stream.linear.gather [spmem:s17], $0x80, $0x38;
	[tilespmem:$0xA000] =	vst v63  }
0x131: {  	s5 =	simm.s32 $0x7680  }
0x132: {  	[tilespmem:s5], [sflag:$0x1] =	stream.linear.gather [spmem:s18], $0x80, $0x38;
	[tilespmem:$0xA000] =	vst v63  }
0x133: {  	_ =	swait.ge [sflag:s28], $0x280  }
0x134: {  	[sflag:s28] =	ssyncset.done $0x0  }
0x135: {  	s3 =	simm.s32 $0x6700;
	s2 =	rddreg [dreg:$0x12];
	[sflag:s28] =	ssyncadd.s32 $0xFFFFFD80  }
0x136: {  	[tilespmem:s3], [sflag:$0x1] =	stream.linear.gather [spmem:s2], $0x80, $0x38;
	[tilespmem:$0xA000] =	vst v63  }
0x137: {  	s5 =	simm.s32 $0x6B00  }
0x138: {  	[tilespmem:s5], [sflag:$0x1] =	stream.linear.gather [spmem:s19], $0x80, $0x38;
	[tilespmem:$0xA000] =	vst v63  }
0x139: {  	s2 =	simm.s32 $0x6F00  }
0x13a: {  	[tilespmem:s2], [sflag:$0x1] =	stream.linear.gather [spmem:s20], $0x80, $0x38;
	[tilespmem:$0xA000] =	vst v63  }
0x13b: {  	s3 =	simm.s32 $0x7300  }
0x13c: {  	[tilespmem:s3], [sflag:$0x1] =	stream.linear.gather [spmem:s21], $0x80, $0x38;
	[tilespmem:$0xA000] =	vst v63  }
0x13d: {  	s5 =	simm.s32 $0x7700  }
0x13e: {  	[tilespmem:s5], [sflag:$0x1] =	stream.linear.gather [spmem:s22], $0x80, $0x38;
	[tilespmem:$0xA000] =	vst v63  }
0x13f: {  	_ =	swait.ge [sflag:s28], $0x280  }
0x140: {  	[sflag:s28] =	ssyncset.done $0x0  }
0x141: {  	s3 =	simm.s32 $0x6780;
	s2 =	rddreg [dreg:$0x13];
	[sflag:s28] =	ssyncadd.s32 $0xFFFFFD80  }
0x142: {  	[tilespmem:s3], [sflag:$0x1] =	stream.linear.gather [spmem:s2], $0x80, $0x38;
	[tilespmem:$0xA000] =	vst v63  }
0x143: {  	s5 =	simm.s32 $0x6B80  }
0x144: {  	[tilespmem:s5], [sflag:$0x1] =	stream.linear.gather [spmem:s23], $0x80, $0x38;
	[tilespmem:$0xA000] =	vst v63  }
0x145: {  	s2 =	simm.s32 $0x6F80  }
0x146: {  	[tilespmem:s2], [sflag:$0x1] =	stream.linear.gather [spmem:s24], $0x80, $0x38;
	[tilespmem:$0xA000] =	vst v63  }
0x147: {  	s3 =	simm.s32 $0x7380  }
0x148: {  	[tilespmem:s3], [sflag:$0x1] =	stream.linear.gather [spmem:s25], $0x80, $0x38;
	[tilespmem:$0xA000] =	vst v63  }
0x149: {  	s5 =	simm.s32 $0x7780  }
0x14a: {  	[tilespmem:s5], [sflag:$0x1] =	stream.linear.gather [spmem:s26], $0x80, $0x38;
	[tilespmem:$0xA000] =	vst v63  }
0x14b: {  	s2 =	simm.s32 $0x0;
	_ =	swait.ge [sflag:s28], $0x280  }
0x14c: {  	s1 =	sand.u32 $0x1C00, s2;
	s3 =	sand.u32 $0x70, s2;
	[sflag:s28] =	ssyncset.done $0x0  }
0x14d: {  	s1 =	sor.u32 s3, s1;
	[sflag:s28] =	ssyncadd.s32 $0xFFFFFD80  }
0x14e: {  	v2 =	vld [tilespmem:s1+$0x5080]  }
0x14f: {  	v3 =	vld [tilespmem:s1+$0x5000];
	_ =	sdelay $0x1  }
0x150: {  	v4 =	vld [tilespmem:s1+$0x5100];
	_ =	sdelay $0x1  }
0x151: {  	v5 =	vld [tilespmem:s1+$0x5180]  }
0x152: {  	v2 =	vadd.f32 v2, v3  }
0x153: {  	v3 =	vld [tilespmem:s1+$0x5200]  }
0x154: {  	v2 =	vadd.f32 v4, v2  }
0x155: {  	v56 =	vld [tilespmem:s1+$0x5280]  }
0x156: {  	v2 =	vadd.f32 v5, v2  }
0x157: {  	v57 =	vld [tilespmem:s1+$0x5300]  }
0x158: {  	v2 =	vadd.f32 v3, v2  }
0x159: {  	v3 =	vld [tilespmem:s1+$0x5380]  }
0x15a: {  	v2 =	vadd.f32 v56, v2  }
0x15b: {  	v58 =	vld [tilespmem:s1+$0x6400]  }
0x15c: {  	v2 =	vadd.f32 v57, v2  }
0x15d: {  	v59 =	vld [tilespmem:s1+$0x6480]  }
0x15e: {  	v2 =	vadd.f32 v3, v2  }
0x15f: {  	v3 =	vld [tilespmem:s1+$0x6500]  }
0x160: {  	v2 =	vadd.f32 v58, v2  }
0x161: {  	v60 =	vld [tilespmem:s1+$0x6580]  }
0x162: {  	v2 =	vadd.f32 v59, v2  }
0x163: {  	v61 =	vld [tilespmem:s1+$0x6600]  }
0x164: {  	v2 =	vadd.f32 v3, v2  }
0x165: {  	v3 =	vld [tilespmem:s1+$0x6680]  }
0x166: {  	v2 =	vadd.f32 v60, v2  }
0x167: {  	v62 =	vld [tilespmem:s1+$0x6700]  }
0x168: {  	v2 =	vadd.f32 v61, v2  }
0x169: {  	v63 =	vld [tilespmem:s1+$0x6780]  }
0x16a: {  	v2 =	vadd.f32 v3, v2;
	_ =	sdelay $0x1  }
0x16b: {  	v2 =	vadd.f32 v62, v2;
	_ =	sdelay $0x1  }
0x16c: {  	s2 =	simm.s32 $0x80;
	s5 =	simm.s32 $0x10;
	v2 =	vadd.f32 v63, v2  }
0x16d: {  	s3 =	sand.u32 $0x1C00, s2;
	s1 =	sand.u32 $0x70, s5  }
0x16e: {  	s1 =	sor.u32 s1, s3;
	s3 =	simm.s32 $0x20;
	[tilespmem:s0+$0x0] =	vst v2  }
.LBB2_6:
0x16f: {  	p0 =	sne.s32 s3, $0x270;
	v2 =	vld [tilespmem:s1+$0x5080]  }
0x170: {  	v3 =	vld [tilespmem:s1+$0x5000];
	_ =	sdelay $0x1  }
0x171: {  	v4 =	vld [tilespmem:s1+$0x5100];
	_ =	sdelay $0x1  }
0x172: {  	v5 =	vld [tilespmem:s1+$0x5180]  }
0x173: {  	v2 =	vadd.f32 v2, v3  }
0x174: {  	v3 =	vld [tilespmem:s1+$0x5200]  }
0x175: {  	v2 =	vadd.f32 v4, v2  }
0x176: {  	v4 =	vld [tilespmem:s1+$0x5280]  }
0x177: {  	v2 =	vadd.f32 v5, v2  }
0x178: {  	v5 =	vld [tilespmem:s1+$0x5300]  }
0x179: {  	v2 =	vadd.f32 v3, v2  }
0x17a: {  	v3 =	vld [tilespmem:s1+$0x5380]  }
0x17b: {  	v2 =	vadd.f32 v4, v2  }
0x17c: {  	v4 =	vld [tilespmem:s1+$0x6400]  }
0x17d: {  	v2 =	vadd.f32 v5, v2  }
0x17e: {  	v5 =	vld [tilespmem:s1+$0x6480]  }
0x17f: {  	v2 =	vadd.f32 v3, v2  }
0x180: {  	v3 =	vld [tilespmem:s1+$0x6500]  }
0x181: {  	v2 =	vadd.f32 v4, v2  }
0x182: {  	v4 =	vld [tilespmem:s1+$0x6580]  }
0x183: {  	v2 =	vadd.f32 v5, v2  }
0x184: {  	v5 =	vld [tilespmem:s1+$0x6600]  }
0x185: {  	v2 =	vadd.f32 v3, v2  }
0x186: {  	v3 =	vld [tilespmem:s1+$0x6680]  }
0x187: {  	v2 =	vadd.f32 v4, v2  }
0x188: {  	v4 =	vld [tilespmem:s1+$0x6700]  }
0x189: {  	v2 =	vadd.f32 v5, v2  }
0x18a: {  	v5 =	vld [tilespmem:s1+$0x6780]  }
0x18b: {  	v2 =	vadd.f32 v3, v2;
	_ =	sdelay $0x1  }
.Ltmp2:
0x18c: {  	v2 =	vadd.f32 v4, v2;
	(pc) =	sbr.rel @p0 .LBB2_6-.Ltmp2, $4  }
0x18d: {  	_ = 	snop  }
0x18e: {  	s2 =	sadd.s32 $0x80, s2;
	v2 =	vadd.f32 v5, v2  }
0x18f: {  	s0 =	sadd.s32 $0x10, s0;
	s5 =	sand.u32 $0x1C00, s2;
	s1 =	sand.u32 $0x70, s3  }
0x190: {  	s3 =	sadd.s32 $0x10, s3;
	s1 =	sor.u32 s1, s5;
	[tilespmem:s0+$0x0] =	vst v2  }
0x191: {  	v2 =	vld [tilespmem:s1+$0x5080]  }
0x192: {  	v3 =	vld [tilespmem:s1+$0x5000];
	_ =	sdelay $0x1  }
0x193: {  	v4 =	vld [tilespmem:s1+$0x5100];
	_ =	sdelay $0x1  }
0x194: {  	v5 =	vld [tilespmem:s1+$0x5180]  }
0x195: {  	v2 =	vadd.f32 v2, v3  }
0x196: {  	v3 =	vld [tilespmem:s1+$0x5200]  }
0x197: {  	v2 =	vadd.f32 v4, v2  }
0x198: {  	v56 =	vld [tilespmem:s1+$0x5280]  }
0x199: {  	v2 =	vadd.f32 v5, v2  }
0x19a: {  	v57 =	vld [tilespmem:s1+$0x5300]  }
0x19b: {  	v2 =	vadd.f32 v3, v2  }
0x19c: {  	v3 =	vld [tilespmem:s1+$0x5380]  }
0x19d: {  	v2 =	vadd.f32 v56, v2  }
0x19e: {  	v58 =	vld [tilespmem:s1+$0x6400]  }
0x19f: {  	v2 =	vadd.f32 v57, v2  }
0x1a0: {  	v59 =	vld [tilespmem:s1+$0x6480]  }
0x1a1: {  	v2 =	vadd.f32 v3, v2  }
0x1a2: {  	v3 =	vld [tilespmem:s1+$0x6500]  }
0x1a3: {  	v2 =	vadd.f32 v58, v2  }
0x1a4: {  	v60 =	vld [tilespmem:s1+$0x6580]  }
0x1a5: {  	v2 =	vadd.f32 v59, v2  }
0x1a6: {  	v61 =	vld [tilespmem:s1+$0x6600]  }
0x1a7: {  	v2 =	vadd.f32 v3, v2  }
0x1a8: {  	v3 =	vld [tilespmem:s1+$0x6680]  }
0x1a9: {  	v2 =	vadd.f32 v60, v2  }
0x1aa: {  	v62 =	vld [tilespmem:s1+$0x6700]  }
0x1ab: {  	v2 =	vadd.f32 v61, v2  }
0x1ac: {  	v63 =	vld [tilespmem:s1+$0x6780]  }
0x1ad: {  	v2 =	vadd.f32 v3, v2;
	_ =	sdelay $0x1  }
0x1ae: {  	v2 =	vadd.f32 v62, v2;
	_ =	sdelay $0x1  }
0x1af: {  	v2 =	vadd.f32 v63, v2  }
0x1b0: {  	s0 =	sadd.s32 $0x10, s0  }
0x1b1: {  	s2 =	rddreg [dreg:$0x14];
	s3 =	simm.s32 $0x100;
	[tilespmem:s0+$0x0] =	vst v2  }
0x1b2: {  	[hbm4b:s2+s30] =	stream.strided.scatter [tilespmem:s29], [sflag:$0x1], $0x280, s3, s30, $0x38;
	[tilespmem:$0xA000] =	vst v63  }
0x1b3: {  	_ =	swait.ge [sflag:s28], $0x280  }
0x1b4: {  	s31 =	sadd.s32 $0x1, s31;
	s5 =	rddreg [dreg:$0x15]  }
0x1b5: {  	p0 =	sne.s32 s31, s5  }
.Ltmp3:
0x1b6: {  	_ = 	snop;
	(pc) =	sbr.rel @p0 .LBB2_1-.Ltmp3, $3  }
0x1b7: {  	_ =	sdelay $0x1  }
0x1b8: {  	[sflag:s28] =	ssyncset.done $0x0  }
0x1b9: {  	[sflag:s28] =	ssyncadd.s32 $0xFFFFFD80  }
0x1ba: {  	_ =	sfence.sel $0x180000  }
0x1bb: {  	[bflag:$0x0] =	sbarrier.arrive $0xFFFF  }
0x1bc: {  	_ =	strace $0x90000047  }
0x1bd: {  	s0 =	stileid.u32;
	[bflag:$0x2] =	sbarrier.arrive $0xFFFF  }
0x1be: {  	p0 =	sne.s32 s0, $0x0;
	s0 =	rddreg [dreg:$0x2]  }
0x1bf: {  	s0 =	sadd.s32 @!p0 $0x100000, s0  }
0x1c0: {  	[sflag:s0] =	ssyncadd.tile.s32 @!p0 $0x1;
	_ =	shalt  }
.Lfunc_end2:
_tile_overlayer_lowered:
.L_overlay_start_2:
0x1c1: {  	(tag) =	ssettag $0x2  }
0x1c2: {  	s0 =	rddreg [dreg:$0x0];
	s2 =	stileid.u32  }
0x1c3: {  	s1 =	rddreg [dreg:$0x1];
	p0 =	sne.s32 s2, $0x0  }
0x1c4: {  	s3 =	rddreg [dreg:$0x2];
	[bflag:$0x3] =	sbarrier.arrive $0xFFFF;
	s2 =	simm.s32 @!p0 $0x1C01  }
0x1c5: {  	[timem:s3], [sflag:s2] =	dma.local @!p0 [hbm:s0], s1  }
0x1c6: {  	s0 =	simm.s32 @!p0 $0x1  }
0x1c7: {  	_ =	swait.ge @!p0 [sflag:s0], s1  }
0x1c8: {  	s1 =	ssub.s32 @!p0 $0x0, s1;
	[sflag:s0] =	ssyncset.done @!p0 $0x0  }
0x1c9: {  	[sflag:s0] =	ssyncadd.s32 @!p0 s1  }
0x1ca: {  	[bflag:$0x3] =	sbarrier.arrive $0xFFFF  }
0x1cb: {  	_ =	shalt  }

</sc_bundles>
